<compile_context>
chip_gen: v7x
topology: tpu7x:2x2x1
jax: 0.10.2.dev20260603
libtpu: 0.0.44.dev20260713+nightly
codegen_flags: <defaults>
</compile_context>

<pallas_src>
import functools
import jax
import jax.numpy as jnp
from jax import lax
from jax.experimental import pallas as pl
from jax.experimental.pallas import tpu as pltpu
from jax.experimental.pallas import tpu_sc as plsc

N_NODES = 10000
N_EDGES = 160000
DIM = 256
HIDDEN = 512
QUART = DIM // 4
PADC = 16

N_SUB = 16
NP = 10240
EPAD = 163840
CHUNK1 = 80
NCH1 = EPAD // CHUNK1 // N_SUB
CHUNK2 = 128
NCH2 = EPAD // CHUNK2 // N_SUB
RPT = NP // N_SUB
RCH = RPT // 5
NPAD_ROWS = NP - N_NODES

_MESH = plsc.VectorSubcoreMesh(core_axis_name="c", subcore_axis_name="s")
_SC_PARAMS = pltpu.CompilerParams(use_tc_tiling_on_sc=False)


def _zero_fill_2d(ref, nrows, ncols):
    z = jnp.zeros((16,), jnp.float32)

    def row(r, carry):
        for j in range(ncols // 16):
            ref[r, pl.ds(j * 16, 16)] = z
        return carry

    lax.fori_loop(0, nrows, row, 0)


def _ring(nch, fill, gstart, gwait, scatter):
    for cc in range(4):
        fill(cc, cc)
        gstart(cc, cc)
        if cc >= 2:
            gwait(cc - 2)
            scatter(cc - 2, cc - 2)

    def body(g, carry):
        for b in range(4):
            c = 4 * g + 4 + b
            fill(c, b)
            gstart(c, b)
            b2 = (b + 2) % 4
            gwait(b2)
            scatter(c - 2, b2)
        return carry

    lax.fori_loop(0, (nch - 4) // 4, body, 0)
    gwait(2)
    scatter(nch - 2, 2)
    gwait(3)
    scatter(nch - 1, 3)


@functools.partial(
    pl.kernel,
    out_type=[
        jax.ShapeDtypeStruct((4 * NP, QUART), jnp.float32),
        jax.ShapeDtypeStruct((NP, PADC), jnp.float32),
    ],
    mesh=_MESH,
    compiler_params=_SC_PARAMS,
    scratch_types=[
        pltpu.VMEM((NCH1, CHUNK1), jnp.int32),
        pltpu.VMEM((NCH1, CHUNK1), jnp.int32),
        pltpu.VMEM((CHUNK1,), jnp.int32),
        pltpu.VMEM((CHUNK1,), jnp.int32),
        pltpu.VMEM((CHUNK1,), jnp.int32),
        pltpu.VMEM((CHUNK1,), jnp.int32),
        pltpu.VMEM((CHUNK1, QUART), jnp.float32),
        pltpu.VMEM((CHUNK1, QUART), jnp.float32),
        pltpu.VMEM((CHUNK1, QUART), jnp.float32),
        pltpu.VMEM((CHUNK1, QUART), jnp.float32),
        pltpu.VMEM((CHUNK1, PADC), jnp.float32),
        pltpu.VMEM((RCH, QUART), jnp.float32),
        pltpu.VMEM((RPT, PADC), jnp.float32),
        pltpu.VMEM_SHARED((NP, QUART), jnp.float32),
        pltpu.VMEM_SHARED((NP, PADC), jnp.float32),
        pltpu.SemaphoreType.DMA,
        pltpu.SemaphoreType.DMA,
        pltpu.SemaphoreType.DMA,
        pltpu.SemaphoreType.DMA,
    ],
)
def _agg1(xs_hbm, src2_hbm, dst2_hbm, out_hbm, cnt_hbm,
          srcb_v, dstb_v, i0, i1, i2, i3, r0, r1, r2, r3, ones_v,
          tmp_v, tmp16_v, acc_s, cnt_s,
          g0, g1, g2, g3):
    c = lax.axis_index("c")
    s = lax.axis_index("s")
    idx = [i0, i1, i2, i3]
    rows = [r0, r1, r2, r3]
    gsem = [g0, g1, g2, g3]

    _zero_fill_2d(tmp_v, RCH, QUART)
    _zero_fill_2d(tmp16_v, RPT, PADC)
    one = jnp.ones((16,), jnp.float32)

    def ones_row(r, carry):
        ones_v[r, pl.ds(0, PADC)] = one
        return carry

    lax.fori_loop(0, CHUNK1, ones_row, 0)

    pltpu.sync_copy(src2_hbm.at[pl.ds(s * NCH1, NCH1)], srcb_v)
    pltpu.sync_copy(dst2_hbm.at[pl.ds(s * NCH1, NCH1)], dstb_v)

    for p in range(2):
        qq = 2 * p + c

        def fill(ci, b):
            for j in range(CHUNK1 // 16):
                idx[b][pl.ds(j * 16, 16)] = (
                    srcb_v[ci, pl.ds(j * 16, 16)] * 4 + qq)

        def gstart(ci, b):
            pltpu.async_copy(xs_hbm.at[idx[b]], rows[b], gsem[b])

        def gwait(b):
            pltpu.make_async_copy(xs_hbm.at[idx[b]], rows[b], gsem[b]).wait()

        def scatter(ci, b):
            pltpu.sync_copy(rows[b], acc_s.at[dstb_v.at[ci]], add=True)
            if p == 0:
                pltpu.sync_copy(ones_v, cnt_s.at[dstb_v.at[ci]], add=True)

        for k in range(5):
            pltpu.sync_copy(tmp_v, acc_s.at[pl.ds(s * RPT + k * RCH, RCH)])
        if p == 0:
            pltpu.sync_copy(tmp16_v, cnt_s.at[pl.ds(s * RPT, RPT)])
        plsc.subcore_barrier()

        _ring(NCH1, fill, gstart, gwait, scatter)
        plsc.subcore_barrier()

        for k in range(5):
            r0_ = s * RPT + k * RCH
            pltpu.sync_copy(acc_s.at[pl.ds(r0_, RCH)], tmp_v)
            pltpu.sync_copy(tmp_v, out_hbm.at[pl.ds(qq * NP + r0_, RCH)])
        if p == 0:
            _zero_fill_2d(tmp_v, RCH, QUART)

            @pl.when(c == 0)
            def _():
                pltpu.sync_copy(cnt_s.at[pl.ds(s * RPT, RPT)], tmp16_v)
                pltpu.sync_copy(tmp16_v, cnt_hbm.at[pl.ds(s * RPT, RPT)])


_BM = 640


def _dense_body(x_ref, s0_ref, s1_ref, s2_ref, s3_ref, cnt_ref,
                w1l_ref, w1r_ref, b1_ref, w2l_ref, w2r_ref, b2_ref,
                p_ref, q_ref):
    inv = 1.0 / jnp.maximum(cnt_ref[:, :1], 1.0)
    mean = jnp.concatenate(
        [s0_ref[...], s1_ref[...], s2_ref[...], s3_ref[...]], axis=1) * inv
    h = (jnp.dot(mean, w1l_ref[...], preferred_element_type=jnp.float32)
         + jnp.dot(x_ref[...], w1r_ref[...], preferred_element_type=jnp.float32)
         + b1_ref[...])
    h = jnp.maximum(h, 0.0)
    p_ref[...] = jnp.dot(h, w2l_ref[...], preferred_element_type=jnp.float32)
    q_ref[...] = (jnp.dot(h, w2r_ref[...], preferred_element_type=jnp.float32)
                  + b2_ref[...])


def _make_sum_spec(q):
    return pl.BlockSpec((_BM, QUART), lambda i, q=q: (q * (NP // _BM) + i, 0))


_dense = pl.pallas_call(
    _dense_body,
    grid=(NP // _BM,),
    in_specs=[
        pl.BlockSpec((_BM, DIM), lambda i: (i, 0)),
        _make_sum_spec(0),
        _make_sum_spec(1),
        _make_sum_spec(2),
        _make_sum_spec(3),
        pl.BlockSpec((_BM, PADC), lambda i: (i, 0)),
        pl.BlockSpec((DIM, HIDDEN), lambda i: (0, 0)),
        pl.BlockSpec((DIM, HIDDEN), lambda i: (0, 0)),
        pl.BlockSpec((1, HIDDEN), lambda i: (0, 0)),
        pl.BlockSpec((HIDDEN, PADC), lambda i: (0, 0)),
        pl.BlockSpec((HIDDEN, PADC), lambda i: (0, 0)),
        pl.BlockSpec((1, PADC), lambda i: (0, 0)),
    ],
    out_specs=[
        pl.BlockSpec((_BM, PADC), lambda i: (i, 0)),
        pl.BlockSpec((_BM, PADC), lambda i: (i, 0)),
    ],
    out_shape=[
        jax.ShapeDtypeStruct((NP, PADC), jnp.float32),
        jax.ShapeDtypeStruct((NP, PADC), jnp.float32),
    ],
)


@functools.partial(
    pl.kernel,
    out_type=jax.ShapeDtypeStruct((NP, PADC), jnp.float32),
    mesh=_MESH,
    compiler_params=_SC_PARAMS,
    scratch_types=[
        pltpu.VMEM((NCH2, CHUNK2), jnp.int32),
        pltpu.VMEM((NCH2, CHUNK2), jnp.int32),
        pltpu.VMEM((CHUNK2, PADC), jnp.float32),
        pltpu.VMEM((CHUNK2, PADC), jnp.float32),
        pltpu.VMEM((CHUNK2, PADC), jnp.float32),
        pltpu.VMEM((CHUNK2, PADC), jnp.float32),
        pltpu.VMEM((RPT, PADC), jnp.float32),
        pltpu.VMEM((RPT, PADC), jnp.float32),
        pltpu.VMEM((RPT, PADC), jnp.float32),
        pltpu.VMEM_SHARED((NP, PADC), jnp.float32),
        pltpu.SemaphoreType.DMA,
        pltpu.SemaphoreType.DMA,
        pltpu.SemaphoreType.DMA,
        pltpu.SemaphoreType.DMA,
    ],
)
def _agg2(p_hbm, q_hbm, cnt_hbm, src2_hbm, dst2_hbm, out_hbm,
          srcb_v, dstb_v, r0, r1, r2, r3, a_v, c_v, q_v, acc_s,
          g0, g1, g2, g3):
    c = lax.axis_index("c")
    s = lax.axis_index("s")
    rows = [r0, r1, r2, r3]
    gsem = [g0, g1, g2, g3]

    @pl.when(c == 0)
    def _():
        _zero_fill_2d(a_v, RPT, PADC)
        pltpu.sync_copy(a_v, acc_s.at[pl.ds(s * RPT, RPT)])
        pltpu.sync_copy(src2_hbm.at[pl.ds(s * NCH2, NCH2)], srcb_v)
        pltpu.sync_copy(dst2_hbm.at[pl.ds(s * NCH2, NCH2)], dstb_v)
        plsc.subcore_barrier()

        def fill(ci, b):
            pass

        def gstart(ci, b):
            pltpu.async_copy(p_hbm.at[srcb_v.at[ci]], rows[b], gsem[b])

        def gwait(b):
            pltpu.make_async_copy(p_hbm.at[srcb_v.at[0]], rows[b],
                                  gsem[b]).wait()

        def scatter(ci, b):
            pltpu.sync_copy(rows[b], acc_s.at[dstb_v.at[ci]], add=True)

        _ring(NCH2, fill, gstart, gwait, scatter)
        plsc.subcore_barrier()

        r0_ = s * RPT
        pltpu.sync_copy(acc_s.at[pl.ds(r0_, RPT)], a_v)
        pltpu.sync_copy(cnt_hbm.at[pl.ds(r0_, RPT)], c_v)
        pltpu.sync_copy(q_hbm.at[pl.ds(r0_, RPT)], q_v)

        def row(r, carry):
            agg = a_v[r, pl.ds(0, PADC)]
            cc = jnp.maximum(c_v[r, pl.ds(0, PADC)], 1.0)
            q_v[r, pl.ds(0, PADC)] = agg / cc + q_v[r, pl.ds(0, PADC)]
            return carry

        lax.fori_loop(0, RPT, row, 0)
        pltpu.sync_copy(q_v, out_hbm.at[pl.ds(r0_, RPT)])


def kernel(x, edge_index, W1l, b1l, W1r, W2l, b2l, W2r):
    src = edge_index[0].astype(jnp.int32)
    dst = edge_index[1].astype(jnp.int32)

    pad = EPAD - N_EDGES
    srcp = jnp.concatenate([src, jnp.zeros((pad,), jnp.int32)])
    pad_dst = N_NODES + jnp.arange(pad, dtype=jnp.int32) % NPAD_ROWS
    dstp = jnp.concatenate([dst, pad_dst])
    xs = x.reshape(4 * N_NODES, QUART)
    src2a = srcp.reshape(EPAD // CHUNK1, CHUNK1)
    dst2a = dstp.reshape(EPAD // CHUNK1, CHUNK1)
    src2c = srcp.reshape(EPAD // CHUNK2, CHUNK2)
    dst2c = dstp.reshape(EPAD // CHUNK2, CHUNK2)

    summed4, cnt = _agg1(xs, src2a, dst2a)

    nc = W2l.shape[0]
    padw = jnp.zeros((PADC - nc, HIDDEN), jnp.float32)
    w2l_t = jnp.concatenate([W2l, padw], axis=0).T
    w2r_t = jnp.concatenate([W2r, padw], axis=0).T
    b2p = jnp.concatenate([b2l, jnp.zeros((PADC - nc,), jnp.float32)])[None]

    p16, q16 = _dense(x, summed4, summed4, summed4, summed4, cnt,
                      W1l.T, W1r.T, b1l[None], w2l_t, w2r_t, b2p)
    out16 = _agg2(p16, q16, cnt, src2c, dst2c)
    return out16[:N_NODES, :nc]

# --- scband reference (transcript-rebuilt; emitter-appended) ---
"""Pipeline reference for scband-graph-sagenet-17892833755185 (READ-ONLY COPY).

The authoritative reference and input builder live on the scoring server;
editing this copy changes nothing except your own understanding.
"""

import jax, jax.numpy as jnp
import numpy as np

N_NODES = 10000
N_EDGES = 160000
DIM = 256
HIDDEN = 512
NUM_CLASSES = 2


def setup_inputs(seed: int = 0) -> dict:
    key = jax.random.key(seed)
    ks = jax.random.split(key, 8)
    x = jax.random.normal(ks[0], (N_NODES, DIM), dtype=jnp.float32)
    edge_index = jax.random.randint(ks[1], (2, N_EDGES), 0, N_NODES, dtype=jnp.int64)
    # SAGEConv layer 1: lin_l (neighbor, with bias), lin_r (root, no bias)
    s1 = 1.0 / np.sqrt(DIM)
    W1l = jax.random.uniform(ks[2], (HIDDEN, DIM), minval=-s1, maxval=s1, dtype=jnp.float32)
    b1l = jnp.zeros((HIDDEN,), dtype=jnp.float32)
    W1r = jax.random.uniform(ks[3], (HIDDEN, DIM), minval=-s1, maxval=s1, dtype=jnp.float32)
    # SAGEConv layer 2
    s2 = 1.0 / np.sqrt(HIDDEN)
    W2l = jax.random.uniform(ks[4], (NUM_CLASSES, HIDDEN), minval=-s2, maxval=s2, dtype=jnp.float32)
    b2l = jnp.zeros((NUM_CLASSES,), dtype=jnp.float32)
    W2r = jax.random.uniform(ks[5], (NUM_CLASSES, HIDDEN), minval=-s2, maxval=s2, dtype=jnp.float32)
    return {"x": x, "edge_index": edge_index, "W1l": W1l, "b1l": b1l, "W1r": W1r,
            "W2l": W2l, "b2l": b2l, "W2r": W2r}


def _sage_conv(x, src, dst, Wl, bl, Wr, num_nodes):
    # message = x[src]; mean-aggregate at dst; out = lin_l(agg) + lin_r(x)
    msgs = jnp.take(x, src, axis=0)
    summed = jax.ops.segment_sum(msgs, dst, num_segments=num_nodes)
    count = jax.ops.segment_sum(jnp.ones((src.shape[0],), dtype=x.dtype), dst, num_segments=num_nodes)
    mean = summed / jnp.clip(count, 1.0, None)[:, None]
    return mean @ Wl.T + bl + x @ Wr.T


def reference(x, edge_index, W1l, b1l, W1r, W2l, b2l, W2r):
    src = edge_index[0]
    dst = edge_index[1]
    h = _sage_conv(x, src, dst, W1l, b1l, W1r, N_NODES)
    h = jax.nn.relu(h)
    # dropout p=0.5 is identity in eval mode
    out = _sage_conv(h, src, dst, W2l, b2l, W2r, N_NODES)
    return out

if __name__ == "__main__":
    import jax
    _d = setup_inputs()
    print(jax.jit(kernel)(*tuple(_d.values())))

</pallas_src>

<mosaic_0001>
#map = affine_map<(d0, d1) -> (0, 0)>
module attributes {stable_mosaic.version = 14 : i64} {
  func.func @_agg1(%arg0: i32, %arg1: i32, %arg2: memref<40000x64xf32, #tpu.memory_space<hbm>>, %arg3: memref<2048x80xi32, #tpu.memory_space<hbm>>, %arg4: memref<2048x80xi32, #tpu.memory_space<hbm>>, %arg5: memref<40960x64xf32, #tpu.memory_space<hbm>>, %arg6: memref<10240x16xf32, #tpu.memory_space<hbm>>, %arg7: memref<128x80xi32, #tpu.memory_space<vmem>>, %arg8: memref<128x80xi32, #tpu.memory_space<vmem>>, %arg9: memref<80xi32, #tpu.memory_space<vmem>>, %arg10: memref<80xi32, #tpu.memory_space<vmem>>, %arg11: memref<80xi32, #tpu.memory_space<vmem>>, %arg12: memref<80xi32, #tpu.memory_space<vmem>>, %arg13: memref<80x64xf32, #tpu.memory_space<vmem>>, %arg14: memref<80x64xf32, #tpu.memory_space<vmem>>, %arg15: memref<80x64xf32, #tpu.memory_space<vmem>>, %arg16: memref<80x64xf32, #tpu.memory_space<vmem>>, %arg17: memref<80x16xf32, #tpu.memory_space<vmem>>, %arg18: memref<128x64xf32, #tpu.memory_space<vmem>>, %arg19: memref<640x16xf32, #tpu.memory_space<vmem>>, %arg20: memref<10240x64xf32, #tpu.memory_space<vmem_shared>>, %arg21: memref<10240x16xf32, #tpu.memory_space<vmem_shared>>, %arg22: memref<!tpu.dma_semaphore, #tpu.memory_space<semaphore_mem>>, %arg23: memref<!tpu.dma_semaphore, #tpu.memory_space<semaphore_mem>>, %arg24: memref<!tpu.dma_semaphore, #tpu.memory_space<semaphore_mem>>, %arg25: memref<!tpu.dma_semaphore, #tpu.memory_space<semaphore_mem>>) attributes {dimension_semantics = [#tpu.dimension_semantics<core_parallel>, #tpu.dimension_semantics<subcore_parallel>], iteration_bounds = array<i64: 2, 16>, scalar_prefetch = 0 : i64, scratch_operands = 19 : i64, tpu.core_type = #tpu.core_type<sc_vector_subcore>, window_params = [{transform_indices = #map}, {transform_indices = #map}, {transform_indices = #map}, {transform_indices = #map}, {transform_indices = #map}]} {
    %broadcast_in_dim3A = arith.constant 0.000000e+00 : f32
    %broadcast_in_dim3A_0 = vector.broadcast %broadcast_in_dim3A : f32 to vector<16xf32>
    %scan3A = arith.constant 0 : i32
    %scan3A_1 = arith.constant 0 : i32
    %scan3A_2 = arith.constant 128 : i32
    %scan3A_3 = arith.addi %scan3A_1, %scan3A_2 : i32
    %scan3A_4 = arith.constant 1 : i32
    scf.for %scan3A_780 = %scan3A_1 to %scan3A_3 step %scan3A_4  : i32 {
      %swap3A_781 = arith.index_cast %scan3A_780 : i32 to index
      %swap3A_782 = arith.constant 0 : index
      %swap3A_783 = tpu.vector_load %arg18[%swap3A_781, %swap3A_782] {strides = array<i32>} : memref<128x64xf32, #tpu.memory_space<vmem>>, vector<1x16xf32>,
      %swap3A_784 = vector.shape_cast %swap3A_783 : vector<1x16xf32> to vector<16xf32>
      %swap3A_785 = vector.shape_cast %broadcast_in_dim3A_0 : vector<16xf32> to vector<1x16xf32>
      tpu.vector_store %arg18[%swap3A_781, %swap3A_782], %swap3A_785 {strides = array<i32>} : memref<128x64xf32, #tpu.memory_space<vmem>>, vector<1x16xf32>,
      %swap3A_786 = arith.index_cast %scan3A_780 : i32 to index
      %swap3A_787 = arith.constant 16 : index
      %swap3A_788 = tpu.vector_load %arg18[%swap3A_786, %swap3A_787] {strides = array<i32>} : memref<128x64xf32, #tpu.memory_space<vmem>>, vector<1x16xf32>,
      %swap3A_789 = vector.shape_cast %swap3A_788 : vector<1x16xf32> to vector<16xf32>
      %swap3A_790 = vector.shape_cast %broadcast_in_dim3A_0 : vector<16xf32> to vector<1x16xf32>
      tpu.vector_store %arg18[%swap3A_786, %swap3A_787], %swap3A_790 {strides = array<i32>} : memref<128x64xf32, #tpu.memory_space<vmem>>, vector<1x16xf32>,
      %swap3A_791 = arith.index_cast %scan3A_780 : i32 to index
      %swap3A_792 = arith.constant 32 : index
      %swap3A_793 = tpu.vector_load %arg18[%swap3A_791, %swap3A_792] {strides = array<i32>} : memref<128x64xf32, #tpu.memory_space<vmem>>, vector<1x16xf32>,
      %swap3A_794 = vector.shape_cast %swap3A_793 : vector<1x16xf32> to vector<16xf32>
      %swap3A_795 = vector.shape_cast %broadcast_in_dim3A_0 : vector<16xf32> to vector<1x16xf32>
      tpu.vector_store %arg18[%swap3A_791, %swap3A_792], %swap3A_795 {strides = array<i32>} : memref<128x64xf32, #tpu.memory_space<vmem>>, vector<1x16xf32>,
      %swap3A_796 = arith.index_cast %scan3A_780 : i32 to index
      %swap3A_797 = arith.constant 48 : index
      %swap3A_798 = tpu.vector_load %arg18[%swap3A_796, %swap3A_797] {strides = array<i32>} : memref<128x64xf32, #tpu.memory_space<vmem>>, vector<1x16xf32>,
      %swap3A_799 = vector.shape_cast %swap3A_798 : vector<1x16xf32> to vector<16xf32>
      %swap3A_800 = vector.shape_cast %broadcast_in_dim3A_0 : vector<16xf32> to vector<1x16xf32>
      tpu.vector_store %arg18[%swap3A_796, %swap3A_797], %swap3A_800 {strides = array<i32>} : memref<128x64xf32, #tpu.memory_space<vmem>>, vector<1x16xf32>,
    }
    %scan3A_5 = arith.constant 128 : i32
    %broadcast_in_dim3A_6 = arith.constant 0.000000e+00 : f32
    %broadcast_in_dim3A_7 = vector.broadcast %broadcast_in_dim3A_6 : f32 to vector<16xf32>
    %scan3A_8 = arith.constant 0 : i32
    %scan3A_9 = arith.constant 0 : i32
    %scan3A_10 = arith.constant 640 : i32
    %scan3A_11 = arith.addi %scan3A_9, %scan3A_10 : i32
    %scan3A_12 = arith.constant 1 : i32
    scf.for %scan3A_780 = %scan3A_9 to %scan3A_11 step %scan3A_12  : i32 {
      %swap3A_781 = arith.index_cast %scan3A_780 : i32 to index
      %swap3A_782 = arith.constant 0 : index
      %swap3A_783 = tpu.vector_load %arg19[%swap3A_781, %swap3A_782] {strides = array<i32>} : memref<640x16xf32, #tpu.memory_space<vmem>>, vector<1x16xf32>,
      %swap3A_784 = vector.shape_cast %swap3A_783 : vector<1x16xf32> to vector<16xf32>
      %swap3A_785 = vector.shape_cast %broadcast_in_dim3A_7 : vector<16xf32> to vector<1x16xf32>
      tpu.vector_store %arg19[%swap3A_781, %swap3A_782], %swap3A_785 {strides = array<i32>} : memref<640x16xf32, #tpu.memory_space<vmem>>, vector<1x16xf32>,
    }
    %scan3A_13 = arith.constant 640 : i32
    %broadcast_in_dim3A_14 = arith.constant 1.000000e+00 : f32
    %broadcast_in_dim3A_15 = vector.broadcast %broadcast_in_dim3A_14 : f32 to vector<16xf32>
    %scan3A_16 = arith.constant 0 : i32
    %scan3A_17 = arith.constant 0 : i32
    %scan3A_18 = arith.constant 80 : i32
    %scan3A_19 = arith.addi %scan3A_17, %scan3A_18 : i32
    %scan3A_20 = arith.constant 1 : i32
    scf.for %scan3A_780 = %scan3A_17 to %scan3A_19 step %scan3A_20  : i32 {
      %swap3A_781 = arith.index_cast %scan3A_780 : i32 to index
      %swap3A_782 = arith.constant 0 : index
      %swap3A_783 = tpu.vector_load %arg17[%swap3A_781, %swap3A_782] {strides = array<i32>} : memref<80x16xf32, #tpu.memory_space<vmem>>, vector<1x16xf32>,
      %swap3A_784 = vector.shape_cast %swap3A_783 : vector<1x16xf32> to vector<16xf32>
      %swap3A_785 = vector.shape_cast %broadcast_in_dim3A_15 : vector<16xf32> to vector<1x16xf32>
      tpu.vector_store %arg17[%swap3A_781, %swap3A_782], %swap3A_785 {strides = array<i32>} : memref<80x16xf32, #tpu.memory_space<vmem>>, vector<1x16xf32>,
    }
    %scan3A_21 = arith.constant 80 : i32
    %mul3A = arith.constant 128 : i32
    %mul3A_22 = arith.muli %arg1, %mul3A : i32
    "tpu.region"() ({
      %run_scoped3A_780 = tpu.sem_alloc : memref<!tpu.dma_semaphore, #tpu.memory_space<semaphore_mem>>
      %dma_start3A_781 = arith.constant 0 : i32
      %dma_start3A_782 = tpu.memref_slice %arg3[%mul3A_22, %dma_start3A_781] : memref<2048x80xi32, #tpu.memory_space<hbm>> -> memref<128x80xi32, #tpu.memory_space<hbm>>
      %dma_start3A_783 = arith.constant 0 : i32
      %dma_start3A_784 = tpu.memref_slice %arg3[%mul3A_22, %dma_start3A_783] : memref<2048x80xi32, #tpu.memory_space<hbm>> -> memref<128x80xi32, #tpu.memory_space<hbm>>
      tpu.enqueue_dma source(%dma_start3A_784 : memref<128x80xi32, #tpu.memory_space<hbm>>) target(%arg7 : memref<128x80xi32, #tpu.memory_space<vmem>>) target_semaphore(%run_scoped3A_780 : memref<!tpu.dma_semaphore, #tpu.memory_space<semaphore_mem>>)
      %dma_wait3A_785 = arith.constant 0 : i32
      %dma_wait3A_786 = tpu.memref_slice %arg3[%mul3A_22, %dma_wait3A_785] : memref<2048x80xi32, #tpu.memory_space<hbm>> -> memref<128x80xi32, #tpu.memory_space<hbm>>
      %dma_wait3A_787 = arith.constant 0 : i32
      %dma_wait3A_788 = tpu.memref_slice %arg3[%mul3A_22, %dma_wait3A_787] : memref<2048x80xi32, #tpu.memory_space<hbm>> -> memref<128x80xi32, #tpu.memory_space<hbm>>
      tpu.wait_dma2 semaphore(%run_scoped3A_780 : memref<!tpu.dma_semaphore, #tpu.memory_space<semaphore_mem>>) src(%dma_wait3A_788 : memref<128x80xi32, #tpu.memory_space<hbm>>) dst(%arg7 : memref<128x80xi32, #tpu.memory_space<vmem>>)
      tpu.yield
    }) : () -> ()
    %mul3A_23 = arith.constant 128 : i32
    %mul3A_24 = arith.muli %arg1, %mul3A_23 : i32
    "tpu.region"() ({
      %run_scoped3A_780 = tpu.sem_alloc : memref<!tpu.dma_semaphore, #tpu.memory_space<semaphore_mem>>
      %dma_start3A_781 = arith.constant 0 : i32
      %dma_start3A_782 = tpu.memref_slice %arg4[%mul3A_24, %dma_start3A_781] : memref<2048x80xi32, #tpu.memory_space<hbm>> -> memref<128x80xi32, #tpu.memory_space<hbm>>
      %dma_start3A_783 = arith.constant 0 : i32
      %dma_start3A_784 = tpu.memref_slice %arg4[%mul3A_24, %dma_start3A_783] : memref<2048x80xi32, #tpu.memory_space<hbm>> -> memref<128x80xi32, #tpu.memory_space<hbm>>
      tpu.enqueue_dma source(%dma_start3A_784 : memref<128x80xi32, #tpu.memory_space<hbm>>) target(%arg8 : memref<128x80xi32, #tpu.memory_space<vmem>>) target_semaphore(%run_scoped3A_780 : memref<!tpu.dma_semaphore, #tpu.memory_space<semaphore_mem>>)
      %dma_wait3A_785 = arith.constant 0 : i32
      %dma_wait3A_786 = tpu.memref_slice %arg4[%mul3A_24, %dma_wait3A_785] : memref<2048x80xi32, #tpu.memory_space<hbm>> -> memref<128x80xi32, #tpu.memory_space<hbm>>
      %dma_wait3A_787 = arith.constant 0 : i32
      %dma_wait3A_788 = tpu.memref_slice %arg4[%mul3A_24, %dma_wait3A_787] : memref<2048x80xi32, #tpu.memory_space<hbm>> -> memref<128x80xi32, #tpu.memory_space<hbm>>
      tpu.wait_dma2 semaphore(%run_scoped3A_780 : memref<!tpu.dma_semaphore, #tpu.memory_space<semaphore_mem>>) src(%dma_wait3A_788 : memref<128x80xi32, #tpu.memory_space<hbm>>) dst(%arg8 : memref<128x80xi32, #tpu.memory_space<vmem>>)
      tpu.yield
    }) : () -> ()
    %add3A = arith.constant 0 : i32
    %add3A_25 = arith.addi %add3A, %arg0 : i32
    %mul3A_26 = arith.constant 640 : i32
    %mul3A_27 = arith.muli %arg1, %mul3A_26 : i32
    %add3A_28 = arith.constant 0 : i32
    %add3A_29 = arith.addi %mul3A_27, %add3A_28 : i32
    "tpu.region"() ({
      %run_scoped3A_780 = tpu.sem_alloc : memref<!tpu.dma_semaphore, #tpu.memory_space<semaphore_mem>>
      %dma_start3A_781 = arith.constant 0 : i32
      %dma_start3A_782 = tpu.memref_slice %arg20[%add3A_29, %dma_start3A_781] : memref<10240x64xf32, #tpu.memory_space<vmem_shared>> -> memref<128x64xf32, #tpu.memory_space<vmem_shared>>
      %dma_start3A_783 = arith.constant 0 : i32
      %dma_start3A_784 = tpu.memref_slice %arg20[%add3A_29, %dma_start3A_783] : memref<10240x64xf32, #tpu.memory_space<vmem_shared>> -> memref<128x64xf32, #tpu.memory_space<vmem_shared>>
      tpu.enqueue_dma source(%arg18 : memref<128x64xf32, #tpu.memory_space<vmem>>) target(%dma_start3A_784 : memref<128x64xf32, #tpu.memory_space<vmem_shared>>) target_semaphore(%run_scoped3A_780 : memref<!tpu.dma_semaphore, #tpu.memory_space<semaphore_mem>>)
      %dma_wait3A_785 = arith.constant 0 : i32
      %dma_wait3A_786 = tpu.memref_slice %arg20[%add3A_29, %dma_wait3A_785] : memref<10240x64xf32, #tpu.memory_space<vmem_shared>> -> memref<128x64xf32, #tpu.memory_space<vmem_shared>>
      %dma_wait3A_787 = arith.constant 0 : i32
      %dma_wait3A_788 = tpu.memref_slice %arg20[%add3A_29, %dma_wait3A_787] : memref<10240x64xf32, #tpu.memory_space<vmem_shared>> -> memref<128x64xf32, #tpu.memory_space<vmem_shared>>
      tpu.wait_dma2 semaphore(%run_scoped3A_780 : memref<!tpu.dma_semaphore, #tpu.memory_space<semaphore_mem>>) src(%arg18 : memref<128x64xf32, #tpu.memory_space<vmem>>) dst(%dma_wait3A_788 : memref<128x64xf32, #tpu.memory_space<vmem_shared>>)
      tpu.yield
    }) : () -> ()
    %mul3A_30 = arith.constant 640 : i32
    %mul3A_31 = arith.muli %arg1, %mul3A_30 : i32
    %add3A_32 = arith.constant 128 : i32
    %add3A_33 = arith.addi %mul3A_31, %add3A_32 : i32
    "tpu.region"() ({
      %run_scoped3A_780 = tpu.sem_alloc : memref<!tpu.dma_semaphore, #tpu.memory_space<semaphore_mem>>
      %dma_start3A_781 = arith.constant 0 : i32
      %dma_start3A_782 = tpu.memref_slice %arg20[%add3A_33, %dma_start3A_781] : memref<10240x64xf32, #tpu.memory_space<vmem_shared>> -> memref<128x64xf32, #tpu.memory_space<vmem_shared>>
      %dma_start3A_783 = arith.constant 0 : i32
      %dma_start3A_784 = tpu.memref_slice %arg20[%add3A_33, %dma_start3A_783] : memref<10240x64xf32, #tpu.memory_space<vmem_shared>> -> memref<128x64xf32, #tpu.memory_space<vmem_shared>>
      tpu.enqueue_dma source(%arg18 : memref<128x64xf32, #tpu.memory_space<vmem>>) target(%dma_start3A_784 : memref<128x64xf32, #tpu.memory_space<vmem_shared>>) target_semaphore(%run_scoped3A_780 : memref<!tpu.dma_semaphore, #tpu.memory_space<semaphore_mem>>)
      %dma_wait3A_785 = arith.constant 0 : i32
      %dma_wait3A_786 = tpu.memref_slice %arg20[%add3A_33, %dma_wait3A_785] : memref<10240x64xf32, #tpu.memory_space<vmem_shared>> -> memref<128x64xf32, #tpu.memory_space<vmem_shared>>
      %dma_wait3A_787 = arith.constant 0 : i32
      %dma_wait3A_788 = tpu.memref_slice %arg20[%add3A_33, %dma_wait3A_787] : memref<10240x64xf32, #tpu.memory_space<vmem_shared>> -> memref<128x64xf32, #tpu.memory_space<vmem_shared>>
      tpu.wait_dma2 semaphore(%run_scoped3A_780 : memref<!tpu.dma_semaphore, #tpu.memory_space<semaphore_mem>>) src(%arg18 : memref<128x64xf32, #tpu.memory_space<vmem>>) dst(%dma_wait3A_788 : memref<128x64xf32, #tpu.memory_space<vmem_shared>>)
      tpu.yield
    }) : () -> ()
    %mul3A_34 = arith.constant 640 : i32
    %mul3A_35 = arith.muli %arg1, %mul3A_34 : i32
    %add3A_36 = arith.constant 256 : i32
    %add3A_37 = arith.addi %mul3A_35, %add3A_36 : i32
    "tpu.region"() ({
      %run_scoped3A_780 = tpu.sem_alloc : memref<!tpu.dma_semaphore, #tpu.memory_space<semaphore_mem>>
      %dma_start3A_781 = arith.constant 0 : i32
      %dma_start3A_782 = tpu.memref_slice %arg20[%add3A_37, %dma_start3A_781] : memref<10240x64xf32, #tpu.memory_space<vmem_shared>> -> memref<128x64xf32, #tpu.memory_space<vmem_shared>>
      %dma_start3A_783 = arith.constant 0 : i32
      %dma_start3A_784 = tpu.memref_slice %arg20[%add3A_37, %dma_start3A_783] : memref<10240x64xf32, #tpu.memory_space<vmem_shared>> -> memref<128x64xf32, #tpu.memory_space<vmem_shared>>
      tpu.enqueue_dma source(%arg18 : memref<128x64xf32, #tpu.memory_space<vmem>>) target(%dma_start3A_784 : memref<128x64xf32, #tpu.memory_space<vmem_shared>>) target_semaphore(%run_scoped3A_780 : memref<!tpu.dma_semaphore, #tpu.memory_space<semaphore_mem>>)
      %dma_wait3A_785 = arith.constant 0 : i32
      %dma_wait3A_786 = tpu.memref_slice %arg20[%add3A_37, %dma_wait3A_785] : memref<10240x64xf32, #tpu.memory_space<vmem_shared>> -> memref<128x64xf32, #tpu.memory_space<vmem_shared>>
      %dma_wait3A_787 = arith.constant 0 : i32
      %dma_wait3A_788 = tpu.memref_slice %arg20[%add3A_37, %dma_wait3A_787] : memref<10240x64xf32, #tpu.memory_space<vmem_shared>> -> memref<128x64xf32, #tpu.memory_space<vmem_shared>>
      tpu.wait_dma2 semaphore(%run_scoped3A_780 : memref<!tpu.dma_semaphore, #tpu.memory_space<semaphore_mem>>) src(%arg18 : memref<128x64xf32, #tpu.memory_space<vmem>>) dst(%dma_wait3A_788 : memref<128x64xf32, #tpu.memory_space<vmem_shared>>)
      tpu.yield
    }) : () -> ()
    %mul3A_38 = arith.constant 640 : i32
    %mul3A_39 = arith.muli %arg1, %mul3A_38 : i32
    %add3A_40 = arith.constant 384 : i32
    %add3A_41 = arith.addi %mul3A_39, %add3A_40 : i32
    "tpu.region"() ({
      %run_scoped3A_780 = tpu.sem_alloc : memref<!tpu.dma_semaphore, #tpu.memory_space<semaphore_mem>>
      %dma_start3A_781 = arith.constant 0 : i32
      %dma_start3A_782 = tpu.memref_slice %arg20[%add3A_41, %dma_start3A_781] : memref<10240x64xf32, #tpu.memory_space<vmem_shared>> -> memref<128x64xf32, #tpu.memory_space<vmem_shared>>
      %dma_start3A_783 = arith.constant 0 : i32
      %dma_start3A_784 = tpu.memref_slice %arg20[%add3A_41, %dma_start3A_783] : memref<10240x64xf32, #tpu.memory_space<vmem_shared>> -> memref<128x64xf32, #tpu.memory_space<vmem_shared>>
      tpu.enqueue_dma source(%arg18 : memref<128x64xf32, #tpu.memory_space<vmem>>) target(%dma_start3A_784 : memref<128x64xf32, #tpu.memory_space<vmem_shared>>) target_semaphore(%run_scoped3A_780 : memref<!tpu.dma_semaphore, #tpu.memory_space<semaphore_mem>>)
      %dma_wait3A_785 = arith.constant 0 : i32
      %dma_wait3A_786 = tpu.memref_slice %arg20[%add3A_41, %dma_wait3A_785] : memref<10240x64xf32, #tpu.memory_space<vmem_shared>> -> memref<128x64xf32, #tpu.memory_space<vmem_shared>>
      %dma_wait3A_787 = arith.constant 0 : i32
      %dma_wait3A_788 = tpu.memref_slice %arg20[%add3A_41, %dma_wait3A_787] : memref<10240x64xf32, #tpu.memory_space<vmem_shared>> -> memref<128x64xf32, #tpu.memory_space<vmem_shared>>
      tpu.wait_dma2 semaphore(%run_scoped3A_780 : memref<!tpu.dma_semaphore, #tpu.memory_space<semaphore_mem>>) src(%arg18 : memref<128x64xf32, #tpu.memory_space<vmem>>) dst(%dma_wait3A_788 : memref<128x64xf32, #tpu.memory_space<vmem_shared>>)
      tpu.yield
    }) : () -> ()
    %mul3A_42 = arith.constant 640 : i32
    %mul3A_43 = arith.muli %arg1, %mul3A_42 : i32
    %add3A_44 = arith.constant 512 : i32
    %add3A_45 = arith.addi %mul3A_43, %add3A_44 : i32
    "tpu.region"() ({
      %run_scoped3A_780 = tpu.sem_alloc : memref<!tpu.dma_semaphore, #tpu.memory_space<semaphore_mem>>
      %dma_start3A_781 = arith.constant 0 : i32
      %dma_start3A_782 = tpu.memref_slice %arg20[%add3A_45, %dma_start3A_781] : memref<10240x64xf32, #tpu.memory_space<vmem_shared>> -> memref<128x64xf32, #tpu.memory_space<vmem_shared>>
      %dma_start3A_783 = arith.constant 0 : i32
      %dma_start3A_784 = tpu.memref_slice %arg20[%add3A_45, %dma_start3A_783] : memref<10240x64xf32, #tpu.memory_space<vmem_shared>> -> memref<128x64xf32, #tpu.memory_space<vmem_shared>>
      tpu.enqueue_dma source(%arg18 : memref<128x64xf32, #tpu.memory_space<vmem>>) target(%dma_start3A_784 : memref<128x64xf32, #tpu.memory_space<vmem_shared>>) target_semaphore(%run_scoped3A_780 : memref<!tpu.dma_semaphore, #tpu.memory_space<semaphore_mem>>)
      %dma_wait3A_785 = arith.constant 0 : i32
      %dma_wait3A_786 = tpu.memref_slice %arg20[%add3A_45, %dma_wait3A_785] : memref<10240x64xf32, #tpu.memory_space<vmem_shared>> -> memref<128x64xf32, #tpu.memory_space<vmem_shared>>
      %dma_wait3A_787 = arith.constant 0 : i32
      %dma_wait3A_788 = tpu.memref_slice %arg20[%add3A_45, %dma_wait3A_787] : memref<10240x64xf32, #tpu.memory_space<vmem_shared>> -> memref<128x64xf32, #tpu.memory_space<vmem_shared>>
      tpu.wait_dma2 semaphore(%run_scoped3A_780 : memref<!tpu.dma_semaphore, #tpu.memory_space<semaphore_mem>>) src(%arg18 : memref<128x64xf32, #tpu.memory_space<vmem>>) dst(%dma_wait3A_788 : memref<128x64xf32, #tpu.memory_space<vmem_shared>>)
      tpu.yield
    }) : () -> ()
    %mul3A_46 = arith.constant 640 : i32
    %mul3A_47 = arith.muli %arg1, %mul3A_46 : i32
    "tpu.region"() ({
      %run_scoped3A_780 = tpu.sem_alloc : memref<!tpu.dma_semaphore, #tpu.memory_space<semaphore_mem>>
      %dma_start3A_781 = arith.constant 0 : i32
      %dma_start3A_782 = tpu.memref_slice %arg21[%mul3A_47, %dma_start3A_781] : memref<10240x16xf32, #tpu.memory_space<vmem_shared>> -> memref<640x16xf32, #tpu.memory_space<vmem_shared>>
      %dma_start3A_783 = arith.constant 0 : i32
      %dma_start3A_784 = tpu.memref_slice %arg21[%mul3A_47, %dma_start3A_783] : memref<10240x16xf32, #tpu.memory_space<vmem_shared>> -> memref<640x16xf32, #tpu.memory_space<vmem_shared>>
      tpu.enqueue_dma source(%arg19 : memref<640x16xf32, #tpu.memory_space<vmem>>) target(%dma_start3A_784 : memref<640x16xf32, #tpu.memory_space<vmem_shared>>) target_semaphore(%run_scoped3A_780 : memref<!tpu.dma_semaphore, #tpu.memory_space<semaphore_mem>>)
      %dma_wait3A_785 = arith.constant 0 : i32
      %dma_wait3A_786 = tpu.memref_slice %arg21[%mul3A_47, %dma_wait3A_785] : memref<10240x16xf32, #tpu.memory_space<vmem_shared>> -> memref<640x16xf32, #tpu.memory_space<vmem_shared>>
      %dma_wait3A_787 = arith.constant 0 : i32
      %dma_wait3A_788 = tpu.memref_slice %arg21[%mul3A_47, %dma_wait3A_787] : memref<10240x16xf32, #tpu.memory_space<vmem_shared>> -> memref<640x16xf32, #tpu.memory_space<vmem_shared>>
      tpu.wait_dma2 semaphore(%run_scoped3A_780 : memref<!tpu.dma_semaphore, #tpu.memory_space<semaphore_mem>>) src(%arg19 : memref<640x16xf32, #tpu.memory_space<vmem>>) dst(%dma_wait3A_788 : memref<640x16xf32, #tpu.memory_space<vmem_shared>>)
      tpu.yield
    }) : () -> ()
    %barrier3A = arith.constant 0 : index
    tpu.barrier barrier_id(%barrier3A)
    %get3A = arith.constant 0 : i32
    %get3A_48 = arith.index_cast %get3A : i32 to index
    %get3A_49 = arith.constant 0 : index
    %get3A_50 = tpu.vector_load %arg7[%get3A_48, %get3A_49] {strides = array<i32>} : memref<128x80xi32, #tpu.memory_space<vmem>>, vector<1x16xi32>,
    %get3A_51 = vector.shape_cast %get3A_50 : vector<1x16xi32> to vector<16xi32>
    %mul3A_52 = arith.constant 4 : i32
    %mul3A_53 = vector.broadcast %mul3A_52 : i32 to vector<16xi32>
    %mul3A_54 = arith.muli %get3A_51, %mul3A_53 : vector<16xi32>
    %add3A_55 = vector.broadcast %add3A_25 : i32 to vector<16xi32>
    %add3A_56 = arith.addi %mul3A_54, %add3A_55 : vector<16xi32>
    %swap3A = arith.constant 0 : index
    %swap3A_57 = tpu.vector_load %arg9[%swap3A] {strides = array<i32>} : memref<80xi32, #tpu.memory_space<vmem>>, vector<16xi32>,
    %swap3A_58 = vector.shape_cast %swap3A_57 : vector<16xi32> to vector<16xi32>
    %swap3A_59 = vector.shape_cast %add3A_56 : vector<16xi32> to vector<16xi32>
    tpu.vector_store %arg9[%swap3A], %swap3A_59 {strides = array<i32>} : memref<80xi32, #tpu.memory_space<vmem>>, vector<16xi32>,
    %get3A_60 = arith.constant 0 : i32
    %get3A_61 = arith.index_cast %get3A_60 : i32 to index
    %get3A_62 = arith.constant 16 : index
    %get3A_63 = tpu.vector_load %arg7[%get3A_61, %get3A_62] {strides = array<i32>} : memref<128x80xi32, #tpu.memory_space<vmem>>, vector<1x16xi32>,
    %get3A_64 = vector.shape_cast %get3A_63 : vector<1x16xi32> to vector<16xi32>
    %mul3A_65 = arith.constant 4 : i32
    %mul3A_66 = vector.broadcast %mul3A_65 : i32 to vector<16xi32>
    %mul3A_67 = arith.muli %get3A_64, %mul3A_66 : vector<16xi32>
    %add3A_68 = vector.broadcast %add3A_25 : i32 to vector<16xi32>
    %add3A_69 = arith.addi %mul3A_67, %add3A_68 : vector<16xi32>
    %swap3A_70 = arith.constant 16 : index
    %swap3A_71 = tpu.vector_load %arg9[%swap3A_70] {strides = array<i32>} : memref<80xi32, #tpu.memory_space<vmem>>, vector<16xi32>,
    %swap3A_72 = vector.shape_cast %swap3A_71 : vector<16xi32> to vector<16xi32>
    %swap3A_73 = vector.shape_cast %add3A_69 : vector<16xi32> to vector<16xi32>
    tpu.vector_store %arg9[%swap3A_70], %swap3A_73 {strides = array<i32>} : memref<80xi32, #tpu.memory_space<vmem>>, vector<16xi32>,
    %get3A_74 = arith.constant 0 : i32
    %get3A_75 = arith.index_cast %get3A_74 : i32 to index
    %get3A_76 = arith.constant 32 : index
    %get3A_77 = tpu.vector_load %arg7[%get3A_75, %get3A_76] {strides = array<i32>} : memref<128x80xi32, #tpu.memory_space<vmem>>, vector<1x16xi32>,
    %get3A_78 = vector.shape_cast %get3A_77 : vector<1x16xi32> to vector<16xi32>
    %mul3A_79 = arith.constant 4 : i32
    %mul3A_80 = vector.broadcast %mul3A_79 : i32 to vector<16xi32>
    %mul3A_81 = arith.muli %get3A_78, %mul3A_80 : vector<16xi32>
    %add3A_82 = vector.broadcast %add3A_25 : i32 to vector<16xi32>
    %add3A_83 = arith.addi %mul3A_81, %add3A_82 : vector<16xi32>
    %swap3A_84 = arith.constant 32 : index
    %swap3A_85 = tpu.vector_load %arg9[%swap3A_84] {strides = array<i32>} : memref<80xi32, #tpu.memory_space<vmem>>, vector<16xi32>,
    %swap3A_86 = vector.shape_cast %swap3A_85 : vector<16xi32> to vector<16xi32>
    %swap3A_87 = vector.shape_cast %add3A_83 : vector<16xi32> to vector<16xi32>
    tpu.vector_store %arg9[%swap3A_84], %swap3A_87 {strides = array<i32>} : memref<80xi32, #tpu.memory_space<vmem>>, vector<16xi32>,
    %get3A_88 = arith.constant 0 : i32
    %get3A_89 = arith.index_cast %get3A_88 : i32 to index
    %get3A_90 = arith.constant 48 : index
    %get3A_91 = tpu.vector_load %arg7[%get3A_89, %get3A_90] {strides = array<i32>} : memref<128x80xi32, #tpu.memory_space<vmem>>, vector<1x16xi32>,
    %get3A_92 = vector.shape_cast %get3A_91 : vector<1x16xi32> to vector<16xi32>
    %mul3A_93 = arith.constant 4 : i32
    %mul3A_94 = vector.broadcast %mul3A_93 : i32 to vector<16xi32>
    %mul3A_95 = arith.muli %get3A_92, %mul3A_94 : vector<16xi32>
    %add3A_96 = vector.broadcast %add3A_25 : i32 to vector<16xi32>
    %add3A_97 = arith.addi %mul3A_95, %add3A_96 : vector<16xi32>
    %swap3A_98 = arith.constant 48 : index
    %swap3A_99 = tpu.vector_load %arg9[%swap3A_98] {strides = array<i32>} : memref<80xi32, #tpu.memory_space<vmem>>, vector<16xi32>,
    %swap3A_100 = vector.shape_cast %swap3A_99 : vector<16xi32> to vector<16xi32>
    %swap3A_101 = vector.shape_cast %add3A_97 : vector<16xi32> to vector<16xi32>
    tpu.vector_store %arg9[%swap3A_98], %swap3A_101 {strides = array<i32>} : memref<80xi32, #tpu.memory_space<vmem>>, vector<16xi32>,
    %get3A_102 = arith.constant 0 : i32
    %get3A_103 = arith.index_cast %get3A_102 : i32 to index
    %get3A_104 = arith.constant 64 : index
    %get3A_105 = tpu.vector_load %arg7[%get3A_103, %get3A_104] {strides = array<i32>} : memref<128x80xi32, #tpu.memory_space<vmem>>, vector<1x16xi32>,
    %get3A_106 = vector.shape_cast %get3A_105 : vector<1x16xi32> to vector<16xi32>
    %mul3A_107 = arith.constant 4 : i32
    %mul3A_108 = vector.broadcast %mul3A_107 : i32 to vector<16xi32>
    %mul3A_109 = arith.muli %get3A_106, %mul3A_108 : vector<16xi32>
    %add3A_110 = vector.broadcast %add3A_25 : i32 to vector<16xi32>
    %add3A_111 = arith.addi %mul3A_109, %add3A_110 : vector<16xi32>
    %swap3A_112 = arith.constant 64 : index
    %swap3A_113 = tpu.vector_load %arg9[%swap3A_112] {strides = array<i32>} : memref<80xi32, #tpu.memory_space<vmem>>, vector<16xi32>,
    %swap3A_114 = vector.shape_cast %swap3A_113 : vector<16xi32> to vector<16xi32>
    %swap3A_115 = vector.shape_cast %add3A_111 : vector<16xi32> to vector<16xi32>
    tpu.vector_store %arg9[%swap3A_112], %swap3A_115 {strides = array<i32>} : memref<80xi32, #tpu.memory_space<vmem>>, vector<16xi32>,
    %dma_start3A = arith.constant 0 : i32
    %dma_start3A_116 = arith.constant 0 : i32
    %dma_start3A_117 = tpu.memref_slice %arg2[%dma_start3A, %dma_start3A_116] : memref<40000x64xf32, #tpu.memory_space<hbm>> -> memref<40000x64xf32, #tpu.memory_space<hbm>>
    tpu.enqueue_indirect_dma source(%dma_start3A_117 : memref<40000x64xf32, #tpu.memory_space<hbm>>) target(%arg13 : memref<80x64xf32, #tpu.memory_space<vmem>>) offsets(%arg9 : memref<80xi32, #tpu.memory_space<vmem>>) semaphore(%arg22 : memref<!tpu.dma_semaphore, #tpu.memory_space<semaphore_mem>>)
    %get3A_118 = arith.constant 1 : i32
    %get3A_119 = arith.index_cast %get3A_118 : i32 to index
    %get3A_120 = arith.constant 0 : index
    %get3A_121 = tpu.vector_load %arg7[%get3A_119, %get3A_120] {strides = array<i32>} : memref<128x80xi32, #tpu.memory_space<vmem>>, vector<1x16xi32>,
    %get3A_122 = vector.shape_cast %get3A_121 : vector<1x16xi32> to vector<16xi32>
    %mul3A_123 = arith.constant 4 : i32
    %mul3A_124 = vector.broadcast %mul3A_123 : i32 to vector<16xi32>
    %mul3A_125 = arith.muli %get3A_122, %mul3A_124 : vector<16xi32>
    %add3A_126 = vector.broadcast %add3A_25 : i32 to vector<16xi32>
    %add3A_127 = arith.addi %mul3A_125, %add3A_126 : vector<16xi32>
    %swap3A_128 = arith.constant 0 : index
    %swap3A_129 = tpu.vector_load %arg10[%swap3A_128] {strides = array<i32>} : memref<80xi32, #tpu.memory_space<vmem>>, vector<16xi32>,
    %swap3A_130 = vector.shape_cast %swap3A_129 : vector<16xi32> to vector<16xi32>
    %swap3A_131 = vector.shape_cast %add3A_127 : vector<16xi32> to vector<16xi32>
    tpu.vector_store %arg10[%swap3A_128], %swap3A_131 {strides = array<i32>} : memref<80xi32, #tpu.memory_space<vmem>>, vector<16xi32>,
    %get3A_132 = arith.constant 1 : i32
    %get3A_133 = arith.index_cast %get3A_132 : i32 to index
    %get3A_134 = arith.constant 16 : index
    %get3A_135 = tpu.vector_load %arg7[%get3A_133, %get3A_134] {strides = array<i32>} : memref<128x80xi32, #tpu.memory_space<vmem>>, vector<1x16xi32>,
    %get3A_136 = vector.shape_cast %get3A_135 : vector<1x16xi32> to vector<16xi32>
    %mul3A_137 = arith.constant 4 : i32
    %mul3A_138 = vector.broadcast %mul3A_137 : i32 to vector<16xi32>
    %mul3A_139 = arith.muli %get3A_136, %mul3A_138 : vector<16xi32>
    %add3A_140 = vector.broadcast %add3A_25 : i32 to vector<16xi32>
    %add3A_141 = arith.addi %mul3A_139, %add3A_140 : vector<16xi32>
    %swap3A_142 = arith.constant 16 : index
    %swap3A_143 = tpu.vector_load %arg10[%swap3A_142] {strides = array<i32>} : memref<80xi32, #tpu.memory_space<vmem>>, vector<16xi32>,
    %swap3A_144 = vector.shape_cast %swap3A_143 : vector<16xi32> to vector<16xi32>
    %swap3A_145 = vector.shape_cast %add3A_141 : vector<16xi32> to vector<16xi32>
    tpu.vector_store %arg10[%swap3A_142], %swap3A_145 {strides = array<i32>} : memref<80xi32, #tpu.memory_space<vmem>>, vector<16xi32>,
    %get3A_146 = arith.constant 1 : i32
    %get3A_147 = arith.index_cast %get3A_146 : i32 to index
    %get3A_148 = arith.constant 32 : index
    %get3A_149 = tpu.vector_load %arg7[%get3A_147, %get3A_148] {strides = array<i32>} : memref<128x80xi32, #tpu.memory_space<vmem>>, vector<1x16xi32>,
    %get3A_150 = vector.shape_cast %get3A_149 : vector<1x16xi32> to vector<16xi32>
    %mul3A_151 = arith.constant 4 : i32
    %mul3A_152 = vector.broadcast %mul3A_151 : i32 to vector<16xi32>
    %mul3A_153 = arith.muli %get3A_150, %mul3A_152 : vector<16xi32>
    %add3A_154 = vector.broadcast %add3A_25 : i32 to vector<16xi32>
    %add3A_155 = arith.addi %mul3A_153, %add3A_154 : vector<16xi32>
    %swap3A_156 = arith.constant 32 : index
    %swap3A_157 = tpu.vector_load %arg10[%swap3A_156] {strides = array<i32>} : memref<80xi32, #tpu.memory_space<vmem>>, vector<16xi32>,
    %swap3A_158 = vector.shape_cast %swap3A_157 : vector<16xi32> to vector<16xi32>
    %swap3A_159 = vector.shape_cast %add3A_155 : vector<16xi32> to vector<16xi32>
    tpu.vector_store %arg10[%swap3A_156], %swap3A_159 {strides = array<i32>} : memref<80xi32, #tpu.memory_space<vmem>>, vector<16xi32>,
    %get3A_160 = arith.constant 1 : i32
    %get3A_161 = arith.index_cast %get3A_160 : i32 to index
    %get3A_162 = arith.constant 48 : index
    %get3A_163 = tpu.vector_load %arg7[%get3A_161, %get3A_162] {strides = array<i32>} : memref<128x80xi32, #tpu.memory_space<vmem>>, vector<1x16xi32>,
    %get3A_164 = vector.shape_cast %get3A_163 : vector<1x16xi32> to vector<16xi32>
    %mul3A_165 = arith.constant 4 : i32
    %mul3A_166 = vector.broadcast %mul3A_165 : i32 to vector<16xi32>
    %mul3A_167 = arith.muli %get3A_164, %mul3A_166 : vector<16xi32>
    %add3A_168 = vector.broadcast %add3A_25 : i32 to vector<16xi32>
    %add3A_169 = arith.addi %mul3A_167, %add3A_168 : vector<16xi32>
    %swap3A_170 = arith.constant 48 : index
    %swap3A_171 = tpu.vector_load %arg10[%swap3A_170] {strides = array<i32>} : memref<80xi32, #tpu.memory_space<vmem>>, vector<16xi32>,
    %swap3A_172 = vector.shape_cast %swap3A_171 : vector<16xi32> to vector<16xi32>
    %swap3A_173 = vector.shape_cast %add3A_169 : vector<16xi32> to vector<16xi32>
    tpu.vector_store %arg10[%swap3A_170], %swap3A_173 {strides = array<i32>} : memref<80xi32, #tpu.memory_space<vmem>>, vector<16xi32>,
    %get3A_174 = arith.constant 1 : i32
    %get3A_175 = arith.index_cast %get3A_174 : i32 to index
    %get3A_176 = arith.constant 64 : index
    %get3A_177 = tpu.vector_load %arg7[%get3A_175, %get3A_176] {strides = array<i32>} : memref<128x80xi32, #tpu.memory_space<vmem>>, vector<1x16xi32>,
    %get3A_178 = vector.shape_cast %get3A_177 : vector<1x16xi32> to vector<16xi32>
    %mul3A_179 = arith.constant 4 : i32
    %mul3A_180 = vector.broadcast %mul3A_179 : i32 to vector<16xi32>
    %mul3A_181 = arith.muli %get3A_178, %mul3A_180 : vector<16xi32>
    %add3A_182 = vector.broadcast %add3A_25 : i32 to vector<16xi32>
    %add3A_183 = arith.addi %mul3A_181, %add3A_182 : vector<16xi32>
    %swap3A_184 = arith.constant 64 : index
    %swap3A_185 = tpu.vector_load %arg10[%swap3A_184] {strides = array<i32>} : memref<80xi32, #tpu.memory_space<vmem>>, vector<16xi32>,
    %swap3A_186 = vector.shape_cast %swap3A_185 : vector<16xi32> to vector<16xi32>
    %swap3A_187 = vector.shape_cast %add3A_183 : vector<16xi32> to vector<16xi32>
    tpu.vector_store %arg10[%swap3A_184], %swap3A_187 {strides = array<i32>} : memref<80xi32, #tpu.memory_space<vmem>>, vector<16xi32>,
    %dma_start3A_188 = arith.constant 0 : i32
    %dma_start3A_189 = arith.constant 0 : i32
    %dma_start3A_190 = tpu.memref_slice %arg2[%dma_start3A_188, %dma_start3A_189] : memref<40000x64xf32, #tpu.memory_space<hbm>> -> memref<40000x64xf32, #tpu.memory_space<hbm>>
    tpu.enqueue_indirect_dma source(%dma_start3A_190 : memref<40000x64xf32, #tpu.memory_space<hbm>>) target(%arg14 : memref<80x64xf32, #tpu.memory_space<vmem>>) offsets(%arg10 : memref<80xi32, #tpu.memory_space<vmem>>) semaphore(%arg23 : memref<!tpu.dma_semaphore, #tpu.memory_space<semaphore_mem>>)
    %get3A_191 = arith.constant 2 : i32
    %get3A_192 = arith.index_cast %get3A_191 : i32 to index
    %get3A_193 = arith.constant 0 : index
    %get3A_194 = tpu.vector_load %arg7[%get3A_192, %get3A_193] {strides = array<i32>} : memref<128x80xi32, #tpu.memory_space<vmem>>, vector<1x16xi32>,
    %get3A_195 = vector.shape_cast %get3A_194 : vector<1x16xi32> to vector<16xi32>
    %mul3A_196 = arith.constant 4 : i32
    %mul3A_197 = vector.broadcast %mul3A_196 : i32 to vector<16xi32>
    %mul3A_198 = arith.muli %get3A_195, %mul3A_197 : vector<16xi32>
    %add3A_199 = vector.broadcast %add3A_25 : i32 to vector<16xi32>
    %add3A_200 = arith.addi %mul3A_198, %add3A_199 : vector<16xi32>
    %swap3A_201 = arith.constant 0 : index
    %swap3A_202 = tpu.vector_load %arg11[%swap3A_201] {strides = array<i32>} : memref<80xi32, #tpu.memory_space<vmem>>, vector<16xi32>,
    %swap3A_203 = vector.shape_cast %swap3A_202 : vector<16xi32> to vector<16xi32>
    %swap3A_204 = vector.shape_cast %add3A_200 : vector<16xi32> to vector<16xi32>
    tpu.vector_store %arg11[%swap3A_201], %swap3A_204 {strides = array<i32>} : memref<80xi32, #tpu.memory_space<vmem>>, vector<16xi32>,
    %get3A_205 = arith.constant 2 : i32
    %get3A_206 = arith.index_cast %get3A_205 : i32 to index
    %get3A_207 = arith.constant 16 : index
    %get3A_208 = tpu.vector_load %arg7[%get3A_206, %get3A_207] {strides = array<i32>} : memref<128x80xi32, #tpu.memory_space<vmem>>, vector<1x16xi32>,
    %get3A_209 = vector.shape_cast %get3A_208 : vector<1x16xi32> to vector<16xi32>
    %mul3A_210 = arith.constant 4 : i32
    %mul3A_211 = vector.broadcast %mul3A_210 : i32 to vector<16xi32>
    %mul3A_212 = arith.muli %get3A_209, %mul3A_211 : vector<16xi32>
    %add3A_213 = vector.broadcast %add3A_25 : i32 to vector<16xi32>
    %add3A_214 = arith.addi %mul3A_212, %add3A_213 : vector<16xi32>
    %swap3A_215 = arith.constant 16 : index
    %swap3A_216 = tpu.vector_load %arg11[%swap3A_215] {strides = array<i32>} : memref<80xi32, #tpu.memory_space<vmem>>, vector<16xi32>,
    %swap3A_217 = vector.shape_cast %swap3A_216 : vector<16xi32> to vector<16xi32>
    %swap3A_218 = vector.shape_cast %add3A_214 : vector<16xi32> to vector<16xi32>
    tpu.vector_store %arg11[%swap3A_215], %swap3A_218 {strides = array<i32>} : memref<80xi32, #tpu.memory_space<vmem>>, vector<16xi32>,
    %get3A_219 = arith.constant 2 : i32
    %get3A_220 = arith.index_cast %get3A_219 : i32 to index
    %get3A_221 = arith.constant 32 : index
    %get3A_222 = tpu.vector_load %arg7[%get3A_220, %get3A_221] {strides = array<i32>} : memref<128x80xi32, #tpu.memory_space<vmem>>, vector<1x16xi32>,
    %get3A_223 = vector.shape_cast %get3A_222 : vector<1x16xi32> to vector<16xi32>
    %mul3A_224 = arith.constant 4 : i32
    %mul3A_225 = vector.broadcast %mul3A_224 : i32 to vector<16xi32>
    %mul3A_226 = arith.muli %get3A_223, %mul3A_225 : vector<16xi32>
    %add3A_227 = vector.broadcast %add3A_25 : i32 to vector<16xi32>
    %add3A_228 = arith.addi %mul3A_226, %add3A_227 : vector<16xi32>
    %swap3A_229 = arith.constant 32 : index
    %swap3A_230 = tpu.vector_load %arg11[%swap3A_229] {strides = array<i32>} : memref<80xi32, #tpu.memory_space<vmem>>, vector<16xi32>,
    %swap3A_231 = vector.shape_cast %swap3A_230 : vector<16xi32> to vector<16xi32>
    %swap3A_232 = vector.shape_cast %add3A_228 : vector<16xi32> to vector<16xi32>
    tpu.vector_store %arg11[%swap3A_229], %swap3A_232 {strides = array<i32>} : memref<80xi32, #tpu.memory_space<vmem>>, vector<16xi32>,
    %get3A_233 = arith.constant 2 : i32
    %get3A_234 = arith.index_cast %get3A_233 : i32 to index
    %get3A_235 = arith.constant 48 : index
    %get3A_236 = tpu.vector_load %arg7[%get3A_234, %get3A_235] {strides = array<i32>} : memref<128x80xi32, #tpu.memory_space<vmem>>, vector<1x16xi32>,
    %get3A_237 = vector.shape_cast %get3A_236 : vector<1x16xi32> to vector<16xi32>
    %mul3A_238 = arith.constant 4 : i32
    %mul3A_239 = vector.broadcast %mul3A_238 : i32 to vector<16xi32>
    %mul3A_240 = arith.muli %get3A_237, %mul3A_239 : vector<16xi32>
    %add3A_241 = vector.broadcast %add3A_25 : i32 to vector<16xi32>
    %add3A_242 = arith.addi %mul3A_240, %add3A_241 : vector<16xi32>
    %swap3A_243 = arith.constant 48 : index
    %swap3A_244 = tpu.vector_load %arg11[%swap3A_243] {strides = array<i32>} : memref<80xi32, #tpu.memory_space<vmem>>, vector<16xi32>,
    %swap3A_245 = vector.shape_cast %swap3A_244 : vector<16xi32> to vector<16xi32>
    %swap3A_246 = vector.shape_cast %add3A_242 : vector<16xi32> to vector<16xi32>
    tpu.vector_store %arg11[%swap3A_243], %swap3A_246 {strides = array<i32>} : memref<80xi32, #tpu.memory_space<vmem>>, vector<16xi32>,
    %get3A_247 = arith.constant 2 : i32
    %get3A_248 = arith.index_cast %get3A_247 : i32 to index
    %get3A_249 = arith.constant 64 : index
    %get3A_250 = tpu.vector_load %arg7[%get3A_248, %get3A_249] {strides = array<i32>} : memref<128x80xi32, #tpu.memory_space<vmem>>, vector<1x16xi32>,
    %get3A_251 = vector.shape_cast %get3A_250 : vector<1x16xi32> to vector<16xi32>
    %mul3A_252 = arith.constant 4 : i32
    %mul3A_253 = vector.broadcast %mul3A_252 : i32 to vector<16xi32>
    %mul3A_254 = arith.muli %get3A_251, %mul3A_253 : vector<16xi32>
    %add3A_255 = vector.broadcast %add3A_25 : i32 to vector<16xi32>
    %add3A_256 = arith.addi %mul3A_254, %add3A_255 : vector<16xi32>
    %swap3A_257 = arith.constant 64 : index
    %swap3A_258 = tpu.vector_load %arg11[%swap3A_257] {strides = array<i32>} : memref<80xi32, #tpu.memory_space<vmem>>, vector<16xi32>,
    %swap3A_259 = vector.shape_cast %swap3A_258 : vector<16xi32> to vector<16xi32>
    %swap3A_260 = vector.shape_cast %add3A_256 : vector<16xi32> to vector<16xi32>
    tpu.vector_store %arg11[%swap3A_257], %swap3A_260 {strides = array<i32>} : memref<80xi32, #tpu.memory_space<vmem>>, vector<16xi32>,
    %dma_start3A_261 = arith.constant 0 : i32
    %dma_start3A_262 = arith.constant 0 : i32
    %dma_start3A_263 = tpu.memref_slice %arg2[%dma_start3A_261, %dma_start3A_262] : memref<40000x64xf32, #tpu.memory_space<hbm>> -> memref<40000x64xf32, #tpu.memory_space<hbm>>
    tpu.enqueue_indirect_dma source(%dma_start3A_263 : memref<40000x64xf32, #tpu.memory_space<hbm>>) target(%arg15 : memref<80x64xf32, #tpu.memory_space<vmem>>) offsets(%arg11 : memref<80xi32, #tpu.memory_space<vmem>>) semaphore(%arg24 : memref<!tpu.dma_semaphore, #tpu.memory_space<semaphore_mem>>)
    %dma_wait3A = arith.constant 0 : i32
    %dma_wait3A_264 = arith.constant 0 : i32
    %dma_wait3A_265 = tpu.memref_slice %arg2[%dma_wait3A, %dma_wait3A_264] : memref<40000x64xf32, #tpu.memory_space<hbm>> -> memref<40000x64xf32, #tpu.memory_space<hbm>>
    tpu.wait_indirect_dma semaphore(%arg22 : memref<!tpu.dma_semaphore, #tpu.memory_space<semaphore_mem>>) src(%dma_wait3A_265 : memref<40000x64xf32, #tpu.memory_space<hbm>>) dst(%arg13 : memref<80x64xf32, #tpu.memory_space<vmem>>)
    %run_scoped3A = arith.constant 0 : i32
    "tpu.region"() ({
      %run_scoped3A_780 = tpu.sem_alloc : memref<!tpu.dma_semaphore, #tpu.memory_space<semaphore_mem>>
      %dma_start3A_781 = arith.constant 0 : i32
      %dma_start3A_782 = tpu.memref_slice %arg8[%run_scoped3A, %dma_start3A_781] : memref<128x80xi32, #tpu.memory_space<vmem>> -> memref<1x80xi32, #tpu.memory_space<vmem>>
      %dma_start3A_783 = tpu.memref_squeeze %dma_start3A_782 : memref<1x80xi32, #tpu.memory_space<vmem>> -> memref<80xi32, #tpu.memory_space<vmem>>
      %dma_start3A_784 = arith.constant 0 : i32
      %dma_start3A_785 = arith.constant 0 : i32
      %dma_start3A_786 = tpu.memref_slice %arg20[%dma_start3A_784, %dma_start3A_785] : memref<10240x64xf32, #tpu.memory_space<vmem_shared>> -> memref<10240x64xf32, #tpu.memory_space<vmem_shared>>
      tpu.enqueue_indirect_dma source(%arg13 : memref<80x64xf32, #tpu.memory_space<vmem>>) target(%dma_start3A_786 : memref<10240x64xf32, #tpu.memory_space<vmem_shared>>) offsets(%dma_start3A_783 : memref<80xi32, #tpu.memory_space<vmem>>) semaphore(%run_scoped3A_780 : memref<!tpu.dma_semaphore, #tpu.memory_space<semaphore_mem>>) {add = true}
      %dma_wait3A_787 = arith.constant 0 : i32
      %dma_wait3A_788 = tpu.memref_slice %arg8[%run_scoped3A, %dma_wait3A_787] : memref<128x80xi32, #tpu.memory_space<vmem>> -> memref<1x80xi32, #tpu.memory_space<vmem>>
      %dma_wait3A_789 = tpu.memref_squeeze %dma_wait3A_788 : memref<1x80xi32, #tpu.memory_space<vmem>> -> memref<80xi32, #tpu.memory_space<vmem>>
      %dma_wait3A_790 = arith.constant 0 : i32
      %dma_wait3A_791 = arith.constant 0 : i32
      %dma_wait3A_792 = tpu.memref_slice %arg20[%dma_wait3A_790, %dma_wait3A_791] : memref<10240x64xf32, #tpu.memory_space<vmem_shared>> -> memref<10240x64xf32, #tpu.memory_space<vmem_shared>>
      tpu.wait_indirect_dma semaphore(%run_scoped3A_780 : memref<!tpu.dma_semaphore, #tpu.memory_space<semaphore_mem>>) src(%arg13 : memref<80x64xf32, #tpu.memory_space<vmem>>) dst(%dma_wait3A_792 : memref<10240x64xf32, #tpu.memory_space<vmem_shared>>)
      tpu.yield
    }) : () -> ()
    %run_scoped3A_266 = arith.constant 0 : i32
    "tpu.region"() ({
      %run_scoped3A_780 = tpu.sem_alloc : memref<!tpu.dma_semaphore, #tpu.memory_space<semaphore_mem>>
      %dma_start3A_781 = arith.constant 0 : i32
      %dma_start3A_782 = tpu.memref_slice %arg8[%run_scoped3A_266, %dma_start3A_781] : memref<128x80xi32, #tpu.memory_space<vmem>> -> memref<1x80xi32, #tpu.memory_space<vmem>>
      %dma_start3A_783 = tpu.memref_squeeze %dma_start3A_782 : memref<1x80xi32, #tpu.memory_space<vmem>> -> memref<80xi32, #tpu.memory_space<vmem>>
      %dma_start3A_784 = arith.constant 0 : i32
      %dma_start3A_785 = arith.constant 0 : i32
      %dma_start3A_786 = tpu.memref_slice %arg21[%dma_start3A_784, %dma_start3A_785] : memref<10240x16xf32, #tpu.memory_space<vmem_shared>> -> memref<10240x16xf32, #tpu.memory_space<vmem_shared>>
      tpu.enqueue_indirect_dma source(%arg17 : memref<80x16xf32, #tpu.memory_space<vmem>>) target(%dma_start3A_786 : memref<10240x16xf32, #tpu.memory_space<vmem_shared>>) offsets(%dma_start3A_783 : memref<80xi32, #tpu.memory_space<vmem>>) semaphore(%run_scoped3A_780 : memref<!tpu.dma_semaphore, #tpu.memory_space<semaphore_mem>>) {add = true}
      %dma_wait3A_787 = arith.constant 0 : i32
      %dma_wait3A_788 = tpu.memref_slice %arg8[%run_scoped3A_266, %dma_wait3A_787] : memref<128x80xi32, #tpu.memory_space<vmem>> -> memref<1x80xi32, #tpu.memory_space<vmem>>
      %dma_wait3A_789 = tpu.memref_squeeze %dma_wait3A_788 : memref<1x80xi32, #tpu.memory_space<vmem>> -> memref<80xi32, #tpu.memory_space<vmem>>
      %dma_wait3A_790 = arith.constant 0 : i32
      %dma_wait3A_791 = arith.constant 0 : i32
      %dma_wait3A_792 = tpu.memref_slice %arg21[%dma_wait3A_790, %dma_wait3A_791] : memref<10240x16xf32, #tpu.memory_space<vmem_shared>> -> memref<10240x16xf32, #tpu.memory_space<vmem_shared>>
      tpu.wait_indirect_dma semaphore(%run_scoped3A_780 : memref<!tpu.dma_semaphore, #tpu.memory_space<semaphore_mem>>) src(%arg17 : memref<80x16xf32, #tpu.memory_space<vmem>>) dst(%dma_wait3A_792 : memref<10240x16xf32, #tpu.memory_space<vmem_shared>>)
      tpu.yield
    }) : () -> ()
    %get3A_267 = arith.constant 3 : i32
    %get3A_268 = arith.index_cast %get3A_267 : i32 to index
    %get3A_269 = arith.constant 0 : index
    %get3A_270 = tpu.vector_load %arg7[%get3A_268, %get3A_269] {strides = array<i32>} : memref<128x80xi32, #tpu.memory_space<vmem>>, vector<1x16xi32>,
    %get3A_271 = vector.shape_cast %get3A_270 : vector<1x16xi32> to vector<16xi32>
    %mul3A_272 = arith.constant 4 : i32
    %mul3A_273 = vector.broadcast %mul3A_272 : i32 to vector<16xi32>
    %mul3A_274 = arith.muli %get3A_271, %mul3A_273 : vector<16xi32>
    %add3A_275 = vector.broadcast %add3A_25 : i32 to vector<16xi32>
    %add3A_276 = arith.addi %mul3A_274, %add3A_275 : vector<16xi32>
    %swap3A_277 = arith.constant 0 : index
    %swap3A_278 = tpu.vector_load %arg12[%swap3A_277] {strides = array<i32>} : memref<80xi32, #tpu.memory_space<vmem>>, vector<16xi32>,
    %swap3A_279 = vector.shape_cast %swap3A_278 : vector<16xi32> to vector<16xi32>
    %swap3A_280 = vector.shape_cast %add3A_276 : vector<16xi32> to vector<16xi32>
    tpu.vector_store %arg12[%swap3A_277], %swap3A_280 {strides = array<i32>} : memref<80xi32, #tpu.memory_space<vmem>>, vector<16xi32>,
    %get3A_281 = arith.constant 3 : i32
    %get3A_282 = arith.index_cast %get3A_281 : i32 to index
    %get3A_283 = arith.constant 16 : index
    %get3A_284 = tpu.vector_load %arg7[%get3A_282, %get3A_283] {strides = array<i32>} : memref<128x80xi32, #tpu.memory_space<vmem>>, vector<1x16xi32>,
    %get3A_285 = vector.shape_cast %get3A_284 : vector<1x16xi32> to vector<16xi32>
    %mul3A_286 = arith.constant 4 : i32
    %mul3A_287 = vector.broadcast %mul3A_286 : i32 to vector<16xi32>
    %mul3A_288 = arith.muli %get3A_285, %mul3A_287 : vector<16xi32>
    %add3A_289 = vector.broadcast %add3A_25 : i32 to vector<16xi32>
    %add3A_290 = arith.addi %mul3A_288, %add3A_289 : vector<16xi32>
    %swap3A_291 = arith.constant 16 : index
    %swap3A_292 = tpu.vector_load %arg12[%swap3A_291] {strides = array<i32>} : memref<80xi32, #tpu.memory_space<vmem>>, vector<16xi32>,
    %swap3A_293 = vector.shape_cast %swap3A_292 : vector<16xi32> to vector<16xi32>
    %swap3A_294 = vector.shape_cast %add3A_290 : vector<16xi32> to vector<16xi32>
    tpu.vector_store %arg12[%swap3A_291], %swap3A_294 {strides = array<i32>} : memref<80xi32, #tpu.memory_space<vmem>>, vector<16xi32>,
    %get3A_295 = arith.constant 3 : i32
    %get3A_296 = arith.index_cast %get3A_295 : i32 to index
    %get3A_297 = arith.constant 32 : index
    %get3A_298 = tpu.vector_load %arg7[%get3A_296, %get3A_297] {strides = array<i32>} : memref<128x80xi32, #tpu.memory_space<vmem>>, vector<1x16xi32>,
    %get3A_299 = vector.shape_cast %get3A_298 : vector<1x16xi32> to vector<16xi32>
    %mul3A_300 = arith.constant 4 : i32
    %mul3A_301 = vector.broadcast %mul3A_300 : i32 to vector<16xi32>
    %mul3A_302 = arith.muli %get3A_299, %mul3A_301 : vector<16xi32>
    %add3A_303 = vector.broadcast %add3A_25 : i32 to vector<16xi32>
    %add3A_304 = arith.addi %mul3A_302, %add3A_303 : vector<16xi32>
    %swap3A_305 = arith.constant 32 : index
    %swap3A_306 = tpu.vector_load %arg12[%swap3A_305] {strides = array<i32>} : memref<80xi32, #tpu.memory_space<vmem>>, vector<16xi32>,
    %swap3A_307 = vector.shape_cast %swap3A_306 : vector<16xi32> to vector<16xi32>
    %swap3A_308 = vector.shape_cast %add3A_304 : vector<16xi32> to vector<16xi32>
    tpu.vector_store %arg12[%swap3A_305], %swap3A_308 {strides = array<i32>} : memref<80xi32, #tpu.memory_space<vmem>>, vector<16xi32>,
    %get3A_309 = arith.constant 3 : i32
    %get3A_310 = arith.index_cast %get3A_309 : i32 to index
    %get3A_311 = arith.constant 48 : index
    %get3A_312 = tpu.vector_load %arg7[%get3A_310, %get3A_311] {strides = array<i32>} : memref<128x80xi32, #tpu.memory_space<vmem>>, vector<1x16xi32>,
    %get3A_313 = vector.shape_cast %get3A_312 : vector<1x16xi32> to vector<16xi32>
    %mul3A_314 = arith.constant 4 : i32
    %mul3A_315 = vector.broadcast %mul3A_314 : i32 to vector<16xi32>
    %mul3A_316 = arith.muli %get3A_313, %mul3A_315 : vector<16xi32>
    %add3A_317 = vector.broadcast %add3A_25 : i32 to vector<16xi32>
    %add3A_318 = arith.addi %mul3A_316, %add3A_317 : vector<16xi32>
    %swap3A_319 = arith.constant 48 : index
    %swap3A_320 = tpu.vector_load %arg12[%swap3A_319] {strides = array<i32>} : memref<80xi32, #tpu.memory_space<vmem>>, vector<16xi32>,
    %swap3A_321 = vector.shape_cast %swap3A_320 : vector<16xi32> to vector<16xi32>
    %swap3A_322 = vector.shape_cast %add3A_318 : vector<16xi32> to vector<16xi32>
    tpu.vector_store %arg12[%swap3A_319], %swap3A_322 {strides = array<i32>} : memref<80xi32, #tpu.memory_space<vmem>>, vector<16xi32>,
    %get3A_323 = arith.constant 3 : i32
    %get3A_324 = arith.index_cast %get3A_323 : i32 to index
    %get3A_325 = arith.constant 64 : index
    %get3A_326 = tpu.vector_load %arg7[%get3A_324, %get3A_325] {strides = array<i32>} : memref<128x80xi32, #tpu.memory_space<vmem>>, vector<1x16xi32>,
    %get3A_327 = vector.shape_cast %get3A_326 : vector<1x16xi32> to vector<16xi32>
    %mul3A_328 = arith.constant 4 : i32
    %mul3A_329 = vector.broadcast %mul3A_328 : i32 to vector<16xi32>
    %mul3A_330 = arith.muli %get3A_327, %mul3A_329 : vector<16xi32>
    %add3A_331 = vector.broadcast %add3A_25 : i32 to vector<16xi32>
    %add3A_332 = arith.addi %mul3A_330, %add3A_331 : vector<16xi32>
    %swap3A_333 = arith.constant 64 : index
    %swap3A_334 = tpu.vector_load %arg12[%swap3A_333] {strides = array<i32>} : memref<80xi32, #tpu.memory_space<vmem>>, vector<16xi32>,
    %swap3A_335 = vector.shape_cast %swap3A_334 : vector<16xi32> to vector<16xi32>
    %swap3A_336 = vector.shape_cast %add3A_332 : vector<16xi32> to vector<16xi32>
    tpu.vector_store %arg12[%swap3A_333], %swap3A_336 {strides = array<i32>} : memref<80xi32, #tpu.memory_space<vmem>>, vector<16xi32>,
    %dma_start3A_337 = arith.constant 0 : i32
    %dma_start3A_338 = arith.constant 0 : i32
    %dma_start3A_339 = tpu.memref_slice %arg2[%dma_start3A_337, %dma_start3A_338] : memref<40000x64xf32, #tpu.memory_space<hbm>> -> memref<40000x64xf32, #tpu.memory_space<hbm>>
    tpu.enqueue_indirect_dma source(%dma_start3A_339 : memref<40000x64xf32, #tpu.memory_space<hbm>>) target(%arg16 : memref<80x64xf32, #tpu.memory_space<vmem>>) offsets(%arg12 : memref<80xi32, #tpu.memory_space<vmem>>) semaphore(%arg25 : memref<!tpu.dma_semaphore, #tpu.memory_space<semaphore_mem>>)
    %dma_wait3A_340 = arith.constant 0 : i32
    %dma_wait3A_341 = arith.constant 0 : i32
    %dma_wait3A_342 = tpu.memref_slice %arg2[%dma_wait3A_340, %dma_wait3A_341] : memref<40000x64xf32, #tpu.memory_space<hbm>> -> memref<40000x64xf32, #tpu.memory_space<hbm>>
    tpu.wait_indirect_dma semaphore(%arg23 : memref<!tpu.dma_semaphore, #tpu.memory_space<semaphore_mem>>) src(%dma_wait3A_342 : memref<40000x64xf32, #tpu.memory_space<hbm>>) dst(%arg14 : memref<80x64xf32, #tpu.memory_space<vmem>>)
    %run_scoped3A_343 = arith.constant 1 : i32
    "tpu.region"() ({
      %run_scoped3A_780 = tpu.sem_alloc : memref<!tpu.dma_semaphore, #tpu.memory_space<semaphore_mem>>
      %dma_start3A_781 = arith.constant 0 : i32
      %dma_start3A_782 = tpu.memref_slice %arg8[%run_scoped3A_343, %dma_start3A_781] : memref<128x80xi32, #tpu.memory_space<vmem>> -> memref<1x80xi32, #tpu.memory_space<vmem>>
      %dma_start3A_783 = tpu.memref_squeeze %dma_start3A_782 : memref<1x80xi32, #tpu.memory_space<vmem>> -> memref<80xi32, #tpu.memory_space<vmem>>
      %dma_start3A_784 = arith.constant 0 : i32
      %dma_start3A_785 = arith.constant 0 : i32
      %dma_start3A_786 = tpu.memref_slice %arg20[%dma_start3A_784, %dma_start3A_785] : memref<10240x64xf32, #tpu.memory_space<vmem_shared>> -> memref<10240x64xf32, #tpu.memory_space<vmem_shared>>
      tpu.enqueue_indirect_dma source(%arg14 : memref<80x64xf32, #tpu.memory_space<vmem>>) target(%dma_start3A_786 : memref<10240x64xf32, #tpu.memory_space<vmem_shared>>) offsets(%dma_start3A_783 : memref<80xi32, #tpu.memory_space<vmem>>) semaphore(%run_scoped3A_780 : memref<!tpu.dma_semaphore, #tpu.memory_space<semaphore_mem>>) {add = true}
      %dma_wait3A_787 = arith.constant 0 : i32
      %dma_wait3A_788 = tpu.memref_slice %arg8[%run_scoped3A_343, %dma_wait3A_787] : memref<128x80xi32, #tpu.memory_space<vmem>> -> memref<1x80xi32, #tpu.memory_space<vmem>>
      %dma_wait3A_789 = tpu.memref_squeeze %dma_wait3A_788 : memref<1x80xi32, #tpu.memory_space<vmem>> -> memref<80xi32, #tpu.memory_space<vmem>>
      %dma_wait3A_790 = arith.constant 0 : i32
      %dma_wait3A_791 = arith.constant 0 : i32
      %dma_wait3A_792 = tpu.memref_slice %arg20[%dma_wait3A_790, %dma_wait3A_791] : memref<10240x64xf32, #tpu.memory_space<vmem_shared>> -> memref<10240x64xf32, #tpu.memory_space<vmem_shared>>
      tpu.wait_indirect_dma semaphore(%run_scoped3A_780 : memref<!tpu.dma_semaphore, #tpu.memory_space<semaphore_mem>>) src(%arg14 : memref<80x64xf32, #tpu.memory_space<vmem>>) dst(%dma_wait3A_792 : memref<10240x64xf32, #tpu.memory_space<vmem_shared>>)
      tpu.yield
    }) : () -> ()
    %run_scoped3A_344 = arith.constant 1 : i32
    "tpu.region"() ({
      %run_scoped3A_780 = tpu.sem_alloc : memref<!tpu.dma_semaphore, #tpu.memory_space<semaphore_mem>>
      %dma_start3A_781 = arith.constant 0 : i32
      %dma_start3A_782 = tpu.memref_slice %arg8[%run_scoped3A_344, %dma_start3A_781] : memref<128x80xi32, #tpu.memory_space<vmem>> -> memref<1x80xi32, #tpu.memory_space<vmem>>
      %dma_start3A_783 = tpu.memref_squeeze %dma_start3A_782 : memref<1x80xi32, #tpu.memory_space<vmem>> -> memref<80xi32, #tpu.memory_space<vmem>>
      %dma_start3A_784 = arith.constant 0 : i32
      %dma_start3A_785 = arith.constant 0 : i32
      %dma_start3A_786 = tpu.memref_slice %arg21[%dma_start3A_784, %dma_start3A_785] : memref<10240x16xf32, #tpu.memory_space<vmem_shared>> -> memref<10240x16xf32, #tpu.memory_space<vmem_shared>>
      tpu.enqueue_indirect_dma source(%arg17 : memref<80x16xf32, #tpu.memory_space<vmem>>) target(%dma_start3A_786 : memref<10240x16xf32, #tpu.memory_space<vmem_shared>>) offsets(%dma_start3A_783 : memref<80xi32, #tpu.memory_space<vmem>>) semaphore(%run_scoped3A_780 : memref<!tpu.dma_semaphore, #tpu.memory_space<semaphore_mem>>) {add = true}
      %dma_wait3A_787 = arith.constant 0 : i32
      %dma_wait3A_788 = tpu.memref_slice %arg8[%run_scoped3A_344, %dma_wait3A_787] : memref<128x80xi32, #tpu.memory_space<vmem>> -> memref<1x80xi32, #tpu.memory_space<vmem>>
      %dma_wait3A_789 = tpu.memref_squeeze %dma_wait3A_788 : memref<1x80xi32, #tpu.memory_space<vmem>> -> memref<80xi32, #tpu.memory_space<vmem>>
      %dma_wait3A_790 = arith.constant 0 : i32
      %dma_wait3A_791 = arith.constant 0 : i32
      %dma_wait3A_792 = tpu.memref_slice %arg21[%dma_wait3A_790, %dma_wait3A_791] : memref<10240x16xf32, #tpu.memory_space<vmem_shared>> -> memref<10240x16xf32, #tpu.memory_space<vmem_shared>>
      tpu.wait_indirect_dma semaphore(%run_scoped3A_780 : memref<!tpu.dma_semaphore, #tpu.memory_space<semaphore_mem>>) src(%arg17 : memref<80x16xf32, #tpu.memory_space<vmem>>) dst(%dma_wait3A_792 : memref<10240x16xf32, #tpu.memory_space<vmem_shared>>)
      tpu.yield
    }) : () -> ()
    %scan3A_345 = arith.constant 0 : i32
    %scan3A_346 = arith.constant 0 : i32
    %scan3A_347 = arith.constant 31 : i32
    %scan3A_348 = arith.addi %scan3A_346, %scan3A_347 : i32
    %scan3A_349 = arith.constant 1 : i32
    scf.for %scan3A_780 = %scan3A_346 to %scan3A_348 step %scan3A_349  : i32 {
      %mul3A_781 = arith.constant 4 : i32
      %mul3A_782 = arith.muli %mul3A_781, %scan3A_780 : i32
      %add3A_783 = arith.constant 4 : i32
      %add3A_784 = arith.addi %mul3A_782, %add3A_783 : i32
      %add3A_785 = arith.constant 0 : i32
      %add3A_786 = arith.addi %add3A_784, %add3A_785 : i32
      %get3A_787 = arith.index_cast %add3A_786 : i32 to index
      %get3A_788 = arith.constant 0 : index
      %get3A_789 = tpu.vector_load %arg7[%get3A_787, %get3A_788] {strides = array<i32>} : memref<128x80xi32, #tpu.memory_space<vmem>>, vector<1x16xi32>,
      %get3A_790 = vector.shape_cast %get3A_789 : vector<1x16xi32> to vector<16xi32>
      %mul3A_791 = arith.constant 4 : i32
      %mul3A_792 = vector.broadcast %mul3A_791 : i32 to vector<16xi32>
      %mul3A_793 = arith.muli %get3A_790, %mul3A_792 : vector<16xi32>
      %add3A_794 = vector.broadcast %add3A_25 : i32 to vector<16xi32>
      %add3A_795 = arith.addi %mul3A_793, %add3A_794 : vector<16xi32>
      %swap3A_796 = arith.constant 0 : index
      %swap3A_797 = tpu.vector_load %arg9[%swap3A_796] {strides = array<i32>} : memref<80xi32, #tpu.memory_space<vmem>>, vector<16xi32>,
      %swap3A_798 = vector.shape_cast %swap3A_797 : vector<16xi32> to vector<16xi32>
      %swap3A_799 = vector.shape_cast %add3A_795 : vector<16xi32> to vector<16xi32>
      tpu.vector_store %arg9[%swap3A_796], %swap3A_799 {strides = array<i32>} : memref<80xi32, #tpu.memory_space<vmem>>, vector<16xi32>,
      %get3A_800 = arith.index_cast %add3A_786 : i32 to index
      %get3A_801 = arith.constant 16 : index
      %get3A_802 = tpu.vector_load %arg7[%get3A_800, %get3A_801] {strides = array<i32>} : memref<128x80xi32, #tpu.memory_space<vmem>>, vector<1x16xi32>,
      %get3A_803 = vector.shape_cast %get3A_802 : vector<1x16xi32> to vector<16xi32>
      %mul3A_804 = arith.constant 4 : i32
      %mul3A_805 = vector.broadcast %mul3A_804 : i32 to vector<16xi32>
      %mul3A_806 = arith.muli %get3A_803, %mul3A_805 : vector<16xi32>
      %add3A_807 = vector.broadcast %add3A_25 : i32 to vector<16xi32>
      %add3A_808 = arith.addi %mul3A_806, %add3A_807 : vector<16xi32>
      %swap3A_809 = arith.constant 16 : index
      %swap3A_810 = tpu.vector_load %arg9[%swap3A_809] {strides = array<i32>} : memref<80xi32, #tpu.memory_space<vmem>>, vector<16xi32>,
      %swap3A_811 = vector.shape_cast %swap3A_810 : vector<16xi32> to vector<16xi32>
      %swap3A_812 = vector.shape_cast %add3A_808 : vector<16xi32> to vector<16xi32>
      tpu.vector_store %arg9[%swap3A_809], %swap3A_812 {strides = array<i32>} : memref<80xi32, #tpu.memory_space<vmem>>, vector<16xi32>,
      %get3A_813 = arith.index_cast %add3A_786 : i32 to index
      %get3A_814 = arith.constant 32 : index
      %get3A_815 = tpu.vector_load %arg7[%get3A_813, %get3A_814] {strides = array<i32>} : memref<128x80xi32, #tpu.memory_space<vmem>>, vector<1x16xi32>,
      %get3A_816 = vector.shape_cast %get3A_815 : vector<1x16xi32> to vector<16xi32>
      %mul3A_817 = arith.constant 4 : i32
      %mul3A_818 = vector.broadcast %mul3A_817 : i32 to vector<16xi32>
      %mul3A_819 = arith.muli %get3A_816, %mul3A_818 : vector<16xi32>
      %add3A_820 = vector.broadcast %add3A_25 : i32 to vector<16xi32>
      %add3A_821 = arith.addi %mul3A_819, %add3A_820 : vector<16xi32>
      %swap3A_822 = arith.constant 32 : index
      %swap3A_823 = tpu.vector_load %arg9[%swap3A_822] {strides = array<i32>} : memref<80xi32, #tpu.memory_space<vmem>>, vector<16xi32>,
      %swap3A_824 = vector.shape_cast %swap3A_823 : vector<16xi32> to vector<16xi32>
      %swap3A_825 = vector.shape_cast %add3A_821 : vector<16xi32> to vector<16xi32>
      tpu.vector_store %arg9[%swap3A_822], %swap3A_825 {strides = array<i32>} : memref<80xi32, #tpu.memory_space<vmem>>, vector<16xi32>,
      %get3A_826 = arith.index_cast %add3A_786 : i32 to index
      %get3A_827 = arith.constant 48 : index
      %get3A_828 = tpu.vector_load %arg7[%get3A_826, %get3A_827] {strides = array<i32>} : memref<128x80xi32, #tpu.memory_space<vmem>>, vector<1x16xi32>,
      %get3A_829 = vector.shape_cast %get3A_828 : vector<1x16xi32> to vector<16xi32>
      %mul3A_830 = arith.constant 4 : i32
      %mul3A_831 = vector.broadcast %mul3A_830 : i32 to vector<16xi32>
      %mul3A_832 = arith.muli %get3A_829, %mul3A_831 : vector<16xi32>
      %add3A_833 = vector.broadcast %add3A_25 : i32 to vector<16xi32>
      %add3A_834 = arith.addi %mul3A_832, %add3A_833 : vector<16xi32>
      %swap3A_835 = arith.constant 48 : index
      %swap3A_836 = tpu.vector_load %arg9[%swap3A_835] {strides = array<i32>} : memref<80xi32, #tpu.memory_space<vmem>>, vector<16xi32>,
      %swap3A_837 = vector.shape_cast %swap3A_836 : vector<16xi32> to vector<16xi32>
      %swap3A_838 = vector.shape_cast %add3A_834 : vector<16xi32> to vector<16xi32>
      tpu.vector_store %arg9[%swap3A_835], %swap3A_838 {strides = array<i32>} : memref<80xi32, #tpu.memory_space<vmem>>, vector<16xi32>,
      %get3A_839 = arith.index_cast %add3A_786 : i32 to index
      %get3A_840 = arith.constant 64 : index
      %get3A_841 = tpu.vector_load %arg7[%get3A_839, %get3A_840] {strides = array<i32>} : memref<128x80xi32, #tpu.memory_space<vmem>>, vector<1x16xi32>,
      %get3A_842 = vector.shape_cast %get3A_841 : vector<1x16xi32> to vector<16xi32>
      %mul3A_843 = arith.constant 4 : i32
      %mul3A_844 = vector.broadcast %mul3A_843 : i32 to vector<16xi32>
      %mul3A_845 = arith.muli %get3A_842, %mul3A_844 : vector<16xi32>
      %add3A_846 = vector.broadcast %add3A_25 : i32 to vector<16xi32>
      %add3A_847 = arith.addi %mul3A_845, %add3A_846 : vector<16xi32>
      %swap3A_848 = arith.constant 64 : index
      %swap3A_849 = tpu.vector_load %arg9[%swap3A_848] {strides = array<i32>} : memref<80xi32, #tpu.memory_space<vmem>>, vector<16xi32>,
      %swap3A_850 = vector.shape_cast %swap3A_849 : vector<16xi32> to vector<16xi32>
      %swap3A_851 = vector.shape_cast %add3A_847 : vector<16xi32> to vector<16xi32>
      tpu.vector_store %arg9[%swap3A_848], %swap3A_851 {strides = array<i32>} : memref<80xi32, #tpu.memory_space<vmem>>, vector<16xi32>,
      %dma_start3A_852 = arith.constant 0 : i32
      %dma_start3A_853 = arith.constant 0 : i32
      %dma_start3A_854 = tpu.memref_slice %arg2[%dma_start3A_852, %dma_start3A_853] : memref<40000x64xf32, #tpu.memory_space<hbm>> -> memref<40000x64xf32, #tpu.memory_space<hbm>>
      tpu.enqueue_indirect_dma source(%dma_start3A_854 : memref<40000x64xf32, #tpu.memory_space<hbm>>) target(%arg13 : memref<80x64xf32, #tpu.memory_space<vmem>>) offsets(%arg9 : memref<80xi32, #tpu.memory_space<vmem>>) semaphore(%arg22 : memref<!tpu.dma_semaphore, #tpu.memory_space<semaphore_mem>>)
      %dma_wait3A_855 = arith.constant 0 : i32
      %dma_wait3A_856 = arith.constant 0 : i32
      %dma_wait3A_857 = tpu.memref_slice %arg2[%dma_wait3A_855, %dma_wait3A_856] : memref<40000x64xf32, #tpu.memory_space<hbm>> -> memref<40000x64xf32, #tpu.memory_space<hbm>>
      tpu.wait_indirect_dma semaphore(%arg24 : memref<!tpu.dma_semaphore, #tpu.memory_space<semaphore_mem>>) src(%dma_wait3A_857 : memref<40000x64xf32, #tpu.memory_space<hbm>>) dst(%arg15 : memref<80x64xf32, #tpu.memory_space<vmem>>)
      %sub3A = arith.constant 2 : i32
      %sub3A_858 = arith.subi %add3A_786, %sub3A : i32
      "tpu.region"() ({
        %run_scoped3A_1096 = tpu.sem_alloc : memref<!tpu.dma_semaphore, #tpu.memory_space<semaphore_mem>>
        %dma_start3A_1097 = arith.constant 0 : i32
        %dma_start3A_1098 = tpu.memref_slice %arg8[%sub3A_858, %dma_start3A_1097] : memref<128x80xi32, #tpu.memory_space<vmem>> -> memref<1x80xi32, #tpu.memory_space<vmem>>
        %dma_start3A_1099 = tpu.memref_squeeze %dma_start3A_1098 : memref<1x80xi32, #tpu.memory_space<vmem>> -> memref<80xi32, #tpu.memory_space<vmem>>
        %dma_start3A_1100 = arith.constant 0 : i32
        %dma_start3A_1101 = arith.constant 0 : i32
        %dma_start3A_1102 = tpu.memref_slice %arg20[%dma_start3A_1100, %dma_start3A_1101] : memref<10240x64xf32, #tpu.memory_space<vmem_shared>> -> memref<10240x64xf32, #tpu.memory_space<vmem_shared>>
        tpu.enqueue_indirect_dma source(%arg15 : memref<80x64xf32, #tpu.memory_space<vmem>>) target(%dma_start3A_1102 : memref<10240x64xf32, #tpu.memory_space<vmem_shared>>) offsets(%dma_start3A_1099 : memref<80xi32, #tpu.memory_space<vmem>>) semaphore(%run_scoped3A_1096 : memref<!tpu.dma_semaphore, #tpu.memory_space<semaphore_mem>>) {add = true}
        %dma_wait3A_1103 = arith.constant 0 : i32
        %dma_wait3A_1104 = tpu.memref_slice %arg8[%sub3A_858, %dma_wait3A_1103] : memref<128x80xi32, #tpu.memory_space<vmem>> -> memref<1x80xi32, #tpu.memory_space<vmem>>
        %dma_wait3A_1105 = tpu.memref_squeeze %dma_wait3A_1104 : memref<1x80xi32, #tpu.memory_space<vmem>> -> memref<80xi32, #tpu.memory_space<vmem>>
        %dma_wait3A_1106 = arith.constant 0 : i32
        %dma_wait3A_1107 = arith.constant 0 : i32
        %dma_wait3A_1108 = tpu.memref_slice %arg20[%dma_wait3A_1106, %dma_wait3A_1107] : memref<10240x64xf32, #tpu.memory_space<vmem_shared>> -> memref<10240x64xf32, #tpu.memory_space<vmem_shared>>
        tpu.wait_indirect_dma semaphore(%run_scoped3A_1096 : memref<!tpu.dma_semaphore, #tpu.memory_space<semaphore_mem>>) src(%arg15 : memref<80x64xf32, #tpu.memory_space<vmem>>) dst(%dma_wait3A_1108 : memref<10240x64xf32, #tpu.memory_space<vmem_shared>>)
        tpu.yield
      }) : () -> ()
      "tpu.region"() ({
        %run_scoped3A_1096 = tpu.sem_alloc : memref<!tpu.dma_semaphore, #tpu.memory_space<semaphore_mem>>
        %dma_start3A_1097 = arith.constant 0 : i32
        %dma_start3A_1098 = tpu.memref_slice %arg8[%sub3A_858, %dma_start3A_1097] : memref<128x80xi32, #tpu.memory_space<vmem>> -> memref<1x80xi32, #tpu.memory_space<vmem>>
        %dma_start3A_1099 = tpu.memref_squeeze %dma_start3A_1098 : memref<1x80xi32, #tpu.memory_space<vmem>> -> memref<80xi32, #tpu.memory_space<vmem>>
        %dma_start3A_1100 = arith.constant 0 : i32
        %dma_start3A_1101 = arith.constant 0 : i32
        %dma_start3A_1102 = tpu.memref_slice %arg21[%dma_start3A_1100, %dma_start3A_1101] : memref<10240x16xf32, #tpu.memory_space<vmem_shared>> -> memref<10240x16xf32, #tpu.memory_space<vmem_shared>>
        tpu.enqueue_indirect_dma source(%arg17 : memref<80x16xf32, #tpu.memory_space<vmem>>) target(%dma_start3A_1102 : memref<10240x16xf32, #tpu.memory_space<vmem_shared>>) offsets(%dma_start3A_1099 : memref<80xi32, #tpu.memory_space<vmem>>) semaphore(%run_scoped3A_1096 : memref<!tpu.dma_semaphore, #tpu.memory_space<semaphore_mem>>) {add = true}
        %dma_wait3A_1103 = arith.constant 0 : i32
        %dma_wait3A_1104 = tpu.memref_slice %arg8[%sub3A_858, %dma_wait3A_1103] : memref<128x80xi32, #tpu.memory_space<vmem>> -> memref<1x80xi32, #tpu.memory_space<vmem>>
        %dma_wait3A_1105 = tpu.memref_squeeze %dma_wait3A_1104 : memref<1x80xi32, #tpu.memory_space<vmem>> -> memref<80xi32, #tpu.memory_space<vmem>>
        %dma_wait3A_1106 = arith.constant 0 : i32
        %dma_wait3A_1107 = arith.constant 0 : i32
        %dma_wait3A_1108 = tpu.memref_slice %arg21[%dma_wait3A_1106, %dma_wait3A_1107] : memref<10240x16xf32, #tpu.memory_space<vmem_shared>> -> memref<10240x16xf32, #tpu.memory_space<vmem_shared>>
        tpu.wait_indirect_dma semaphore(%run_scoped3A_1096 : memref<!tpu.dma_semaphore, #tpu.memory_space<semaphore_mem>>) src(%arg17 : memref<80x16xf32, #tpu.memory_space<vmem>>) dst(%dma_wait3A_1108 : memref<10240x16xf32, #tpu.memory_space<vmem_shared>>)
        tpu.yield
      }) : () -> ()
      %mul3A_859 = arith.constant 4 : i32
      %mul3A_860 = arith.muli %mul3A_859, %scan3A_780 : i32
      %add3A_861 = arith.constant 4 : i32
      %add3A_862 = arith.addi %mul3A_860, %add3A_861 : i32
      %add3A_863 = arith.constant 1 : i32
      %add3A_864 = arith.addi %add3A_862, %add3A_863 : i32
      %get3A_865 = arith.index_cast %add3A_864 : i32 to index
      %get3A_866 = arith.constant 0 : index
      %get3A_867 = tpu.vector_load %arg7[%get3A_865, %get3A_866] {strides = array<i32>} : memref<128x80xi32, #tpu.memory_space<vmem>>, vector<1x16xi32>,
      %get3A_868 = vector.shape_cast %get3A_867 : vector<1x16xi32> to vector<16xi32>
      %mul3A_869 = arith.constant 4 : i32
      %mul3A_870 = vector.broadcast %mul3A_869 : i32 to vector<16xi32>
      %mul3A_871 = arith.muli %get3A_868, %mul3A_870 : vector<16xi32>
      %add3A_872 = vector.broadcast %add3A_25 : i32 to vector<16xi32>
      %add3A_873 = arith.addi %mul3A_871, %add3A_872 : vector<16xi32>
      %swap3A_874 = arith.constant 0 : index
      %swap3A_875 = tpu.vector_load %arg10[%swap3A_874] {strides = array<i32>} : memref<80xi32, #tpu.memory_space<vmem>>, vector<16xi32>,
      %swap3A_876 = vector.shape_cast %swap3A_875 : vector<16xi32> to vector<16xi32>
      %swap3A_877 = vector.shape_cast %add3A_873 : vector<16xi32> to vector<16xi32>
      tpu.vector_store %arg10[%swap3A_874], %swap3A_877 {strides = array<i32>} : memref<80xi32, #tpu.memory_space<vmem>>, vector<16xi32>,
      %get3A_878 = arith.index_cast %add3A_864 : i32 to index
      %get3A_879 = arith.constant 16 : index
      %get3A_880 = tpu.vector_load %arg7[%get3A_878, %get3A_879] {strides = array<i32>} : memref<128x80xi32, #tpu.memory_space<vmem>>, vector<1x16xi32>,
      %get3A_881 = vector.shape_cast %get3A_880 : vector<1x16xi32> to vector<16xi32>
      %mul3A_882 = arith.constant 4 : i32
      %mul3A_883 = vector.broadcast %mul3A_882 : i32 to vector<16xi32>
      %mul3A_884 = arith.muli %get3A_881, %mul3A_883 : vector<16xi32>
      %add3A_885 = vector.broadcast %add3A_25 : i32 to vector<16xi32>
      %add3A_886 = arith.addi %mul3A_884, %add3A_885 : vector<16xi32>
      %swap3A_887 = arith.constant 16 : index
      %swap3A_888 = tpu.vector_load %arg10[%swap3A_887] {strides = array<i32>} : memref<80xi32, #tpu.memory_space<vmem>>, vector<16xi32>,
      %swap3A_889 = vector.shape_cast %swap3A_888 : vector<16xi32> to vector<16xi32>
      %swap3A_890 = vector.shape_cast %add3A_886 : vector<16xi32> to vector<16xi32>
      tpu.vector_store %arg10[%swap3A_887], %swap3A_890 {strides = array<i32>} : memref<80xi32, #tpu.memory_space<vmem>>, vector<16xi32>,
      %get3A_891 = arith.index_cast %add3A_864 : i32 to index
      %get3A_892 = arith.constant 32 : index
      %get3A_893 = tpu.vector_load %arg7[%get3A_891, %get3A_892] {strides = array<i32>} : memref<128x80xi32, #tpu.memory_space<vmem>>, vector<1x16xi32>,
      %get3A_894 = vector.shape_cast %get3A_893 : vector<1x16xi32> to vector<16xi32>
      %mul3A_895 = arith.constant 4 : i32
      %mul3A_896 = vector.broadcast %mul3A_895 : i32 to vector<16xi32>
      %mul3A_897 = arith.muli %get3A_894, %mul3A_896 : vector<16xi32>
      %add3A_898 = vector.broadcast %add3A_25 : i32 to vector<16xi32>
      %add3A_899 = arith.addi %mul3A_897, %add3A_898 : vector<16xi32>
      %swap3A_900 = arith.constant 32 : index
      %swap3A_901 = tpu.vector_load %arg10[%swap3A_900] {strides = array<i32>} : memref<80xi32, #tpu.memory_space<vmem>>, vector<16xi32>,
      %swap3A_902 = vector.shape_cast %swap3A_901 : vector<16xi32> to vector<16xi32>
      %swap3A_903 = vector.shape_cast %add3A_899 : vector<16xi32> to vector<16xi32>
      tpu.vector_store %arg10[%swap3A_900], %swap3A_903 {strides = array<i32>} : memref<80xi32, #tpu.memory_space<vmem>>, vector<16xi32>,
      %get3A_904 = arith.index_cast %add3A_864 : i32 to index
      %get3A_905 = arith.constant 48 : index
      %get3A_906 = tpu.vector_load %arg7[%get3A_904, %get3A_905] {strides = array<i32>} : memref<128x80xi32, #tpu.memory_space<vmem>>, vector<1x16xi32>,
      %get3A_907 = vector.shape_cast %get3A_906 : vector<1x16xi32> to vector<16xi32>
      %mul3A_908 = arith.constant 4 : i32
      %mul3A_909 = vector.broadcast %mul3A_908 : i32 to vector<16xi32>
      %mul3A_910 = arith.muli %get3A_907, %mul3A_909 : vector<16xi32>
      %add3A_911 = vector.broadcast %add3A_25 : i32 to vector<16xi32>
      %add3A_912 = arith.addi %mul3A_910, %add3A_911 : vector<16xi32>
      %swap3A_913 = arith.constant 48 : index
      %swap3A_914 = tpu.vector_load %arg10[%swap3A_913] {strides = array<i32>} : memref<80xi32, #tpu.memory_space<vmem>>, vector<16xi32>,
      %swap3A_915 = vector.shape_cast %swap3A_914 : vector<16xi32> to vector<16xi32>
      %swap3A_916 = vector.shape_cast %add3A_912 : vector<16xi32> to vector<16xi32>
      tpu.vector_store %arg10[%swap3A_913], %swap3A_916 {strides = array<i32>} : memref<80xi32, #tpu.memory_space<vmem>>, vector<16xi32>,
      %get3A_917 = arith.index_cast %add3A_864 : i32 to index
      %get3A_918 = arith.constant 64 : index
      %get3A_919 = tpu.vector_load %arg7[%get3A_917, %get3A_918] {strides = array<i32>} : memref<128x80xi32, #tpu.memory_space<vmem>>, vector<1x16xi32>,
      %get3A_920 = vector.shape_cast %get3A_919 : vector<1x16xi32> to vector<16xi32>
      %mul3A_921 = arith.constant 4 : i32
      %mul3A_922 = vector.broadcast %mul3A_921 : i32 to vector<16xi32>
      %mul3A_923 = arith.muli %get3A_920, %mul3A_922 : vector<16xi32>
      %add3A_924 = vector.broadcast %add3A_25 : i32 to vector<16xi32>
      %add3A_925 = arith.addi %mul3A_923, %add3A_924 : vector<16xi32>
      %swap3A_926 = arith.constant 64 : index
      %swap3A_927 = tpu.vector_load %arg10[%swap3A_926] {strides = array<i32>} : memref<80xi32, #tpu.memory_space<vmem>>, vector<16xi32>,
      %swap3A_928 = vector.shape_cast %swap3A_927 : vector<16xi32> to vector<16xi32>
      %swap3A_929 = vector.shape_cast %add3A_925 : vector<16xi32> to vector<16xi32>
      tpu.vector_store %arg10[%swap3A_926], %swap3A_929 {strides = array<i32>} : memref<80xi32, #tpu.memory_space<vmem>>, vector<16xi32>,
      %dma_start3A_930 = arith.constant 0 : i32
      %dma_start3A_931 = arith.constant 0 : i32
      %dma_start3A_932 = tpu.memref_slice %arg2[%dma_start3A_930, %dma_start3A_931] : memref<40000x64xf32, #tpu.memory_space<hbm>> -> memref<40000x64xf32, #tpu.memory_space<hbm>>
      tpu.enqueue_indirect_dma source(%dma_start3A_932 : memref<40000x64xf32, #tpu.memory_space<hbm>>) target(%arg14 : memref<80x64xf32, #tpu.memory_space<vmem>>) offsets(%arg10 : memref<80xi32, #tpu.memory_space<vmem>>) semaphore(%arg23 : memref<!tpu.dma_semaphore, #tpu.memory_space<semaphore_mem>>)
      %dma_wait3A_933 = arith.constant 0 : i32
      %dma_wait3A_934 = arith.constant 0 : i32
      %dma_wait3A_935 = tpu.memref_slice %arg2[%dma_wait3A_933, %dma_wait3A_934] : memref<40000x64xf32, #tpu.memory_space<hbm>> -> memref<40000x64xf32, #tpu.memory_space<hbm>>
      tpu.wait_indirect_dma semaphore(%arg25 : memref<!tpu.dma_semaphore, #tpu.memory_space<semaphore_mem>>) src(%dma_wait3A_935 : memref<40000x64xf32, #tpu.memory_space<hbm>>) dst(%arg16 : memref<80x64xf32, #tpu.memory_space<vmem>>)
      %sub3A_936 = arith.constant 2 : i32
      %sub3A_937 = arith.subi %add3A_864, %sub3A_936 : i32
      "tpu.region"() ({
        %run_scoped3A_1096 = tpu.sem_alloc : memref<!tpu.dma_semaphore, #tpu.memory_space<semaphore_mem>>
        %dma_start3A_1097 = arith.constant 0 : i32
        %dma_start3A_1098 = tpu.memref_slice %arg8[%sub3A_937, %dma_start3A_1097] : memref<128x80xi32, #tpu.memory_space<vmem>> -> memref<1x80xi32, #tpu.memory_space<vmem>>
        %dma_start3A_1099 = tpu.memref_squeeze %dma_start3A_1098 : memref<1x80xi32, #tpu.memory_space<vmem>> -> memref<80xi32, #tpu.memory_space<vmem>>
        %dma_start3A_1100 = arith.constant 0 : i32
        %dma_start3A_1101 = arith.constant 0 : i32
        %dma_start3A_1102 = tpu.memref_slice %arg20[%dma_start3A_1100, %dma_start3A_1101] : memref<10240x64xf32, #tpu.memory_space<vmem_shared>> -> memref<10240x64xf32, #tpu.memory_space<vmem_shared>>
        tpu.enqueue_indirect_dma source(%arg16 : memref<80x64xf32, #tpu.memory_space<vmem>>) target(%dma_start3A_1102 : memref<10240x64xf32, #tpu.memory_space<vmem_shared>>) offsets(%dma_start3A_1099 : memref<80xi32, #tpu.memory_space<vmem>>) semaphore(%run_scoped3A_1096 : memref<!tpu.dma_semaphore, #tpu.memory_space<semaphore_mem>>) {add = true}
        %dma_wait3A_1103 = arith.constant 0 : i32
        %dma_wait3A_1104 = tpu.memref_slice %arg8[%sub3A_937, %dma_wait3A_1103] : memref<128x80xi32, #tpu.memory_space<vmem>> -> memref<1x80xi32, #tpu.memory_space<vmem>>
        %dma_wait3A_1105 = tpu.memref_squeeze %dma_wait3A_1104 : memref<1x80xi32, #tpu.memory_space<vmem>> -> memref<80xi32, #tpu.memory_space<vmem>>
        %dma_wait3A_1106 = arith.constant 0 : i32
        %dma_wait3A_1107 = arith.constant 0 : i32
        %dma_wait3A_1108 = tpu.memref_slice %arg20[%dma_wait3A_1106, %dma_wait3A_1107] : memref<10240x64xf32, #tpu.memory_space<vmem_shared>> -> memref<10240x64xf32, #tpu.memory_space<vmem_shared>>
        tpu.wait_indirect_dma semaphore(%run_scoped3A_1096 : memref<!tpu.dma_semaphore, #tpu.memory_space<semaphore_mem>>) src(%arg16 : memref<80x64xf32, #tpu.memory_space<vmem>>) dst(%dma_wait3A_1108 : memref<10240x64xf32, #tpu.memory_space<vmem_shared>>)
        tpu.yield
      }) : () -> ()
      "tpu.region"() ({
        %run_scoped3A_1096 = tpu.sem_alloc : memref<!tpu.dma_semaphore, #tpu.memory_space<semaphore_mem>>
        %dma_start3A_1097 = arith.constant 0 : i32
        %dma_start3A_1098 = tpu.memref_slice %arg8[%sub3A_937, %dma_start3A_1097] : memref<128x80xi32, #tpu.memory_space<vmem>> -> memref<1x80xi32, #tpu.memory_space<vmem>>
        %dma_start3A_1099 = tpu.memref_squeeze %dma_start3A_1098 : memref<1x80xi32, #tpu.memory_space<vmem>> -> memref<80xi32, #tpu.memory_space<vmem>>
        %dma_start3A_1100 = arith.constant 0 : i32
        %dma_start3A_1101 = arith.constant 0 : i32
        %dma_start3A_1102 = tpu.memref_slice %arg21[%dma_start3A_1100, %dma_start3A_1101] : memref<10240x16xf32, #tpu.memory_space<vmem_shared>> -> memref<10240x16xf32, #tpu.memory_space<vmem_shared>>
        tpu.enqueue_indirect_dma source(%arg17 : memref<80x16xf32, #tpu.memory_space<vmem>>) target(%dma_start3A_1102 : memref<10240x16xf32, #tpu.memory_space<vmem_shared>>) offsets(%dma_start3A_1099 : memref<80xi32, #tpu.memory_space<vmem>>) semaphore(%run_scoped3A_1096 : memref<!tpu.dma_semaphore, #tpu.memory_space<semaphore_mem>>) {add = true}
        %dma_wait3A_1103 = arith.constant 0 : i32
        %dma_wait3A_1104 = tpu.memref_slice %arg8[%sub3A_937, %dma_wait3A_1103] : memref<128x80xi32, #tpu.memory_space<vmem>> -> memref<1x80xi32, #tpu.memory_space<vmem>>
        %dma_wait3A_1105 = tpu.memref_squeeze %dma_wait3A_1104 : memref<1x80xi32, #tpu.memory_space<vmem>> -> memref<80xi32, #tpu.memory_space<vmem>>
        %dma_wait3A_1106 = arith.constant 0 : i32
        %dma_wait3A_1107 = arith.constant 0 : i32
        %dma_wait3A_1108 = tpu.memref_slice %arg21[%dma_wait3A_1106, %dma_wait3A_1107] : memref<10240x16xf32, #tpu.memory_space<vmem_shared>> -> memref<10240x16xf32, #tpu.memory_space<vmem_shared>>
        tpu.wait_indirect_dma semaphore(%run_scoped3A_1096 : memref<!tpu.dma_semaphore, #tpu.memory_space<semaphore_mem>>) src(%arg17 : memref<80x16xf32, #tpu.memory_space<vmem>>) dst(%dma_wait3A_1108 : memref<10240x16xf32, #tpu.memory_space<vmem_shared>>)
        tpu.yield
      }) : () -> ()
      %mul3A_938 = arith.constant 4 : i32
      %mul3A_939 = arith.muli %mul3A_938, %scan3A_780 : i32
      %add3A_940 = arith.constant 4 : i32
      %add3A_941 = arith.addi %mul3A_939, %add3A_940 : i32
      %add3A_942 = arith.constant 2 : i32
      %add3A_943 = arith.addi %add3A_941, %add3A_942 : i32
      %get3A_944 = arith.index_cast %add3A_943 : i32 to index
      %get3A_945 = arith.constant 0 : index
      %get3A_946 = tpu.vector_load %arg7[%get3A_944, %get3A_945] {strides = array<i32>} : memref<128x80xi32, #tpu.memory_space<vmem>>, vector<1x16xi32>,
      %get3A_947 = vector.shape_cast %get3A_946 : vector<1x16xi32> to vector<16xi32>
      %mul3A_948 = arith.constant 4 : i32
      %mul3A_949 = vector.broadcast %mul3A_948 : i32 to vector<16xi32>
      %mul3A_950 = arith.muli %get3A_947, %mul3A_949 : vector<16xi32>
      %add3A_951 = vector.broadcast %add3A_25 : i32 to vector<16xi32>
      %add3A_952 = arith.addi %mul3A_950, %add3A_951 : vector<16xi32>
      %swap3A_953 = arith.constant 0 : index
      %swap3A_954 = tpu.vector_load %arg11[%swap3A_953] {strides = array<i32>} : memref<80xi32, #tpu.memory_space<vmem>>, vector<16xi32>,
      %swap3A_955 = vector.shape_cast %swap3A_954 : vector<16xi32> to vector<16xi32>
      %swap3A_956 = vector.shape_cast %add3A_952 : vector<16xi32> to vector<16xi32>
      tpu.vector_store %arg11[%swap3A_953], %swap3A_956 {strides = array<i32>} : memref<80xi32, #tpu.memory_space<vmem>>, vector<16xi32>,
      %get3A_957 = arith.index_cast %add3A_943 : i32 to index
      %get3A_958 = arith.constant 16 : index
      %get3A_959 = tpu.vector_load %arg7[%get3A_957, %get3A_958] {strides = array<i32>} : memref<128x80xi32, #tpu.memory_space<vmem>>, vector<1x16xi32>,
      %get3A_960 = vector.shape_cast %get3A_959 : vector<1x16xi32> to vector<16xi32>
      %mul3A_961 = arith.constant 4 : i32
      %mul3A_962 = vector.broadcast %mul3A_961 : i32 to vector<16xi32>
      %mul3A_963 = arith.muli %get3A_960, %mul3A_962 : vector<16xi32>
      %add3A_964 = vector.broadcast %add3A_25 : i32 to vector<16xi32>
      %add3A_965 = arith.addi %mul3A_963, %add3A_964 : vector<16xi32>
      %swap3A_966 = arith.constant 16 : index
      %swap3A_967 = tpu.vector_load %arg11[%swap3A_966] {strides = array<i32>} : memref<80xi32, #tpu.memory_space<vmem>>, vector<16xi32>,
      %swap3A_968 = vector.shape_cast %swap3A_967 : vector<16xi32> to vector<16xi32>
      %swap3A_969 = vector.shape_cast %add3A_965 : vector<16xi32> to vector<16xi32>
      tpu.vector_store %arg11[%swap3A_966], %swap3A_969 {strides = array<i32>} : memref<80xi32, #tpu.memory_space<vmem>>, vector<16xi32>,
      %get3A_970 = arith.index_cast %add3A_943 : i32 to index
      %get3A_971 = arith.constant 32 : index
      %get3A_972 = tpu.vector_load %arg7[%get3A_970, %get3A_971] {strides = array<i32>} : memref<128x80xi32, #tpu.memory_space<vmem>>, vector<1x16xi32>,
      %get3A_973 = vector.shape_cast %get3A_972 : vector<1x16xi32> to vector<16xi32>
      %mul3A_974 = arith.constant 4 : i32
      %mul3A_975 = vector.broadcast %mul3A_974 : i32 to vector<16xi32>
      %mul3A_976 = arith.muli %get3A_973, %mul3A_975 : vector<16xi32>
      %add3A_977 = vector.broadcast %add3A_25 : i32 to vector<16xi32>
      %add3A_978 = arith.addi %mul3A_976, %add3A_977 : vector<16xi32>
      %swap3A_979 = arith.constant 32 : index
      %swap3A_980 = tpu.vector_load %arg11[%swap3A_979] {strides = array<i32>} : memref<80xi32, #tpu.memory_space<vmem>>, vector<16xi32>,
      %swap3A_981 = vector.shape_cast %swap3A_980 : vector<16xi32> to vector<16xi32>
      %swap3A_982 = vector.shape_cast %add3A_978 : vector<16xi32> to vector<16xi32>
      tpu.vector_store %arg11[%swap3A_979], %swap3A_982 {strides = array<i32>} : memref<80xi32, #tpu.memory_space<vmem>>, vector<16xi32>,
      %get3A_983 = arith.index_cast %add3A_943 : i32 to index
      %get3A_984 = arith.constant 48 : index
      %get3A_985 = tpu.vector_load %arg7[%get3A_983, %get3A_984] {strides = array<i32>} : memref<128x80xi32, #tpu.memory_space<vmem>>, vector<1x16xi32>,
      %get3A_986 = vector.shape_cast %get3A_985 : vector<1x16xi32> to vector<16xi32>
      %mul3A_987 = arith.constant 4 : i32
      %mul3A_988 = vector.broadcast %mul3A_987 : i32 to vector<16xi32>
      %mul3A_989 = arith.muli %get3A_986, %mul3A_988 : vector<16xi32>
      %add3A_990 = vector.broadcast %add3A_25 : i32 to vector<16xi32>
      %add3A_991 = arith.addi %mul3A_989, %add3A_990 : vector<16xi32>
      %swap3A_992 = arith.constant 48 : index
      %swap3A_993 = tpu.vector_load %arg11[%swap3A_992] {strides = array<i32>} : memref<80xi32, #tpu.memory_space<vmem>>, vector<16xi32>,
      %swap3A_994 = vector.shape_cast %swap3A_993 : vector<16xi32> to vector<16xi32>
      %swap3A_995 = vector.shape_cast %add3A_991 : vector<16xi32> to vector<16xi32>
      tpu.vector_store %arg11[%swap3A_992], %swap3A_995 {strides = array<i32>} : memref<80xi32, #tpu.memory_space<vmem>>, vector<16xi32>,
      %get3A_996 = arith.index_cast %add3A_943 : i32 to index
      %get3A_997 = arith.constant 64 : index
      %get3A_998 = tpu.vector_load %arg7[%get3A_996, %get3A_997] {strides = array<i32>} : memref<128x80xi32, #tpu.memory_space<vmem>>, vector<1x16xi32>,
      %get3A_999 = vector.shape_cast %get3A_998 : vector<1x16xi32> to vector<16xi32>
      %mul3A_1000 = arith.constant 4 : i32
      %mul3A_1001 = vector.broadcast %mul3A_1000 : i32 to vector<16xi32>
      %mul3A_1002 = arith.muli %get3A_999, %mul3A_1001 : vector<16xi32>
      %add3A_1003 = vector.broadcast %add3A_25 : i32 to vector<16xi32>
      %add3A_1004 = arith.addi %mul3A_1002, %add3A_1003 : vector<16xi32>
      %swap3A_1005 = arith.constant 64 : index
      %swap3A_1006 = tpu.vector_load %arg11[%swap3A_1005] {strides = array<i32>} : memref<80xi32, #tpu.memory_space<vmem>>, vector<16xi32>,
      %swap3A_1007 = vector.shape_cast %swap3A_1006 : vector<16xi32> to vector<16xi32>
      %swap3A_1008 = vector.shape_cast %add3A_1004 : vector<16xi32> to vector<16xi32>
      tpu.vector_store %arg11[%swap3A_1005], %swap3A_1008 {strides = array<i32>} : memref<80xi32, #tpu.memory_space<vmem>>, vector<16xi32>,
      %dma_start3A_1009 = arith.constant 0 : i32
      %dma_start3A_1010 = arith.constant 0 : i32
      %dma_start3A_1011 = tpu.memref_slice %arg2[%dma_start3A_1009, %dma_start3A_1010] : memref<40000x64xf32, #tpu.memory_space<hbm>> -> memref<40000x64xf32, #tpu.memory_space<hbm>>
      tpu.enqueue_indirect_dma source(%dma_start3A_1011 : memref<40000x64xf32, #tpu.memory_space<hbm>>) target(%arg15 : memref<80x64xf32, #tpu.memory_space<vmem>>) offsets(%arg11 : memref<80xi32, #tpu.memory_space<vmem>>) semaphore(%arg24 : memref<!tpu.dma_semaphore, #tpu.memory_space<semaphore_mem>>)
      %dma_wait3A_1012 = arith.constant 0 : i32
      %dma_wait3A_1013 = arith.constant 0 : i32
      %dma_wait3A_1014 = tpu.memref_slice %arg2[%dma_wait3A_1012, %dma_wait3A_1013] : memref<40000x64xf32, #tpu.memory_space<hbm>> -> memref<40000x64xf32, #tpu.memory_space<hbm>>
      tpu.wait_indirect_dma semaphore(%arg22 : memref<!tpu.dma_semaphore, #tpu.memory_space<semaphore_mem>>) src(%dma_wait3A_1014 : memref<40000x64xf32, #tpu.memory_space<hbm>>) dst(%arg13 : memref<80x64xf32, #tpu.memory_space<vmem>>)
      %sub3A_1015 = arith.constant 2 : i32
      %sub3A_1016 = arith.subi %add3A_943, %sub3A_1015 : i32
      "tpu.region"() ({
        %run_scoped3A_1096 = tpu.sem_alloc : memref<!tpu.dma_semaphore, #tpu.memory_space<semaphore_mem>>
        %dma_start3A_1097 = arith.constant 0 : i32
        %dma_start3A_1098 = tpu.memref_slice %arg8[%sub3A_1016, %dma_start3A_1097] : memref<128x80xi32, #tpu.memory_space<vmem>> -> memref<1x80xi32, #tpu.memory_space<vmem>>
        %dma_start3A_1099 = tpu.memref_squeeze %dma_start3A_1098 : memref<1x80xi32, #tpu.memory_space<vmem>> -> memref<80xi32, #tpu.memory_space<vmem>>
        %dma_start3A_1100 = arith.constant 0 : i32
        %dma_start3A_1101 = arith.constant 0 : i32
        %dma_start3A_1102 = tpu.memref_slice %arg20[%dma_start3A_1100, %dma_start3A_1101] : memref<10240x64xf32, #tpu.memory_space<vmem_shared>> -> memref<10240x64xf32, #tpu.memory_space<vmem_shared>>
        tpu.enqueue_indirect_dma source(%arg13 : memref<80x64xf32, #tpu.memory_space<vmem>>) target(%dma_start3A_1102 : memref<10240x64xf32, #tpu.memory_space<vmem_shared>>) offsets(%dma_start3A_1099 : memref<80xi32, #tpu.memory_space<vmem>>) semaphore(%run_scoped3A_1096 : memref<!tpu.dma_semaphore, #tpu.memory_space<semaphore_mem>>) {add = true}
        %dma_wait3A_1103 = arith.constant 0 : i32
        %dma_wait3A_1104 = tpu.memref_slice %arg8[%sub3A_1016, %dma_wait3A_1103] : memref<128x80xi32, #tpu.memory_space<vmem>> -> memref<1x80xi32, #tpu.memory_space<vmem>>
        %dma_wait3A_1105 = tpu.memref_squeeze %dma_wait3A_1104 : memref<1x80xi32, #tpu.memory_space<vmem>> -> memref<80xi32, #tpu.memory_space<vmem>>
        %dma_wait3A_1106 = arith.constant 0 : i32
        %dma_wait3A_1107 = arith.constant 0 : i32
        %dma_wait3A_1108 = tpu.memref_slice %arg20[%dma_wait3A_1106, %dma_wait3A_1107] : memref<10240x64xf32, #tpu.memory_space<vmem_shared>> -> memref<10240x64xf32, #tpu.memory_space<vmem_shared>>
        tpu.wait_indirect_dma semaphore(%run_scoped3A_1096 : memref<!tpu.dma_semaphore, #tpu.memory_space<semaphore_mem>>) src(%arg13 : memref<80x64xf32, #tpu.memory_space<vmem>>) dst(%dma_wait3A_1108 : memref<10240x64xf32, #tpu.memory_space<vmem_shared>>)
        tpu.yield
      }) : () -> ()
      "tpu.region"() ({
        %run_scoped3A_1096 = tpu.sem_alloc : memref<!tpu.dma_semaphore, #tpu.memory_space<semaphore_mem>>
        %dma_start3A_1097 = arith.constant 0 : i32
        %dma_start3A_1098 = tpu.memref_slice %arg8[%sub3A_1016, %dma_start3A_1097] : memref<128x80xi32, #tpu.memory_space<vmem>> -> memref<1x80xi32, #tpu.memory_space<vmem>>
        %dma_start3A_1099 = tpu.memref_squeeze %dma_start3A_1098 : memref<1x80xi32, #tpu.memory_space<vmem>> -> memref<80xi32, #tpu.memory_space<vmem>>
        %dma_start3A_1100 = arith.constant 0 : i32
        %dma_start3A_1101 = arith.constant 0 : i32
        %dma_start3A_1102 = tpu.memref_slice %arg21[%dma_start3A_1100, %dma_start3A_1101] : memref<10240x16xf32, #tpu.memory_space<vmem_shared>> -> memref<10240x16xf32, #tpu.memory_space<vmem_shared>>
        tpu.enqueue_indirect_dma source(%arg17 : memref<80x16xf32, #tpu.memory_space<vmem>>) target(%dma_start3A_1102 : memref<10240x16xf32, #tpu.memory_space<vmem_shared>>) offsets(%dma_start3A_1099 : memref<80xi32, #tpu.memory_space<vmem>>) semaphore(%run_scoped3A_1096 : memref<!tpu.dma_semaphore, #tpu.memory_space<semaphore_mem>>) {add = true}
        %dma_wait3A_1103 = arith.constant 0 : i32
        %dma_wait3A_1104 = tpu.memref_slice %arg8[%sub3A_1016, %dma_wait3A_1103] : memref<128x80xi32, #tpu.memory_space<vmem>> -> memref<1x80xi32, #tpu.memory_space<vmem>>
        %dma_wait3A_1105 = tpu.memref_squeeze %dma_wait3A_1104 : memref<1x80xi32, #tpu.memory_space<vmem>> -> memref<80xi32, #tpu.memory_space<vmem>>
        %dma_wait3A_1106 = arith.constant 0 : i32
        %dma_wait3A_1107 = arith.constant 0 : i32
        %dma_wait3A_1108 = tpu.memref_slice %arg21[%dma_wait3A_1106, %dma_wait3A_1107] : memref<10240x16xf32, #tpu.memory_space<vmem_shared>> -> memref<10240x16xf32, #tpu.memory_space<vmem_shared>>
        tpu.wait_indirect_dma semaphore(%run_scoped3A_1096 : memref<!tpu.dma_semaphore, #tpu.memory_space<semaphore_mem>>) src(%arg17 : memref<80x16xf32, #tpu.memory_space<vmem>>) dst(%dma_wait3A_1108 : memref<10240x16xf32, #tpu.memory_space<vmem_shared>>)
        tpu.yield
      }) : () -> ()
      %mul3A_1017 = arith.constant 4 : i32
      %mul3A_1018 = arith.muli %mul3A_1017, %scan3A_780 : i32
      %add3A_1019 = arith.constant 4 : i32
      %add3A_1020 = arith.addi %mul3A_1018, %add3A_1019 : i32
      %add3A_1021 = arith.constant 3 : i32
      %add3A_1022 = arith.addi %add3A_1020, %add3A_1021 : i32
      %get3A_1023 = arith.index_cast %add3A_1022 : i32 to index
      %get3A_1024 = arith.constant 0 : index
      %get3A_1025 = tpu.vector_load %arg7[%get3A_1023, %get3A_1024] {strides = array<i32>} : memref<128x80xi32, #tpu.memory_space<vmem>>, vector<1x16xi32>,
      %get3A_1026 = vector.shape_cast %get3A_1025 : vector<1x16xi32> to vector<16xi32>
      %mul3A_1027 = arith.constant 4 : i32
      %mul3A_1028 = vector.broadcast %mul3A_1027 : i32 to vector<16xi32>
      %mul3A_1029 = arith.muli %get3A_1026, %mul3A_1028 : vector<16xi32>
      %add3A_1030 = vector.broadcast %add3A_25 : i32 to vector<16xi32>
      %add3A_1031 = arith.addi %mul3A_1029, %add3A_1030 : vector<16xi32>
      %swap3A_1032 = arith.constant 0 : index
      %swap3A_1033 = tpu.vector_load %arg12[%swap3A_1032] {strides = array<i32>} : memref<80xi32, #tpu.memory_space<vmem>>, vector<16xi32>,
      %swap3A_1034 = vector.shape_cast %swap3A_1033 : vector<16xi32> to vector<16xi32>
      %swap3A_1035 = vector.shape_cast %add3A_1031 : vector<16xi32> to vector<16xi32>
      tpu.vector_store %arg12[%swap3A_1032], %swap3A_1035 {strides = array<i32>} : memref<80xi32, #tpu.memory_space<vmem>>, vector<16xi32>,
      %get3A_1036 = arith.index_cast %add3A_1022 : i32 to index
      %get3A_1037 = arith.constant 16 : index
      %get3A_1038 = tpu.vector_load %arg7[%get3A_1036, %get3A_1037] {strides = array<i32>} : memref<128x80xi32, #tpu.memory_space<vmem>>, vector<1x16xi32>,
      %get3A_1039 = vector.shape_cast %get3A_1038 : vector<1x16xi32> to vector<16xi32>
      %mul3A_1040 = arith.constant 4 : i32
      %mul3A_1041 = vector.broadcast %mul3A_1040 : i32 to vector<16xi32>
      %mul3A_1042 = arith.muli %get3A_1039, %mul3A_1041 : vector<16xi32>
      %add3A_1043 = vector.broadcast %add3A_25 : i32 to vector<16xi32>
      %add3A_1044 = arith.addi %mul3A_1042, %add3A_1043 : vector<16xi32>
      %swap3A_1045 = arith.constant 16 : index
      %swap3A_1046 = tpu.vector_load %arg12[%swap3A_1045] {strides = array<i32>} : memref<80xi32, #tpu.memory_space<vmem>>, vector<16xi32>,
      %swap3A_1047 = vector.shape_cast %swap3A_1046 : vector<16xi32> to vector<16xi32>
      %swap3A_1048 = vector.shape_cast %add3A_1044 : vector<16xi32> to vector<16xi32>
      tpu.vector_store %arg12[%swap3A_1045], %swap3A_1048 {strides = array<i32>} : memref<80xi32, #tpu.memory_space<vmem>>, vector<16xi32>,
      %get3A_1049 = arith.index_cast %add3A_1022 : i32 to index
      %get3A_1050 = arith.constant 32 : index
      %get3A_1051 = tpu.vector_load %arg7[%get3A_1049, %get3A_1050] {strides = array<i32>} : memref<128x80xi32, #tpu.memory_space<vmem>>, vector<1x16xi32>,
      %get3A_1052 = vector.shape_cast %get3A_1051 : vector<1x16xi32> to vector<16xi32>
      %mul3A_1053 = arith.constant 4 : i32
      %mul3A_1054 = vector.broadcast %mul3A_1053 : i32 to vector<16xi32>
      %mul3A_1055 = arith.muli %get3A_1052, %mul3A_1054 : vector<16xi32>
      %add3A_1056 = vector.broadcast %add3A_25 : i32 to vector<16xi32>
      %add3A_1057 = arith.addi %mul3A_1055, %add3A_1056 : vector<16xi32>
      %swap3A_1058 = arith.constant 32 : index
      %swap3A_1059 = tpu.vector_load %arg12[%swap3A_1058] {strides = array<i32>} : memref<80xi32, #tpu.memory_space<vmem>>, vector<16xi32>,
      %swap3A_1060 = vector.shape_cast %swap3A_1059 : vector<16xi32> to vector<16xi32>
      %swap3A_1061 = vector.shape_cast %add3A_1057 : vector<16xi32> to vector<16xi32>
      tpu.vector_store %arg12[%swap3A_1058], %swap3A_1061 {strides = array<i32>} : memref<80xi32, #tpu.memory_space<vmem>>, vector<16xi32>,
      %get3A_1062 = arith.index_cast %add3A_1022 : i32 to index
      %get3A_1063 = arith.constant 48 : index
      %get3A_1064 = tpu.vector_load %arg7[%get3A_1062, %get3A_1063] {strides = array<i32>} : memref<128x80xi32, #tpu.memory_space<vmem>>, vector<1x16xi32>,
      %get3A_1065 = vector.shape_cast %get3A_1064 : vector<1x16xi32> to vector<16xi32>
      %mul3A_1066 = arith.constant 4 : i32
      %mul3A_1067 = vector.broadcast %mul3A_1066 : i32 to vector<16xi32>
      %mul3A_1068 = arith.muli %get3A_1065, %mul3A_1067 : vector<16xi32>
      %add3A_1069 = vector.broadcast %add3A_25 : i32 to vector<16xi32>
      %add3A_1070 = arith.addi %mul3A_1068, %add3A_1069 : vector<16xi32>
      %swap3A_1071 = arith.constant 48 : index
      %swap3A_1072 = tpu.vector_load %arg12[%swap3A_1071] {strides = array<i32>} : memref<80xi32, #tpu.memory_space<vmem>>, vector<16xi32>,
      %swap3A_1073 = vector.shape_cast %swap3A_1072 : vector<16xi32> to vector<16xi32>
      %swap3A_1074 = vector.shape_cast %add3A_1070 : vector<16xi32> to vector<16xi32>
      tpu.vector_store %arg12[%swap3A_1071], %swap3A_1074 {strides = array<i32>} : memref<80xi32, #tpu.memory_space<vmem>>, vector<16xi32>,
      %get3A_1075 = arith.index_cast %add3A_1022 : i32 to index
      %get3A_1076 = arith.constant 64 : index
      %get3A_1077 = tpu.vector_load %arg7[%get3A_1075, %get3A_1076] {strides = array<i32>} : memref<128x80xi32, #tpu.memory_space<vmem>>, vector<1x16xi32>,
      %get3A_1078 = vector.shape_cast %get3A_1077 : vector<1x16xi32> to vector<16xi32>
      %mul3A_1079 = arith.constant 4 : i32
      %mul3A_1080 = vector.broadcast %mul3A_1079 : i32 to vector<16xi32>
      %mul3A_1081 = arith.muli %get3A_1078, %mul3A_1080 : vector<16xi32>
      %add3A_1082 = vector.broadcast %add3A_25 : i32 to vector<16xi32>
      %add3A_1083 = arith.addi %mul3A_1081, %add3A_1082 : vector<16xi32>
      %swap3A_1084 = arith.constant 64 : index
      %swap3A_1085 = tpu.vector_load %arg12[%swap3A_1084] {strides = array<i32>} : memref<80xi32, #tpu.memory_space<vmem>>, vector<16xi32>,
      %swap3A_1086 = vector.shape_cast %swap3A_1085 : vector<16xi32> to vector<16xi32>
      %swap3A_1087 = vector.shape_cast %add3A_1083 : vector<16xi32> to vector<16xi32>
      tpu.vector_store %arg12[%swap3A_1084], %swap3A_1087 {strides = array<i32>} : memref<80xi32, #tpu.memory_space<vmem>>, vector<16xi32>,
      %dma_start3A_1088 = arith.constant 0 : i32
      %dma_start3A_1089 = arith.constant 0 : i32
      %dma_start3A_1090 = tpu.memref_slice %arg2[%dma_start3A_1088, %dma_start3A_1089] : memref<40000x64xf32, #tpu.memory_space<hbm>> -> memref<40000x64xf32, #tpu.memory_space<hbm>>
      tpu.enqueue_indirect_dma source(%dma_start3A_1090 : memref<40000x64xf32, #tpu.memory_space<hbm>>) target(%arg16 : memref<80x64xf32, #tpu.memory_space<vmem>>) offsets(%arg12 : memref<80xi32, #tpu.memory_space<vmem>>) semaphore(%arg25 : memref<!tpu.dma_semaphore, #tpu.memory_space<semaphore_mem>>)
      %dma_wait3A_1091 = arith.constant 0 : i32
      %dma_wait3A_1092 = arith.constant 0 : i32
      %dma_wait3A_1093 = tpu.memref_slice %arg2[%dma_wait3A_1091, %dma_wait3A_1092] : memref<40000x64xf32, #tpu.memory_space<hbm>> -> memref<40000x64xf32, #tpu.memory_space<hbm>>
      tpu.wait_indirect_dma semaphore(%arg23 : memref<!tpu.dma_semaphore, #tpu.memory_space<semaphore_mem>>) src(%dma_wait3A_1093 : memref<40000x64xf32, #tpu.memory_space<hbm>>) dst(%arg14 : memref<80x64xf32, #tpu.memory_space<vmem>>)
      %sub3A_1094 = arith.constant 2 : i32
      %sub3A_1095 = arith.subi %add3A_1022, %sub3A_1094 : i32
      "tpu.region"() ({
        %run_scoped3A_1096 = tpu.sem_alloc : memref<!tpu.dma_semaphore, #tpu.memory_space<semaphore_mem>>
        %dma_start3A_1097 = arith.constant 0 : i32
        %dma_start3A_1098 = tpu.memref_slice %arg8[%sub3A_1095, %dma_start3A_1097] : memref<128x80xi32, #tpu.memory_space<vmem>> -> memref<1x80xi32, #tpu.memory_space<vmem>>
        %dma_start3A_1099 = tpu.memref_squeeze %dma_start3A_1098 : memref<1x80xi32, #tpu.memory_space<vmem>> -> memref<80xi32, #tpu.memory_space<vmem>>
        %dma_start3A_1100 = arith.constant 0 : i32
        %dma_start3A_1101 = arith.constant 0 : i32
        %dma_start3A_1102 = tpu.memref_slice %arg20[%dma_start3A_1100, %dma_start3A_1101] : memref<10240x64xf32, #tpu.memory_space<vmem_shared>> -> memref<10240x64xf32, #tpu.memory_space<vmem_shared>>
        tpu.enqueue_indirect_dma source(%arg14 : memref<80x64xf32, #tpu.memory_space<vmem>>) target(%dma_start3A_1102 : memref<10240x64xf32, #tpu.memory_space<vmem_shared>>) offsets(%dma_start3A_1099 : memref<80xi32, #tpu.memory_space<vmem>>) semaphore(%run_scoped3A_1096 : memref<!tpu.dma_semaphore, #tpu.memory_space<semaphore_mem>>) {add = true}
        %dma_wait3A_1103 = arith.constant 0 : i32
        %dma_wait3A_1104 = tpu.memref_slice %arg8[%sub3A_1095, %dma_wait3A_1103] : memref<128x80xi32, #tpu.memory_space<vmem>> -> memref<1x80xi32, #tpu.memory_space<vmem>>
        %dma_wait3A_1105 = tpu.memref_squeeze %dma_wait3A_1104 : memref<1x80xi32, #tpu.memory_space<vmem>> -> memref<80xi32, #tpu.memory_space<vmem>>
        %dma_wait3A_1106 = arith.constant 0 : i32
        %dma_wait3A_1107 = arith.constant 0 : i32
        %dma_wait3A_1108 = tpu.memref_slice %arg20[%dma_wait3A_1106, %dma_wait3A_1107] : memref<10240x64xf32, #tpu.memory_space<vmem_shared>> -> memref<10240x64xf32, #tpu.memory_space<vmem_shared>>
        tpu.wait_indirect_dma semaphore(%run_scoped3A_1096 : memref<!tpu.dma_semaphore, #tpu.memory_space<semaphore_mem>>) src(%arg14 : memref<80x64xf32, #tpu.memory_space<vmem>>) dst(%dma_wait3A_1108 : memref<10240x64xf32, #tpu.memory_space<vmem_shared>>)
        tpu.yield
      }) : () -> ()
      "tpu.region"() ({
        %run_scoped3A_1096 = tpu.sem_alloc : memref<!tpu.dma_semaphore, #tpu.memory_space<semaphore_mem>>
        %dma_start3A_1097 = arith.constant 0 : i32
        %dma_start3A_1098 = tpu.memref_slice %arg8[%sub3A_1095, %dma_start3A_1097] : memref<128x80xi32, #tpu.memory_space<vmem>> -> memref<1x80xi32, #tpu.memory_space<vmem>>
        %dma_start3A_1099 = tpu.memref_squeeze %dma_start3A_1098 : memref<1x80xi32, #tpu.memory_space<vmem>> -> memref<80xi32, #tpu.memory_space<vmem>>
        %dma_start3A_1100 = arith.constant 0 : i32
        %dma_start3A_1101 = arith.constant 0 : i32
        %dma_start3A_1102 = tpu.memref_slice %arg21[%dma_start3A_1100, %dma_start3A_1101] : memref<10240x16xf32, #tpu.memory_space<vmem_shared>> -> memref<10240x16xf32, #tpu.memory_space<vmem_shared>>
        tpu.enqueue_indirect_dma source(%arg17 : memref<80x16xf32, #tpu.memory_space<vmem>>) target(%dma_start3A_1102 : memref<10240x16xf32, #tpu.memory_space<vmem_shared>>) offsets(%dma_start3A_1099 : memref<80xi32, #tpu.memory_space<vmem>>) semaphore(%run_scoped3A_1096 : memref<!tpu.dma_semaphore, #tpu.memory_space<semaphore_mem>>) {add = true}
        %dma_wait3A_1103 = arith.constant 0 : i32
        %dma_wait3A_1104 = tpu.memref_slice %arg8[%sub3A_1095, %dma_wait3A_1103] : memref<128x80xi32, #tpu.memory_space<vmem>> -> memref<1x80xi32, #tpu.memory_space<vmem>>
        %dma_wait3A_1105 = tpu.memref_squeeze %dma_wait3A_1104 : memref<1x80xi32, #tpu.memory_space<vmem>> -> memref<80xi32, #tpu.memory_space<vmem>>
        %dma_wait3A_1106 = arith.constant 0 : i32
        %dma_wait3A_1107 = arith.constant 0 : i32
        %dma_wait3A_1108 = tpu.memref_slice %arg21[%dma_wait3A_1106, %dma_wait3A_1107] : memref<10240x16xf32, #tpu.memory_space<vmem_shared>> -> memref<10240x16xf32, #tpu.memory_space<vmem_shared>>
        tpu.wait_indirect_dma semaphore(%run_scoped3A_1096 : memref<!tpu.dma_semaphore, #tpu.memory_space<semaphore_mem>>) src(%arg17 : memref<80x16xf32, #tpu.memory_space<vmem>>) dst(%dma_wait3A_1108 : memref<10240x16xf32, #tpu.memory_space<vmem_shared>>)
        tpu.yield
      }) : () -> ()
    }
    %scan3A_350 = arith.constant 31 : i32
    %dma_wait3A_351 = arith.constant 0 : i32
    %dma_wait3A_352 = arith.constant 0 : i32
    %dma_wait3A_353 = tpu.memref_slice %arg2[%dma_wait3A_351, %dma_wait3A_352] : memref<40000x64xf32, #tpu.memory_space<hbm>> -> memref<40000x64xf32, #tpu.memory_space<hbm>>
    tpu.wait_indirect_dma semaphore(%arg24 : memref<!tpu.dma_semaphore, #tpu.memory_space<semaphore_mem>>) src(%dma_wait3A_353 : memref<40000x64xf32, #tpu.memory_space<hbm>>) dst(%arg15 : memref<80x64xf32, #tpu.memory_space<vmem>>)
    %run_scoped3A_354 = arith.constant 126 : i32
    "tpu.region"() ({
      %run_scoped3A_780 = tpu.sem_alloc : memref<!tpu.dma_semaphore, #tpu.memory_space<semaphore_mem>>
      %dma_start3A_781 = arith.constant 0 : i32
      %dma_start3A_782 = tpu.memref_slice %arg8[%run_scoped3A_354, %dma_start3A_781] : memref<128x80xi32, #tpu.memory_space<vmem>> -> memref<1x80xi32, #tpu.memory_space<vmem>>
      %dma_start3A_783 = tpu.memref_squeeze %dma_start3A_782 : memref<1x80xi32, #tpu.memory_space<vmem>> -> memref<80xi32, #tpu.memory_space<vmem>>
      %dma_start3A_784 = arith.constant 0 : i32
      %dma_start3A_785 = arith.constant 0 : i32
      %dma_start3A_786 = tpu.memref_slice %arg20[%dma_start3A_784, %dma_start3A_785] : memref<10240x64xf32, #tpu.memory_space<vmem_shared>> -> memref<10240x64xf32, #tpu.memory_space<vmem_shared>>
      tpu.enqueue_indirect_dma source(%arg15 : memref<80x64xf32, #tpu.memory_space<vmem>>) target(%dma_start3A_786 : memref<10240x64xf32, #tpu.memory_space<vmem_shared>>) offsets(%dma_start3A_783 : memref<80xi32, #tpu.memory_space<vmem>>) semaphore(%run_scoped3A_780 : memref<!tpu.dma_semaphore, #tpu.memory_space<semaphore_mem>>) {add = true}
      %dma_wait3A_787 = arith.constant 0 : i32
      %dma_wait3A_788 = tpu.memref_slice %arg8[%run_scoped3A_354, %dma_wait3A_787] : memref<128x80xi32, #tpu.memory_space<vmem>> -> memref<1x80xi32, #tpu.memory_space<vmem>>
      %dma_wait3A_789 = tpu.memref_squeeze %dma_wait3A_788 : memref<1x80xi32, #tpu.memory_space<vmem>> -> memref<80xi32, #tpu.memory_space<vmem>>
      %dma_wait3A_790 = arith.constant 0 : i32
      %dma_wait3A_791 = arith.constant 0 : i32
      %dma_wait3A_792 = tpu.memref_slice %arg20[%dma_wait3A_790, %dma_wait3A_791] : memref<10240x64xf32, #tpu.memory_space<vmem_shared>> -> memref<10240x64xf32, #tpu.memory_space<vmem_shared>>
      tpu.wait_indirect_dma semaphore(%run_scoped3A_780 : memref<!tpu.dma_semaphore, #tpu.memory_space<semaphore_mem>>) src(%arg15 : memref<80x64xf32, #tpu.memory_space<vmem>>) dst(%dma_wait3A_792 : memref<10240x64xf32, #tpu.memory_space<vmem_shared>>)
      tpu.yield
    }) : () -> ()
    %run_scoped3A_355 = arith.constant 126 : i32
    "tpu.region"() ({
      %run_scoped3A_780 = tpu.sem_alloc : memref<!tpu.dma_semaphore, #tpu.memory_space<semaphore_mem>>
      %dma_start3A_781 = arith.constant 0 : i32
      %dma_start3A_782 = tpu.memref_slice %arg8[%run_scoped3A_355, %dma_start3A_781] : memref<128x80xi32, #tpu.memory_space<vmem>> -> memref<1x80xi32, #tpu.memory_space<vmem>>
      %dma_start3A_783 = tpu.memref_squeeze %dma_start3A_782 : memref<1x80xi32, #tpu.memory_space<vmem>> -> memref<80xi32, #tpu.memory_space<vmem>>
      %dma_start3A_784 = arith.constant 0 : i32
      %dma_start3A_785 = arith.constant 0 : i32
      %dma_start3A_786 = tpu.memref_slice %arg21[%dma_start3A_784, %dma_start3A_785] : memref<10240x16xf32, #tpu.memory_space<vmem_shared>> -> memref<10240x16xf32, #tpu.memory_space<vmem_shared>>
      tpu.enqueue_indirect_dma source(%arg17 : memref<80x16xf32, #tpu.memory_space<vmem>>) target(%dma_start3A_786 : memref<10240x16xf32, #tpu.memory_space<vmem_shared>>) offsets(%dma_start3A_783 : memref<80xi32, #tpu.memory_space<vmem>>) semaphore(%run_scoped3A_780 : memref<!tpu.dma_semaphore, #tpu.memory_space<semaphore_mem>>) {add = true}
      %dma_wait3A_787 = arith.constant 0 : i32
      %dma_wait3A_788 = tpu.memref_slice %arg8[%run_scoped3A_355, %dma_wait3A_787] : memref<128x80xi32, #tpu.memory_space<vmem>> -> memref<1x80xi32, #tpu.memory_space<vmem>>
      %dma_wait3A_789 = tpu.memref_squeeze %dma_wait3A_788 : memref<1x80xi32, #tpu.memory_space<vmem>> -> memref<80xi32, #tpu.memory_space<vmem>>
      %dma_wait3A_790 = arith.constant 0 : i32
      %dma_wait3A_791 = arith.constant 0 : i32
      %dma_wait3A_792 = tpu.memref_slice %arg21[%dma_wait3A_790, %dma_wait3A_791] : memref<10240x16xf32, #tpu.memory_space<vmem_shared>> -> memref<10240x16xf32, #tpu.memory_space<vmem_shared>>
      tpu.wait_indirect_dma semaphore(%run_scoped3A_780 : memref<!tpu.dma_semaphore, #tpu.memory_space<semaphore_mem>>) src(%arg17 : memref<80x16xf32, #tpu.memory_space<vmem>>) dst(%dma_wait3A_792 : memref<10240x16xf32, #tpu.memory_space<vmem_shared>>)
      tpu.yield
    }) : () -> ()
    %dma_wait3A_356 = arith.constant 0 : i32
    %dma_wait3A_357 = arith.constant 0 : i32
    %dma_wait3A_358 = tpu.memref_slice %arg2[%dma_wait3A_356, %dma_wait3A_357] : memref<40000x64xf32, #tpu.memory_space<hbm>> -> memref<40000x64xf32, #tpu.memory_space<hbm>>
    tpu.wait_indirect_dma semaphore(%arg25 : memref<!tpu.dma_semaphore, #tpu.memory_space<semaphore_mem>>) src(%dma_wait3A_358 : memref<40000x64xf32, #tpu.memory_space<hbm>>) dst(%arg16 : memref<80x64xf32, #tpu.memory_space<vmem>>)
    %run_scoped3A_359 = arith.constant 127 : i32
    "tpu.region"() ({
      %run_scoped3A_780 = tpu.sem_alloc : memref<!tpu.dma_semaphore, #tpu.memory_space<semaphore_mem>>
      %dma_start3A_781 = arith.constant 0 : i32
      %dma_start3A_782 = tpu.memref_slice %arg8[%run_scoped3A_359, %dma_start3A_781] : memref<128x80xi32, #tpu.memory_space<vmem>> -> memref<1x80xi32, #tpu.memory_space<vmem>>
      %dma_start3A_783 = tpu.memref_squeeze %dma_start3A_782 : memref<1x80xi32, #tpu.memory_space<vmem>> -> memref<80xi32, #tpu.memory_space<vmem>>
      %dma_start3A_784 = arith.constant 0 : i32
      %dma_start3A_785 = arith.constant 0 : i32
      %dma_start3A_786 = tpu.memref_slice %arg20[%dma_start3A_784, %dma_start3A_785] : memref<10240x64xf32, #tpu.memory_space<vmem_shared>> -> memref<10240x64xf32, #tpu.memory_space<vmem_shared>>
      tpu.enqueue_indirect_dma source(%arg16 : memref<80x64xf32, #tpu.memory_space<vmem>>) target(%dma_start3A_786 : memref<10240x64xf32, #tpu.memory_space<vmem_shared>>) offsets(%dma_start3A_783 : memref<80xi32, #tpu.memory_space<vmem>>) semaphore(%run_scoped3A_780 : memref<!tpu.dma_semaphore, #tpu.memory_space<semaphore_mem>>) {add = true}
      %dma_wait3A_787 = arith.constant 0 : i32
      %dma_wait3A_788 = tpu.memref_slice %arg8[%run_scoped3A_359, %dma_wait3A_787] : memref<128x80xi32, #tpu.memory_space<vmem>> -> memref<1x80xi32, #tpu.memory_space<vmem>>
      %dma_wait3A_789 = tpu.memref_squeeze %dma_wait3A_788 : memref<1x80xi32, #tpu.memory_space<vmem>> -> memref<80xi32, #tpu.memory_space<vmem>>
      %dma_wait3A_790 = arith.constant 0 : i32
      %dma_wait3A_791 = arith.constant 0 : i32
      %dma_wait3A_792 = tpu.memref_slice %arg20[%dma_wait3A_790, %dma_wait3A_791] : memref<10240x64xf32, #tpu.memory_space<vmem_shared>> -> memref<10240x64xf32, #tpu.memory_space<vmem_shared>>
      tpu.wait_indirect_dma semaphore(%run_scoped3A_780 : memref<!tpu.dma_semaphore, #tpu.memory_space<semaphore_mem>>) src(%arg16 : memref<80x64xf32, #tpu.memory_space<vmem>>) dst(%dma_wait3A_792 : memref<10240x64xf32, #tpu.memory_space<vmem_shared>>)
      tpu.yield
    }) : () -> ()
    %run_scoped3A_360 = arith.constant 127 : i32
    "tpu.region"() ({
      %run_scoped3A_780 = tpu.sem_alloc : memref<!tpu.dma_semaphore, #tpu.memory_space<semaphore_mem>>
      %dma_start3A_781 = arith.constant 0 : i32
      %dma_start3A_782 = tpu.memref_slice %arg8[%run_scoped3A_360, %dma_start3A_781] : memref<128x80xi32, #tpu.memory_space<vmem>> -> memref<1x80xi32, #tpu.memory_space<vmem>>
      %dma_start3A_783 = tpu.memref_squeeze %dma_start3A_782 : memref<1x80xi32, #tpu.memory_space<vmem>> -> memref<80xi32, #tpu.memory_space<vmem>>
      %dma_start3A_784 = arith.constant 0 : i32
      %dma_start3A_785 = arith.constant 0 : i32
      %dma_start3A_786 = tpu.memref_slice %arg21[%dma_start3A_784, %dma_start3A_785] : memref<10240x16xf32, #tpu.memory_space<vmem_shared>> -> memref<10240x16xf32, #tpu.memory_space<vmem_shared>>
      tpu.enqueue_indirect_dma source(%arg17 : memref<80x16xf32, #tpu.memory_space<vmem>>) target(%dma_start3A_786 : memref<10240x16xf32, #tpu.memory_space<vmem_shared>>) offsets(%dma_start3A_783 : memref<80xi32, #tpu.memory_space<vmem>>) semaphore(%run_scoped3A_780 : memref<!tpu.dma_semaphore, #tpu.memory_space<semaphore_mem>>) {add = true}
      %dma_wait3A_787 = arith.constant 0 : i32
      %dma_wait3A_788 = tpu.memref_slice %arg8[%run_scoped3A_360, %dma_wait3A_787] : memref<128x80xi32, #tpu.memory_space<vmem>> -> memref<1x80xi32, #tpu.memory_space<vmem>>
      %dma_wait3A_789 = tpu.memref_squeeze %dma_wait3A_788 : memref<1x80xi32, #tpu.memory_space<vmem>> -> memref<80xi32, #tpu.memory_space<vmem>>
      %dma_wait3A_790 = arith.constant 0 : i32
      %dma_wait3A_791 = arith.constant 0 : i32
      %dma_wait3A_792 = tpu.memref_slice %arg21[%dma_wait3A_790, %dma_wait3A_791] : memref<10240x16xf32, #tpu.memory_space<vmem_shared>> -> memref<10240x16xf32, #tpu.memory_space<vmem_shared>>
      tpu.wait_indirect_dma semaphore(%run_scoped3A_780 : memref<!tpu.dma_semaphore, #tpu.memory_space<semaphore_mem>>) src(%arg17 : memref<80x16xf32, #tpu.memory_space<vmem>>) dst(%dma_wait3A_792 : memref<10240x16xf32, #tpu.memory_space<vmem_shared>>)
      tpu.yield
    }) : () -> ()
    %barrier3A_361 = arith.constant 0 : index
    tpu.barrier barrier_id(%barrier3A_361)
    %mul3A_362 = arith.constant 640 : i32
    %mul3A_363 = arith.muli %arg1, %mul3A_362 : i32
    %add3A_364 = arith.constant 0 : i32
    %add3A_365 = arith.addi %mul3A_363, %add3A_364 : i32
    "tpu.region"() ({
      %run_scoped3A_780 = tpu.sem_alloc : memref<!tpu.dma_semaphore, #tpu.memory_space<semaphore_mem>>
      %dma_start3A_781 = arith.constant 0 : i32
      %dma_start3A_782 = tpu.memref_slice %arg20[%add3A_365, %dma_start3A_781] : memref<10240x64xf32, #tpu.memory_space<vmem_shared>> -> memref<128x64xf32, #tpu.memory_space<vmem_shared>>
      %dma_start3A_783 = arith.constant 0 : i32
      %dma_start3A_784 = tpu.memref_slice %arg20[%add3A_365, %dma_start3A_783] : memref<10240x64xf32, #tpu.memory_space<vmem_shared>> -> memref<128x64xf32, #tpu.memory_space<vmem_shared>>
      tpu.enqueue_dma source(%dma_start3A_784 : memref<128x64xf32, #tpu.memory_space<vmem_shared>>) target(%arg18 : memref<128x64xf32, #tpu.memory_space<vmem>>) target_semaphore(%run_scoped3A_780 : memref<!tpu.dma_semaphore, #tpu.memory_space<semaphore_mem>>)
      %dma_wait3A_785 = arith.constant 0 : i32
      %dma_wait3A_786 = tpu.memref_slice %arg20[%add3A_365, %dma_wait3A_785] : memref<10240x64xf32, #tpu.memory_space<vmem_shared>> -> memref<128x64xf32, #tpu.memory_space<vmem_shared>>
      %dma_wait3A_787 = arith.constant 0 : i32
      %dma_wait3A_788 = tpu.memref_slice %arg20[%add3A_365, %dma_wait3A_787] : memref<10240x64xf32, #tpu.memory_space<vmem_shared>> -> memref<128x64xf32, #tpu.memory_space<vmem_shared>>
      tpu.wait_dma2 semaphore(%run_scoped3A_780 : memref<!tpu.dma_semaphore, #tpu.memory_space<semaphore_mem>>) src(%dma_wait3A_788 : memref<128x64xf32, #tpu.memory_space<vmem_shared>>) dst(%arg18 : memref<128x64xf32, #tpu.memory_space<vmem>>)
      tpu.yield
    }) : () -> ()
    %mul3A_366 = arith.constant 10240 : i32
    %mul3A_367 = arith.muli %add3A_25, %mul3A_366 : i32
    %add3A_368 = arith.addi %mul3A_367, %add3A_365 : i32
    "tpu.region"() ({
      %run_scoped3A_780 = tpu.sem_alloc : memref<!tpu.dma_semaphore, #tpu.memory_space<semaphore_mem>>
      %dma_start3A_781 = arith.constant 0 : i32
      %dma_start3A_782 = tpu.memref_slice %arg5[%add3A_368, %dma_start3A_781] : memref<40960x64xf32, #tpu.memory_space<hbm>> -> memref<128x64xf32, #tpu.memory_space<hbm>>
      %dma_start3A_783 = arith.constant 0 : i32
      %dma_start3A_784 = tpu.memref_slice %arg5[%add3A_368, %dma_start3A_783] : memref<40960x64xf32, #tpu.memory_space<hbm>> -> memref<128x64xf32, #tpu.memory_space<hbm>>
      tpu.enqueue_dma source(%arg18 : memref<128x64xf32, #tpu.memory_space<vmem>>) target(%dma_start3A_784 : memref<128x64xf32, #tpu.memory_space<hbm>>) target_semaphore(%run_scoped3A_780 : memref<!tpu.dma_semaphore, #tpu.memory_space<semaphore_mem>>)
      %dma_wait3A_785 = arith.constant 0 : i32
      %dma_wait3A_786 = tpu.memref_slice %arg5[%add3A_368, %dma_wait3A_785] : memref<40960x64xf32, #tpu.memory_space<hbm>> -> memref<128x64xf32, #tpu.memory_space<hbm>>
      %dma_wait3A_787 = arith.constant 0 : i32
      %dma_wait3A_788 = tpu.memref_slice %arg5[%add3A_368, %dma_wait3A_787] : memref<40960x64xf32, #tpu.memory_space<hbm>> -> memref<128x64xf32, #tpu.memory_space<hbm>>
      tpu.wait_dma2 semaphore(%run_scoped3A_780 : memref<!tpu.dma_semaphore, #tpu.memory_space<semaphore_mem>>) src(%arg18 : memref<128x64xf32, #tpu.memory_space<vmem>>) dst(%dma_wait3A_788 : memref<128x64xf32, #tpu.memory_space<hbm>>)
      tpu.yield
    }) : () -> ()
    %mul3A_369 = arith.constant 640 : i32
    %mul3A_370 = arith.muli %arg1, %mul3A_369 : i32
    %add3A_371 = arith.constant 128 : i32
    %add3A_372 = arith.addi %mul3A_370, %add3A_371 : i32
    "tpu.region"() ({
      %run_scoped3A_780 = tpu.sem_alloc : memref<!tpu.dma_semaphore, #tpu.memory_space<semaphore_mem>>
      %dma_start3A_781 = arith.constant 0 : i32
      %dma_start3A_782 = tpu.memref_slice %arg20[%add3A_372, %dma_start3A_781] : memref<10240x64xf32, #tpu.memory_space<vmem_shared>> -> memref<128x64xf32, #tpu.memory_space<vmem_shared>>
      %dma_start3A_783 = arith.constant 0 : i32
      %dma_start3A_784 = tpu.memref_slice %arg20[%add3A_372, %dma_start3A_783] : memref<10240x64xf32, #tpu.memory_space<vmem_shared>> -> memref<128x64xf32, #tpu.memory_space<vmem_shared>>
      tpu.enqueue_dma source(%dma_start3A_784 : memref<128x64xf32, #tpu.memory_space<vmem_shared>>) target(%arg18 : memref<128x64xf32, #tpu.memory_space<vmem>>) target_semaphore(%run_scoped3A_780 : memref<!tpu.dma_semaphore, #tpu.memory_space<semaphore_mem>>)
      %dma_wait3A_785 = arith.constant 0 : i32
      %dma_wait3A_786 = tpu.memref_slice %arg20[%add3A_372, %dma_wait3A_785] : memref<10240x64xf32, #tpu.memory_space<vmem_shared>> -> memref<128x64xf32, #tpu.memory_space<vmem_shared>>
      %dma_wait3A_787 = arith.constant 0 : i32
      %dma_wait3A_788 = tpu.memref_slice %arg20[%add3A_372, %dma_wait3A_787] : memref<10240x64xf32, #tpu.memory_space<vmem_shared>> -> memref<128x64xf32, #tpu.memory_space<vmem_shared>>
      tpu.wait_dma2 semaphore(%run_scoped3A_780 : memref<!tpu.dma_semaphore, #tpu.memory_space<semaphore_mem>>) src(%dma_wait3A_788 : memref<128x64xf32, #tpu.memory_space<vmem_shared>>) dst(%arg18 : memref<128x64xf32, #tpu.memory_space<vmem>>)
      tpu.yield
    }) : () -> ()
    %mul3A_373 = arith.constant 10240 : i32
    %mul3A_374 = arith.muli %add3A_25, %mul3A_373 : i32
    %add3A_375 = arith.addi %mul3A_374, %add3A_372 : i32
    "tpu.region"() ({
      %run_scoped3A_780 = tpu.sem_alloc : memref<!tpu.dma_semaphore, #tpu.memory_space<semaphore_mem>>
      %dma_start3A_781 = arith.constant 0 : i32
      %dma_start3A_782 = tpu.memref_slice %arg5[%add3A_375, %dma_start3A_781] : memref<40960x64xf32, #tpu.memory_space<hbm>> -> memref<128x64xf32, #tpu.memory_space<hbm>>
      %dma_start3A_783 = arith.constant 0 : i32
      %dma_start3A_784 = tpu.memref_slice %arg5[%add3A_375, %dma_start3A_783] : memref<40960x64xf32, #tpu.memory_space<hbm>> -> memref<128x64xf32, #tpu.memory_space<hbm>>
      tpu.enqueue_dma source(%arg18 : memref<128x64xf32, #tpu.memory_space<vmem>>) target(%dma_start3A_784 : memref<128x64xf32, #tpu.memory_space<hbm>>) target_semaphore(%run_scoped3A_780 : memref<!tpu.dma_semaphore, #tpu.memory_space<semaphore_mem>>)
      %dma_wait3A_785 = arith.constant 0 : i32
      %dma_wait3A_786 = tpu.memref_slice %arg5[%add3A_375, %dma_wait3A_785] : memref<40960x64xf32, #tpu.memory_space<hbm>> -> memref<128x64xf32, #tpu.memory_space<hbm>>
      %dma_wait3A_787 = arith.constant 0 : i32
      %dma_wait3A_788 = tpu.memref_slice %arg5[%add3A_375, %dma_wait3A_787] : memref<40960x64xf32, #tpu.memory_space<hbm>> -> memref<128x64xf32, #tpu.memory_space<hbm>>
      tpu.wait_dma2 semaphore(%run_scoped3A_780 : memref<!tpu.dma_semaphore, #tpu.memory_space<semaphore_mem>>) src(%arg18 : memref<128x64xf32, #tpu.memory_space<vmem>>) dst(%dma_wait3A_788 : memref<128x64xf32, #tpu.memory_space<hbm>>)
      tpu.yield
    }) : () -> ()
    %mul3A_376 = arith.constant 640 : i32
    %mul3A_377 = arith.muli %arg1, %mul3A_376 : i32
    %add3A_378 = arith.constant 256 : i32
    %add3A_379 = arith.addi %mul3A_377, %add3A_378 : i32
    "tpu.region"() ({
      %run_scoped3A_780 = tpu.sem_alloc : memref<!tpu.dma_semaphore, #tpu.memory_space<semaphore_mem>>
      %dma_start3A_781 = arith.constant 0 : i32
      %dma_start3A_782 = tpu.memref_slice %arg20[%add3A_379, %dma_start3A_781] : memref<10240x64xf32, #tpu.memory_space<vmem_shared>> -> memref<128x64xf32, #tpu.memory_space<vmem_shared>>
      %dma_start3A_783 = arith.constant 0 : i32
      %dma_start3A_784 = tpu.memref_slice %arg20[%add3A_379, %dma_start3A_783] : memref<10240x64xf32, #tpu.memory_space<vmem_shared>> -> memref<128x64xf32, #tpu.memory_space<vmem_shared>>
      tpu.enqueue_dma source(%dma_start3A_784 : memref<128x64xf32, #tpu.memory_space<vmem_shared>>) target(%arg18 : memref<128x64xf32, #tpu.memory_space<vmem>>) target_semaphore(%run_scoped3A_780 : memref<!tpu.dma_semaphore, #tpu.memory_space<semaphore_mem>>)
      %dma_wait3A_785 = arith.constant 0 : i32
      %dma_wait3A_786 = tpu.memref_slice %arg20[%add3A_379, %dma_wait3A_785] : memref<10240x64xf32, #tpu.memory_space<vmem_shared>> -> memref<128x64xf32, #tpu.memory_space<vmem_shared>>
      %dma_wait3A_787 = arith.constant 0 : i32
      %dma_wait3A_788 = tpu.memref_slice %arg20[%add3A_379, %dma_wait3A_787] : memref<10240x64xf32, #tpu.memory_space<vmem_shared>> -> memref<128x64xf32, #tpu.memory_space<vmem_shared>>
      tpu.wait_dma2 semaphore(%run_scoped3A_780 : memref<!tpu.dma_semaphore, #tpu.memory_space<semaphore_mem>>) src(%dma_wait3A_788 : memref<128x64xf32, #tpu.memory_space<vmem_shared>>) dst(%arg18 : memref<128x64xf32, #tpu.memory_space<vmem>>)
      tpu.yield
    }) : () -> ()
    %mul3A_380 = arith.constant 10240 : i32
    %mul3A_381 = arith.muli %add3A_25, %mul3A_380 : i32
    %add3A_382 = arith.addi %mul3A_381, %add3A_379 : i32
    "tpu.region"() ({
      %run_scoped3A_780 = tpu.sem_alloc : memref<!tpu.dma_semaphore, #tpu.memory_space<semaphore_mem>>
      %dma_start3A_781 = arith.constant 0 : i32
      %dma_start3A_782 = tpu.memref_slice %arg5[%add3A_382, %dma_start3A_781] : memref<40960x64xf32, #tpu.memory_space<hbm>> -> memref<128x64xf32, #tpu.memory_space<hbm>>
      %dma_start3A_783 = arith.constant 0 : i32
      %dma_start3A_784 = tpu.memref_slice %arg5[%add3A_382, %dma_start3A_783] : memref<40960x64xf32, #tpu.memory_space<hbm>> -> memref<128x64xf32, #tpu.memory_space<hbm>>
      tpu.enqueue_dma source(%arg18 : memref<128x64xf32, #tpu.memory_space<vmem>>) target(%dma_start3A_784 : memref<128x64xf32, #tpu.memory_space<hbm>>) target_semaphore(%run_scoped3A_780 : memref<!tpu.dma_semaphore, #tpu.memory_space<semaphore_mem>>)
      %dma_wait3A_785 = arith.constant 0 : i32
      %dma_wait3A_786 = tpu.memref_slice %arg5[%add3A_382, %dma_wait3A_785] : memref<40960x64xf32, #tpu.memory_space<hbm>> -> memref<128x64xf32, #tpu.memory_space<hbm>>
      %dma_wait3A_787 = arith.constant 0 : i32
      %dma_wait3A_788 = tpu.memref_slice %arg5[%add3A_382, %dma_wait3A_787] : memref<40960x64xf32, #tpu.memory_space<hbm>> -> memref<128x64xf32, #tpu.memory_space<hbm>>
      tpu.wait_dma2 semaphore(%run_scoped3A_780 : memref<!tpu.dma_semaphore, #tpu.memory_space<semaphore_mem>>) src(%arg18 : memref<128x64xf32, #tpu.memory_space<vmem>>) dst(%dma_wait3A_788 : memref<128x64xf32, #tpu.memory_space<hbm>>)
      tpu.yield
    }) : () -> ()
    %mul3A_383 = arith.constant 640 : i32
    %mul3A_384 = arith.muli %arg1, %mul3A_383 : i32
    %add3A_385 = arith.constant 384 : i32
    %add3A_386 = arith.addi %mul3A_384, %add3A_385 : i32
    "tpu.region"() ({
      %run_scoped3A_780 = tpu.sem_alloc : memref<!tpu.dma_semaphore, #tpu.memory_space<semaphore_mem>>
      %dma_start3A_781 = arith.constant 0 : i32
      %dma_start3A_782 = tpu.memref_slice %arg20[%add3A_386, %dma_start3A_781] : memref<10240x64xf32, #tpu.memory_space<vmem_shared>> -> memref<128x64xf32, #tpu.memory_space<vmem_shared>>
      %dma_start3A_783 = arith.constant 0 : i32
      %dma_start3A_784 = tpu.memref_slice %arg20[%add3A_386, %dma_start3A_783] : memref<10240x64xf32, #tpu.memory_space<vmem_shared>> -> memref<128x64xf32, #tpu.memory_space<vmem_shared>>
      tpu.enqueue_dma source(%dma_start3A_784 : memref<128x64xf32, #tpu.memory_space<vmem_shared>>) target(%arg18 : memref<128x64xf32, #tpu.memory_space<vmem>>) target_semaphore(%run_scoped3A_780 : memref<!tpu.dma_semaphore, #tpu.memory_space<semaphore_mem>>)
      %dma_wait3A_785 = arith.constant 0 : i32
      %dma_wait3A_786 = tpu.memref_slice %arg20[%add3A_386, %dma_wait3A_785] : memref<10240x64xf32, #tpu.memory_space<vmem_shared>> -> memref<128x64xf32, #tpu.memory_space<vmem_shared>>
      %dma_wait3A_787 = arith.constant 0 : i32
      %dma_wait3A_788 = tpu.memref_slice %arg20[%add3A_386, %dma_wait3A_787] : memref<10240x64xf32, #tpu.memory_space<vmem_shared>> -> memref<128x64xf32, #tpu.memory_space<vmem_shared>>
      tpu.wait_dma2 semaphore(%run_scoped3A_780 : memref<!tpu.dma_semaphore, #tpu.memory_space<semaphore_mem>>) src(%dma_wait3A_788 : memref<128x64xf32, #tpu.memory_space<vmem_shared>>) dst(%arg18 : memref<128x64xf32, #tpu.memory_space<vmem>>)
      tpu.yield
    }) : () -> ()
    %mul3A_387 = arith.constant 10240 : i32
    %mul3A_388 = arith.muli %add3A_25, %mul3A_387 : i32
    %add3A_389 = arith.addi %mul3A_388, %add3A_386 : i32
    "tpu.region"() ({
      %run_scoped3A_780 = tpu.sem_alloc : memref<!tpu.dma_semaphore, #tpu.memory_space<semaphore_mem>>
      %dma_start3A_781 = arith.constant 0 : i32
      %dma_start3A_782 = tpu.memref_slice %arg5[%add3A_389, %dma_start3A_781] : memref<40960x64xf32, #tpu.memory_space<hbm>> -> memref<128x64xf32, #tpu.memory_space<hbm>>
      %dma_start3A_783 = arith.constant 0 : i32
      %dma_start3A_784 = tpu.memref_slice %arg5[%add3A_389, %dma_start3A_783] : memref<40960x64xf32, #tpu.memory_space<hbm>> -> memref<128x64xf32, #tpu.memory_space<hbm>>
      tpu.enqueue_dma source(%arg18 : memref<128x64xf32, #tpu.memory_space<vmem>>) target(%dma_start3A_784 : memref<128x64xf32, #tpu.memory_space<hbm>>) target_semaphore(%run_scoped3A_780 : memref<!tpu.dma_semaphore, #tpu.memory_space<semaphore_mem>>)
      %dma_wait3A_785 = arith.constant 0 : i32
      %dma_wait3A_786 = tpu.memref_slice %arg5[%add3A_389, %dma_wait3A_785] : memref<40960x64xf32, #tpu.memory_space<hbm>> -> memref<128x64xf32, #tpu.memory_space<hbm>>
      %dma_wait3A_787 = arith.constant 0 : i32
      %dma_wait3A_788 = tpu.memref_slice %arg5[%add3A_389, %dma_wait3A_787] : memref<40960x64xf32, #tpu.memory_space<hbm>> -> memref<128x64xf32, #tpu.memory_space<hbm>>
      tpu.wait_dma2 semaphore(%run_scoped3A_780 : memref<!tpu.dma_semaphore, #tpu.memory_space<semaphore_mem>>) src(%arg18 : memref<128x64xf32, #tpu.memory_space<vmem>>) dst(%dma_wait3A_788 : memref<128x64xf32, #tpu.memory_space<hbm>>)
      tpu.yield
    }) : () -> ()
    %mul3A_390 = arith.constant 640 : i32
    %mul3A_391 = arith.muli %arg1, %mul3A_390 : i32
    %add3A_392 = arith.constant 512 : i32
    %add3A_393 = arith.addi %mul3A_391, %add3A_392 : i32
    "tpu.region"() ({
      %run_scoped3A_780 = tpu.sem_alloc : memref<!tpu.dma_semaphore, #tpu.memory_space<semaphore_mem>>
      %dma_start3A_781 = arith.constant 0 : i32
      %dma_start3A_782 = tpu.memref_slice %arg20[%add3A_393, %dma_start3A_781] : memref<10240x64xf32, #tpu.memory_space<vmem_shared>> -> memref<128x64xf32, #tpu.memory_space<vmem_shared>>
      %dma_start3A_783 = arith.constant 0 : i32
      %dma_start3A_784 = tpu.memref_slice %arg20[%add3A_393, %dma_start3A_783] : memref<10240x64xf32, #tpu.memory_space<vmem_shared>> -> memref<128x64xf32, #tpu.memory_space<vmem_shared>>
      tpu.enqueue_dma source(%dma_start3A_784 : memref<128x64xf32, #tpu.memory_space<vmem_shared>>) target(%arg18 : memref<128x64xf32, #tpu.memory_space<vmem>>) target_semaphore(%run_scoped3A_780 : memref<!tpu.dma_semaphore, #tpu.memory_space<semaphore_mem>>)
      %dma_wait3A_785 = arith.constant 0 : i32
      %dma_wait3A_786 = tpu.memref_slice %arg20[%add3A_393, %dma_wait3A_785] : memref<10240x64xf32, #tpu.memory_space<vmem_shared>> -> memref<128x64xf32, #tpu.memory_space<vmem_shared>>
      %dma_wait3A_787 = arith.constant 0 : i32
      %dma_wait3A_788 = tpu.memref_slice %arg20[%add3A_393, %dma_wait3A_787] : memref<10240x64xf32, #tpu.memory_space<vmem_shared>> -> memref<128x64xf32, #tpu.memory_space<vmem_shared>>
      tpu.wait_dma2 semaphore(%run_scoped3A_780 : memref<!tpu.dma_semaphore, #tpu.memory_space<semaphore_mem>>) src(%dma_wait3A_788 : memref<128x64xf32, #tpu.memory_space<vmem_shared>>) dst(%arg18 : memref<128x64xf32, #tpu.memory_space<vmem>>)
      tpu.yield
    }) : () -> ()
    %mul3A_394 = arith.constant 10240 : i32
    %mul3A_395 = arith.muli %add3A_25, %mul3A_394 : i32
    %add3A_396 = arith.addi %mul3A_395, %add3A_393 : i32
    "tpu.region"() ({
      %run_scoped3A_780 = tpu.sem_alloc : memref<!tpu.dma_semaphore, #tpu.memory_space<semaphore_mem>>
      %dma_start3A_781 = arith.constant 0 : i32
      %dma_start3A_782 = tpu.memref_slice %arg5[%add3A_396, %dma_start3A_781] : memref<40960x64xf32, #tpu.memory_space<hbm>> -> memref<128x64xf32, #tpu.memory_space<hbm>>
      %dma_start3A_783 = arith.constant 0 : i32
      %dma_start3A_784 = tpu.memref_slice %arg5[%add3A_396, %dma_start3A_783] : memref<40960x64xf32, #tpu.memory_space<hbm>> -> memref<128x64xf32, #tpu.memory_space<hbm>>
      tpu.enqueue_dma source(%arg18 : memref<128x64xf32, #tpu.memory_space<vmem>>) target(%dma_start3A_784 : memref<128x64xf32, #tpu.memory_space<hbm>>) target_semaphore(%run_scoped3A_780 : memref<!tpu.dma_semaphore, #tpu.memory_space<semaphore_mem>>)
      %dma_wait3A_785 = arith.constant 0 : i32
      %dma_wait3A_786 = tpu.memref_slice %arg5[%add3A_396, %dma_wait3A_785] : memref<40960x64xf32, #tpu.memory_space<hbm>> -> memref<128x64xf32, #tpu.memory_space<hbm>>
      %dma_wait3A_787 = arith.constant 0 : i32
      %dma_wait3A_788 = tpu.memref_slice %arg5[%add3A_396, %dma_wait3A_787] : memref<40960x64xf32, #tpu.memory_space<hbm>> -> memref<128x64xf32, #tpu.memory_space<hbm>>
      tpu.wait_dma2 semaphore(%run_scoped3A_780 : memref<!tpu.dma_semaphore, #tpu.memory_space<semaphore_mem>>) src(%arg18 : memref<128x64xf32, #tpu.memory_space<vmem>>) dst(%dma_wait3A_788 : memref<128x64xf32, #tpu.memory_space<hbm>>)
      tpu.yield
    }) : () -> ()
    %broadcast_in_dim3A_397 = arith.constant 0.000000e+00 : f32
    %broadcast_in_dim3A_398 = vector.broadcast %broadcast_in_dim3A_397 : f32 to vector<16xf32>
    %scan3A_399 = arith.constant 0 : i32
    %scan3A_400 = arith.constant 0 : i32
    %scan3A_401 = arith.constant 128 : i32
    %scan3A_402 = arith.addi %scan3A_400, %scan3A_401 : i32
    %scan3A_403 = arith.constant 1 : i32
    scf.for %scan3A_780 = %scan3A_400 to %scan3A_402 step %scan3A_403  : i32 {
      %swap3A_781 = arith.index_cast %scan3A_780 : i32 to index
      %swap3A_782 = arith.constant 0 : index
      %swap3A_783 = tpu.vector_load %arg18[%swap3A_781, %swap3A_782] {strides = array<i32>} : memref<128x64xf32, #tpu.memory_space<vmem>>, vector<1x16xf32>,
      %swap3A_784 = vector.shape_cast %swap3A_783 : vector<1x16xf32> to vector<16xf32>
      %swap3A_785 = vector.shape_cast %broadcast_in_dim3A_398 : vector<16xf32> to vector<1x16xf32>
      tpu.vector_store %arg18[%swap3A_781, %swap3A_782], %swap3A_785 {strides = array<i32>} : memref<128x64xf32, #tpu.memory_space<vmem>>, vector<1x16xf32>,
      %swap3A_786 = arith.index_cast %scan3A_780 : i32 to index
      %swap3A_787 = arith.constant 16 : index
      %swap3A_788 = tpu.vector_load %arg18[%swap3A_786, %swap3A_787] {strides = array<i32>} : memref<128x64xf32, #tpu.memory_space<vmem>>, vector<1x16xf32>,
      %swap3A_789 = vector.shape_cast %swap3A_788 : vector<1x16xf32> to vector<16xf32>
      %swap3A_790 = vector.shape_cast %broadcast_in_dim3A_398 : vector<16xf32> to vector<1x16xf32>
      tpu.vector_store %arg18[%swap3A_786, %swap3A_787], %swap3A_790 {strides = array<i32>} : memref<128x64xf32, #tpu.memory_space<vmem>>, vector<1x16xf32>,
      %swap3A_791 = arith.index_cast %scan3A_780 : i32 to index
      %swap3A_792 = arith.constant 32 : index
      %swap3A_793 = tpu.vector_load %arg18[%swap3A_791, %swap3A_792] {strides = array<i32>} : memref<128x64xf32, #tpu.memory_space<vmem>>, vector<1x16xf32>,
      %swap3A_794 = vector.shape_cast %swap3A_793 : vector<1x16xf32> to vector<16xf32>
      %swap3A_795 = vector.shape_cast %broadcast_in_dim3A_398 : vector<16xf32> to vector<1x16xf32>
      tpu.vector_store %arg18[%swap3A_791, %swap3A_792], %swap3A_795 {strides = array<i32>} : memref<128x64xf32, #tpu.memory_space<vmem>>, vector<1x16xf32>,
      %swap3A_796 = arith.index_cast %scan3A_780 : i32 to index
      %swap3A_797 = arith.constant 48 : index
      %swap3A_798 = tpu.vector_load %arg18[%swap3A_796, %swap3A_797] {strides = array<i32>} : memref<128x64xf32, #tpu.memory_space<vmem>>, vector<1x16xf32>,
      %swap3A_799 = vector.shape_cast %swap3A_798 : vector<1x16xf32> to vector<16xf32>
      %swap3A_800 = vector.shape_cast %broadcast_in_dim3A_398 : vector<16xf32> to vector<1x16xf32>
      tpu.vector_store %arg18[%swap3A_796, %swap3A_797], %swap3A_800 {strides = array<i32>} : memref<128x64xf32, #tpu.memory_space<vmem>>, vector<1x16xf32>,
    }
    %scan3A_404 = arith.constant 128 : i32
    %eq3A = arith.constant 0 : i32
    %eq3A_405 = arith.cmpi eq, %arg0, %eq3A : i32
    %convert_element_type3A = arith.extui %eq3A_405 : i1 to i32
    %cond3A = arith.constant 0 : i32
    %cond3A_406 = arith.cmpi ne, %convert_element_type3A, %cond3A : i32
    scf.if %cond3A_406 {
      %mul3A_780 = arith.constant 640 : i32
      %mul3A_781 = arith.muli %arg1, %mul3A_780 : i32
      "tpu.region"() ({
        %run_scoped3A_784 = tpu.sem_alloc : memref<!tpu.dma_semaphore, #tpu.memory_space<semaphore_mem>>
        %dma_start3A_785 = arith.constant 0 : i32
        %dma_start3A_786 = tpu.memref_slice %arg21[%mul3A_781, %dma_start3A_785] : memref<10240x16xf32, #tpu.memory_space<vmem_shared>> -> memref<640x16xf32, #tpu.memory_space<vmem_shared>>
        %dma_start3A_787 = arith.constant 0 : i32
        %dma_start3A_788 = tpu.memref_slice %arg21[%mul3A_781, %dma_start3A_787] : memref<10240x16xf32, #tpu.memory_space<vmem_shared>> -> memref<640x16xf32, #tpu.memory_space<vmem_shared>>
        tpu.enqueue_dma source(%dma_start3A_788 : memref<640x16xf32, #tpu.memory_space<vmem_shared>>) target(%arg19 : memref<640x16xf32, #tpu.memory_space<vmem>>) target_semaphore(%run_scoped3A_784 : memref<!tpu.dma_semaphore, #tpu.memory_space<semaphore_mem>>)
        %dma_wait3A_789 = arith.constant 0 : i32
        %dma_wait3A_790 = tpu.memref_slice %arg21[%mul3A_781, %dma_wait3A_789] : memref<10240x16xf32, #tpu.memory_space<vmem_shared>> -> memref<640x16xf32, #tpu.memory_space<vmem_shared>>
        %dma_wait3A_791 = arith.constant 0 : i32
        %dma_wait3A_792 = tpu.memref_slice %arg21[%mul3A_781, %dma_wait3A_791] : memref<10240x16xf32, #tpu.memory_space<vmem_shared>> -> memref<640x16xf32, #tpu.memory_space<vmem_shared>>
        tpu.wait_dma2 semaphore(%run_scoped3A_784 : memref<!tpu.dma_semaphore, #tpu.memory_space<semaphore_mem>>) src(%dma_wait3A_792 : memref<640x16xf32, #tpu.memory_space<vmem_shared>>) dst(%arg19 : memref<640x16xf32, #tpu.memory_space<vmem>>)
        tpu.yield
      }) : () -> ()
      %mul3A_782 = arith.constant 640 : i32
      %mul3A_783 = arith.muli %arg1, %mul3A_782 : i32
      "tpu.region"() ({
        %run_scoped3A_784 = tpu.sem_alloc : memref<!tpu.dma_semaphore, #tpu.memory_space<semaphore_mem>>
        %dma_start3A_785 = arith.constant 0 : i32
        %dma_start3A_786 = tpu.memref_slice %arg6[%mul3A_783, %dma_start3A_785] : memref<10240x16xf32, #tpu.memory_space<hbm>> -> memref<640x16xf32, #tpu.memory_space<hbm>>
        %dma_start3A_787 = arith.constant 0 : i32
        %dma_start3A_788 = tpu.memref_slice %arg6[%mul3A_783, %dma_start3A_787] : memref<10240x16xf32, #tpu.memory_space<hbm>> -> memref<640x16xf32, #tpu.memory_space<hbm>>
        tpu.enqueue_dma source(%arg19 : memref<640x16xf32, #tpu.memory_space<vmem>>) target(%dma_start3A_788 : memref<640x16xf32, #tpu.memory_space<hbm>>) target_semaphore(%run_scoped3A_784 : memref<!tpu.dma_semaphore, #tpu.memory_space<semaphore_mem>>)
        %dma_wait3A_789 = arith.constant 0 : i32
        %dma_wait3A_790 = tpu.memref_slice %arg6[%mul3A_783, %dma_wait3A_789] : memref<10240x16xf32, #tpu.memory_space<hbm>> -> memref<640x16xf32, #tpu.memory_space<hbm>>
        %dma_wait3A_791 = arith.constant 0 : i32
        %dma_wait3A_792 = tpu.memref_slice %arg6[%mul3A_783, %dma_wait3A_791] : memref<10240x16xf32, #tpu.memory_space<hbm>> -> memref<640x16xf32, #tpu.memory_space<hbm>>
        tpu.wait_dma2 semaphore(%run_scoped3A_784 : memref<!tpu.dma_semaphore, #tpu.memory_space<semaphore_mem>>) src(%arg19 : memref<640x16xf32, #tpu.memory_space<vmem>>) dst(%dma_wait3A_792 : memref<640x16xf32, #tpu.memory_space<hbm>>)
        tpu.yield
      }) : () -> ()
    } else {
    }
    %add3A_407 = arith.constant 2 : i32
    %add3A_408 = arith.addi %add3A_407, %arg0 : i32
    %mul3A_409 = arith.constant 640 : i32
    %mul3A_410 = arith.muli %arg1, %mul3A_409 : i32
    %add3A_411 = arith.constant 0 : i32
    %add3A_412 = arith.addi %mul3A_410, %add3A_411 : i32
    "tpu.region"() ({
      %run_scoped3A_780 = tpu.sem_alloc : memref<!tpu.dma_semaphore, #tpu.memory_space<semaphore_mem>>
      %dma_start3A_781 = arith.constant 0 : i32
      %dma_start3A_782 = tpu.memref_slice %arg20[%add3A_412, %dma_start3A_781] : memref<10240x64xf32, #tpu.memory_space<vmem_shared>> -> memref<128x64xf32, #tpu.memory_space<vmem_shared>>
      %dma_start3A_783 = arith.constant 0 : i32
      %dma_start3A_784 = tpu.memref_slice %arg20[%add3A_412, %dma_start3A_783] : memref<10240x64xf32, #tpu.memory_space<vmem_shared>> -> memref<128x64xf32, #tpu.memory_space<vmem_shared>>
      tpu.enqueue_dma source(%arg18 : memref<128x64xf32, #tpu.memory_space<vmem>>) target(%dma_start3A_784 : memref<128x64xf32, #tpu.memory_space<vmem_shared>>) target_semaphore(%run_scoped3A_780 : memref<!tpu.dma_semaphore, #tpu.memory_space<semaphore_mem>>)
      %dma_wait3A_785 = arith.constant 0 : i32
      %dma_wait3A_786 = tpu.memref_slice %arg20[%add3A_412, %dma_wait3A_785] : memref<10240x64xf32, #tpu.memory_space<vmem_shared>> -> memref<128x64xf32, #tpu.memory_space<vmem_shared>>
      %dma_wait3A_787 = arith.constant 0 : i32
      %dma_wait3A_788 = tpu.memref_slice %arg20[%add3A_412, %dma_wait3A_787] : memref<10240x64xf32, #tpu.memory_space<vmem_shared>> -> memref<128x64xf32, #tpu.memory_space<vmem_shared>>
      tpu.wait_dma2 semaphore(%run_scoped3A_780 : memref<!tpu.dma_semaphore, #tpu.memory_space<semaphore_mem>>) src(%arg18 : memref<128x64xf32, #tpu.memory_space<vmem>>) dst(%dma_wait3A_788 : memref<128x64xf32, #tpu.memory_space<vmem_shared>>)
      tpu.yield
    }) : () -> ()
    %mul3A_413 = arith.constant 640 : i32
    %mul3A_414 = arith.muli %arg1, %mul3A_413 : i32
    %add3A_415 = arith.constant 128 : i32
    %add3A_416 = arith.addi %mul3A_414, %add3A_415 : i32
    "tpu.region"() ({
      %run_scoped3A_780 = tpu.sem_alloc : memref<!tpu.dma_semaphore, #tpu.memory_space<semaphore_mem>>
      %dma_start3A_781 = arith.constant 0 : i32
      %dma_start3A_782 = tpu.memref_slice %arg20[%add3A_416, %dma_start3A_781] : memref<10240x64xf32, #tpu.memory_space<vmem_shared>> -> memref<128x64xf32, #tpu.memory_space<vmem_shared>>
      %dma_start3A_783 = arith.constant 0 : i32
      %dma_start3A_784 = tpu.memref_slice %arg20[%add3A_416, %dma_start3A_783] : memref<10240x64xf32, #tpu.memory_space<vmem_shared>> -> memref<128x64xf32, #tpu.memory_space<vmem_shared>>
      tpu.enqueue_dma source(%arg18 : memref<128x64xf32, #tpu.memory_space<vmem>>) target(%dma_start3A_784 : memref<128x64xf32, #tpu.memory_space<vmem_shared>>) target_semaphore(%run_scoped3A_780 : memref<!tpu.dma_semaphore, #tpu.memory_space<semaphore_mem>>)
      %dma_wait3A_785 = arith.constant 0 : i32
      %dma_wait3A_786 = tpu.memref_slice %arg20[%add3A_416, %dma_wait3A_785] : memref<10240x64xf32, #tpu.memory_space<vmem_shared>> -> memref<128x64xf32, #tpu.memory_space<vmem_shared>>
      %dma_wait3A_787 = arith.constant 0 : i32
      %dma_wait3A_788 = tpu.memref_slice %arg20[%add3A_416, %dma_wait3A_787] : memref<10240x64xf32, #tpu.memory_space<vmem_shared>> -> memref<128x64xf32, #tpu.memory_space<vmem_shared>>
      tpu.wait_dma2 semaphore(%run_scoped3A_780 : memref<!tpu.dma_semaphore, #tpu.memory_space<semaphore_mem>>) src(%arg18 : memref<128x64xf32, #tpu.memory_space<vmem>>) dst(%dma_wait3A_788 : memref<128x64xf32, #tpu.memory_space<vmem_shared>>)
      tpu.yield
    }) : () -> ()
    %mul3A_417 = arith.constant 640 : i32
    %mul3A_418 = arith.muli %arg1, %mul3A_417 : i32
    %add3A_419 = arith.constant 256 : i32
    %add3A_420 = arith.addi %mul3A_418, %add3A_419 : i32
    "tpu.region"() ({
      %run_scoped3A_780 = tpu.sem_alloc : memref<!tpu.dma_semaphore, #tpu.memory_space<semaphore_mem>>
      %dma_start3A_781 = arith.constant 0 : i32
      %dma_start3A_782 = tpu.memref_slice %arg20[%add3A_420, %dma_start3A_781] : memref<10240x64xf32, #tpu.memory_space<vmem_shared>> -> memref<128x64xf32, #tpu.memory_space<vmem_shared>>
      %dma_start3A_783 = arith.constant 0 : i32
      %dma_start3A_784 = tpu.memref_slice %arg20[%add3A_420, %dma_start3A_783] : memref<10240x64xf32, #tpu.memory_space<vmem_shared>> -> memref<128x64xf32, #tpu.memory_space<vmem_shared>>
      tpu.enqueue_dma source(%arg18 : memref<128x64xf32, #tpu.memory_space<vmem>>) target(%dma_start3A_784 : memref<128x64xf32, #tpu.memory_space<vmem_shared>>) target_semaphore(%run_scoped3A_780 : memref<!tpu.dma_semaphore, #tpu.memory_space<semaphore_mem>>)
      %dma_wait3A_785 = arith.constant 0 : i32
      %dma_wait3A_786 = tpu.memref_slice %arg20[%add3A_420, %dma_wait3A_785] : memref<10240x64xf32, #tpu.memory_space<vmem_shared>> -> memref<128x64xf32, #tpu.memory_space<vmem_shared>>
      %dma_wait3A_787 = arith.constant 0 : i32
      %dma_wait3A_788 = tpu.memref_slice %arg20[%add3A_420, %dma_wait3A_787] : memref<10240x64xf32, #tpu.memory_space<vmem_shared>> -> memref<128x64xf32, #tpu.memory_space<vmem_shared>>
      tpu.wait_dma2 semaphore(%run_scoped3A_780 : memref<!tpu.dma_semaphore, #tpu.memory_space<semaphore_mem>>) src(%arg18 : memref<128x64xf32, #tpu.memory_space<vmem>>) dst(%dma_wait3A_788 : memref<128x64xf32, #tpu.memory_space<vmem_shared>>)
      tpu.yield
    }) : () -> ()
    %mul3A_421 = arith.constant 640 : i32
    %mul3A_422 = arith.muli %arg1, %mul3A_421 : i32
    %add3A_423 = arith.constant 384 : i32
    %add3A_424 = arith.addi %mul3A_422, %add3A_423 : i32
    "tpu.region"() ({
      %run_scoped3A_780 = tpu.sem_alloc : memref<!tpu.dma_semaphore, #tpu.memory_space<semaphore_mem>>
      %dma_start3A_781 = arith.constant 0 : i32
      %dma_start3A_782 = tpu.memref_slice %arg20[%add3A_424, %dma_start3A_781] : memref<10240x64xf32, #tpu.memory_space<vmem_shared>> -> memref<128x64xf32, #tpu.memory_space<vmem_shared>>
      %dma_start3A_783 = arith.constant 0 : i32
      %dma_start3A_784 = tpu.memref_slice %arg20[%add3A_424, %dma_start3A_783] : memref<10240x64xf32, #tpu.memory_space<vmem_shared>> -> memref<128x64xf32, #tpu.memory_space<vmem_shared>>
      tpu.enqueue_dma source(%arg18 : memref<128x64xf32, #tpu.memory_space<vmem>>) target(%dma_start3A_784 : memref<128x64xf32, #tpu.memory_space<vmem_shared>>) target_semaphore(%run_scoped3A_780 : memref<!tpu.dma_semaphore, #tpu.memory_space<semaphore_mem>>)
      %dma_wait3A_785 = arith.constant 0 : i32
      %dma_wait3A_786 = tpu.memref_slice %arg20[%add3A_424, %dma_wait3A_785] : memref<10240x64xf32, #tpu.memory_space<vmem_shared>> -> memref<128x64xf32, #tpu.memory_space<vmem_shared>>
      %dma_wait3A_787 = arith.constant 0 : i32
      %dma_wait3A_788 = tpu.memref_slice %arg20[%add3A_424, %dma_wait3A_787] : memref<10240x64xf32, #tpu.memory_space<vmem_shared>> -> memref<128x64xf32, #tpu.memory_space<vmem_shared>>
      tpu.wait_dma2 semaphore(%run_scoped3A_780 : memref<!tpu.dma_semaphore, #tpu.memory_space<semaphore_mem>>) src(%arg18 : memref<128x64xf32, #tpu.memory_space<vmem>>) dst(%dma_wait3A_788 : memref<128x64xf32, #tpu.memory_space<vmem_shared>>)
      tpu.yield
    }) : () -> ()
    %mul3A_425 = arith.constant 640 : i32
    %mul3A_426 = arith.muli %arg1, %mul3A_425 : i32
    %add3A_427 = arith.constant 512 : i32
    %add3A_428 = arith.addi %mul3A_426, %add3A_427 : i32
    "tpu.region"() ({
      %run_scoped3A_780 = tpu.sem_alloc : memref<!tpu.dma_semaphore, #tpu.memory_space<semaphore_mem>>
      %dma_start3A_781 = arith.constant 0 : i32
      %dma_start3A_782 = tpu.memref_slice %arg20[%add3A_428, %dma_start3A_781] : memref<10240x64xf32, #tpu.memory_space<vmem_shared>> -> memref<128x64xf32, #tpu.memory_space<vmem_shared>>
      %dma_start3A_783 = arith.constant 0 : i32
      %dma_start3A_784 = tpu.memref_slice %arg20[%add3A_428, %dma_start3A_783] : memref<10240x64xf32, #tpu.memory_space<vmem_shared>> -> memref<128x64xf32, #tpu.memory_space<vmem_shared>>
      tpu.enqueue_dma source(%arg18 : memref<128x64xf32, #tpu.memory_space<vmem>>) target(%dma_start3A_784 : memref<128x64xf32, #tpu.memory_space<vmem_shared>>) target_semaphore(%run_scoped3A_780 : memref<!tpu.dma_semaphore, #tpu.memory_space<semaphore_mem>>)
      %dma_wait3A_785 = arith.constant 0 : i32
      %dma_wait3A_786 = tpu.memref_slice %arg20[%add3A_428, %dma_wait3A_785] : memref<10240x64xf32, #tpu.memory_space<vmem_shared>> -> memref<128x64xf32, #tpu.memory_space<vmem_shared>>
      %dma_wait3A_787 = arith.constant 0 : i32
      %dma_wait3A_788 = tpu.memref_slice %arg20[%add3A_428, %dma_wait3A_787] : memref<10240x64xf32, #tpu.memory_space<vmem_shared>> -> memref<128x64xf32, #tpu.memory_space<vmem_shared>>
      tpu.wait_dma2 semaphore(%run_scoped3A_780 : memref<!tpu.dma_semaphore, #tpu.memory_space<semaphore_mem>>) src(%arg18 : memref<128x64xf32, #tpu.memory_space<vmem>>) dst(%dma_wait3A_788 : memref<128x64xf32, #tpu.memory_space<vmem_shared>>)
      tpu.yield
    }) : () -> ()
    %barrier3A_429 = arith.constant 0 : index
    tpu.barrier barrier_id(%barrier3A_429)
    %get3A_430 = arith.constant 0 : i32
    %get3A_431 = arith.index_cast %get3A_430 : i32 to index
    %get3A_432 = arith.constant 0 : index
    %get3A_433 = tpu.vector_load %arg7[%get3A_431, %get3A_432] {strides = array<i32>} : memref<128x80xi32, #tpu.memory_space<vmem>>, vector<1x16xi32>,
    %get3A_434 = vector.shape_cast %get3A_433 : vector<1x16xi32> to vector<16xi32>
    %mul3A_435 = arith.constant 4 : i32
    %mul3A_436 = vector.broadcast %mul3A_435 : i32 to vector<16xi32>
    %mul3A_437 = arith.muli %get3A_434, %mul3A_436 : vector<16xi32>
    %add3A_438 = vector.broadcast %add3A_408 : i32 to vector<16xi32>
    %add3A_439 = arith.addi %mul3A_437, %add3A_438 : vector<16xi32>
    %swap3A_440 = arith.constant 0 : index
    %swap3A_441 = tpu.vector_load %arg9[%swap3A_440] {strides = array<i32>} : memref<80xi32, #tpu.memory_space<vmem>>, vector<16xi32>,
    %swap3A_442 = vector.shape_cast %swap3A_441 : vector<16xi32> to vector<16xi32>
    %swap3A_443 = vector.shape_cast %add3A_439 : vector<16xi32> to vector<16xi32>
    tpu.vector_store %arg9[%swap3A_440], %swap3A_443 {strides = array<i32>} : memref<80xi32, #tpu.memory_space<vmem>>, vector<16xi32>,
    %get3A_444 = arith.constant 0 : i32
    %get3A_445 = arith.index_cast %get3A_444 : i32 to index
    %get3A_446 = arith.constant 16 : index
    %get3A_447 = tpu.vector_load %arg7[%get3A_445, %get3A_446] {strides = array<i32>} : memref<128x80xi32, #tpu.memory_space<vmem>>, vector<1x16xi32>,
    %get3A_448 = vector.shape_cast %get3A_447 : vector<1x16xi32> to vector<16xi32>
    %mul3A_449 = arith.constant 4 : i32
    %mul3A_450 = vector.broadcast %mul3A_449 : i32 to vector<16xi32>
    %mul3A_451 = arith.muli %get3A_448, %mul3A_450 : vector<16xi32>
    %add3A_452 = vector.broadcast %add3A_408 : i32 to vector<16xi32>
    %add3A_453 = arith.addi %mul3A_451, %add3A_452 : vector<16xi32>
    %swap3A_454 = arith.constant 16 : index
    %swap3A_455 = tpu.vector_load %arg9[%swap3A_454] {strides = array<i32>} : memref<80xi32, #tpu.memory_space<vmem>>, vector<16xi32>,
    %swap3A_456 = vector.shape_cast %swap3A_455 : vector<16xi32> to vector<16xi32>
    %swap3A_457 = vector.shape_cast %add3A_453 : vector<16xi32> to vector<16xi32>
    tpu.vector_store %arg9[%swap3A_454], %swap3A_457 {strides = array<i32>} : memref<80xi32, #tpu.memory_space<vmem>>, vector<16xi32>,
    %get3A_458 = arith.constant 0 : i32
    %get3A_459 = arith.index_cast %get3A_458 : i32 to index
    %get3A_460 = arith.constant 32 : index
    %get3A_461 = tpu.vector_load %arg7[%get3A_459, %get3A_460] {strides = array<i32>} : memref<128x80xi32, #tpu.memory_space<vmem>>, vector<1x16xi32>,
    %get3A_462 = vector.shape_cast %get3A_461 : vector<1x16xi32> to vector<16xi32>
    %mul3A_463 = arith.constant 4 : i32
    %mul3A_464 = vector.broadcast %mul3A_463 : i32 to vector<16xi32>
    %mul3A_465 = arith.muli %get3A_462, %mul3A_464 : vector<16xi32>
    %add3A_466 = vector.broadcast %add3A_408 : i32 to vector<16xi32>
    %add3A_467 = arith.addi %mul3A_465, %add3A_466 : vector<16xi32>
    %swap3A_468 = arith.constant 32 : index
    %swap3A_469 = tpu.vector_load %arg9[%swap3A_468] {strides = array<i32>} : memref<80xi32, #tpu.memory_space<vmem>>, vector<16xi32>,
    %swap3A_470 = vector.shape_cast %swap3A_469 : vector<16xi32> to vector<16xi32>
    %swap3A_471 = vector.shape_cast %add3A_467 : vector<16xi32> to vector<16xi32>
    tpu.vector_store %arg9[%swap3A_468], %swap3A_471 {strides = array<i32>} : memref<80xi32, #tpu.memory_space<vmem>>, vector<16xi32>,
    %get3A_472 = arith.constant 0 : i32
    %get3A_473 = arith.index_cast %get3A_472 : i32 to index
    %get3A_474 = arith.constant 48 : index
    %get3A_475 = tpu.vector_load %arg7[%get3A_473, %get3A_474] {strides = array<i32>} : memref<128x80xi32, #tpu.memory_space<vmem>>, vector<1x16xi32>,
    %get3A_476 = vector.shape_cast %get3A_475 : vector<1x16xi32> to vector<16xi32>
    %mul3A_477 = arith.constant 4 : i32
    %mul3A_478 = vector.broadcast %mul3A_477 : i32 to vector<16xi32>
    %mul3A_479 = arith.muli %get3A_476, %mul3A_478 : vector<16xi32>
    %add3A_480 = vector.broadcast %add3A_408 : i32 to vector<16xi32>
    %add3A_481 = arith.addi %mul3A_479, %add3A_480 : vector<16xi32>
    %swap3A_482 = arith.constant 48 : index
    %swap3A_483 = tpu.vector_load %arg9[%swap3A_482] {strides = array<i32>} : memref<80xi32, #tpu.memory_space<vmem>>, vector<16xi32>,
    %swap3A_484 = vector.shape_cast %swap3A_483 : vector<16xi32> to vector<16xi32>
    %swap3A_485 = vector.shape_cast %add3A_481 : vector<16xi32> to vector<16xi32>
    tpu.vector_store %arg9[%swap3A_482], %swap3A_485 {strides = array<i32>} : memref<80xi32, #tpu.memory_space<vmem>>, vector<16xi32>,
    %get3A_486 = arith.constant 0 : i32
    %get3A_487 = arith.index_cast %get3A_486 : i32 to index
    %get3A_488 = arith.constant 64 : index
    %get3A_489 = tpu.vector_load %arg7[%get3A_487, %get3A_488] {strides = array<i32>} : memref<128x80xi32, #tpu.memory_space<vmem>>, vector<1x16xi32>,
    %get3A_490 = vector.shape_cast %get3A_489 : vector<1x16xi32> to vector<16xi32>
    %mul3A_491 = arith.constant 4 : i32
    %mul3A_492 = vector.broadcast %mul3A_491 : i32 to vector<16xi32>
    %mul3A_493 = arith.muli %get3A_490, %mul3A_492 : vector<16xi32>
    %add3A_494 = vector.broadcast %add3A_408 : i32 to vector<16xi32>
    %add3A_495 = arith.addi %mul3A_493, %add3A_494 : vector<16xi32>
    %swap3A_496 = arith.constant 64 : index
    %swap3A_497 = tpu.vector_load %arg9[%swap3A_496] {strides = array<i32>} : memref<80xi32, #tpu.memory_space<vmem>>, vector<16xi32>,
    %swap3A_498 = vector.shape_cast %swap3A_497 : vector<16xi32> to vector<16xi32>
    %swap3A_499 = vector.shape_cast %add3A_495 : vector<16xi32> to vector<16xi32>
    tpu.vector_store %arg9[%swap3A_496], %swap3A_499 {strides = array<i32>} : memref<80xi32, #tpu.memory_space<vmem>>, vector<16xi32>,
    %dma_start3A_500 = arith.constant 0 : i32
    %dma_start3A_501 = arith.constant 0 : i32
    %dma_start3A_502 = tpu.memref_slice %arg2[%dma_start3A_500, %dma_start3A_501] : memref<40000x64xf32, #tpu.memory_space<hbm>> -> memref<40000x64xf32, #tpu.memory_space<hbm>>
    tpu.enqueue_indirect_dma source(%dma_start3A_502 : memref<40000x64xf32, #tpu.memory_space<hbm>>) target(%arg13 : memref<80x64xf32, #tpu.memory_space<vmem>>) offsets(%arg9 : memref<80xi32, #tpu.memory_space<vmem>>) semaphore(%arg22 : memref<!tpu.dma_semaphore, #tpu.memory_space<semaphore_mem>>)
    %get3A_503 = arith.constant 1 : i32
    %get3A_504 = arith.index_cast %get3A_503 : i32 to index
    %get3A_505 = arith.constant 0 : index
    %get3A_506 = tpu.vector_load %arg7[%get3A_504, %get3A_505] {strides = array<i32>} : memref<128x80xi32, #tpu.memory_space<vmem>>, vector<1x16xi32>,
    %get3A_507 = vector.shape_cast %get3A_506 : vector<1x16xi32> to vector<16xi32>
    %mul3A_508 = arith.constant 4 : i32
    %mul3A_509 = vector.broadcast %mul3A_508 : i32 to vector<16xi32>
    %mul3A_510 = arith.muli %get3A_507, %mul3A_509 : vector<16xi32>
    %add3A_511 = vector.broadcast %add3A_408 : i32 to vector<16xi32>
    %add3A_512 = arith.addi %mul3A_510, %add3A_511 : vector<16xi32>
    %swap3A_513 = arith.constant 0 : index
    %swap3A_514 = tpu.vector_load %arg10[%swap3A_513] {strides = array<i32>} : memref<80xi32, #tpu.memory_space<vmem>>, vector<16xi32>,
    %swap3A_515 = vector.shape_cast %swap3A_514 : vector<16xi32> to vector<16xi32>
    %swap3A_516 = vector.shape_cast %add3A_512 : vector<16xi32> to vector<16xi32>
    tpu.vector_store %arg10[%swap3A_513], %swap3A_516 {strides = array<i32>} : memref<80xi32, #tpu.memory_space<vmem>>, vector<16xi32>,
    %get3A_517 = arith.constant 1 : i32
    %get3A_518 = arith.index_cast %get3A_517 : i32 to index
    %get3A_519 = arith.constant 16 : index
    %get3A_520 = tpu.vector_load %arg7[%get3A_518, %get3A_519] {strides = array<i32>} : memref<128x80xi32, #tpu.memory_space<vmem>>, vector<1x16xi32>,
    %get3A_521 = vector.shape_cast %get3A_520 : vector<1x16xi32> to vector<16xi32>
    %mul3A_522 = arith.constant 4 : i32
    %mul3A_523 = vector.broadcast %mul3A_522 : i32 to vector<16xi32>
    %mul3A_524 = arith.muli %get3A_521, %mul3A_523 : vector<16xi32>
    %add3A_525 = vector.broadcast %add3A_408 : i32 to vector<16xi32>
    %add3A_526 = arith.addi %mul3A_524, %add3A_525 : vector<16xi32>
    %swap3A_527 = arith.constant 16 : index
    %swap3A_528 = tpu.vector_load %arg10[%swap3A_527] {strides = array<i32>} : memref<80xi32, #tpu.memory_space<vmem>>, vector<16xi32>,
    %swap3A_529 = vector.shape_cast %swap3A_528 : vector<16xi32> to vector<16xi32>
    %swap3A_530 = vector.shape_cast %add3A_526 : vector<16xi32> to vector<16xi32>
    tpu.vector_store %arg10[%swap3A_527], %swap3A_530 {strides = array<i32>} : memref<80xi32, #tpu.memory_space<vmem>>, vector<16xi32>,
    %get3A_531 = arith.constant 1 : i32
    %get3A_532 = arith.index_cast %get3A_531 : i32 to index
    %get3A_533 = arith.constant 32 : index
    %get3A_534 = tpu.vector_load %arg7[%get3A_532, %get3A_533] {strides = array<i32>} : memref<128x80xi32, #tpu.memory_space<vmem>>, vector<1x16xi32>,
    %get3A_535 = vector.shape_cast %get3A_534 : vector<1x16xi32> to vector<16xi32>
    %mul3A_536 = arith.constant 4 : i32
    %mul3A_537 = vector.broadcast %mul3A_536 : i32 to vector<16xi32>
    %mul3A_538 = arith.muli %get3A_535, %mul3A_537 : vector<16xi32>
    %add3A_539 = vector.broadcast %add3A_408 : i32 to vector<16xi32>
    %add3A_540 = arith.addi %mul3A_538, %add3A_539 : vector<16xi32>
    %swap3A_541 = arith.constant 32 : index
    %swap3A_542 = tpu.vector_load %arg10[%swap3A_541] {strides = array<i32>} : memref<80xi32, #tpu.memory_space<vmem>>, vector<16xi32>,
    %swap3A_543 = vector.shape_cast %swap3A_542 : vector<16xi32> to vector<16xi32>
    %swap3A_544 = vector.shape_cast %add3A_540 : vector<16xi32> to vector<16xi32>
    tpu.vector_store %arg10[%swap3A_541], %swap3A_544 {strides = array<i32>} : memref<80xi32, #tpu.memory_space<vmem>>, vector<16xi32>,
    %get3A_545 = arith.constant 1 : i32
    %get3A_546 = arith.index_cast %get3A_545 : i32 to index
    %get3A_547 = arith.constant 48 : index
    %get3A_548 = tpu.vector_load %arg7[%get3A_546, %get3A_547] {strides = array<i32>} : memref<128x80xi32, #tpu.memory_space<vmem>>, vector<1x16xi32>,
    %get3A_549 = vector.shape_cast %get3A_548 : vector<1x16xi32> to vector<16xi32>
    %mul3A_550 = arith.constant 4 : i32
    %mul3A_551 = vector.broadcast %mul3A_550 : i32 to vector<16xi32>
    %mul3A_552 = arith.muli %get3A_549, %mul3A_551 : vector<16xi32>
    %add3A_553 = vector.broadcast %add3A_408 : i32 to vector<16xi32>
    %add3A_554 = arith.addi %mul3A_552, %add3A_553 : vector<16xi32>
    %swap3A_555 = arith.constant 48 : index
    %swap3A_556 = tpu.vector_load %arg10[%swap3A_555] {strides = array<i32>} : memref<80xi32, #tpu.memory_space<vmem>>, vector<16xi32>,
    %swap3A_557 = vector.shape_cast %swap3A_556 : vector<16xi32> to vector<16xi32>
    %swap3A_558 = vector.shape_cast %add3A_554 : vector<16xi32> to vector<16xi32>
    tpu.vector_store %arg10[%swap3A_555], %swap3A_558 {strides = array<i32>} : memref<80xi32, #tpu.memory_space<vmem>>, vector<16xi32>,
    %get3A_559 = arith.constant 1 : i32
    %get3A_560 = arith.index_cast %get3A_559 : i32 to index
    %get3A_561 = arith.constant 64 : index
    %get3A_562 = tpu.vector_load %arg7[%get3A_560, %get3A_561] {strides = array<i32>} : memref<128x80xi32, #tpu.memory_space<vmem>>, vector<1x16xi32>,
    %get3A_563 = vector.shape_cast %get3A_562 : vector<1x16xi32> to vector<16xi32>
    %mul3A_564 = arith.constant 4 : i32
    %mul3A_565 = vector.broadcast %mul3A_564 : i32 to vector<16xi32>
    %mul3A_566 = arith.muli %get3A_563, %mul3A_565 : vector<16xi32>
    %add3A_567 = vector.broadcast %add3A_408 : i32 to vector<16xi32>
    %add3A_568 = arith.addi %mul3A_566, %add3A_567 : vector<16xi32>
    %swap3A_569 = arith.constant 64 : index
    %swap3A_570 = tpu.vector_load %arg10[%swap3A_569] {strides = array<i32>} : memref<80xi32, #tpu.memory_space<vmem>>, vector<16xi32>,
    %swap3A_571 = vector.shape_cast %swap3A_570 : vector<16xi32> to vector<16xi32>
    %swap3A_572 = vector.shape_cast %add3A_568 : vector<16xi32> to vector<16xi32>
    tpu.vector_store %arg10[%swap3A_569], %swap3A_572 {strides = array<i32>} : memref<80xi32, #tpu.memory_space<vmem>>, vector<16xi32>,
    %dma_start3A_573 = arith.constant 0 : i32
    %dma_start3A_574 = arith.constant 0 : i32
    %dma_start3A_575 = tpu.memref_slice %arg2[%dma_start3A_573, %dma_start3A_574] : memref<40000x64xf32, #tpu.memory_space<hbm>> -> memref<40000x64xf32, #tpu.memory_space<hbm>>
    tpu.enqueue_indirect_dma source(%dma_start3A_575 : memref<40000x64xf32, #tpu.memory_space<hbm>>) target(%arg14 : memref<80x64xf32, #tpu.memory_space<vmem>>) offsets(%arg10 : memref<80xi32, #tpu.memory_space<vmem>>) semaphore(%arg23 : memref<!tpu.dma_semaphore, #tpu.memory_space<semaphore_mem>>)
    %get3A_576 = arith.constant 2 : i32
    %get3A_577 = arith.index_cast %get3A_576 : i32 to index
    %get3A_578 = arith.constant 0 : index
    %get3A_579 = tpu.vector_load %arg7[%get3A_577, %get3A_578] {strides = array<i32>} : memref<128x80xi32, #tpu.memory_space<vmem>>, vector<1x16xi32>,
    %get3A_580 = vector.shape_cast %get3A_579 : vector<1x16xi32> to vector<16xi32>
    %mul3A_581 = arith.constant 4 : i32
    %mul3A_582 = vector.broadcast %mul3A_581 : i32 to vector<16xi32>
    %mul3A_583 = arith.muli %get3A_580, %mul3A_582 : vector<16xi32>
    %add3A_584 = vector.broadcast %add3A_408 : i32 to vector<16xi32>
    %add3A_585 = arith.addi %mul3A_583, %add3A_584 : vector<16xi32>
    %swap3A_586 = arith.constant 0 : index
    %swap3A_587 = tpu.vector_load %arg11[%swap3A_586] {strides = array<i32>} : memref<80xi32, #tpu.memory_space<vmem>>, vector<16xi32>,
    %swap3A_588 = vector.shape_cast %swap3A_587 : vector<16xi32> to vector<16xi32>
    %swap3A_589 = vector.shape_cast %add3A_585 : vector<16xi32> to vector<16xi32>
    tpu.vector_store %arg11[%swap3A_586], %swap3A_589 {strides = array<i32>} : memref<80xi32, #tpu.memory_space<vmem>>, vector<16xi32>,
    %get3A_590 = arith.constant 2 : i32
    %get3A_591 = arith.index_cast %get3A_590 : i32 to index
    %get3A_592 = arith.constant 16 : index
    %get3A_593 = tpu.vector_load %arg7[%get3A_591, %get3A_592] {strides = array<i32>} : memref<128x80xi32, #tpu.memory_space<vmem>>, vector<1x16xi32>,
    %get3A_594 = vector.shape_cast %get3A_593 : vector<1x16xi32> to vector<16xi32>
    %mul3A_595 = arith.constant 4 : i32
    %mul3A_596 = vector.broadcast %mul3A_595 : i32 to vector<16xi32>
    %mul3A_597 = arith.muli %get3A_594, %mul3A_596 : vector<16xi32>
    %add3A_598 = vector.broadcast %add3A_408 : i32 to vector<16xi32>
    %add3A_599 = arith.addi %mul3A_597, %add3A_598 : vector<16xi32>
    %swap3A_600 = arith.constant 16 : index
    %swap3A_601 = tpu.vector_load %arg11[%swap3A_600] {strides = array<i32>} : memref<80xi32, #tpu.memory_space<vmem>>, vector<16xi32>,
    %swap3A_602 = vector.shape_cast %swap3A_601 : vector<16xi32> to vector<16xi32>
    %swap3A_603 = vector.shape_cast %add3A_599 : vector<16xi32> to vector<16xi32>
    tpu.vector_store %arg11[%swap3A_600], %swap3A_603 {strides = array<i32>} : memref<80xi32, #tpu.memory_space<vmem>>, vector<16xi32>,
    %get3A_604 = arith.constant 2 : i32
    %get3A_605 = arith.index_cast %get3A_604 : i32 to index
    %get3A_606 = arith.constant 32 : index
    %get3A_607 = tpu.vector_load %arg7[%get3A_605, %get3A_606] {strides = array<i32>} : memref<128x80xi32, #tpu.memory_space<vmem>>, vector<1x16xi32>,
    %get3A_608 = vector.shape_cast %get3A_607 : vector<1x16xi32> to vector<16xi32>
    %mul3A_609 = arith.constant 4 : i32
    %mul3A_610 = vector.broadcast %mul3A_609 : i32 to vector<16xi32>
    %mul3A_611 = arith.muli %get3A_608, %mul3A_610 : vector<16xi32>
    %add3A_612 = vector.broadcast %add3A_408 : i32 to vector<16xi32>
    %add3A_613 = arith.addi %mul3A_611, %add3A_612 : vector<16xi32>
    %swap3A_614 = arith.constant 32 : index
    %swap3A_615 = tpu.vector_load %arg11[%swap3A_614] {strides = array<i32>} : memref<80xi32, #tpu.memory_space<vmem>>, vector<16xi32>,
    %swap3A_616 = vector.shape_cast %swap3A_615 : vector<16xi32> to vector<16xi32>
    %swap3A_617 = vector.shape_cast %add3A_613 : vector<16xi32> to vector<16xi32>
    tpu.vector_store %arg11[%swap3A_614], %swap3A_617 {strides = array<i32>} : memref<80xi32, #tpu.memory_space<vmem>>, vector<16xi32>,
    %get3A_618 = arith.constant 2 : i32
    %get3A_619 = arith.index_cast %get3A_618 : i32 to index
    %get3A_620 = arith.constant 48 : index
    %get3A_621 = tpu.vector_load %arg7[%get3A_619, %get3A_620] {strides = array<i32>} : memref<128x80xi32, #tpu.memory_space<vmem>>, vector<1x16xi32>,
    %get3A_622 = vector.shape_cast %get3A_621 : vector<1x16xi32> to vector<16xi32>
    %mul3A_623 = arith.constant 4 : i32
    %mul3A_624 = vector.broadcast %mul3A_623 : i32 to vector<16xi32>
    %mul3A_625 = arith.muli %get3A_622, %mul3A_624 : vector<16xi32>
    %add3A_626 = vector.broadcast %add3A_408 : i32 to vector<16xi32>
    %add3A_627 = arith.addi %mul3A_625, %add3A_626 : vector<16xi32>
    %swap3A_628 = arith.constant 48 : index
    %swap3A_629 = tpu.vector_load %arg11[%swap3A_628] {strides = array<i32>} : memref<80xi32, #tpu.memory_space<vmem>>, vector<16xi32>,
    %swap3A_630 = vector.shape_cast %swap3A_629 : vector<16xi32> to vector<16xi32>
    %swap3A_631 = vector.shape_cast %add3A_627 : vector<16xi32> to vector<16xi32>
    tpu.vector_store %arg11[%swap3A_628], %swap3A_631 {strides = array<i32>} : memref<80xi32, #tpu.memory_space<vmem>>, vector<16xi32>,
    %get3A_632 = arith.constant 2 : i32
    %get3A_633 = arith.index_cast %get3A_632 : i32 to index
    %get3A_634 = arith.constant 64 : index
    %get3A_635 = tpu.vector_load %arg7[%get3A_633, %get3A_634] {strides = array<i32>} : memref<128x80xi32, #tpu.memory_space<vmem>>, vector<1x16xi32>,
    %get3A_636 = vector.shape_cast %get3A_635 : vector<1x16xi32> to vector<16xi32>
    %mul3A_637 = arith.constant 4 : i32
    %mul3A_638 = vector.broadcast %mul3A_637 : i32 to vector<16xi32>
    %mul3A_639 = arith.muli %get3A_636, %mul3A_638 : vector<16xi32>
    %add3A_640 = vector.broadcast %add3A_408 : i32 to vector<16xi32>
    %add3A_641 = arith.addi %mul3A_639, %add3A_640 : vector<16xi32>
    %swap3A_642 = arith.constant 64 : index
    %swap3A_643 = tpu.vector_load %arg11[%swap3A_642] {strides = array<i32>} : memref<80xi32, #tpu.memory_space<vmem>>, vector<16xi32>,
    %swap3A_644 = vector.shape_cast %swap3A_643 : vector<16xi32> to vector<16xi32>
    %swap3A_645 = vector.shape_cast %add3A_641 : vector<16xi32> to vector<16xi32>
    tpu.vector_store %arg11[%swap3A_642], %swap3A_645 {strides = array<i32>} : memref<80xi32, #tpu.memory_space<vmem>>, vector<16xi32>,
    %dma_start3A_646 = arith.constant 0 : i32
    %dma_start3A_647 = arith.constant 0 : i32
    %dma_start3A_648 = tpu.memref_slice %arg2[%dma_start3A_646, %dma_start3A_647] : memref<40000x64xf32, #tpu.memory_space<hbm>> -> memref<40000x64xf32, #tpu.memory_space<hbm>>
    tpu.enqueue_indirect_dma source(%dma_start3A_648 : memref<40000x64xf32, #tpu.memory_space<hbm>>) target(%arg15 : memref<80x64xf32, #tpu.memory_space<vmem>>) offsets(%arg11 : memref<80xi32, #tpu.memory_space<vmem>>) semaphore(%arg24 : memref<!tpu.dma_semaphore, #tpu.memory_space<semaphore_mem>>)
    %dma_wait3A_649 = arith.constant 0 : i32
    %dma_wait3A_650 = arith.constant 0 : i32
    %dma_wait3A_651 = tpu.memref_slice %arg2[%dma_wait3A_649, %dma_wait3A_650] : memref<40000x64xf32, #tpu.memory_space<hbm>> -> memref<40000x64xf32, #tpu.memory_space<hbm>>
    tpu.wait_indirect_dma semaphore(%arg22 : memref<!tpu.dma_semaphore, #tpu.memory_space<semaphore_mem>>) src(%dma_wait3A_651 : memref<40000x64xf32, #tpu.memory_space<hbm>>) dst(%arg13 : memref<80x64xf32, #tpu.memory_space<vmem>>)
    %run_scoped3A_652 = arith.constant 0 : i32
    "tpu.region"() ({
      %run_scoped3A_780 = tpu.sem_alloc : memref<!tpu.dma_semaphore, #tpu.memory_space<semaphore_mem>>
      %dma_start3A_781 = arith.constant 0 : i32
      %dma_start3A_782 = tpu.memref_slice %arg8[%run_scoped3A_652, %dma_start3A_781] : memref<128x80xi32, #tpu.memory_space<vmem>> -> memref<1x80xi32, #tpu.memory_space<vmem>>
      %dma_start3A_783 = tpu.memref_squeeze %dma_start3A_782 : memref<1x80xi32, #tpu.memory_space<vmem>> -> memref<80xi32, #tpu.memory_space<vmem>>
      %dma_start3A_784 = arith.constant 0 : i32
      %dma_start3A_785 = arith.constant 0 : i32
      %dma_start3A_786 = tpu.memref_slice %arg20[%dma_start3A_784, %dma_start3A_785] : memref<10240x64xf32, #tpu.memory_space<vmem_shared>> -> memref<10240x64xf32, #tpu.memory_space<vmem_shared>>
      tpu.enqueue_indirect_dma source(%arg13 : memref<80x64xf32, #tpu.memory_space<vmem>>) target(%dma_start3A_786 : memref<10240x64xf32, #tpu.memory_space<vmem_shared>>) offsets(%dma_start3A_783 : memref<80xi32, #tpu.memory_space<vmem>>) semaphore(%run_scoped3A_780 : memref<!tpu.dma_semaphore, #tpu.memory_space<semaphore_mem>>) {add = true}
      %dma_wait3A_787 = arith.constant 0 : i32
      %dma_wait3A_788 = tpu.memref_slice %arg8[%run_scoped3A_652, %dma_wait3A_787] : memref<128x80xi32, #tpu.memory_space<vmem>> -> memref<1x80xi32, #tpu.memory_space<vmem>>
      %dma_wait3A_789 = tpu.memref_squeeze %dma_wait3A_788 : memref<1x80xi32, #tpu.memory_space<vmem>> -> memref<80xi32, #tpu.memory_space<vmem>>
      %dma_wait3A_790 = arith.constant 0 : i32
      %dma_wait3A_791 = arith.constant 0 : i32
      %dma_wait3A_792 = tpu.memref_slice %arg20[%dma_wait3A_790, %dma_wait3A_791] : memref<10240x64xf32, #tpu.memory_space<vmem_shared>> -> memref<10240x64xf32, #tpu.memory_space<vmem_shared>>
      tpu.wait_indirect_dma semaphore(%run_scoped3A_780 : memref<!tpu.dma_semaphore, #tpu.memory_space<semaphore_mem>>) src(%arg13 : memref<80x64xf32, #tpu.memory_space<vmem>>) dst(%dma_wait3A_792 : memref<10240x64xf32, #tpu.memory_space<vmem_shared>>)
      tpu.yield
    }) : () -> ()
    %get3A_653 = arith.constant 3 : i32
    %get3A_654 = arith.index_cast %get3A_653 : i32 to index
    %get3A_655 = arith.constant 0 : index
    %get3A_656 = tpu.vector_load %arg7[%get3A_654, %get3A_655] {strides = array<i32>} : memref<128x80xi32, #tpu.memory_space<vmem>>, vector<1x16xi32>,
    %get3A_657 = vector.shape_cast %get3A_656 : vector<1x16xi32> to vector<16xi32>
    %mul3A_658 = arith.constant 4 : i32
    %mul3A_659 = vector.broadcast %mul3A_658 : i32 to vector<16xi32>
    %mul3A_660 = arith.muli %get3A_657, %mul3A_659 : vector<16xi32>
    %add3A_661 = vector.broadcast %add3A_408 : i32 to vector<16xi32>
    %add3A_662 = arith.addi %mul3A_660, %add3A_661 : vector<16xi32>
    %swap3A_663 = arith.constant 0 : index
    %swap3A_664 = tpu.vector_load %arg12[%swap3A_663] {strides = array<i32>} : memref<80xi32, #tpu.memory_space<vmem>>, vector<16xi32>,
    %swap3A_665 = vector.shape_cast %swap3A_664 : vector<16xi32> to vector<16xi32>
    %swap3A_666 = vector.shape_cast %add3A_662 : vector<16xi32> to vector<16xi32>
    tpu.vector_store %arg12[%swap3A_663], %swap3A_666 {strides = array<i32>} : memref<80xi32, #tpu.memory_space<vmem>>, vector<16xi32>,
    %get3A_667 = arith.constant 3 : i32
    %get3A_668 = arith.index_cast %get3A_667 : i32 to index
    %get3A_669 = arith.constant 16 : index
    %get3A_670 = tpu.vector_load %arg7[%get3A_668, %get3A_669] {strides = array<i32>} : memref<128x80xi32, #tpu.memory_space<vmem>>, vector<1x16xi32>,
    %get3A_671 = vector.shape_cast %get3A_670 : vector<1x16xi32> to vector<16xi32>
    %mul3A_672 = arith.constant 4 : i32
    %mul3A_673 = vector.broadcast %mul3A_672 : i32 to vector<16xi32>
    %mul3A_674 = arith.muli %get3A_671, %mul3A_673 : vector<16xi32>
    %add3A_675 = vector.broadcast %add3A_408 : i32 to vector<16xi32>
    %add3A_676 = arith.addi %mul3A_674, %add3A_675 : vector<16xi32>
    %swap3A_677 = arith.constant 16 : index
    %swap3A_678 = tpu.vector_load %arg12[%swap3A_677] {strides = array<i32>} : memref<80xi32, #tpu.memory_space<vmem>>, vector<16xi32>,
    %swap3A_679 = vector.shape_cast %swap3A_678 : vector<16xi32> to vector<16xi32>
    %swap3A_680 = vector.shape_cast %add3A_676 : vector<16xi32> to vector<16xi32>
    tpu.vector_store %arg12[%swap3A_677], %swap3A_680 {strides = array<i32>} : memref<80xi32, #tpu.memory_space<vmem>>, vector<16xi32>,
    %get3A_681 = arith.constant 3 : i32
    %get3A_682 = arith.index_cast %get3A_681 : i32 to index
    %get3A_683 = arith.constant 32 : index
    %get3A_684 = tpu.vector_load %arg7[%get3A_682, %get3A_683] {strides = array<i32>} : memref<128x80xi32, #tpu.memory_space<vmem>>, vector<1x16xi32>,
    %get3A_685 = vector.shape_cast %get3A_684 : vector<1x16xi32> to vector<16xi32>
    %mul3A_686 = arith.constant 4 : i32
    %mul3A_687 = vector.broadcast %mul3A_686 : i32 to vector<16xi32>
    %mul3A_688 = arith.muli %get3A_685, %mul3A_687 : vector<16xi32>
    %add3A_689 = vector.broadcast %add3A_408 : i32 to vector<16xi32>
    %add3A_690 = arith.addi %mul3A_688, %add3A_689 : vector<16xi32>
    %swap3A_691 = arith.constant 32 : index
    %swap3A_692 = tpu.vector_load %arg12[%swap3A_691] {strides = array<i32>} : memref<80xi32, #tpu.memory_space<vmem>>, vector<16xi32>,
    %swap3A_693 = vector.shape_cast %swap3A_692 : vector<16xi32> to vector<16xi32>
    %swap3A_694 = vector.shape_cast %add3A_690 : vector<16xi32> to vector<16xi32>
    tpu.vector_store %arg12[%swap3A_691], %swap3A_694 {strides = array<i32>} : memref<80xi32, #tpu.memory_space<vmem>>, vector<16xi32>,
    %get3A_695 = arith.constant 3 : i32
    %get3A_696 = arith.index_cast %get3A_695 : i32 to index
    %get3A_697 = arith.constant 48 : index
    %get3A_698 = tpu.vector_load %arg7[%get3A_696, %get3A_697] {strides = array<i32>} : memref<128x80xi32, #tpu.memory_space<vmem>>, vector<1x16xi32>,
    %get3A_699 = vector.shape_cast %get3A_698 : vector<1x16xi32> to vector<16xi32>
    %mul3A_700 = arith.constant 4 : i32
    %mul3A_701 = vector.broadcast %mul3A_700 : i32 to vector<16xi32>
    %mul3A_702 = arith.muli %get3A_699, %mul3A_701 : vector<16xi32>
    %add3A_703 = vector.broadcast %add3A_408 : i32 to vector<16xi32>
    %add3A_704 = arith.addi %mul3A_702, %add3A_703 : vector<16xi32>
    %swap3A_705 = arith.constant 48 : index
    %swap3A_706 = tpu.vector_load %arg12[%swap3A_705] {strides = array<i32>} : memref<80xi32, #tpu.memory_space<vmem>>, vector<16xi32>,
    %swap3A_707 = vector.shape_cast %swap3A_706 : vector<16xi32> to vector<16xi32>
    %swap3A_708 = vector.shape_cast %add3A_704 : vector<16xi32> to vector<16xi32>
    tpu.vector_store %arg12[%swap3A_705], %swap3A_708 {strides = array<i32>} : memref<80xi32, #tpu.memory_space<vmem>>, vector<16xi32>,
    %get3A_709 = arith.constant 3 : i32
    %get3A_710 = arith.index_cast %get3A_709 : i32 to index
    %get3A_711 = arith.constant 64 : index
    %get3A_712 = tpu.vector_load %arg7[%get3A_710, %get3A_711] {strides = array<i32>} : memref<128x80xi32, #tpu.memory_space<vmem>>, vector<1x16xi32>,
    %get3A_713 = vector.shape_cast %get3A_712 : vector<1x16xi32> to vector<16xi32>
    %mul3A_714 = arith.constant 4 : i32
    %mul3A_715 = vector.broadcast %mul3A_714 : i32 to vector<16xi32>
    %mul3A_716 = arith.muli %get3A_713, %mul3A_715 : vector<16xi32>
    %add3A_717 = vector.broadcast %add3A_408 : i32 to vector<16xi32>
    %add3A_718 = arith.addi %mul3A_716, %add3A_717 : vector<16xi32>
    %swap3A_719 = arith.constant 64 : index
    %swap3A_720 = tpu.vector_load %arg12[%swap3A_719] {strides = array<i32>} : memref<80xi32, #tpu.memory_space<vmem>>, vector<16xi32>,
    %swap3A_721 = vector.shape_cast %swap3A_720 : vector<16xi32> to vector<16xi32>
    %swap3A_722 = vector.shape_cast %add3A_718 : vector<16xi32> to vector<16xi32>
    tpu.vector_store %arg12[%swap3A_719], %swap3A_722 {strides = array<i32>} : memref<80xi32, #tpu.memory_space<vmem>>, vector<16xi32>,
    %dma_start3A_723 = arith.constant 0 : i32
    %dma_start3A_724 = arith.constant 0 : i32
    %dma_start3A_725 = tpu.memref_slice %arg2[%dma_start3A_723, %dma_start3A_724] : memref<40000x64xf32, #tpu.memory_space<hbm>> -> memref<40000x64xf32, #tpu.memory_space<hbm>>
    tpu.enqueue_indirect_dma source(%dma_start3A_725 : memref<40000x64xf32, #tpu.memory_space<hbm>>) target(%arg16 : memref<80x64xf32, #tpu.memory_space<vmem>>) offsets(%arg12 : memref<80xi32, #tpu.memory_space<vmem>>) semaphore(%arg25 : memref<!tpu.dma_semaphore, #tpu.memory_space<semaphore_mem>>)
    %dma_wait3A_726 = arith.constant 0 : i32
    %dma_wait3A_727 = arith.constant 0 : i32
    %dma_wait3A_728 = tpu.memref_slice %arg2[%dma_wait3A_726, %dma_wait3A_727] : memref<40000x64xf32, #tpu.memory_space<hbm>> -> memref<40000x64xf32, #tpu.memory_space<hbm>>
    tpu.wait_indirect_dma semaphore(%arg23 : memref<!tpu.dma_semaphore, #tpu.memory_space<semaphore_mem>>) src(%dma_wait3A_728 : memref<40000x64xf32, #tpu.memory_space<hbm>>) dst(%arg14 : memref<80x64xf32, #tpu.memory_space<vmem>>)
    %run_scoped3A_729 = arith.constant 1 : i32
    "tpu.region"() ({
      %run_scoped3A_780 = tpu.sem_alloc : memref<!tpu.dma_semaphore, #tpu.memory_space<semaphore_mem>>
      %dma_start3A_781 = arith.constant 0 : i32
      %dma_start3A_782 = tpu.memref_slice %arg8[%run_scoped3A_729, %dma_start3A_781] : memref<128x80xi32, #tpu.memory_space<vmem>> -> memref<1x80xi32, #tpu.memory_space<vmem>>
      %dma_start3A_783 = tpu.memref_squeeze %dma_start3A_782 : memref<1x80xi32, #tpu.memory_space<vmem>> -> memref<80xi32, #tpu.memory_space<vmem>>
      %dma_start3A_784 = arith.constant 0 : i32
      %dma_start3A_785 = arith.constant 0 : i32
      %dma_start3A_786 = tpu.memref_slice %arg20[%dma_start3A_784, %dma_start3A_785] : memref<10240x64xf32, #tpu.memory_space<vmem_shared>> -> memref<10240x64xf32, #tpu.memory_space<vmem_shared>>
      tpu.enqueue_indirect_dma source(%arg14 : memref<80x64xf32, #tpu.memory_space<vmem>>) target(%dma_start3A_786 : memref<10240x64xf32, #tpu.memory_space<vmem_shared>>) offsets(%dma_start3A_783 : memref<80xi32, #tpu.memory_space<vmem>>) semaphore(%run_scoped3A_780 : memref<!tpu.dma_semaphore, #tpu.memory_space<semaphore_mem>>) {add = true}
      %dma_wait3A_787 = arith.constant 0 : i32
      %dma_wait3A_788 = tpu.memref_slice %arg8[%run_scoped3A_729, %dma_wait3A_787] : memref<128x80xi32, #tpu.memory_space<vmem>> -> memref<1x80xi32, #tpu.memory_space<vmem>>
      %dma_wait3A_789 = tpu.memref_squeeze %dma_wait3A_788 : memref<1x80xi32, #tpu.memory_space<vmem>> -> memref<80xi32, #tpu.memory_space<vmem>>
      %dma_wait3A_790 = arith.constant 0 : i32
      %dma_wait3A_791 = arith.constant 0 : i32
      %dma_wait3A_792 = tpu.memref_slice %arg20[%dma_wait3A_790, %dma_wait3A_791] : memref<10240x64xf32, #tpu.memory_space<vmem_shared>> -> memref<10240x64xf32, #tpu.memory_space<vmem_shared>>
      tpu.wait_indirect_dma semaphore(%run_scoped3A_780 : memref<!tpu.dma_semaphore, #tpu.memory_space<semaphore_mem>>) src(%arg14 : memref<80x64xf32, #tpu.memory_space<vmem>>) dst(%dma_wait3A_792 : memref<10240x64xf32, #tpu.memory_space<vmem_shared>>)
      tpu.yield
    }) : () -> ()
    %scan3A_730 = arith.constant 0 : i32
    %scan3A_731 = arith.constant 0 : i32
    %scan3A_732 = arith.constant 31 : i32
    %scan3A_733 = arith.addi %scan3A_731, %scan3A_732 : i32
    %scan3A_734 = arith.constant 1 : i32
    scf.for %scan3A_780 = %scan3A_731 to %scan3A_733 step %scan3A_734  : i32 {
      %mul3A_781 = arith.constant 4 : i32
      %mul3A_782 = arith.muli %mul3A_781, %scan3A_780 : i32
      %add3A_783 = arith.constant 4 : i32
      %add3A_784 = arith.addi %mul3A_782, %add3A_783 : i32
      %add3A_785 = arith.constant 0 : i32
      %add3A_786 = arith.addi %add3A_784, %add3A_785 : i32
      %get3A_787 = arith.index_cast %add3A_786 : i32 to index
      %get3A_788 = arith.constant 0 : index
      %get3A_789 = tpu.vector_load %arg7[%get3A_787, %get3A_788] {strides = array<i32>} : memref<128x80xi32, #tpu.memory_space<vmem>>, vector<1x16xi32>,
      %get3A_790 = vector.shape_cast %get3A_789 : vector<1x16xi32> to vector<16xi32>
      %mul3A_791 = arith.constant 4 : i32
      %mul3A_792 = vector.broadcast %mul3A_791 : i32 to vector<16xi32>
      %mul3A_793 = arith.muli %get3A_790, %mul3A_792 : vector<16xi32>
      %add3A_794 = vector.broadcast %add3A_408 : i32 to vector<16xi32>
      %add3A_795 = arith.addi %mul3A_793, %add3A_794 : vector<16xi32>
      %swap3A_796 = arith.constant 0 : index
      %swap3A_797 = tpu.vector_load %arg9[%swap3A_796] {strides = array<i32>} : memref<80xi32, #tpu.memory_space<vmem>>, vector<16xi32>,
      %swap3A_798 = vector.shape_cast %swap3A_797 : vector<16xi32> to vector<16xi32>
      %swap3A_799 = vector.shape_cast %add3A_795 : vector<16xi32> to vector<16xi32>
      tpu.vector_store %arg9[%swap3A_796], %swap3A_799 {strides = array<i32>} : memref<80xi32, #tpu.memory_space<vmem>>, vector<16xi32>,
      %get3A_800 = arith.index_cast %add3A_786 : i32 to index
      %get3A_801 = arith.constant 16 : index
      %get3A_802 = tpu.vector_load %arg7[%get3A_800, %get3A_801] {strides = array<i32>} : memref<128x80xi32, #tpu.memory_space<vmem>>, vector<1x16xi32>,
      %get3A_803 = vector.shape_cast %get3A_802 : vector<1x16xi32> to vector<16xi32>
      %mul3A_804 = arith.constant 4 : i32
      %mul3A_805 = vector.broadcast %mul3A_804 : i32 to vector<16xi32>
      %mul3A_806 = arith.muli %get3A_803, %mul3A_805 : vector<16xi32>
      %add3A_807 = vector.broadcast %add3A_408 : i32 to vector<16xi32>
      %add3A_808 = arith.addi %mul3A_806, %add3A_807 : vector<16xi32>
      %swap3A_809 = arith.constant 16 : index
      %swap3A_810 = tpu.vector_load %arg9[%swap3A_809] {strides = array<i32>} : memref<80xi32, #tpu.memory_space<vmem>>, vector<16xi32>,
      %swap3A_811 = vector.shape_cast %swap3A_810 : vector<16xi32> to vector<16xi32>
      %swap3A_812 = vector.shape_cast %add3A_808 : vector<16xi32> to vector<16xi32>
      tpu.vector_store %arg9[%swap3A_809], %swap3A_812 {strides = array<i32>} : memref<80xi32, #tpu.memory_space<vmem>>, vector<16xi32>,
      %get3A_813 = arith.index_cast %add3A_786 : i32 to index
      %get3A_814 = arith.constant 32 : index
      %get3A_815 = tpu.vector_load %arg7[%get3A_813, %get3A_814] {strides = array<i32>} : memref<128x80xi32, #tpu.memory_space<vmem>>, vector<1x16xi32>,
      %get3A_816 = vector.shape_cast %get3A_815 : vector<1x16xi32> to vector<16xi32>
      %mul3A_817 = arith.constant 4 : i32
      %mul3A_818 = vector.broadcast %mul3A_817 : i32 to vector<16xi32>
      %mul3A_819 = arith.muli %get3A_816, %mul3A_818 : vector<16xi32>
      %add3A_820 = vector.broadcast %add3A_408 : i32 to vector<16xi32>
      %add3A_821 = arith.addi %mul3A_819, %add3A_820 : vector<16xi32>
      %swap3A_822 = arith.constant 32 : index
      %swap3A_823 = tpu.vector_load %arg9[%swap3A_822] {strides = array<i32>} : memref<80xi32, #tpu.memory_space<vmem>>, vector<16xi32>,
      %swap3A_824 = vector.shape_cast %swap3A_823 : vector<16xi32> to vector<16xi32>
      %swap3A_825 = vector.shape_cast %add3A_821 : vector<16xi32> to vector<16xi32>
      tpu.vector_store %arg9[%swap3A_822], %swap3A_825 {strides = array<i32>} : memref<80xi32, #tpu.memory_space<vmem>>, vector<16xi32>,
      %get3A_826 = arith.index_cast %add3A_786 : i32 to index
      %get3A_827 = arith.constant 48 : index
      %get3A_828 = tpu.vector_load %arg7[%get3A_826, %get3A_827] {strides = array<i32>} : memref<128x80xi32, #tpu.memory_space<vmem>>, vector<1x16xi32>,
      %get3A_829 = vector.shape_cast %get3A_828 : vector<1x16xi32> to vector<16xi32>
      %mul3A_830 = arith.constant 4 : i32
      %mul3A_831 = vector.broadcast %mul3A_830 : i32 to vector<16xi32>
      %mul3A_832 = arith.muli %get3A_829, %mul3A_831 : vector<16xi32>
      %add3A_833 = vector.broadcast %add3A_408 : i32 to vector<16xi32>
      %add3A_834 = arith.addi %mul3A_832, %add3A_833 : vector<16xi32>
      %swap3A_835 = arith.constant 48 : index
      %swap3A_836 = tpu.vector_load %arg9[%swap3A_835] {strides = array<i32>} : memref<80xi32, #tpu.memory_space<vmem>>, vector<16xi32>,
      %swap3A_837 = vector.shape_cast %swap3A_836 : vector<16xi32> to vector<16xi32>
      %swap3A_838 = vector.shape_cast %add3A_834 : vector<16xi32> to vector<16xi32>
      tpu.vector_store %arg9[%swap3A_835], %swap3A_838 {strides = array<i32>} : memref<80xi32, #tpu.memory_space<vmem>>, vector<16xi32>,
      %get3A_839 = arith.index_cast %add3A_786 : i32 to index
      %get3A_840 = arith.constant 64 : index
      %get3A_841 = tpu.vector_load %arg7[%get3A_839, %get3A_840] {strides = array<i32>} : memref<128x80xi32, #tpu.memory_space<vmem>>, vector<1x16xi32>,
      %get3A_842 = vector.shape_cast %get3A_841 : vector<1x16xi32> to vector<16xi32>
      %mul3A_843 = arith.constant 4 : i32
      %mul3A_844 = vector.broadcast %mul3A_843 : i32 to vector<16xi32>
      %mul3A_845 = arith.muli %get3A_842, %mul3A_844 : vector<16xi32>
      %add3A_846 = vector.broadcast %add3A_408 : i32 to vector<16xi32>
      %add3A_847 = arith.addi %mul3A_845, %add3A_846 : vector<16xi32>
      %swap3A_848 = arith.constant 64 : index
      %swap3A_849 = tpu.vector_load %arg9[%swap3A_848] {strides = array<i32>} : memref<80xi32, #tpu.memory_space<vmem>>, vector<16xi32>,
      %swap3A_850 = vector.shape_cast %swap3A_849 : vector<16xi32> to vector<16xi32>
      %swap3A_851 = vector.shape_cast %add3A_847 : vector<16xi32> to vector<16xi32>
      tpu.vector_store %arg9[%swap3A_848], %swap3A_851 {strides = array<i32>} : memref<80xi32, #tpu.memory_space<vmem>>, vector<16xi32>,
      %dma_start3A_852 = arith.constant 0 : i32
      %dma_start3A_853 = arith.constant 0 : i32
      %dma_start3A_854 = tpu.memref_slice %arg2[%dma_start3A_852, %dma_start3A_853] : memref<40000x64xf32, #tpu.memory_space<hbm>> -> memref<40000x64xf32, #tpu.memory_space<hbm>>
      tpu.enqueue_indirect_dma source(%dma_start3A_854 : memref<40000x64xf32, #tpu.memory_space<hbm>>) target(%arg13 : memref<80x64xf32, #tpu.memory_space<vmem>>) offsets(%arg9 : memref<80xi32, #tpu.memory_space<vmem>>) semaphore(%arg22 : memref<!tpu.dma_semaphore, #tpu.memory_space<semaphore_mem>>)
      %dma_wait3A_855 = arith.constant 0 : i32
      %dma_wait3A_856 = arith.constant 0 : i32
      %dma_wait3A_857 = tpu.memref_slice %arg2[%dma_wait3A_855, %dma_wait3A_856] : memref<40000x64xf32, #tpu.memory_space<hbm>> -> memref<40000x64xf32, #tpu.memory_space<hbm>>
      tpu.wait_indirect_dma semaphore(%arg24 : memref<!tpu.dma_semaphore, #tpu.memory_space<semaphore_mem>>) src(%dma_wait3A_857 : memref<40000x64xf32, #tpu.memory_space<hbm>>) dst(%arg15 : memref<80x64xf32, #tpu.memory_space<vmem>>)
      %sub3A = arith.constant 2 : i32
      %sub3A_858 = arith.subi %add3A_786, %sub3A : i32
      "tpu.region"() ({
        %run_scoped3A_1096 = tpu.sem_alloc : memref<!tpu.dma_semaphore, #tpu.memory_space<semaphore_mem>>
        %dma_start3A_1097 = arith.constant 0 : i32
        %dma_start3A_1098 = tpu.memref_slice %arg8[%sub3A_858, %dma_start3A_1097] : memref<128x80xi32, #tpu.memory_space<vmem>> -> memref<1x80xi32, #tpu.memory_space<vmem>>
        %dma_start3A_1099 = tpu.memref_squeeze %dma_start3A_1098 : memref<1x80xi32, #tpu.memory_space<vmem>> -> memref<80xi32, #tpu.memory_space<vmem>>
        %dma_start3A_1100 = arith.constant 0 : i32
        %dma_start3A_1101 = arith.constant 0 : i32
        %dma_start3A_1102 = tpu.memref_slice %arg20[%dma_start3A_1100, %dma_start3A_1101] : memref<10240x64xf32, #tpu.memory_space<vmem_shared>> -> memref<10240x64xf32, #tpu.memory_space<vmem_shared>>
        tpu.enqueue_indirect_dma source(%arg15 : memref<80x64xf32, #tpu.memory_space<vmem>>) target(%dma_start3A_1102 : memref<10240x64xf32, #tpu.memory_space<vmem_shared>>) offsets(%dma_start3A_1099 : memref<80xi32, #tpu.memory_space<vmem>>) semaphore(%run_scoped3A_1096 : memref<!tpu.dma_semaphore, #tpu.memory_space<semaphore_mem>>) {add = true}
        %dma_wait3A_1103 = arith.constant 0 : i32
        %dma_wait3A_1104 = tpu.memref_slice %arg8[%sub3A_858, %dma_wait3A_1103] : memref<128x80xi32, #tpu.memory_space<vmem>> -> memref<1x80xi32, #tpu.memory_space<vmem>>
        %dma_wait3A_1105 = tpu.memref_squeeze %dma_wait3A_1104 : memref<1x80xi32, #tpu.memory_space<vmem>> -> memref<80xi32, #tpu.memory_space<vmem>>
        %dma_wait3A_1106 = arith.constant 0 : i32
        %dma_wait3A_1107 = arith.constant 0 : i32
        %dma_wait3A_1108 = tpu.memref_slice %arg20[%dma_wait3A_1106, %dma_wait3A_1107] : memref<10240x64xf32, #tpu.memory_space<vmem_shared>> -> memref<10240x64xf32, #tpu.memory_space<vmem_shared>>
        tpu.wait_indirect_dma semaphore(%run_scoped3A_1096 : memref<!tpu.dma_semaphore, #tpu.memory_space<semaphore_mem>>) src(%arg15 : memref<80x64xf32, #tpu.memory_space<vmem>>) dst(%dma_wait3A_1108 : memref<10240x64xf32, #tpu.memory_space<vmem_shared>>)
        tpu.yield
      }) : () -> ()
      %mul3A_859 = arith.constant 4 : i32
      %mul3A_860 = arith.muli %mul3A_859, %scan3A_780 : i32
      %add3A_861 = arith.constant 4 : i32
      %add3A_862 = arith.addi %mul3A_860, %add3A_861 : i32
      %add3A_863 = arith.constant 1 : i32
      %add3A_864 = arith.addi %add3A_862, %add3A_863 : i32
      %get3A_865 = arith.index_cast %add3A_864 : i32 to index
      %get3A_866 = arith.constant 0 : index
      %get3A_867 = tpu.vector_load %arg7[%get3A_865, %get3A_866] {strides = array<i32>} : memref<128x80xi32, #tpu.memory_space<vmem>>, vector<1x16xi32>,
      %get3A_868 = vector.shape_cast %get3A_867 : vector<1x16xi32> to vector<16xi32>
      %mul3A_869 = arith.constant 4 : i32
      %mul3A_870 = vector.broadcast %mul3A_869 : i32 to vector<16xi32>
      %mul3A_871 = arith.muli %get3A_868, %mul3A_870 : vector<16xi32>
      %add3A_872 = vector.broadcast %add3A_408 : i32 to vector<16xi32>
      %add3A_873 = arith.addi %mul3A_871, %add3A_872 : vector<16xi32>
      %swap3A_874 = arith.constant 0 : index
      %swap3A_875 = tpu.vector_load %arg10[%swap3A_874] {strides = array<i32>} : memref<80xi32, #tpu.memory_space<vmem>>, vector<16xi32>,
      %swap3A_876 = vector.shape_cast %swap3A_875 : vector<16xi32> to vector<16xi32>
      %swap3A_877 = vector.shape_cast %add3A_873 : vector<16xi32> to vector<16xi32>
      tpu.vector_store %arg10[%swap3A_874], %swap3A_877 {strides = array<i32>} : memref<80xi32, #tpu.memory_space<vmem>>, vector<16xi32>,
      %get3A_878 = arith.index_cast %add3A_864 : i32 to index
      %get3A_879 = arith.constant 16 : index
      %get3A_880 = tpu.vector_load %arg7[%get3A_878, %get3A_879] {strides = array<i32>} : memref<128x80xi32, #tpu.memory_space<vmem>>, vector<1x16xi32>,
      %get3A_881 = vector.shape_cast %get3A_880 : vector<1x16xi32> to vector<16xi32>
      %mul3A_882 = arith.constant 4 : i32
      %mul3A_883 = vector.broadcast %mul3A_882 : i32 to vector<16xi32>
      %mul3A_884 = arith.muli %get3A_881, %mul3A_883 : vector<16xi32>
      %add3A_885 = vector.broadcast %add3A_408 : i32 to vector<16xi32>
      %add3A_886 = arith.addi %mul3A_884, %add3A_885 : vector<16xi32>
      %swap3A_887 = arith.constant 16 : index
      %swap3A_888 = tpu.vector_load %arg10[%swap3A_887] {strides = array<i32>} : memref<80xi32, #tpu.memory_space<vmem>>, vector<16xi32>,
      %swap3A_889 = vector.shape_cast %swap3A_888 : vector<16xi32> to vector<16xi32>
      %swap3A_890 = vector.shape_cast %add3A_886 : vector<16xi32> to vector<16xi32>
      tpu.vector_store %arg10[%swap3A_887], %swap3A_890 {strides = array<i32>} : memref<80xi32, #tpu.memory_space<vmem>>, vector<16xi32>,
      %get3A_891 = arith.index_cast %add3A_864 : i32 to index
      %get3A_892 = arith.constant 32 : index
      %get3A_893 = tpu.vector_load %arg7[%get3A_891, %get3A_892] {strides = array<i32>} : memref<128x80xi32, #tpu.memory_space<vmem>>, vector<1x16xi32>,
      %get3A_894 = vector.shape_cast %get3A_893 : vector<1x16xi32> to vector<16xi32>
      %mul3A_895 = arith.constant 4 : i32
      %mul3A_896 = vector.broadcast %mul3A_895 : i32 to vector<16xi32>
      %mul3A_897 = arith.muli %get3A_894, %mul3A_896 : vector<16xi32>
      %add3A_898 = vector.broadcast %add3A_408 : i32 to vector<16xi32>
      %add3A_899 = arith.addi %mul3A_897, %add3A_898 : vector<16xi32>
      %swap3A_900 = arith.constant 32 : index
      %swap3A_901 = tpu.vector_load %arg10[%swap3A_900] {strides = array<i32>} : memref<80xi32, #tpu.memory_space<vmem>>, vector<16xi32>,
      %swap3A_902 = vector.shape_cast %swap3A_901 : vector<16xi32> to vector<16xi32>
      %swap3A_903 = vector.shape_cast %add3A_899 : vector<16xi32> to vector<16xi32>
      tpu.vector_store %arg10[%swap3A_900], %swap3A_903 {strides = array<i32>} : memref<80xi32, #tpu.memory_space<vmem>>, vector<16xi32>,
      %get3A_904 = arith.index_cast %add3A_864 : i32 to index
      %get3A_905 = arith.constant 48 : index
      %get3A_906 = tpu.vector_load %arg7[%get3A_904, %get3A_905] {strides = array<i32>} : memref<128x80xi32, #tpu.memory_space<vmem>>, vector<1x16xi32>,
      %get3A_907 = vector.shape_cast %get3A_906 : vector<1x16xi32> to vector<16xi32>
      %mul3A_908 = arith.constant 4 : i32
      %mul3A_909 = vector.broadcast %mul3A_908 : i32 to vector<16xi32>
      %mul3A_910 = arith.muli %get3A_907, %mul3A_909 : vector<16xi32>
      %add3A_911 = vector.broadcast %add3A_408 : i32 to vector<16xi32>
      %add3A_912 = arith.addi %mul3A_910, %add3A_911 : vector<16xi32>
      %swap3A_913 = arith.constant 48 : index
      %swap3A_914 = tpu.vector_load %arg10[%swap3A_913] {strides = array<i32>} : memref<80xi32, #tpu.memory_space<vmem>>, vector<16xi32>,
      %swap3A_915 = vector.shape_cast %swap3A_914 : vector<16xi32> to vector<16xi32>
      %swap3A_916 = vector.shape_cast %add3A_912 : vector<16xi32> to vector<16xi32>
      tpu.vector_store %arg10[%swap3A_913], %swap3A_916 {strides = array<i32>} : memref<80xi32, #tpu.memory_space<vmem>>, vector<16xi32>,
      %get3A_917 = arith.index_cast %add3A_864 : i32 to index
      %get3A_918 = arith.constant 64 : index
      %get3A_919 = tpu.vector_load %arg7[%get3A_917, %get3A_918] {strides = array<i32>} : memref<128x80xi32, #tpu.memory_space<vmem>>, vector<1x16xi32>,
      %get3A_920 = vector.shape_cast %get3A_919 : vector<1x16xi32> to vector<16xi32>
      %mul3A_921 = arith.constant 4 : i32
      %mul3A_922 = vector.broadcast %mul3A_921 : i32 to vector<16xi32>
      %mul3A_923 = arith.muli %get3A_920, %mul3A_922 : vector<16xi32>
      %add3A_924 = vector.broadcast %add3A_408 : i32 to vector<16xi32>
      %add3A_925 = arith.addi %mul3A_923, %add3A_924 : vector<16xi32>
      %swap3A_926 = arith.constant 64 : index
      %swap3A_927 = tpu.vector_load %arg10[%swap3A_926] {strides = array<i32>} : memref<80xi32, #tpu.memory_space<vmem>>, vector<16xi32>,
      %swap3A_928 = vector.shape_cast %swap3A_927 : vector<16xi32> to vector<16xi32>
      %swap3A_929 = vector.shape_cast %add3A_925 : vector<16xi32> to vector<16xi32>
      tpu.vector_store %arg10[%swap3A_926], %swap3A_929 {strides = array<i32>} : memref<80xi32, #tpu.memory_space<vmem>>, vector<16xi32>,
      %dma_start3A_930 = arith.constant 0 : i32
      %dma_start3A_931 = arith.constant 0 : i32
      %dma_start3A_932 = tpu.memref_slice %arg2[%dma_start3A_930, %dma_start3A_931] : memref<40000x64xf32, #tpu.memory_space<hbm>> -> memref<40000x64xf32, #tpu.memory_space<hbm>>
      tpu.enqueue_indirect_dma source(%dma_start3A_932 : memref<40000x64xf32, #tpu.memory_space<hbm>>) target(%arg14 : memref<80x64xf32, #tpu.memory_space<vmem>>) offsets(%arg10 : memref<80xi32, #tpu.memory_space<vmem>>) semaphore(%arg23 : memref<!tpu.dma_semaphore, #tpu.memory_space<semaphore_mem>>)
      %dma_wait3A_933 = arith.constant 0 : i32
      %dma_wait3A_934 = arith.constant 0 : i32
      %dma_wait3A_935 = tpu.memref_slice %arg2[%dma_wait3A_933, %dma_wait3A_934] : memref<40000x64xf32, #tpu.memory_space<hbm>> -> memref<40000x64xf32, #tpu.memory_space<hbm>>
      tpu.wait_indirect_dma semaphore(%arg25 : memref<!tpu.dma_semaphore, #tpu.memory_space<semaphore_mem>>) src(%dma_wait3A_935 : memref<40000x64xf32, #tpu.memory_space<hbm>>) dst(%arg16 : memref<80x64xf32, #tpu.memory_space<vmem>>)
      %sub3A_936 = arith.constant 2 : i32
      %sub3A_937 = arith.subi %add3A_864, %sub3A_936 : i32
      "tpu.region"() ({
        %run_scoped3A_1096 = tpu.sem_alloc : memref<!tpu.dma_semaphore, #tpu.memory_space<semaphore_mem>>
        %dma_start3A_1097 = arith.constant 0 : i32
        %dma_start3A_1098 = tpu.memref_slice %arg8[%sub3A_937, %dma_start3A_1097] : memref<128x80xi32, #tpu.memory_space<vmem>> -> memref<1x80xi32, #tpu.memory_space<vmem>>
        %dma_start3A_1099 = tpu.memref_squeeze %dma_start3A_1098 : memref<1x80xi32, #tpu.memory_space<vmem>> -> memref<80xi32, #tpu.memory_space<vmem>>
        %dma_start3A_1100 = arith.constant 0 : i32
        %dma_start3A_1101 = arith.constant 0 : i32
        %dma_start3A_1102 = tpu.memref_slice %arg20[%dma_start3A_1100, %dma_start3A_1101] : memref<10240x64xf32, #tpu.memory_space<vmem_shared>> -> memref<10240x64xf32, #tpu.memory_space<vmem_shared>>
        tpu.enqueue_indirect_dma source(%arg16 : memref<80x64xf32, #tpu.memory_space<vmem>>) target(%dma_start3A_1102 : memref<10240x64xf32, #tpu.memory_space<vmem_shared>>) offsets(%dma_start3A_1099 : memref<80xi32, #tpu.memory_space<vmem>>) semaphore(%run_scoped3A_1096 : memref<!tpu.dma_semaphore, #tpu.memory_space<semaphore_mem>>) {add = true}
        %dma_wait3A_1103 = arith.constant 0 : i32
        %dma_wait3A_1104 = tpu.memref_slice %arg8[%sub3A_937, %dma_wait3A_1103] : memref<128x80xi32, #tpu.memory_space<vmem>> -> memref<1x80xi32, #tpu.memory_space<vmem>>
        %dma_wait3A_1105 = tpu.memref_squeeze %dma_wait3A_1104 : memref<1x80xi32, #tpu.memory_space<vmem>> -> memref<80xi32, #tpu.memory_space<vmem>>
        %dma_wait3A_1106 = arith.constant 0 : i32
        %dma_wait3A_1107 = arith.constant 0 : i32
        %dma_wait3A_1108 = tpu.memref_slice %arg20[%dma_wait3A_1106, %dma_wait3A_1107] : memref<10240x64xf32, #tpu.memory_space<vmem_shared>> -> memref<10240x64xf32, #tpu.memory_space<vmem_shared>>
        tpu.wait_indirect_dma semaphore(%run_scoped3A_1096 : memref<!tpu.dma_semaphore, #tpu.memory_space<semaphore_mem>>) src(%arg16 : memref<80x64xf32, #tpu.memory_space<vmem>>) dst(%dma_wait3A_1108 : memref<10240x64xf32, #tpu.memory_space<vmem_shared>>)
        tpu.yield
      }) : () -> ()
      %mul3A_938 = arith.constant 4 : i32
      %mul3A_939 = arith.muli %mul3A_938, %scan3A_780 : i32
      %add3A_940 = arith.constant 4 : i32
      %add3A_941 = arith.addi %mul3A_939, %add3A_940 : i32
      %add3A_942 = arith.constant 2 : i32
      %add3A_943 = arith.addi %add3A_941, %add3A_942 : i32
      %get3A_944 = arith.index_cast %add3A_943 : i32 to index
      %get3A_945 = arith.constant 0 : index
      %get3A_946 = tpu.vector_load %arg7[%get3A_944, %get3A_945] {strides = array<i32>} : memref<128x80xi32, #tpu.memory_space<vmem>>, vector<1x16xi32>,
      %get3A_947 = vector.shape_cast %get3A_946 : vector<1x16xi32> to vector<16xi32>
      %mul3A_948 = arith.constant 4 : i32
      %mul3A_949 = vector.broadcast %mul3A_948 : i32 to vector<16xi32>
      %mul3A_950 = arith.muli %get3A_947, %mul3A_949 : vector<16xi32>
      %add3A_951 = vector.broadcast %add3A_408 : i32 to vector<16xi32>
      %add3A_952 = arith.addi %mul3A_950, %add3A_951 : vector<16xi32>
      %swap3A_953 = arith.constant 0 : index
      %swap3A_954 = tpu.vector_load %arg11[%swap3A_953] {strides = array<i32>} : memref<80xi32, #tpu.memory_space<vmem>>, vector<16xi32>,
      %swap3A_955 = vector.shape_cast %swap3A_954 : vector<16xi32> to vector<16xi32>
      %swap3A_956 = vector.shape_cast %add3A_952 : vector<16xi32> to vector<16xi32>
      tpu.vector_store %arg11[%swap3A_953], %swap3A_956 {strides = array<i32>} : memref<80xi32, #tpu.memory_space<vmem>>, vector<16xi32>,
      %get3A_957 = arith.index_cast %add3A_943 : i32 to index
      %get3A_958 = arith.constant 16 : index
      %get3A_959 = tpu.vector_load %arg7[%get3A_957, %get3A_958] {strides = array<i32>} : memref<128x80xi32, #tpu.memory_space<vmem>>, vector<1x16xi32>,
      %get3A_960 = vector.shape_cast %get3A_959 : vector<1x16xi32> to vector<16xi32>
      %mul3A_961 = arith.constant 4 : i32
      %mul3A_962 = vector.broadcast %mul3A_961 : i32 to vector<16xi32>
      %mul3A_963 = arith.muli %get3A_960, %mul3A_962 : vector<16xi32>
      %add3A_964 = vector.broadcast %add3A_408 : i32 to vector<16xi32>
      %add3A_965 = arith.addi %mul3A_963, %add3A_964 : vector<16xi32>
      %swap3A_966 = arith.constant 16 : index
      %swap3A_967 = tpu.vector_load %arg11[%swap3A_966] {strides = array<i32>} : memref<80xi32, #tpu.memory_space<vmem>>, vector<16xi32>,
      %swap3A_968 = vector.shape_cast %swap3A_967 : vector<16xi32> to vector<16xi32>
      %swap3A_969 = vector.shape_cast %add3A_965 : vector<16xi32> to vector<16xi32>
      tpu.vector_store %arg11[%swap3A_966], %swap3A_969 {strides = array<i32>} : memref<80xi32, #tpu.memory_space<vmem>>, vector<16xi32>,
      %get3A_970 = arith.index_cast %add3A_943 : i32 to index
      %get3A_971 = arith.constant 32 : index
      %get3A_972 = tpu.vector_load %arg7[%get3A_970, %get3A_971] {strides = array<i32>} : memref<128x80xi32, #tpu.memory_space<vmem>>, vector<1x16xi32>,
      %get3A_973 = vector.shape_cast %get3A_972 : vector<1x16xi32> to vector<16xi32>
      %mul3A_974 = arith.constant 4 : i32
      %mul3A_975 = vector.broadcast %mul3A_974 : i32 to vector<16xi32>
      %mul3A_976 = arith.muli %get3A_973, %mul3A_975 : vector<16xi32>
      %add3A_977 = vector.broadcast %add3A_408 : i32 to vector<16xi32>
      %add3A_978 = arith.addi %mul3A_976, %add3A_977 : vector<16xi32>
      %swap3A_979 = arith.constant 32 : index
      %swap3A_980 = tpu.vector_load %arg11[%swap3A_979] {strides = array<i32>} : memref<80xi32, #tpu.memory_space<vmem>>, vector<16xi32>,
      %swap3A_981 = vector.shape_cast %swap3A_980 : vector<16xi32> to vector<16xi32>
      %swap3A_982 = vector.shape_cast %add3A_978 : vector<16xi32> to vector<16xi32>
      tpu.vector_store %arg11[%swap3A_979], %swap3A_982 {strides = array<i32>} : memref<80xi32, #tpu.memory_space<vmem>>, vector<16xi32>,
      %get3A_983 = arith.index_cast %add3A_943 : i32 to index
      %get3A_984 = arith.constant 48 : index
      %get3A_985 = tpu.vector_load %arg7[%get3A_983, %get3A_984] {strides = array<i32>} : memref<128x80xi32, #tpu.memory_space<vmem>>, vector<1x16xi32>,
      %get3A_986 = vector.shape_cast %get3A_985 : vector<1x16xi32> to vector<16xi32>
      %mul3A_987 = arith.constant 4 : i32
      %mul3A_988 = vector.broadcast %mul3A_987 : i32 to vector<16xi32>
      %mul3A_989 = arith.muli %get3A_986, %mul3A_988 : vector<16xi32>
      %add3A_990 = vector.broadcast %add3A_408 : i32 to vector<16xi32>
      %add3A_991 = arith.addi %mul3A_989, %add3A_990 : vector<16xi32>
      %swap3A_992 = arith.constant 48 : index
      %swap3A_993 = tpu.vector_load %arg11[%swap3A_992] {strides = array<i32>} : memref<80xi32, #tpu.memory_space<vmem>>, vector<16xi32>,
      %swap3A_994 = vector.shape_cast %swap3A_993 : vector<16xi32> to vector<16xi32>
      %swap3A_995 = vector.shape_cast %add3A_991 : vector<16xi32> to vector<16xi32>
      tpu.vector_store %arg11[%swap3A_992], %swap3A_995 {strides = array<i32>} : memref<80xi32, #tpu.memory_space<vmem>>, vector<16xi32>,
      %get3A_996 = arith.index_cast %add3A_943 : i32 to index
      %get3A_997 = arith.constant 64 : index
      %get3A_998 = tpu.vector_load %arg7[%get3A_996, %get3A_997] {strides = array<i32>} : memref<128x80xi32, #tpu.memory_space<vmem>>, vector<1x16xi32>,
      %get3A_999 = vector.shape_cast %get3A_998 : vector<1x16xi32> to vector<16xi32>
      %mul3A_1000 = arith.constant 4 : i32
      %mul3A_1001 = vector.broadcast %mul3A_1000 : i32 to vector<16xi32>
      %mul3A_1002 = arith.muli %get3A_999, %mul3A_1001 : vector<16xi32>
      %add3A_1003 = vector.broadcast %add3A_408 : i32 to vector<16xi32>
      %add3A_1004 = arith.addi %mul3A_1002, %add3A_1003 : vector<16xi32>
      %swap3A_1005 = arith.constant 64 : index
      %swap3A_1006 = tpu.vector_load %arg11[%swap3A_1005] {strides = array<i32>} : memref<80xi32, #tpu.memory_space<vmem>>, vector<16xi32>,
      %swap3A_1007 = vector.shape_cast %swap3A_1006 : vector<16xi32> to vector<16xi32>
      %swap3A_1008 = vector.shape_cast %add3A_1004 : vector<16xi32> to vector<16xi32>
      tpu.vector_store %arg11[%swap3A_1005], %swap3A_1008 {strides = array<i32>} : memref<80xi32, #tpu.memory_space<vmem>>, vector<16xi32>,
      %dma_start3A_1009 = arith.constant 0 : i32
      %dma_start3A_1010 = arith.constant 0 : i32
      %dma_start3A_1011 = tpu.memref_slice %arg2[%dma_start3A_1009, %dma_start3A_1010] : memref<40000x64xf32, #tpu.memory_space<hbm>> -> memref<40000x64xf32, #tpu.memory_space<hbm>>
      tpu.enqueue_indirect_dma source(%dma_start3A_1011 : memref<40000x64xf32, #tpu.memory_space<hbm>>) target(%arg15 : memref<80x64xf32, #tpu.memory_space<vmem>>) offsets(%arg11 : memref<80xi32, #tpu.memory_space<vmem>>) semaphore(%arg24 : memref<!tpu.dma_semaphore, #tpu.memory_space<semaphore_mem>>)
      %dma_wait3A_1012 = arith.constant 0 : i32
      %dma_wait3A_1013 = arith.constant 0 : i32
      %dma_wait3A_1014 = tpu.memref_slice %arg2[%dma_wait3A_1012, %dma_wait3A_1013] : memref<40000x64xf32, #tpu.memory_space<hbm>> -> memref<40000x64xf32, #tpu.memory_space<hbm>>
      tpu.wait_indirect_dma semaphore(%arg22 : memref<!tpu.dma_semaphore, #tpu.memory_space<semaphore_mem>>) src(%dma_wait3A_1014 : memref<40000x64xf32, #tpu.memory_space<hbm>>) dst(%arg13 : memref<80x64xf32, #tpu.memory_space<vmem>>)
      %sub3A_1015 = arith.constant 2 : i32
      %sub3A_1016 = arith.subi %add3A_943, %sub3A_1015 : i32
      "tpu.region"() ({
        %run_scoped3A_1096 = tpu.sem_alloc : memref<!tpu.dma_semaphore, #tpu.memory_space<semaphore_mem>>
        %dma_start3A_1097 = arith.constant 0 : i32
        %dma_start3A_1098 = tpu.memref_slice %arg8[%sub3A_1016, %dma_start3A_1097] : memref<128x80xi32, #tpu.memory_space<vmem>> -> memref<1x80xi32, #tpu.memory_space<vmem>>
        %dma_start3A_1099 = tpu.memref_squeeze %dma_start3A_1098 : memref<1x80xi32, #tpu.memory_space<vmem>> -> memref<80xi32, #tpu.memory_space<vmem>>
        %dma_start3A_1100 = arith.constant 0 : i32
        %dma_start3A_1101 = arith.constant 0 : i32
        %dma_start3A_1102 = tpu.memref_slice %arg20[%dma_start3A_1100, %dma_start3A_1101] : memref<10240x64xf32, #tpu.memory_space<vmem_shared>> -> memref<10240x64xf32, #tpu.memory_space<vmem_shared>>
        tpu.enqueue_indirect_dma source(%arg13 : memref<80x64xf32, #tpu.memory_space<vmem>>) target(%dma_start3A_1102 : memref<10240x64xf32, #tpu.memory_space<vmem_shared>>) offsets(%dma_start3A_1099 : memref<80xi32, #tpu.memory_space<vmem>>) semaphore(%run_scoped3A_1096 : memref<!tpu.dma_semaphore, #tpu.memory_space<semaphore_mem>>) {add = true}
        %dma_wait3A_1103 = arith.constant 0 : i32
        %dma_wait3A_1104 = tpu.memref_slice %arg8[%sub3A_1016, %dma_wait3A_1103] : memref<128x80xi32, #tpu.memory_space<vmem>> -> memref<1x80xi32, #tpu.memory_space<vmem>>
        %dma_wait3A_1105 = tpu.memref_squeeze %dma_wait3A_1104 : memref<1x80xi32, #tpu.memory_space<vmem>> -> memref<80xi32, #tpu.memory_space<vmem>>
        %dma_wait3A_1106 = arith.constant 0 : i32
        %dma_wait3A_1107 = arith.constant 0 : i32
        %dma_wait3A_1108 = tpu.memref_slice %arg20[%dma_wait3A_1106, %dma_wait3A_1107] : memref<10240x64xf32, #tpu.memory_space<vmem_shared>> -> memref<10240x64xf32, #tpu.memory_space<vmem_shared>>
        tpu.wait_indirect_dma semaphore(%run_scoped3A_1096 : memref<!tpu.dma_semaphore, #tpu.memory_space<semaphore_mem>>) src(%arg13 : memref<80x64xf32, #tpu.memory_space<vmem>>) dst(%dma_wait3A_1108 : memref<10240x64xf32, #tpu.memory_space<vmem_shared>>)
        tpu.yield
      }) : () -> ()
      %mul3A_1017 = arith.constant 4 : i32
      %mul3A_1018 = arith.muli %mul3A_1017, %scan3A_780 : i32
      %add3A_1019 = arith.constant 4 : i32
      %add3A_1020 = arith.addi %mul3A_1018, %add3A_1019 : i32
      %add3A_1021 = arith.constant 3 : i32
      %add3A_1022 = arith.addi %add3A_1020, %add3A_1021 : i32
      %get3A_1023 = arith.index_cast %add3A_1022 : i32 to index
      %get3A_1024 = arith.constant 0 : index
      %get3A_1025 = tpu.vector_load %arg7[%get3A_1023, %get3A_1024] {strides = array<i32>} : memref<128x80xi32, #tpu.memory_space<vmem>>, vector<1x16xi32>,
      %get3A_1026 = vector.shape_cast %get3A_1025 : vector<1x16xi32> to vector<16xi32>
      %mul3A_1027 = arith.constant 4 : i32
      %mul3A_1028 = vector.broadcast %mul3A_1027 : i32 to vector<16xi32>
      %mul3A_1029 = arith.muli %get3A_1026, %mul3A_1028 : vector<16xi32>
      %add3A_1030 = vector.broadcast %add3A_408 : i32 to vector<16xi32>
      %add3A_1031 = arith.addi %mul3A_1029, %add3A_1030 : vector<16xi32>
      %swap3A_1032 = arith.constant 0 : index
      %swap3A_1033 = tpu.vector_load %arg12[%swap3A_1032] {strides = array<i32>} : memref<80xi32, #tpu.memory_space<vmem>>, vector<16xi32>,
      %swap3A_1034 = vector.shape_cast %swap3A_1033 : vector<16xi32> to vector<16xi32>
      %swap3A_1035 = vector.shape_cast %add3A_1031 : vector<16xi32> to vector<16xi32>
      tpu.vector_store %arg12[%swap3A_1032], %swap3A_1035 {strides = array<i32>} : memref<80xi32, #tpu.memory_space<vmem>>, vector<16xi32>,
      %get3A_1036 = arith.index_cast %add3A_1022 : i32 to index
      %get3A_1037 = arith.constant 16 : index
      %get3A_1038 = tpu.vector_load %arg7[%get3A_1036, %get3A_1037] {strides = array<i32>} : memref<128x80xi32, #tpu.memory_space<vmem>>, vector<1x16xi32>,
      %get3A_1039 = vector.shape_cast %get3A_1038 : vector<1x16xi32> to vector<16xi32>
      %mul3A_1040 = arith.constant 4 : i32
      %mul3A_1041 = vector.broadcast %mul3A_1040 : i32 to vector<16xi32>
      %mul3A_1042 = arith.muli %get3A_1039, %mul3A_1041 : vector<16xi32>
      %add3A_1043 = vector.broadcast %add3A_408 : i32 to vector<16xi32>
      %add3A_1044 = arith.addi %mul3A_1042, %add3A_1043 : vector<16xi32>
      %swap3A_1045 = arith.constant 16 : index
      %swap3A_1046 = tpu.vector_load %arg12[%swap3A_1045] {strides = array<i32>} : memref<80xi32, #tpu.memory_space<vmem>>, vector<16xi32>,
      %swap3A_1047 = vector.shape_cast %swap3A_1046 : vector<16xi32> to vector<16xi32>
      %swap3A_1048 = vector.shape_cast %add3A_1044 : vector<16xi32> to vector<16xi32>
      tpu.vector_store %arg12[%swap3A_1045], %swap3A_1048 {strides = array<i32>} : memref<80xi32, #tpu.memory_space<vmem>>, vector<16xi32>,
      %get3A_1049 = arith.index_cast %add3A_1022 : i32 to index
      %get3A_1050 = arith.constant 32 : index
      %get3A_1051 = tpu.vector_load %arg7[%get3A_1049, %get3A_1050] {strides = array<i32>} : memref<128x80xi32, #tpu.memory_space<vmem>>, vector<1x16xi32>,
      %get3A_1052 = vector.shape_cast %get3A_1051 : vector<1x16xi32> to vector<16xi32>
      %mul3A_1053 = arith.constant 4 : i32
      %mul3A_1054 = vector.broadcast %mul3A_1053 : i32 to vector<16xi32>
      %mul3A_1055 = arith.muli %get3A_1052, %mul3A_1054 : vector<16xi32>
      %add3A_1056 = vector.broadcast %add3A_408 : i32 to vector<16xi32>
      %add3A_1057 = arith.addi %mul3A_1055, %add3A_1056 : vector<16xi32>
      %swap3A_1058 = arith.constant 32 : index
      %swap3A_1059 = tpu.vector_load %arg12[%swap3A_1058] {strides = array<i32>} : memref<80xi32, #tpu.memory_space<vmem>>, vector<16xi32>,
      %swap3A_1060 = vector.shape_cast %swap3A_1059 : vector<16xi32> to vector<16xi32>
      %swap3A_1061 = vector.shape_cast %add3A_1057 : vector<16xi32> to vector<16xi32>
      tpu.vector_store %arg12[%swap3A_1058], %swap3A_1061 {strides = array<i32>} : memref<80xi32, #tpu.memory_space<vmem>>, vector<16xi32>,
      %get3A_1062 = arith.index_cast %add3A_1022 : i32 to index
      %get3A_1063 = arith.constant 48 : index
      %get3A_1064 = tpu.vector_load %arg7[%get3A_1062, %get3A_1063] {strides = array<i32>} : memref<128x80xi32, #tpu.memory_space<vmem>>, vector<1x16xi32>,
      %get3A_1065 = vector.shape_cast %get3A_1064 : vector<1x16xi32> to vector<16xi32>
      %mul3A_1066 = arith.constant 4 : i32
      %mul3A_1067 = vector.broadcast %mul3A_1066 : i32 to vector<16xi32>
      %mul3A_1068 = arith.muli %get3A_1065, %mul3A_1067 : vector<16xi32>
      %add3A_1069 = vector.broadcast %add3A_408 : i32 to vector<16xi32>
      %add3A_1070 = arith.addi %mul3A_1068, %add3A_1069 : vector<16xi32>
      %swap3A_1071 = arith.constant 48 : index
      %swap3A_1072 = tpu.vector_load %arg12[%swap3A_1071] {strides = array<i32>} : memref<80xi32, #tpu.memory_space<vmem>>, vector<16xi32>,
      %swap3A_1073 = vector.shape_cast %swap3A_1072 : vector<16xi32> to vector<16xi32>
      %swap3A_1074 = vector.shape_cast %add3A_1070 : vector<16xi32> to vector<16xi32>
      tpu.vector_store %arg12[%swap3A_1071], %swap3A_1074 {strides = array<i32>} : memref<80xi32, #tpu.memory_space<vmem>>, vector<16xi32>,
      %get3A_1075 = arith.index_cast %add3A_1022 : i32 to index
      %get3A_1076 = arith.constant 64 : index
      %get3A_1077 = tpu.vector_load %arg7[%get3A_1075, %get3A_1076] {strides = array<i32>} : memref<128x80xi32, #tpu.memory_space<vmem>>, vector<1x16xi32>,
      %get3A_1078 = vector.shape_cast %get3A_1077 : vector<1x16xi32> to vector<16xi32>
      %mul3A_1079 = arith.constant 4 : i32
      %mul3A_1080 = vector.broadcast %mul3A_1079 : i32 to vector<16xi32>
      %mul3A_1081 = arith.muli %get3A_1078, %mul3A_1080 : vector<16xi32>
      %add3A_1082 = vector.broadcast %add3A_408 : i32 to vector<16xi32>
      %add3A_1083 = arith.addi %mul3A_1081, %add3A_1082 : vector<16xi32>
      %swap3A_1084 = arith.constant 64 : index
      %swap3A_1085 = tpu.vector_load %arg12[%swap3A_1084] {strides = array<i32>} : memref<80xi32, #tpu.memory_space<vmem>>, vector<16xi32>,
      %swap3A_1086 = vector.shape_cast %swap3A_1085 : vector<16xi32> to vector<16xi32>
      %swap3A_1087 = vector.shape_cast %add3A_1083 : vector<16xi32> to vector<16xi32>
      tpu.vector_store %arg12[%swap3A_1084], %swap3A_1087 {strides = array<i32>} : memref<80xi32, #tpu.memory_space<vmem>>, vector<16xi32>,
      %dma_start3A_1088 = arith.constant 0 : i32
      %dma_start3A_1089 = arith.constant 0 : i32
      %dma_start3A_1090 = tpu.memref_slice %arg2[%dma_start3A_1088, %dma_start3A_1089] : memref<40000x64xf32, #tpu.memory_space<hbm>> -> memref<40000x64xf32, #tpu.memory_space<hbm>>
      tpu.enqueue_indirect_dma source(%dma_start3A_1090 : memref<40000x64xf32, #tpu.memory_space<hbm>>) target(%arg16 : memref<80x64xf32, #tpu.memory_space<vmem>>) offsets(%arg12 : memref<80xi32, #tpu.memory_space<vmem>>) semaphore(%arg25 : memref<!tpu.dma_semaphore, #tpu.memory_space<semaphore_mem>>)
      %dma_wait3A_1091 = arith.constant 0 : i32
      %dma_wait3A_1092 = arith.constant 0 : i32
      %dma_wait3A_1093 = tpu.memref_slice %arg2[%dma_wait3A_1091, %dma_wait3A_1092] : memref<40000x64xf32, #tpu.memory_space<hbm>> -> memref<40000x64xf32, #tpu.memory_space<hbm>>
      tpu.wait_indirect_dma semaphore(%arg23 : memref<!tpu.dma_semaphore, #tpu.memory_space<semaphore_mem>>) src(%dma_wait3A_1093 : memref<40000x64xf32, #tpu.memory_space<hbm>>) dst(%arg14 : memref<80x64xf32, #tpu.memory_space<vmem>>)
      %sub3A_1094 = arith.constant 2 : i32
      %sub3A_1095 = arith.subi %add3A_1022, %sub3A_1094 : i32
      "tpu.region"() ({
        %run_scoped3A_1096 = tpu.sem_alloc : memref<!tpu.dma_semaphore, #tpu.memory_space<semaphore_mem>>
        %dma_start3A_1097 = arith.constant 0 : i32
        %dma_start3A_1098 = tpu.memref_slice %arg8[%sub3A_1095, %dma_start3A_1097] : memref<128x80xi32, #tpu.memory_space<vmem>> -> memref<1x80xi32, #tpu.memory_space<vmem>>
        %dma_start3A_1099 = tpu.memref_squeeze %dma_start3A_1098 : memref<1x80xi32, #tpu.memory_space<vmem>> -> memref<80xi32, #tpu.memory_space<vmem>>
        %dma_start3A_1100 = arith.constant 0 : i32
        %dma_start3A_1101 = arith.constant 0 : i32
        %dma_start3A_1102 = tpu.memref_slice %arg20[%dma_start3A_1100, %dma_start3A_1101] : memref<10240x64xf32, #tpu.memory_space<vmem_shared>> -> memref<10240x64xf32, #tpu.memory_space<vmem_shared>>
        tpu.enqueue_indirect_dma source(%arg14 : memref<80x64xf32, #tpu.memory_space<vmem>>) target(%dma_start3A_1102 : memref<10240x64xf32, #tpu.memory_space<vmem_shared>>) offsets(%dma_start3A_1099 : memref<80xi32, #tpu.memory_space<vmem>>) semaphore(%run_scoped3A_1096 : memref<!tpu.dma_semaphore, #tpu.memory_space<semaphore_mem>>) {add = true}
        %dma_wait3A_1103 = arith.constant 0 : i32
        %dma_wait3A_1104 = tpu.memref_slice %arg8[%sub3A_1095, %dma_wait3A_1103] : memref<128x80xi32, #tpu.memory_space<vmem>> -> memref<1x80xi32, #tpu.memory_space<vmem>>
        %dma_wait3A_1105 = tpu.memref_squeeze %dma_wait3A_1104 : memref<1x80xi32, #tpu.memory_space<vmem>> -> memref<80xi32, #tpu.memory_space<vmem>>
        %dma_wait3A_1106 = arith.constant 0 : i32
        %dma_wait3A_1107 = arith.constant 0 : i32
        %dma_wait3A_1108 = tpu.memref_slice %arg20[%dma_wait3A_1106, %dma_wait3A_1107] : memref<10240x64xf32, #tpu.memory_space<vmem_shared>> -> memref<10240x64xf32, #tpu.memory_space<vmem_shared>>
        tpu.wait_indirect_dma semaphore(%run_scoped3A_1096 : memref<!tpu.dma_semaphore, #tpu.memory_space<semaphore_mem>>) src(%arg14 : memref<80x64xf32, #tpu.memory_space<vmem>>) dst(%dma_wait3A_1108 : memref<10240x64xf32, #tpu.memory_space<vmem_shared>>)
        tpu.yield
      }) : () -> ()
    }
    %scan3A_735 = arith.constant 31 : i32
    %dma_wait3A_736 = arith.constant 0 : i32
    %dma_wait3A_737 = arith.constant 0 : i32
    %dma_wait3A_738 = tpu.memref_slice %arg2[%dma_wait3A_736, %dma_wait3A_737] : memref<40000x64xf32, #tpu.memory_space<hbm>> -> memref<40000x64xf32, #tpu.memory_space<hbm>>
    tpu.wait_indirect_dma semaphore(%arg24 : memref<!tpu.dma_semaphore, #tpu.memory_space<semaphore_mem>>) src(%dma_wait3A_738 : memref<40000x64xf32, #tpu.memory_space<hbm>>) dst(%arg15 : memref<80x64xf32, #tpu.memory_space<vmem>>)
    %run_scoped3A_739 = arith.constant 126 : i32
    "tpu.region"() ({
      %run_scoped3A_780 = tpu.sem_alloc : memref<!tpu.dma_semaphore, #tpu.memory_space<semaphore_mem>>
      %dma_start3A_781 = arith.constant 0 : i32
      %dma_start3A_782 = tpu.memref_slice %arg8[%run_scoped3A_739, %dma_start3A_781] : memref<128x80xi32, #tpu.memory_space<vmem>> -> memref<1x80xi32, #tpu.memory_space<vmem>>
      %dma_start3A_783 = tpu.memref_squeeze %dma_start3A_782 : memref<1x80xi32, #tpu.memory_space<vmem>> -> memref<80xi32, #tpu.memory_space<vmem>>
      %dma_start3A_784 = arith.constant 0 : i32
      %dma_start3A_785 = arith.constant 0 : i32
      %dma_start3A_786 = tpu.memref_slice %arg20[%dma_start3A_784, %dma_start3A_785] : memref<10240x64xf32, #tpu.memory_space<vmem_shared>> -> memref<10240x64xf32, #tpu.memory_space<vmem_shared>>
      tpu.enqueue_indirect_dma source(%arg15 : memref<80x64xf32, #tpu.memory_space<vmem>>) target(%dma_start3A_786 : memref<10240x64xf32, #tpu.memory_space<vmem_shared>>) offsets(%dma_start3A_783 : memref<80xi32, #tpu.memory_space<vmem>>) semaphore(%run_scoped3A_780 : memref<!tpu.dma_semaphore, #tpu.memory_space<semaphore_mem>>) {add = true}
      %dma_wait3A_787 = arith.constant 0 : i32
      %dma_wait3A_788 = tpu.memref_slice %arg8[%run_scoped3A_739, %dma_wait3A_787] : memref<128x80xi32, #tpu.memory_space<vmem>> -> memref<1x80xi32, #tpu.memory_space<vmem>>
      %dma_wait3A_789 = tpu.memref_squeeze %dma_wait3A_788 : memref<1x80xi32, #tpu.memory_space<vmem>> -> memref<80xi32, #tpu.memory_space<vmem>>
      %dma_wait3A_790 = arith.constant 0 : i32
      %dma_wait3A_791 = arith.constant 0 : i32
      %dma_wait3A_792 = tpu.memref_slice %arg20[%dma_wait3A_790, %dma_wait3A_791] : memref<10240x64xf32, #tpu.memory_space<vmem_shared>> -> memref<10240x64xf32, #tpu.memory_space<vmem_shared>>
      tpu.wait_indirect_dma semaphore(%run_scoped3A_780 : memref<!tpu.dma_semaphore, #tpu.memory_space<semaphore_mem>>) src(%arg15 : memref<80x64xf32, #tpu.memory_space<vmem>>) dst(%dma_wait3A_792 : memref<10240x64xf32, #tpu.memory_space<vmem_shared>>)
      tpu.yield
    }) : () -> ()
    %dma_wait3A_740 = arith.constant 0 : i32
    %dma_wait3A_741 = arith.constant 0 : i32
    %dma_wait3A_742 = tpu.memref_slice %arg2[%dma_wait3A_740, %dma_wait3A_741] : memref<40000x64xf32, #tpu.memory_space<hbm>> -> memref<40000x64xf32, #tpu.memory_space<hbm>>
    tpu.wait_indirect_dma semaphore(%arg25 : memref<!tpu.dma_semaphore, #tpu.memory_space<semaphore_mem>>) src(%dma_wait3A_742 : memref<40000x64xf32, #tpu.memory_space<hbm>>) dst(%arg16 : memref<80x64xf32, #tpu.memory_space<vmem>>)
    %run_scoped3A_743 = arith.constant 127 : i32
    "tpu.region"() ({
      %run_scoped3A_780 = tpu.sem_alloc : memref<!tpu.dma_semaphore, #tpu.memory_space<semaphore_mem>>
      %dma_start3A_781 = arith.constant 0 : i32
      %dma_start3A_782 = tpu.memref_slice %arg8[%run_scoped3A_743, %dma_start3A_781] : memref<128x80xi32, #tpu.memory_space<vmem>> -> memref<1x80xi32, #tpu.memory_space<vmem>>
      %dma_start3A_783 = tpu.memref_squeeze %dma_start3A_782 : memref<1x80xi32, #tpu.memory_space<vmem>> -> memref<80xi32, #tpu.memory_space<vmem>>
      %dma_start3A_784 = arith.constant 0 : i32
      %dma_start3A_785 = arith.constant 0 : i32
      %dma_start3A_786 = tpu.memref_slice %arg20[%dma_start3A_784, %dma_start3A_785] : memref<10240x64xf32, #tpu.memory_space<vmem_shared>> -> memref<10240x64xf32, #tpu.memory_space<vmem_shared>>
      tpu.enqueue_indirect_dma source(%arg16 : memref<80x64xf32, #tpu.memory_space<vmem>>) target(%dma_start3A_786 : memref<10240x64xf32, #tpu.memory_space<vmem_shared>>) offsets(%dma_start3A_783 : memref<80xi32, #tpu.memory_space<vmem>>) semaphore(%run_scoped3A_780 : memref<!tpu.dma_semaphore, #tpu.memory_space<semaphore_mem>>) {add = true}
      %dma_wait3A_787 = arith.constant 0 : i32
      %dma_wait3A_788 = tpu.memref_slice %arg8[%run_scoped3A_743, %dma_wait3A_787] : memref<128x80xi32, #tpu.memory_space<vmem>> -> memref<1x80xi32, #tpu.memory_space<vmem>>
      %dma_wait3A_789 = tpu.memref_squeeze %dma_wait3A_788 : memref<1x80xi32, #tpu.memory_space<vmem>> -> memref<80xi32, #tpu.memory_space<vmem>>
      %dma_wait3A_790 = arith.constant 0 : i32
      %dma_wait3A_791 = arith.constant 0 : i32
      %dma_wait3A_792 = tpu.memref_slice %arg20[%dma_wait3A_790, %dma_wait3A_791] : memref<10240x64xf32, #tpu.memory_space<vmem_shared>> -> memref<10240x64xf32, #tpu.memory_space<vmem_shared>>
      tpu.wait_indirect_dma semaphore(%run_scoped3A_780 : memref<!tpu.dma_semaphore, #tpu.memory_space<semaphore_mem>>) src(%arg16 : memref<80x64xf32, #tpu.memory_space<vmem>>) dst(%dma_wait3A_792 : memref<10240x64xf32, #tpu.memory_space<vmem_shared>>)
      tpu.yield
    }) : () -> ()
    %barrier3A_744 = arith.constant 0 : index
    tpu.barrier barrier_id(%barrier3A_744)
    %mul3A_745 = arith.constant 640 : i32
    %mul3A_746 = arith.muli %arg1, %mul3A_745 : i32
    %add3A_747 = arith.constant 0 : i32
    %add3A_748 = arith.addi %mul3A_746, %add3A_747 : i32
    "tpu.region"() ({
      %run_scoped3A_780 = tpu.sem_alloc : memref<!tpu.dma_semaphore, #tpu.memory_space<semaphore_mem>>
      %dma_start3A_781 = arith.constant 0 : i32
      %dma_start3A_782 = tpu.memref_slice %arg20[%add3A_748, %dma_start3A_781] : memref<10240x64xf32, #tpu.memory_space<vmem_shared>> -> memref<128x64xf32, #tpu.memory_space<vmem_shared>>
      %dma_start3A_783 = arith.constant 0 : i32
      %dma_start3A_784 = tpu.memref_slice %arg20[%add3A_748, %dma_start3A_783] : memref<10240x64xf32, #tpu.memory_space<vmem_shared>> -> memref<128x64xf32, #tpu.memory_space<vmem_shared>>
      tpu.enqueue_dma source(%dma_start3A_784 : memref<128x64xf32, #tpu.memory_space<vmem_shared>>) target(%arg18 : memref<128x64xf32, #tpu.memory_space<vmem>>) target_semaphore(%run_scoped3A_780 : memref<!tpu.dma_semaphore, #tpu.memory_space<semaphore_mem>>)
      %dma_wait3A_785 = arith.constant 0 : i32
      %dma_wait3A_786 = tpu.memref_slice %arg20[%add3A_748, %dma_wait3A_785] : memref<10240x64xf32, #tpu.memory_space<vmem_shared>> -> memref<128x64xf32, #tpu.memory_space<vmem_shared>>
      %dma_wait3A_787 = arith.constant 0 : i32
      %dma_wait3A_788 = tpu.memref_slice %arg20[%add3A_748, %dma_wait3A_787] : memref<10240x64xf32, #tpu.memory_space<vmem_shared>> -> memref<128x64xf32, #tpu.memory_space<vmem_shared>>
      tpu.wait_dma2 semaphore(%run_scoped3A_780 : memref<!tpu.dma_semaphore, #tpu.memory_space<semaphore_mem>>) src(%dma_wait3A_788 : memref<128x64xf32, #tpu.memory_space<vmem_shared>>) dst(%arg18 : memref<128x64xf32, #tpu.memory_space<vmem>>)
      tpu.yield
    }) : () -> ()
    %mul3A_749 = arith.constant 10240 : i32
    %mul3A_750 = arith.muli %add3A_408, %mul3A_749 : i32
    %add3A_751 = arith.addi %mul3A_750, %add3A_748 : i32
    "tpu.region"() ({
      %run_scoped3A_780 = tpu.sem_alloc : memref<!tpu.dma_semaphore, #tpu.memory_space<semaphore_mem>>
      %dma_start3A_781 = arith.constant 0 : i32
      %dma_start3A_782 = tpu.memref_slice %arg5[%add3A_751, %dma_start3A_781] : memref<40960x64xf32, #tpu.memory_space<hbm>> -> memref<128x64xf32, #tpu.memory_space<hbm>>
      %dma_start3A_783 = arith.constant 0 : i32
      %dma_start3A_784 = tpu.memref_slice %arg5[%add3A_751, %dma_start3A_783] : memref<40960x64xf32, #tpu.memory_space<hbm>> -> memref<128x64xf32, #tpu.memory_space<hbm>>
      tpu.enqueue_dma source(%arg18 : memref<128x64xf32, #tpu.memory_space<vmem>>) target(%dma_start3A_784 : memref<128x64xf32, #tpu.memory_space<hbm>>) target_semaphore(%run_scoped3A_780 : memref<!tpu.dma_semaphore, #tpu.memory_space<semaphore_mem>>)
      %dma_wait3A_785 = arith.constant 0 : i32
      %dma_wait3A_786 = tpu.memref_slice %arg5[%add3A_751, %dma_wait3A_785] : memref<40960x64xf32, #tpu.memory_space<hbm>> -> memref<128x64xf32, #tpu.memory_space<hbm>>
      %dma_wait3A_787 = arith.constant 0 : i32
      %dma_wait3A_788 = tpu.memref_slice %arg5[%add3A_751, %dma_wait3A_787] : memref<40960x64xf32, #tpu.memory_space<hbm>> -> memref<128x64xf32, #tpu.memory_space<hbm>>
      tpu.wait_dma2 semaphore(%run_scoped3A_780 : memref<!tpu.dma_semaphore, #tpu.memory_space<semaphore_mem>>) src(%arg18 : memref<128x64xf32, #tpu.memory_space<vmem>>) dst(%dma_wait3A_788 : memref<128x64xf32, #tpu.memory_space<hbm>>)
      tpu.yield
    }) : () -> ()
    %mul3A_752 = arith.constant 640 : i32
    %mul3A_753 = arith.muli %arg1, %mul3A_752 : i32
    %add3A_754 = arith.constant 128 : i32
    %add3A_755 = arith.addi %mul3A_753, %add3A_754 : i32
    "tpu.region"() ({
      %run_scoped3A_780 = tpu.sem_alloc : memref<!tpu.dma_semaphore, #tpu.memory_space<semaphore_mem>>
      %dma_start3A_781 = arith.constant 0 : i32
      %dma_start3A_782 = tpu.memref_slice %arg20[%add3A_755, %dma_start3A_781] : memref<10240x64xf32, #tpu.memory_space<vmem_shared>> -> memref<128x64xf32, #tpu.memory_space<vmem_shared>>
      %dma_start3A_783 = arith.constant 0 : i32
      %dma_start3A_784 = tpu.memref_slice %arg20[%add3A_755, %dma_start3A_783] : memref<10240x64xf32, #tpu.memory_space<vmem_shared>> -> memref<128x64xf32, #tpu.memory_space<vmem_shared>>
      tpu.enqueue_dma source(%dma_start3A_784 : memref<128x64xf32, #tpu.memory_space<vmem_shared>>) target(%arg18 : memref<128x64xf32, #tpu.memory_space<vmem>>) target_semaphore(%run_scoped3A_780 : memref<!tpu.dma_semaphore, #tpu.memory_space<semaphore_mem>>)
      %dma_wait3A_785 = arith.constant 0 : i32
      %dma_wait3A_786 = tpu.memref_slice %arg20[%add3A_755, %dma_wait3A_785] : memref<10240x64xf32, #tpu.memory_space<vmem_shared>> -> memref<128x64xf32, #tpu.memory_space<vmem_shared>>
      %dma_wait3A_787 = arith.constant 0 : i32
      %dma_wait3A_788 = tpu.memref_slice %arg20[%add3A_755, %dma_wait3A_787] : memref<10240x64xf32, #tpu.memory_space<vmem_shared>> -> memref<128x64xf32, #tpu.memory_space<vmem_shared>>
      tpu.wait_dma2 semaphore(%run_scoped3A_780 : memref<!tpu.dma_semaphore, #tpu.memory_space<semaphore_mem>>) src(%dma_wait3A_788 : memref<128x64xf32, #tpu.memory_space<vmem_shared>>) dst(%arg18 : memref<128x64xf32, #tpu.memory_space<vmem>>)
      tpu.yield
    }) : () -> ()
    %mul3A_756 = arith.constant 10240 : i32
    %mul3A_757 = arith.muli %add3A_408, %mul3A_756 : i32
    %add3A_758 = arith.addi %mul3A_757, %add3A_755 : i32
    "tpu.region"() ({
      %run_scoped3A_780 = tpu.sem_alloc : memref<!tpu.dma_semaphore, #tpu.memory_space<semaphore_mem>>
      %dma_start3A_781 = arith.constant 0 : i32
      %dma_start3A_782 = tpu.memref_slice %arg5[%add3A_758, %dma_start3A_781] : memref<40960x64xf32, #tpu.memory_space<hbm>> -> memref<128x64xf32, #tpu.memory_space<hbm>>
      %dma_start3A_783 = arith.constant 0 : i32
      %dma_start3A_784 = tpu.memref_slice %arg5[%add3A_758, %dma_start3A_783] : memref<40960x64xf32, #tpu.memory_space<hbm>> -> memref<128x64xf32, #tpu.memory_space<hbm>>
      tpu.enqueue_dma source(%arg18 : memref<128x64xf32, #tpu.memory_space<vmem>>) target(%dma_start3A_784 : memref<128x64xf32, #tpu.memory_space<hbm>>) target_semaphore(%run_scoped3A_780 : memref<!tpu.dma_semaphore, #tpu.memory_space<semaphore_mem>>)
      %dma_wait3A_785 = arith.constant 0 : i32
      %dma_wait3A_786 = tpu.memref_slice %arg5[%add3A_758, %dma_wait3A_785] : memref<40960x64xf32, #tpu.memory_space<hbm>> -> memref<128x64xf32, #tpu.memory_space<hbm>>
      %dma_wait3A_787 = arith.constant 0 : i32
      %dma_wait3A_788 = tpu.memref_slice %arg5[%add3A_758, %dma_wait3A_787] : memref<40960x64xf32, #tpu.memory_space<hbm>> -> memref<128x64xf32, #tpu.memory_space<hbm>>
      tpu.wait_dma2 semaphore(%run_scoped3A_780 : memref<!tpu.dma_semaphore, #tpu.memory_space<semaphore_mem>>) src(%arg18 : memref<128x64xf32, #tpu.memory_space<vmem>>) dst(%dma_wait3A_788 : memref<128x64xf32, #tpu.memory_space<hbm>>)
      tpu.yield
    }) : () -> ()
    %mul3A_759 = arith.constant 640 : i32
    %mul3A_760 = arith.muli %arg1, %mul3A_759 : i32
    %add3A_761 = arith.constant 256 : i32
    %add3A_762 = arith.addi %mul3A_760, %add3A_761 : i32
    "tpu.region"() ({
      %run_scoped3A_780 = tpu.sem_alloc : memref<!tpu.dma_semaphore, #tpu.memory_space<semaphore_mem>>
      %dma_start3A_781 = arith.constant 0 : i32
      %dma_start3A_782 = tpu.memref_slice %arg20[%add3A_762, %dma_start3A_781] : memref<10240x64xf32, #tpu.memory_space<vmem_shared>> -> memref<128x64xf32, #tpu.memory_space<vmem_shared>>
      %dma_start3A_783 = arith.constant 0 : i32
      %dma_start3A_784 = tpu.memref_slice %arg20[%add3A_762, %dma_start3A_783] : memref<10240x64xf32, #tpu.memory_space<vmem_shared>> -> memref<128x64xf32, #tpu.memory_space<vmem_shared>>
      tpu.enqueue_dma source(%dma_start3A_784 : memref<128x64xf32, #tpu.memory_space<vmem_shared>>) target(%arg18 : memref<128x64xf32, #tpu.memory_space<vmem>>) target_semaphore(%run_scoped3A_780 : memref<!tpu.dma_semaphore, #tpu.memory_space<semaphore_mem>>)
      %dma_wait3A_785 = arith.constant 0 : i32
      %dma_wait3A_786 = tpu.memref_slice %arg20[%add3A_762, %dma_wait3A_785] : memref<10240x64xf32, #tpu.memory_space<vmem_shared>> -> memref<128x64xf32, #tpu.memory_space<vmem_shared>>
      %dma_wait3A_787 = arith.constant 0 : i32
      %dma_wait3A_788 = tpu.memref_slice %arg20[%add3A_762, %dma_wait3A_787] : memref<10240x64xf32, #tpu.memory_space<vmem_shared>> -> memref<128x64xf32, #tpu.memory_space<vmem_shared>>
      tpu.wait_dma2 semaphore(%run_scoped3A_780 : memref<!tpu.dma_semaphore, #tpu.memory_space<semaphore_mem>>) src(%dma_wait3A_788 : memref<128x64xf32, #tpu.memory_space<vmem_shared>>) dst(%arg18 : memref<128x64xf32, #tpu.memory_space<vmem>>)
      tpu.yield
    }) : () -> ()
    %mul3A_763 = arith.constant 10240 : i32
    %mul3A_764 = arith.muli %add3A_408, %mul3A_763 : i32
    %add3A_765 = arith.addi %mul3A_764, %add3A_762 : i32
    "tpu.region"() ({
      %run_scoped3A_780 = tpu.sem_alloc : memref<!tpu.dma_semaphore, #tpu.memory_space<semaphore_mem>>
      %dma_start3A_781 = arith.constant 0 : i32
      %dma_start3A_782 = tpu.memref_slice %arg5[%add3A_765, %dma_start3A_781] : memref<40960x64xf32, #tpu.memory_space<hbm>> -> memref<128x64xf32, #tpu.memory_space<hbm>>
      %dma_start3A_783 = arith.constant 0 : i32
      %dma_start3A_784 = tpu.memref_slice %arg5[%add3A_765, %dma_start3A_783] : memref<40960x64xf32, #tpu.memory_space<hbm>> -> memref<128x64xf32, #tpu.memory_space<hbm>>
      tpu.enqueue_dma source(%arg18 : memref<128x64xf32, #tpu.memory_space<vmem>>) target(%dma_start3A_784 : memref<128x64xf32, #tpu.memory_space<hbm>>) target_semaphore(%run_scoped3A_780 : memref<!tpu.dma_semaphore, #tpu.memory_space<semaphore_mem>>)
      %dma_wait3A_785 = arith.constant 0 : i32
      %dma_wait3A_786 = tpu.memref_slice %arg5[%add3A_765, %dma_wait3A_785] : memref<40960x64xf32, #tpu.memory_space<hbm>> -> memref<128x64xf32, #tpu.memory_space<hbm>>
      %dma_wait3A_787 = arith.constant 0 : i32
      %dma_wait3A_788 = tpu.memref_slice %arg5[%add3A_765, %dma_wait3A_787] : memref<40960x64xf32, #tpu.memory_space<hbm>> -> memref<128x64xf32, #tpu.memory_space<hbm>>
      tpu.wait_dma2 semaphore(%run_scoped3A_780 : memref<!tpu.dma_semaphore, #tpu.memory_space<semaphore_mem>>) src(%arg18 : memref<128x64xf32, #tpu.memory_space<vmem>>) dst(%dma_wait3A_788 : memref<128x64xf32, #tpu.memory_space<hbm>>)
      tpu.yield
    }) : () -> ()
    %mul3A_766 = arith.constant 640 : i32
    %mul3A_767 = arith.muli %arg1, %mul3A_766 : i32
    %add3A_768 = arith.constant 384 : i32
    %add3A_769 = arith.addi %mul3A_767, %add3A_768 : i32
    "tpu.region"() ({
      %run_scoped3A_780 = tpu.sem_alloc : memref<!tpu.dma_semaphore, #tpu.memory_space<semaphore_mem>>
      %dma_start3A_781 = arith.constant 0 : i32
      %dma_start3A_782 = tpu.memref_slice %arg20[%add3A_769, %dma_start3A_781] : memref<10240x64xf32, #tpu.memory_space<vmem_shared>> -> memref<128x64xf32, #tpu.memory_space<vmem_shared>>
      %dma_start3A_783 = arith.constant 0 : i32
      %dma_start3A_784 = tpu.memref_slice %arg20[%add3A_769, %dma_start3A_783] : memref<10240x64xf32, #tpu.memory_space<vmem_shared>> -> memref<128x64xf32, #tpu.memory_space<vmem_shared>>
      tpu.enqueue_dma source(%dma_start3A_784 : memref<128x64xf32, #tpu.memory_space<vmem_shared>>) target(%arg18 : memref<128x64xf32, #tpu.memory_space<vmem>>) target_semaphore(%run_scoped3A_780 : memref<!tpu.dma_semaphore, #tpu.memory_space<semaphore_mem>>)
      %dma_wait3A_785 = arith.constant 0 : i32
      %dma_wait3A_786 = tpu.memref_slice %arg20[%add3A_769, %dma_wait3A_785] : memref<10240x64xf32, #tpu.memory_space<vmem_shared>> -> memref<128x64xf32, #tpu.memory_space<vmem_shared>>
      %dma_wait3A_787 = arith.constant 0 : i32
      %dma_wait3A_788 = tpu.memref_slice %arg20[%add3A_769, %dma_wait3A_787] : memref<10240x64xf32, #tpu.memory_space<vmem_shared>> -> memref<128x64xf32, #tpu.memory_space<vmem_shared>>
      tpu.wait_dma2 semaphore(%run_scoped3A_780 : memref<!tpu.dma_semaphore, #tpu.memory_space<semaphore_mem>>) src(%dma_wait3A_788 : memref<128x64xf32, #tpu.memory_space<vmem_shared>>) dst(%arg18 : memref<128x64xf32, #tpu.memory_space<vmem>>)
      tpu.yield
    }) : () -> ()
    %mul3A_770 = arith.constant 10240 : i32
    %mul3A_771 = arith.muli %add3A_408, %mul3A_770 : i32
    %add3A_772 = arith.addi %mul3A_771, %add3A_769 : i32
    "tpu.region"() ({
      %run_scoped3A_780 = tpu.sem_alloc : memref<!tpu.dma_semaphore, #tpu.memory_space<semaphore_mem>>
      %dma_start3A_781 = arith.constant 0 : i32
      %dma_start3A_782 = tpu.memref_slice %arg5[%add3A_772, %dma_start3A_781] : memref<40960x64xf32, #tpu.memory_space<hbm>> -> memref<128x64xf32, #tpu.memory_space<hbm>>
      %dma_start3A_783 = arith.constant 0 : i32
      %dma_start3A_784 = tpu.memref_slice %arg5[%add3A_772, %dma_start3A_783] : memref<40960x64xf32, #tpu.memory_space<hbm>> -> memref<128x64xf32, #tpu.memory_space<hbm>>
      tpu.enqueue_dma source(%arg18 : memref<128x64xf32, #tpu.memory_space<vmem>>) target(%dma_start3A_784 : memref<128x64xf32, #tpu.memory_space<hbm>>) target_semaphore(%run_scoped3A_780 : memref<!tpu.dma_semaphore, #tpu.memory_space<semaphore_mem>>)
      %dma_wait3A_785 = arith.constant 0 : i32
      %dma_wait3A_786 = tpu.memref_slice %arg5[%add3A_772, %dma_wait3A_785] : memref<40960x64xf32, #tpu.memory_space<hbm>> -> memref<128x64xf32, #tpu.memory_space<hbm>>
      %dma_wait3A_787 = arith.constant 0 : i32
      %dma_wait3A_788 = tpu.memref_slice %arg5[%add3A_772, %dma_wait3A_787] : memref<40960x64xf32, #tpu.memory_space<hbm>> -> memref<128x64xf32, #tpu.memory_space<hbm>>
      tpu.wait_dma2 semaphore(%run_scoped3A_780 : memref<!tpu.dma_semaphore, #tpu.memory_space<semaphore_mem>>) src(%arg18 : memref<128x64xf32, #tpu.memory_space<vmem>>) dst(%dma_wait3A_788 : memref<128x64xf32, #tpu.memory_space<hbm>>)
      tpu.yield
    }) : () -> ()
    %mul3A_773 = arith.constant 640 : i32
    %mul3A_774 = arith.muli %arg1, %mul3A_773 : i32
    %add3A_775 = arith.constant 512 : i32
    %add3A_776 = arith.addi %mul3A_774, %add3A_775 : i32
    "tpu.region"() ({
      %run_scoped3A_780 = tpu.sem_alloc : memref<!tpu.dma_semaphore, #tpu.memory_space<semaphore_mem>>
      %dma_start3A_781 = arith.constant 0 : i32
      %dma_start3A_782 = tpu.memref_slice %arg20[%add3A_776, %dma_start3A_781] : memref<10240x64xf32, #tpu.memory_space<vmem_shared>> -> memref<128x64xf32, #tpu.memory_space<vmem_shared>>
      %dma_start3A_783 = arith.constant 0 : i32
      %dma_start3A_784 = tpu.memref_slice %arg20[%add3A_776, %dma_start3A_783] : memref<10240x64xf32, #tpu.memory_space<vmem_shared>> -> memref<128x64xf32, #tpu.memory_space<vmem_shared>>
      tpu.enqueue_dma source(%dma_start3A_784 : memref<128x64xf32, #tpu.memory_space<vmem_shared>>) target(%arg18 : memref<128x64xf32, #tpu.memory_space<vmem>>) target_semaphore(%run_scoped3A_780 : memref<!tpu.dma_semaphore, #tpu.memory_space<semaphore_mem>>)
      %dma_wait3A_785 = arith.constant 0 : i32
      %dma_wait3A_786 = tpu.memref_slice %arg20[%add3A_776, %dma_wait3A_785] : memref<10240x64xf32, #tpu.memory_space<vmem_shared>> -> memref<128x64xf32, #tpu.memory_space<vmem_shared>>
      %dma_wait3A_787 = arith.constant 0 : i32
      %dma_wait3A_788 = tpu.memref_slice %arg20[%add3A_776, %dma_wait3A_787] : memref<10240x64xf32, #tpu.memory_space<vmem_shared>> -> memref<128x64xf32, #tpu.memory_space<vmem_shared>>
      tpu.wait_dma2 semaphore(%run_scoped3A_780 : memref<!tpu.dma_semaphore, #tpu.memory_space<semaphore_mem>>) src(%dma_wait3A_788 : memref<128x64xf32, #tpu.memory_space<vmem_shared>>) dst(%arg18 : memref<128x64xf32, #tpu.memory_space<vmem>>)
      tpu.yield
    }) : () -> ()
    %mul3A_777 = arith.constant 10240 : i32
    %mul3A_778 = arith.muli %add3A_408, %mul3A_777 : i32
    %add3A_779 = arith.addi %mul3A_778, %add3A_776 : i32
    "tpu.region"() ({
      %run_scoped3A_780 = tpu.sem_alloc : memref<!tpu.dma_semaphore, #tpu.memory_space<semaphore_mem>>
      %dma_start3A_781 = arith.constant 0 : i32
      %dma_start3A_782 = tpu.memref_slice %arg5[%add3A_779, %dma_start3A_781] : memref<40960x64xf32, #tpu.memory_space<hbm>> -> memref<128x64xf32, #tpu.memory_space<hbm>>
      %dma_start3A_783 = arith.constant 0 : i32
      %dma_start3A_784 = tpu.memref_slice %arg5[%add3A_779, %dma_start3A_783] : memref<40960x64xf32, #tpu.memory_space<hbm>> -> memref<128x64xf32, #tpu.memory_space<hbm>>
      tpu.enqueue_dma source(%arg18 : memref<128x64xf32, #tpu.memory_space<vmem>>) target(%dma_start3A_784 : memref<128x64xf32, #tpu.memory_space<hbm>>) target_semaphore(%run_scoped3A_780 : memref<!tpu.dma_semaphore, #tpu.memory_space<semaphore_mem>>)
      %dma_wait3A_785 = arith.constant 0 : i32
      %dma_wait3A_786 = tpu.memref_slice %arg5[%add3A_779, %dma_wait3A_785] : memref<40960x64xf32, #tpu.memory_space<hbm>> -> memref<128x64xf32, #tpu.memory_space<hbm>>
      %dma_wait3A_787 = arith.constant 0 : i32
      %dma_wait3A_788 = tpu.memref_slice %arg5[%add3A_779, %dma_wait3A_787] : memref<40960x64xf32, #tpu.memory_space<hbm>> -> memref<128x64xf32, #tpu.memory_space<hbm>>
      tpu.wait_dma2 semaphore(%run_scoped3A_780 : memref<!tpu.dma_semaphore, #tpu.memory_space<semaphore_mem>>) src(%arg18 : memref<128x64xf32, #tpu.memory_space<vmem>>) dst(%dma_wait3A_788 : memref<128x64xf32, #tpu.memory_space<hbm>>)
      tpu.yield
    }) : () -> ()
    return
  }
}

#map = affine_map<(d0, d1) -> (0, 0)>
module attributes {stable_mosaic.version = 14 : i64} {
  func.func @_agg2(%arg0: i32, %arg1: i32, %arg2: memref<10240x16xf32, #tpu.memory_space<hbm>>, %arg3: memref<10240x16xf32, #tpu.memory_space<hbm>>, %arg4: memref<10240x16xf32, #tpu.memory_space<hbm>>, %arg5: memref<1280x128xi32, #tpu.memory_space<hbm>>, %arg6: memref<1280x128xi32, #tpu.memory_space<hbm>>, %arg7: memref<10240x16xf32, #tpu.memory_space<hbm>>, %arg8: memref<80x128xi32, #tpu.memory_space<vmem>>, %arg9: memref<80x128xi32, #tpu.memory_space<vmem>>, %arg10: memref<128x16xf32, #tpu.memory_space<vmem>>, %arg11: memref<128x16xf32, #tpu.memory_space<vmem>>, %arg12: memref<128x16xf32, #tpu.memory_space<vmem>>, %arg13: memref<128x16xf32, #tpu.memory_space<vmem>>, %arg14: memref<640x16xf32, #tpu.memory_space<vmem>>, %arg15: memref<640x16xf32, #tpu.memory_space<vmem>>, %arg16: memref<640x16xf32, #tpu.memory_space<vmem>>, %arg17: memref<10240x16xf32, #tpu.memory_space<vmem_shared>>, %arg18: memref<!tpu.dma_semaphore, #tpu.memory_space<semaphore_mem>>, %arg19: memref<!tpu.dma_semaphore, #tpu.memory_space<semaphore_mem>>, %arg20: memref<!tpu.dma_semaphore, #tpu.memory_space<semaphore_mem>>, %arg21: memref<!tpu.dma_semaphore, #tpu.memory_space<semaphore_mem>>) attributes {dimension_semantics = [#tpu.dimension_semantics<core_parallel>, #tpu.dimension_semantics<subcore_parallel>], iteration_bounds = array<i64: 2, 16>, scalar_prefetch = 0 : i64, scratch_operands = 14 : i64, tpu.core_type = #tpu.core_type<sc_vector_subcore>, window_params = [{transform_indices = #map}, {transform_indices = #map}, {transform_indices = #map}, {transform_indices = #map}, {transform_indices = #map}, {transform_indices = #map}]} {
    %eq3A = arith.constant 0 : i32
    %eq3A_0 = arith.cmpi eq, %arg0, %eq3A : i32
    %convert_element_type3A = arith.extui %eq3A_0 : i1 to i32
    %cond3A = arith.constant 0 : i32
    %cond3A_1 = arith.cmpi ne, %convert_element_type3A, %cond3A : i32
    scf.if %cond3A_1 {
      %broadcast_in_dim3A = arith.constant 0.000000e+00 : f32
      %broadcast_in_dim3A_2 = vector.broadcast %broadcast_in_dim3A : f32 to vector<16xf32>
      %scan3A = arith.constant 0 : i32
      %scan3A_3 = arith.constant 0 : i32
      %scan3A_4 = arith.constant 640 : i32
      %scan3A_5 = arith.addi %scan3A_3, %scan3A_4 : i32
      %scan3A_6 = arith.constant 1 : i32
      scf.for %scan3A_85 = %scan3A_3 to %scan3A_5 step %scan3A_6  : i32 {
        %swap3A = arith.index_cast %scan3A_85 : i32 to index
        %swap3A_86 = arith.constant 0 : index
        %swap3A_87 = tpu.vector_load %arg14[%swap3A, %swap3A_86] {strides = array<i32>} : memref<640x16xf32, #tpu.memory_space<vmem>>, vector<1x16xf32>,
        %swap3A_88 = vector.shape_cast %swap3A_87 : vector<1x16xf32> to vector<16xf32>
        %swap3A_89 = vector.shape_cast %broadcast_in_dim3A_2 : vector<16xf32> to vector<1x16xf32>
        tpu.vector_store %arg14[%swap3A, %swap3A_86], %swap3A_89 {strides = array<i32>} : memref<640x16xf32, #tpu.memory_space<vmem>>, vector<1x16xf32>,
      }
      %scan3A_7 = arith.constant 640 : i32
      %mul3A = arith.constant 640 : i32
      %mul3A_8 = arith.muli %arg1, %mul3A : i32
      "tpu.region"() ({
        %run_scoped3A_85 = tpu.sem_alloc : memref<!tpu.dma_semaphore, #tpu.memory_space<semaphore_mem>>
        %dma_start3A_86 = arith.constant 0 : i32
        %dma_start3A_87 = tpu.memref_slice %arg17[%mul3A_8, %dma_start3A_86] : memref<10240x16xf32, #tpu.memory_space<vmem_shared>> -> memref<640x16xf32, #tpu.memory_space<vmem_shared>>
        %dma_start3A_88 = arith.constant 0 : i32
        %dma_start3A_89 = tpu.memref_slice %arg17[%mul3A_8, %dma_start3A_88] : memref<10240x16xf32, #tpu.memory_space<vmem_shared>> -> memref<640x16xf32, #tpu.memory_space<vmem_shared>>
        tpu.enqueue_dma source(%arg14 : memref<640x16xf32, #tpu.memory_space<vmem>>) target(%dma_start3A_89 : memref<640x16xf32, #tpu.memory_space<vmem_shared>>) target_semaphore(%run_scoped3A_85 : memref<!tpu.dma_semaphore, #tpu.memory_space<semaphore_mem>>)
        %dma_wait3A_90 = arith.constant 0 : i32
        %dma_wait3A_91 = tpu.memref_slice %arg17[%mul3A_8, %dma_wait3A_90] : memref<10240x16xf32, #tpu.memory_space<vmem_shared>> -> memref<640x16xf32, #tpu.memory_space<vmem_shared>>
        %dma_wait3A_92 = arith.constant 0 : i32
        %dma_wait3A_93 = tpu.memref_slice %arg17[%mul3A_8, %dma_wait3A_92] : memref<10240x16xf32, #tpu.memory_space<vmem_shared>> -> memref<640x16xf32, #tpu.memory_space<vmem_shared>>
        tpu.wait_dma2 semaphore(%run_scoped3A_85 : memref<!tpu.dma_semaphore, #tpu.memory_space<semaphore_mem>>) src(%arg14 : memref<640x16xf32, #tpu.memory_space<vmem>>) dst(%dma_wait3A_93 : memref<640x16xf32, #tpu.memory_space<vmem_shared>>)
        tpu.yield
      }) : () -> ()
      %mul3A_9 = arith.constant 80 : i32
      %mul3A_10 = arith.muli %arg1, %mul3A_9 : i32
      "tpu.region"() ({
        %run_scoped3A_85 = tpu.sem_alloc : memref<!tpu.dma_semaphore, #tpu.memory_space<semaphore_mem>>
        %dma_start3A_86 = arith.constant 0 : i32
        %dma_start3A_87 = tpu.memref_slice %arg5[%mul3A_10, %dma_start3A_86] : memref<1280x128xi32, #tpu.memory_space<hbm>> -> memref<80x128xi32, #tpu.memory_space<hbm>>
        %dma_start3A_88 = arith.constant 0 : i32
        %dma_start3A_89 = tpu.memref_slice %arg5[%mul3A_10, %dma_start3A_88] : memref<1280x128xi32, #tpu.memory_space<hbm>> -> memref<80x128xi32, #tpu.memory_space<hbm>>
        tpu.enqueue_dma source(%dma_start3A_89 : memref<80x128xi32, #tpu.memory_space<hbm>>) target(%arg8 : memref<80x128xi32, #tpu.memory_space<vmem>>) target_semaphore(%run_scoped3A_85 : memref<!tpu.dma_semaphore, #tpu.memory_space<semaphore_mem>>)
        %dma_wait3A_90 = arith.constant 0 : i32
        %dma_wait3A_91 = tpu.memref_slice %arg5[%mul3A_10, %dma_wait3A_90] : memref<1280x128xi32, #tpu.memory_space<hbm>> -> memref<80x128xi32, #tpu.memory_space<hbm>>
        %dma_wait3A_92 = arith.constant 0 : i32
        %dma_wait3A_93 = tpu.memref_slice %arg5[%mul3A_10, %dma_wait3A_92] : memref<1280x128xi32, #tpu.memory_space<hbm>> -> memref<80x128xi32, #tpu.memory_space<hbm>>
        tpu.wait_dma2 semaphore(%run_scoped3A_85 : memref<!tpu.dma_semaphore, #tpu.memory_space<semaphore_mem>>) src(%dma_wait3A_93 : memref<80x128xi32, #tpu.memory_space<hbm>>) dst(%arg8 : memref<80x128xi32, #tpu.memory_space<vmem>>)
        tpu.yield
      }) : () -> ()
      %mul3A_11 = arith.constant 80 : i32
      %mul3A_12 = arith.muli %arg1, %mul3A_11 : i32
      "tpu.region"() ({
        %run_scoped3A_85 = tpu.sem_alloc : memref<!tpu.dma_semaphore, #tpu.memory_space<semaphore_mem>>
        %dma_start3A_86 = arith.constant 0 : i32
        %dma_start3A_87 = tpu.memref_slice %arg6[%mul3A_12, %dma_start3A_86] : memref<1280x128xi32, #tpu.memory_space<hbm>> -> memref<80x128xi32, #tpu.memory_space<hbm>>
        %dma_start3A_88 = arith.constant 0 : i32
        %dma_start3A_89 = tpu.memref_slice %arg6[%mul3A_12, %dma_start3A_88] : memref<1280x128xi32, #tpu.memory_space<hbm>> -> memref<80x128xi32, #tpu.memory_space<hbm>>
        tpu.enqueue_dma source(%dma_start3A_89 : memref<80x128xi32, #tpu.memory_space<hbm>>) target(%arg9 : memref<80x128xi32, #tpu.memory_space<vmem>>) target_semaphore(%run_scoped3A_85 : memref<!tpu.dma_semaphore, #tpu.memory_space<semaphore_mem>>)
        %dma_wait3A_90 = arith.constant 0 : i32
        %dma_wait3A_91 = tpu.memref_slice %arg6[%mul3A_12, %dma_wait3A_90] : memref<1280x128xi32, #tpu.memory_space<hbm>> -> memref<80x128xi32, #tpu.memory_space<hbm>>
        %dma_wait3A_92 = arith.constant 0 : i32
        %dma_wait3A_93 = tpu.memref_slice %arg6[%mul3A_12, %dma_wait3A_92] : memref<1280x128xi32, #tpu.memory_space<hbm>> -> memref<80x128xi32, #tpu.memory_space<hbm>>
        tpu.wait_dma2 semaphore(%run_scoped3A_85 : memref<!tpu.dma_semaphore, #tpu.memory_space<semaphore_mem>>) src(%dma_wait3A_93 : memref<80x128xi32, #tpu.memory_space<hbm>>) dst(%arg9 : memref<80x128xi32, #tpu.memory_space<vmem>>)
        tpu.yield
      }) : () -> ()
      %barrier3A = arith.constant 0 : index
      tpu.barrier barrier_id(%barrier3A)
      %dma_start3A = arith.constant 0 : i32
      %dma_start3A_13 = arith.constant 0 : i32
      %dma_start3A_14 = tpu.memref_slice %arg8[%dma_start3A, %dma_start3A_13] : memref<80x128xi32, #tpu.memory_space<vmem>> -> memref<1x128xi32, #tpu.memory_space<vmem>>
      %dma_start3A_15 = tpu.memref_squeeze %dma_start3A_14 : memref<1x128xi32, #tpu.memory_space<vmem>> -> memref<128xi32, #tpu.memory_space<vmem>>
      %dma_start3A_16 = arith.constant 0 : i32
      %dma_start3A_17 = arith.constant 0 : i32
      %dma_start3A_18 = tpu.memref_slice %arg2[%dma_start3A_16, %dma_start3A_17] : memref<10240x16xf32, #tpu.memory_space<hbm>> -> memref<10240x16xf32, #tpu.memory_space<hbm>>
      tpu.enqueue_indirect_dma source(%dma_start3A_18 : memref<10240x16xf32, #tpu.memory_space<hbm>>) target(%arg10 : memref<128x16xf32, #tpu.memory_space<vmem>>) offsets(%dma_start3A_15 : memref<128xi32, #tpu.memory_space<vmem>>) semaphore(%arg18 : memref<!tpu.dma_semaphore, #tpu.memory_space<semaphore_mem>>)
      %dma_start3A_19 = arith.constant 1 : i32
      %dma_start3A_20 = arith.constant 0 : i32
      %dma_start3A_21 = tpu.memref_slice %arg8[%dma_start3A_19, %dma_start3A_20] : memref<80x128xi32, #tpu.memory_space<vmem>> -> memref<1x128xi32, #tpu.memory_space<vmem>>
      %dma_start3A_22 = tpu.memref_squeeze %dma_start3A_21 : memref<1x128xi32, #tpu.memory_space<vmem>> -> memref<128xi32, #tpu.memory_space<vmem>>
      %dma_start3A_23 = arith.constant 0 : i32
      %dma_start3A_24 = arith.constant 0 : i32
      %dma_start3A_25 = tpu.memref_slice %arg2[%dma_start3A_23, %dma_start3A_24] : memref<10240x16xf32, #tpu.memory_space<hbm>> -> memref<10240x16xf32, #tpu.memory_space<hbm>>
      tpu.enqueue_indirect_dma source(%dma_start3A_25 : memref<10240x16xf32, #tpu.memory_space<hbm>>) target(%arg11 : memref<128x16xf32, #tpu.memory_space<vmem>>) offsets(%dma_start3A_22 : memref<128xi32, #tpu.memory_space<vmem>>) semaphore(%arg19 : memref<!tpu.dma_semaphore, #tpu.memory_space<semaphore_mem>>)
      %dma_start3A_26 = arith.constant 2 : i32
      %dma_start3A_27 = arith.constant 0 : i32
      %dma_start3A_28 = tpu.memref_slice %arg8[%dma_start3A_26, %dma_start3A_27] : memref<80x128xi32, #tpu.memory_space<vmem>> -> memref<1x128xi32, #tpu.memory_space<vmem>>
      %dma_start3A_29 = tpu.memref_squeeze %dma_start3A_28 : memref<1x128xi32, #tpu.memory_space<vmem>> -> memref<128xi32, #tpu.memory_space<vmem>>
      %dma_start3A_30 = arith.constant 0 : i32
      %dma_start3A_31 = arith.constant 0 : i32
      %dma_start3A_32 = tpu.memref_slice %arg2[%dma_start3A_30, %dma_start3A_31] : memref<10240x16xf32, #tpu.memory_space<hbm>> -> memref<10240x16xf32, #tpu.memory_space<hbm>>
      tpu.enqueue_indirect_dma source(%dma_start3A_32 : memref<10240x16xf32, #tpu.memory_space<hbm>>) target(%arg12 : memref<128x16xf32, #tpu.memory_space<vmem>>) offsets(%dma_start3A_29 : memref<128xi32, #tpu.memory_space<vmem>>) semaphore(%arg20 : memref<!tpu.dma_semaphore, #tpu.memory_space<semaphore_mem>>)
      %dma_wait3A = arith.constant 0 : i32
      %dma_wait3A_33 = arith.constant 0 : i32
      %dma_wait3A_34 = tpu.memref_slice %arg8[%dma_wait3A, %dma_wait3A_33] : memref<80x128xi32, #tpu.memory_space<vmem>> -> memref<1x128xi32, #tpu.memory_space<vmem>>
      %dma_wait3A_35 = tpu.memref_squeeze %dma_wait3A_34 : memref<1x128xi32, #tpu.memory_space<vmem>> -> memref<128xi32, #tpu.memory_space<vmem>>
      %dma_wait3A_36 = arith.constant 0 : i32
      %dma_wait3A_37 = arith.constant 0 : i32
      %dma_wait3A_38 = tpu.memref_slice %arg2[%dma_wait3A_36, %dma_wait3A_37] : memref<10240x16xf32, #tpu.memory_space<hbm>> -> memref<10240x16xf32, #tpu.memory_space<hbm>>
      tpu.wait_indirect_dma semaphore(%arg18 : memref<!tpu.dma_semaphore, #tpu.memory_space<semaphore_mem>>) src(%dma_wait3A_38 : memref<10240x16xf32, #tpu.memory_space<hbm>>) dst(%arg10 : memref<128x16xf32, #tpu.memory_space<vmem>>)
      %run_scoped3A = arith.constant 0 : i32
      "tpu.region"() ({
        %run_scoped3A_85 = tpu.sem_alloc : memref<!tpu.dma_semaphore, #tpu.memory_space<semaphore_mem>>
        %dma_start3A_86 = arith.constant 0 : i32
        %dma_start3A_87 = tpu.memref_slice %arg9[%run_scoped3A, %dma_start3A_86] : memref<80x128xi32, #tpu.memory_space<vmem>> -> memref<1x128xi32, #tpu.memory_space<vmem>>
        %dma_start3A_88 = tpu.memref_squeeze %dma_start3A_87 : memref<1x128xi32, #tpu.memory_space<vmem>> -> memref<128xi32, #tpu.memory_space<vmem>>
        %dma_start3A_89 = arith.constant 0 : i32
        %dma_start3A_90 = arith.constant 0 : i32
        %dma_start3A_91 = tpu.memref_slice %arg17[%dma_start3A_89, %dma_start3A_90] : memref<10240x16xf32, #tpu.memory_space<vmem_shared>> -> memref<10240x16xf32, #tpu.memory_space<vmem_shared>>
        tpu.enqueue_indirect_dma source(%arg10 : memref<128x16xf32, #tpu.memory_space<vmem>>) target(%dma_start3A_91 : memref<10240x16xf32, #tpu.memory_space<vmem_shared>>) offsets(%dma_start3A_88 : memref<128xi32, #tpu.memory_space<vmem>>) semaphore(%run_scoped3A_85 : memref<!tpu.dma_semaphore, #tpu.memory_space<semaphore_mem>>) {add = true}
        %dma_wait3A_92 = arith.constant 0 : i32
        %dma_wait3A_93 = tpu.memref_slice %arg9[%run_scoped3A, %dma_wait3A_92] : memref<80x128xi32, #tpu.memory_space<vmem>> -> memref<1x128xi32, #tpu.memory_space<vmem>>
        %dma_wait3A_94 = tpu.memref_squeeze %dma_wait3A_93 : memref<1x128xi32, #tpu.memory_space<vmem>> -> memref<128xi32, #tpu.memory_space<vmem>>
        %dma_wait3A_95 = arith.constant 0 : i32
        %dma_wait3A_96 = arith.constant 0 : i32
        %dma_wait3A_97 = tpu.memref_slice %arg17[%dma_wait3A_95, %dma_wait3A_96] : memref<10240x16xf32, #tpu.memory_space<vmem_shared>> -> memref<10240x16xf32, #tpu.memory_space<vmem_shared>>
        tpu.wait_indirect_dma semaphore(%run_scoped3A_85 : memref<!tpu.dma_semaphore, #tpu.memory_space<semaphore_mem>>) src(%arg10 : memref<128x16xf32, #tpu.memory_space<vmem>>) dst(%dma_wait3A_97 : memref<10240x16xf32, #tpu.memory_space<vmem_shared>>)
        tpu.yield
      }) : () -> ()
      %dma_start3A_39 = arith.constant 3 : i32
      %dma_start3A_40 = arith.constant 0 : i32
      %dma_start3A_41 = tpu.memref_slice %arg8[%dma_start3A_39, %dma_start3A_40] : memref<80x128xi32, #tpu.memory_space<vmem>> -> memref<1x128xi32, #tpu.memory_space<vmem>>
      %dma_start3A_42 = tpu.memref_squeeze %dma_start3A_41 : memref<1x128xi32, #tpu.memory_space<vmem>> -> memref<128xi32, #tpu.memory_space<vmem>>
      %dma_start3A_43 = arith.constant 0 : i32
      %dma_start3A_44 = arith.constant 0 : i32
      %dma_start3A_45 = tpu.memref_slice %arg2[%dma_start3A_43, %dma_start3A_44] : memref<10240x16xf32, #tpu.memory_space<hbm>> -> memref<10240x16xf32, #tpu.memory_space<hbm>>
      tpu.enqueue_indirect_dma source(%dma_start3A_45 : memref<10240x16xf32, #tpu.memory_space<hbm>>) target(%arg13 : memref<128x16xf32, #tpu.memory_space<vmem>>) offsets(%dma_start3A_42 : memref<128xi32, #tpu.memory_space<vmem>>) semaphore(%arg21 : memref<!tpu.dma_semaphore, #tpu.memory_space<semaphore_mem>>)
      %dma_wait3A_46 = arith.constant 0 : i32
      %dma_wait3A_47 = arith.constant 0 : i32
      %dma_wait3A_48 = tpu.memref_slice %arg8[%dma_wait3A_46, %dma_wait3A_47] : memref<80x128xi32, #tpu.memory_space<vmem>> -> memref<1x128xi32, #tpu.memory_space<vmem>>
      %dma_wait3A_49 = tpu.memref_squeeze %dma_wait3A_48 : memref<1x128xi32, #tpu.memory_space<vmem>> -> memref<128xi32, #tpu.memory_space<vmem>>
      %dma_wait3A_50 = arith.constant 0 : i32
      %dma_wait3A_51 = arith.constant 0 : i32
      %dma_wait3A_52 = tpu.memref_slice %arg2[%dma_wait3A_50, %dma_wait3A_51] : memref<10240x16xf32, #tpu.memory_space<hbm>> -> memref<10240x16xf32, #tpu.memory_space<hbm>>
      tpu.wait_indirect_dma semaphore(%arg19 : memref<!tpu.dma_semaphore, #tpu.memory_space<semaphore_mem>>) src(%dma_wait3A_52 : memref<10240x16xf32, #tpu.memory_space<hbm>>) dst(%arg11 : memref<128x16xf32, #tpu.memory_space<vmem>>)
      %run_scoped3A_53 = arith.constant 1 : i32
      "tpu.region"() ({
        %run_scoped3A_85 = tpu.sem_alloc : memref<!tpu.dma_semaphore, #tpu.memory_space<semaphore_mem>>
        %dma_start3A_86 = arith.constant 0 : i32
        %dma_start3A_87 = tpu.memref_slice %arg9[%run_scoped3A_53, %dma_start3A_86] : memref<80x128xi32, #tpu.memory_space<vmem>> -> memref<1x128xi32, #tpu.memory_space<vmem>>
        %dma_start3A_88 = tpu.memref_squeeze %dma_start3A_87 : memref<1x128xi32, #tpu.memory_space<vmem>> -> memref<128xi32, #tpu.memory_space<vmem>>
        %dma_start3A_89 = arith.constant 0 : i32
        %dma_start3A_90 = arith.constant 0 : i32
        %dma_start3A_91 = tpu.memref_slice %arg17[%dma_start3A_89, %dma_start3A_90] : memref<10240x16xf32, #tpu.memory_space<vmem_shared>> -> memref<10240x16xf32, #tpu.memory_space<vmem_shared>>
        tpu.enqueue_indirect_dma source(%arg11 : memref<128x16xf32, #tpu.memory_space<vmem>>) target(%dma_start3A_91 : memref<10240x16xf32, #tpu.memory_space<vmem_shared>>) offsets(%dma_start3A_88 : memref<128xi32, #tpu.memory_space<vmem>>) semaphore(%run_scoped3A_85 : memref<!tpu.dma_semaphore, #tpu.memory_space<semaphore_mem>>) {add = true}
        %dma_wait3A_92 = arith.constant 0 : i32
        %dma_wait3A_93 = tpu.memref_slice %arg9[%run_scoped3A_53, %dma_wait3A_92] : memref<80x128xi32, #tpu.memory_space<vmem>> -> memref<1x128xi32, #tpu.memory_space<vmem>>
        %dma_wait3A_94 = tpu.memref_squeeze %dma_wait3A_93 : memref<1x128xi32, #tpu.memory_space<vmem>> -> memref<128xi32, #tpu.memory_space<vmem>>
        %dma_wait3A_95 = arith.constant 0 : i32
        %dma_wait3A_96 = arith.constant 0 : i32
        %dma_wait3A_97 = tpu.memref_slice %arg17[%dma_wait3A_95, %dma_wait3A_96] : memref<10240x16xf32, #tpu.memory_space<vmem_shared>> -> memref<10240x16xf32, #tpu.memory_space<vmem_shared>>
        tpu.wait_indirect_dma semaphore(%run_scoped3A_85 : memref<!tpu.dma_semaphore, #tpu.memory_space<semaphore_mem>>) src(%arg11 : memref<128x16xf32, #tpu.memory_space<vmem>>) dst(%dma_wait3A_97 : memref<10240x16xf32, #tpu.memory_space<vmem_shared>>)
        tpu.yield
      }) : () -> ()
      %scan3A_54 = arith.constant 0 : i32
      %scan3A_55 = arith.constant 0 : i32
      %scan3A_56 = arith.constant 19 : i32
      %scan3A_57 = arith.addi %scan3A_55, %scan3A_56 : i32
      %scan3A_58 = arith.constant 1 : i32
      scf.for %scan3A_85 = %scan3A_55 to %scan3A_57 step %scan3A_58  : i32 {
        %mul3A_86 = arith.constant 4 : i32
        %mul3A_87 = arith.muli %mul3A_86, %scan3A_85 : i32
        %add3A = arith.constant 4 : i32
        %add3A_88 = arith.addi %mul3A_87, %add3A : i32
        %add3A_89 = arith.constant 0 : i32
        %add3A_90 = arith.addi %add3A_88, %add3A_89 : i32
        %dma_start3A_91 = arith.constant 0 : i32
        %dma_start3A_92 = tpu.memref_slice %arg8[%add3A_90, %dma_start3A_91] : memref<80x128xi32, #tpu.memory_space<vmem>> -> memref<1x128xi32, #tpu.memory_space<vmem>>
        %dma_start3A_93 = tpu.memref_squeeze %dma_start3A_92 : memref<1x128xi32, #tpu.memory_space<vmem>> -> memref<128xi32, #tpu.memory_space<vmem>>
        %dma_start3A_94 = arith.constant 0 : i32
        %dma_start3A_95 = arith.constant 0 : i32
        %dma_start3A_96 = tpu.memref_slice %arg2[%dma_start3A_94, %dma_start3A_95] : memref<10240x16xf32, #tpu.memory_space<hbm>> -> memref<10240x16xf32, #tpu.memory_space<hbm>>
        tpu.enqueue_indirect_dma source(%dma_start3A_96 : memref<10240x16xf32, #tpu.memory_space<hbm>>) target(%arg10 : memref<128x16xf32, #tpu.memory_space<vmem>>) offsets(%dma_start3A_93 : memref<128xi32, #tpu.memory_space<vmem>>) semaphore(%arg18 : memref<!tpu.dma_semaphore, #tpu.memory_space<semaphore_mem>>)
        %dma_wait3A_97 = arith.constant 0 : i32
        %dma_wait3A_98 = arith.constant 0 : i32
        %dma_wait3A_99 = tpu.memref_slice %arg8[%dma_wait3A_97, %dma_wait3A_98] : memref<80x128xi32, #tpu.memory_space<vmem>> -> memref<1x128xi32, #tpu.memory_space<vmem>>
        %dma_wait3A_100 = tpu.memref_squeeze %dma_wait3A_99 : memref<1x128xi32, #tpu.memory_space<vmem>> -> memref<128xi32, #tpu.memory_space<vmem>>
        %dma_wait3A_101 = arith.constant 0 : i32
        %dma_wait3A_102 = arith.constant 0 : i32
        %dma_wait3A_103 = tpu.memref_slice %arg2[%dma_wait3A_101, %dma_wait3A_102] : memref<10240x16xf32, #tpu.memory_space<hbm>> -> memref<10240x16xf32, #tpu.memory_space<hbm>>
        tpu.wait_indirect_dma semaphore(%arg20 : memref<!tpu.dma_semaphore, #tpu.memory_space<semaphore_mem>>) src(%dma_wait3A_103 : memref<10240x16xf32, #tpu.memory_space<hbm>>) dst(%arg12 : memref<128x16xf32, #tpu.memory_space<vmem>>)
        %sub3A = arith.constant 2 : i32
        %sub3A_104 = arith.subi %add3A_90, %sub3A : i32
        "tpu.region"() ({
          %run_scoped3A_168 = tpu.sem_alloc : memref<!tpu.dma_semaphore, #tpu.memory_space<semaphore_mem>>
          %dma_start3A_169 = arith.constant 0 : i32
          %dma_start3A_170 = tpu.memref_slice %arg9[%sub3A_104, %dma_start3A_169] : memref<80x128xi32, #tpu.memory_space<vmem>> -> memref<1x128xi32, #tpu.memory_space<vmem>>
          %dma_start3A_171 = tpu.memref_squeeze %dma_start3A_170 : memref<1x128xi32, #tpu.memory_space<vmem>> -> memref<128xi32, #tpu.memory_space<vmem>>
          %dma_start3A_172 = arith.constant 0 : i32
          %dma_start3A_173 = arith.constant 0 : i32
          %dma_start3A_174 = tpu.memref_slice %arg17[%dma_start3A_172, %dma_start3A_173] : memref<10240x16xf32, #tpu.memory_space<vmem_shared>> -> memref<10240x16xf32, #tpu.memory_space<vmem_shared>>
          tpu.enqueue_indirect_dma source(%arg12 : memref<128x16xf32, #tpu.memory_space<vmem>>) target(%dma_start3A_174 : memref<10240x16xf32, #tpu.memory_space<vmem_shared>>) offsets(%dma_start3A_171 : memref<128xi32, #tpu.memory_space<vmem>>) semaphore(%run_scoped3A_168 : memref<!tpu.dma_semaphore, #tpu.memory_space<semaphore_mem>>) {add = true}
          %dma_wait3A_175 = arith.constant 0 : i32
          %dma_wait3A_176 = tpu.memref_slice %arg9[%sub3A_104, %dma_wait3A_175] : memref<80x128xi32, #tpu.memory_space<vmem>> -> memref<1x128xi32, #tpu.memory_space<vmem>>
          %dma_wait3A_177 = tpu.memref_squeeze %dma_wait3A_176 : memref<1x128xi32, #tpu.memory_space<vmem>> -> memref<128xi32, #tpu.memory_space<vmem>>
          %dma_wait3A_178 = arith.constant 0 : i32
          %dma_wait3A_179 = arith.constant 0 : i32
          %dma_wait3A_180 = tpu.memref_slice %arg17[%dma_wait3A_178, %dma_wait3A_179] : memref<10240x16xf32, #tpu.memory_space<vmem_shared>> -> memref<10240x16xf32, #tpu.memory_space<vmem_shared>>
          tpu.wait_indirect_dma semaphore(%run_scoped3A_168 : memref<!tpu.dma_semaphore, #tpu.memory_space<semaphore_mem>>) src(%arg12 : memref<128x16xf32, #tpu.memory_space<vmem>>) dst(%dma_wait3A_180 : memref<10240x16xf32, #tpu.memory_space<vmem_shared>>)
          tpu.yield
        }) : () -> ()
        %mul3A_105 = arith.constant 4 : i32
        %mul3A_106 = arith.muli %mul3A_105, %scan3A_85 : i32
        %add3A_107 = arith.constant 4 : i32
        %add3A_108 = arith.addi %mul3A_106, %add3A_107 : i32
        %add3A_109 = arith.constant 1 : i32
        %add3A_110 = arith.addi %add3A_108, %add3A_109 : i32
        %dma_start3A_111 = arith.constant 0 : i32
        %dma_start3A_112 = tpu.memref_slice %arg8[%add3A_110, %dma_start3A_111] : memref<80x128xi32, #tpu.memory_space<vmem>> -> memref<1x128xi32, #tpu.memory_space<vmem>>
        %dma_start3A_113 = tpu.memref_squeeze %dma_start3A_112 : memref<1x128xi32, #tpu.memory_space<vmem>> -> memref<128xi32, #tpu.memory_space<vmem>>
        %dma_start3A_114 = arith.constant 0 : i32
        %dma_start3A_115 = arith.constant 0 : i32
        %dma_start3A_116 = tpu.memref_slice %arg2[%dma_start3A_114, %dma_start3A_115] : memref<10240x16xf32, #tpu.memory_space<hbm>> -> memref<10240x16xf32, #tpu.memory_space<hbm>>
        tpu.enqueue_indirect_dma source(%dma_start3A_116 : memref<10240x16xf32, #tpu.memory_space<hbm>>) target(%arg11 : memref<128x16xf32, #tpu.memory_space<vmem>>) offsets(%dma_start3A_113 : memref<128xi32, #tpu.memory_space<vmem>>) semaphore(%arg19 : memref<!tpu.dma_semaphore, #tpu.memory_space<semaphore_mem>>)
        %dma_wait3A_117 = arith.constant 0 : i32
        %dma_wait3A_118 = arith.constant 0 : i32
        %dma_wait3A_119 = tpu.memref_slice %arg8[%dma_wait3A_117, %dma_wait3A_118] : memref<80x128xi32, #tpu.memory_space<vmem>> -> memref<1x128xi32, #tpu.memory_space<vmem>>
        %dma_wait3A_120 = tpu.memref_squeeze %dma_wait3A_119 : memref<1x128xi32, #tpu.memory_space<vmem>> -> memref<128xi32, #tpu.memory_space<vmem>>
        %dma_wait3A_121 = arith.constant 0 : i32
        %dma_wait3A_122 = arith.constant 0 : i32
        %dma_wait3A_123 = tpu.memref_slice %arg2[%dma_wait3A_121, %dma_wait3A_122] : memref<10240x16xf32, #tpu.memory_space<hbm>> -> memref<10240x16xf32, #tpu.memory_space<hbm>>
        tpu.wait_indirect_dma semaphore(%arg21 : memref<!tpu.dma_semaphore, #tpu.memory_space<semaphore_mem>>) src(%dma_wait3A_123 : memref<10240x16xf32, #tpu.memory_space<hbm>>) dst(%arg13 : memref<128x16xf32, #tpu.memory_space<vmem>>)
        %sub3A_124 = arith.constant 2 : i32
        %sub3A_125 = arith.subi %add3A_110, %sub3A_124 : i32
        "tpu.region"() ({
          %run_scoped3A_168 = tpu.sem_alloc : memref<!tpu.dma_semaphore, #tpu.memory_space<semaphore_mem>>
          %dma_start3A_169 = arith.constant 0 : i32
          %dma_start3A_170 = tpu.memref_slice %arg9[%sub3A_125, %dma_start3A_169] : memref<80x128xi32, #tpu.memory_space<vmem>> -> memref<1x128xi32, #tpu.memory_space<vmem>>
          %dma_start3A_171 = tpu.memref_squeeze %dma_start3A_170 : memref<1x128xi32, #tpu.memory_space<vmem>> -> memref<128xi32, #tpu.memory_space<vmem>>
          %dma_start3A_172 = arith.constant 0 : i32
          %dma_start3A_173 = arith.constant 0 : i32
          %dma_start3A_174 = tpu.memref_slice %arg17[%dma_start3A_172, %dma_start3A_173] : memref<10240x16xf32, #tpu.memory_space<vmem_shared>> -> memref<10240x16xf32, #tpu.memory_space<vmem_shared>>
          tpu.enqueue_indirect_dma source(%arg13 : memref<128x16xf32, #tpu.memory_space<vmem>>) target(%dma_start3A_174 : memref<10240x16xf32, #tpu.memory_space<vmem_shared>>) offsets(%dma_start3A_171 : memref<128xi32, #tpu.memory_space<vmem>>) semaphore(%run_scoped3A_168 : memref<!tpu.dma_semaphore, #tpu.memory_space<semaphore_mem>>) {add = true}
          %dma_wait3A_175 = arith.constant 0 : i32
          %dma_wait3A_176 = tpu.memref_slice %arg9[%sub3A_125, %dma_wait3A_175] : memref<80x128xi32, #tpu.memory_space<vmem>> -> memref<1x128xi32, #tpu.memory_space<vmem>>
          %dma_wait3A_177 = tpu.memref_squeeze %dma_wait3A_176 : memref<1x128xi32, #tpu.memory_space<vmem>> -> memref<128xi32, #tpu.memory_space<vmem>>
          %dma_wait3A_178 = arith.constant 0 : i32
          %dma_wait3A_179 = arith.constant 0 : i32
          %dma_wait3A_180 = tpu.memref_slice %arg17[%dma_wait3A_178, %dma_wait3A_179] : memref<10240x16xf32, #tpu.memory_space<vmem_shared>> -> memref<10240x16xf32, #tpu.memory_space<vmem_shared>>
          tpu.wait_indirect_dma semaphore(%run_scoped3A_168 : memref<!tpu.dma_semaphore, #tpu.memory_space<semaphore_mem>>) src(%arg13 : memref<128x16xf32, #tpu.memory_space<vmem>>) dst(%dma_wait3A_180 : memref<10240x16xf32, #tpu.memory_space<vmem_shared>>)
          tpu.yield
        }) : () -> ()
        %mul3A_126 = arith.constant 4 : i32
        %mul3A_127 = arith.muli %mul3A_126, %scan3A_85 : i32
        %add3A_128 = arith.constant 4 : i32
        %add3A_129 = arith.addi %mul3A_127, %add3A_128 : i32
        %add3A_130 = arith.constant 2 : i32
        %add3A_131 = arith.addi %add3A_129, %add3A_130 : i32
        %dma_start3A_132 = arith.constant 0 : i32
        %dma_start3A_133 = tpu.memref_slice %arg8[%add3A_131, %dma_start3A_132] : memref<80x128xi32, #tpu.memory_space<vmem>> -> memref<1x128xi32, #tpu.memory_space<vmem>>
        %dma_start3A_134 = tpu.memref_squeeze %dma_start3A_133 : memref<1x128xi32, #tpu.memory_space<vmem>> -> memref<128xi32, #tpu.memory_space<vmem>>
        %dma_start3A_135 = arith.constant 0 : i32
        %dma_start3A_136 = arith.constant 0 : i32
        %dma_start3A_137 = tpu.memref_slice %arg2[%dma_start3A_135, %dma_start3A_136] : memref<10240x16xf32, #tpu.memory_space<hbm>> -> memref<10240x16xf32, #tpu.memory_space<hbm>>
        tpu.enqueue_indirect_dma source(%dma_start3A_137 : memref<10240x16xf32, #tpu.memory_space<hbm>>) target(%arg12 : memref<128x16xf32, #tpu.memory_space<vmem>>) offsets(%dma_start3A_134 : memref<128xi32, #tpu.memory_space<vmem>>) semaphore(%arg20 : memref<!tpu.dma_semaphore, #tpu.memory_space<semaphore_mem>>)
        %dma_wait3A_138 = arith.constant 0 : i32
        %dma_wait3A_139 = arith.constant 0 : i32
        %dma_wait3A_140 = tpu.memref_slice %arg8[%dma_wait3A_138, %dma_wait3A_139] : memref<80x128xi32, #tpu.memory_space<vmem>> -> memref<1x128xi32, #tpu.memory_space<vmem>>
        %dma_wait3A_141 = tpu.memref_squeeze %dma_wait3A_140 : memref<1x128xi32, #tpu.memory_space<vmem>> -> memref<128xi32, #tpu.memory_space<vmem>>
        %dma_wait3A_142 = arith.constant 0 : i32
        %dma_wait3A_143 = arith.constant 0 : i32
        %dma_wait3A_144 = tpu.memref_slice %arg2[%dma_wait3A_142, %dma_wait3A_143] : memref<10240x16xf32, #tpu.memory_space<hbm>> -> memref<10240x16xf32, #tpu.memory_space<hbm>>
        tpu.wait_indirect_dma semaphore(%arg18 : memref<!tpu.dma_semaphore, #tpu.memory_space<semaphore_mem>>) src(%dma_wait3A_144 : memref<10240x16xf32, #tpu.memory_space<hbm>>) dst(%arg10 : memref<128x16xf32, #tpu.memory_space<vmem>>)
        %sub3A_145 = arith.constant 2 : i32
        %sub3A_146 = arith.subi %add3A_131, %sub3A_145 : i32
        "tpu.region"() ({
          %run_scoped3A_168 = tpu.sem_alloc : memref<!tpu.dma_semaphore, #tpu.memory_space<semaphore_mem>>
          %dma_start3A_169 = arith.constant 0 : i32
          %dma_start3A_170 = tpu.memref_slice %arg9[%sub3A_146, %dma_start3A_169] : memref<80x128xi32, #tpu.memory_space<vmem>> -> memref<1x128xi32, #tpu.memory_space<vmem>>
          %dma_start3A_171 = tpu.memref_squeeze %dma_start3A_170 : memref<1x128xi32, #tpu.memory_space<vmem>> -> memref<128xi32, #tpu.memory_space<vmem>>
          %dma_start3A_172 = arith.constant 0 : i32
          %dma_start3A_173 = arith.constant 0 : i32
          %dma_start3A_174 = tpu.memref_slice %arg17[%dma_start3A_172, %dma_start3A_173] : memref<10240x16xf32, #tpu.memory_space<vmem_shared>> -> memref<10240x16xf32, #tpu.memory_space<vmem_shared>>
          tpu.enqueue_indirect_dma source(%arg10 : memref<128x16xf32, #tpu.memory_space<vmem>>) target(%dma_start3A_174 : memref<10240x16xf32, #tpu.memory_space<vmem_shared>>) offsets(%dma_start3A_171 : memref<128xi32, #tpu.memory_space<vmem>>) semaphore(%run_scoped3A_168 : memref<!tpu.dma_semaphore, #tpu.memory_space<semaphore_mem>>) {add = true}
          %dma_wait3A_175 = arith.constant 0 : i32
          %dma_wait3A_176 = tpu.memref_slice %arg9[%sub3A_146, %dma_wait3A_175] : memref<80x128xi32, #tpu.memory_space<vmem>> -> memref<1x128xi32, #tpu.memory_space<vmem>>
          %dma_wait3A_177 = tpu.memref_squeeze %dma_wait3A_176 : memref<1x128xi32, #tpu.memory_space<vmem>> -> memref<128xi32, #tpu.memory_space<vmem>>
          %dma_wait3A_178 = arith.constant 0 : i32
          %dma_wait3A_179 = arith.constant 0 : i32
          %dma_wait3A_180 = tpu.memref_slice %arg17[%dma_wait3A_178, %dma_wait3A_179] : memref<10240x16xf32, #tpu.memory_space<vmem_shared>> -> memref<10240x16xf32, #tpu.memory_space<vmem_shared>>
          tpu.wait_indirect_dma semaphore(%run_scoped3A_168 : memref<!tpu.dma_semaphore, #tpu.memory_space<semaphore_mem>>) src(%arg10 : memref<128x16xf32, #tpu.memory_space<vmem>>) dst(%dma_wait3A_180 : memref<10240x16xf32, #tpu.memory_space<vmem_shared>>)
          tpu.yield
        }) : () -> ()
        %mul3A_147 = arith.constant 4 : i32
        %mul3A_148 = arith.muli %mul3A_147, %scan3A_85 : i32
        %add3A_149 = arith.constant 4 : i32
        %add3A_150 = arith.addi %mul3A_148, %add3A_149 : i32
        %add3A_151 = arith.constant 3 : i32
        %add3A_152 = arith.addi %add3A_150, %add3A_151 : i32
        %dma_start3A_153 = arith.constant 0 : i32
        %dma_start3A_154 = tpu.memref_slice %arg8[%add3A_152, %dma_start3A_153] : memref<80x128xi32, #tpu.memory_space<vmem>> -> memref<1x128xi32, #tpu.memory_space<vmem>>
        %dma_start3A_155 = tpu.memref_squeeze %dma_start3A_154 : memref<1x128xi32, #tpu.memory_space<vmem>> -> memref<128xi32, #tpu.memory_space<vmem>>
        %dma_start3A_156 = arith.constant 0 : i32
        %dma_start3A_157 = arith.constant 0 : i32
        %dma_start3A_158 = tpu.memref_slice %arg2[%dma_start3A_156, %dma_start3A_157] : memref<10240x16xf32, #tpu.memory_space<hbm>> -> memref<10240x16xf32, #tpu.memory_space<hbm>>
        tpu.enqueue_indirect_dma source(%dma_start3A_158 : memref<10240x16xf32, #tpu.memory_space<hbm>>) target(%arg13 : memref<128x16xf32, #tpu.memory_space<vmem>>) offsets(%dma_start3A_155 : memref<128xi32, #tpu.memory_space<vmem>>) semaphore(%arg21 : memref<!tpu.dma_semaphore, #tpu.memory_space<semaphore_mem>>)
        %dma_wait3A_159 = arith.constant 0 : i32
        %dma_wait3A_160 = arith.constant 0 : i32
        %dma_wait3A_161 = tpu.memref_slice %arg8[%dma_wait3A_159, %dma_wait3A_160] : memref<80x128xi32, #tpu.memory_space<vmem>> -> memref<1x128xi32, #tpu.memory_space<vmem>>
        %dma_wait3A_162 = tpu.memref_squeeze %dma_wait3A_161 : memref<1x128xi32, #tpu.memory_space<vmem>> -> memref<128xi32, #tpu.memory_space<vmem>>
        %dma_wait3A_163 = arith.constant 0 : i32
        %dma_wait3A_164 = arith.constant 0 : i32
        %dma_wait3A_165 = tpu.memref_slice %arg2[%dma_wait3A_163, %dma_wait3A_164] : memref<10240x16xf32, #tpu.memory_space<hbm>> -> memref<10240x16xf32, #tpu.memory_space<hbm>>
        tpu.wait_indirect_dma semaphore(%arg19 : memref<!tpu.dma_semaphore, #tpu.memory_space<semaphore_mem>>) src(%dma_wait3A_165 : memref<10240x16xf32, #tpu.memory_space<hbm>>) dst(%arg11 : memref<128x16xf32, #tpu.memory_space<vmem>>)
        %sub3A_166 = arith.constant 2 : i32
        %sub3A_167 = arith.subi %add3A_152, %sub3A_166 : i32
        "tpu.region"() ({
          %run_scoped3A_168 = tpu.sem_alloc : memref<!tpu.dma_semaphore, #tpu.memory_space<semaphore_mem>>
          %dma_start3A_169 = arith.constant 0 : i32
          %dma_start3A_170 = tpu.memref_slice %arg9[%sub3A_167, %dma_start3A_169] : memref<80x128xi32, #tpu.memory_space<vmem>> -> memref<1x128xi32, #tpu.memory_space<vmem>>
          %dma_start3A_171 = tpu.memref_squeeze %dma_start3A_170 : memref<1x128xi32, #tpu.memory_space<vmem>> -> memref<128xi32, #tpu.memory_space<vmem>>
          %dma_start3A_172 = arith.constant 0 : i32
          %dma_start3A_173 = arith.constant 0 : i32
          %dma_start3A_174 = tpu.memref_slice %arg17[%dma_start3A_172, %dma_start3A_173] : memref<10240x16xf32, #tpu.memory_space<vmem_shared>> -> memref<10240x16xf32, #tpu.memory_space<vmem_shared>>
          tpu.enqueue_indirect_dma source(%arg11 : memref<128x16xf32, #tpu.memory_space<vmem>>) target(%dma_start3A_174 : memref<10240x16xf32, #tpu.memory_space<vmem_shared>>) offsets(%dma_start3A_171 : memref<128xi32, #tpu.memory_space<vmem>>) semaphore(%run_scoped3A_168 : memref<!tpu.dma_semaphore, #tpu.memory_space<semaphore_mem>>) {add = true}
          %dma_wait3A_175 = arith.constant 0 : i32
          %dma_wait3A_176 = tpu.memref_slice %arg9[%sub3A_167, %dma_wait3A_175] : memref<80x128xi32, #tpu.memory_space<vmem>> -> memref<1x128xi32, #tpu.memory_space<vmem>>
          %dma_wait3A_177 = tpu.memref_squeeze %dma_wait3A_176 : memref<1x128xi32, #tpu.memory_space<vmem>> -> memref<128xi32, #tpu.memory_space<vmem>>
          %dma_wait3A_178 = arith.constant 0 : i32
          %dma_wait3A_179 = arith.constant 0 : i32
          %dma_wait3A_180 = tpu.memref_slice %arg17[%dma_wait3A_178, %dma_wait3A_179] : memref<10240x16xf32, #tpu.memory_space<vmem_shared>> -> memref<10240x16xf32, #tpu.memory_space<vmem_shared>>
          tpu.wait_indirect_dma semaphore(%run_scoped3A_168 : memref<!tpu.dma_semaphore, #tpu.memory_space<semaphore_mem>>) src(%arg11 : memref<128x16xf32, #tpu.memory_space<vmem>>) dst(%dma_wait3A_180 : memref<10240x16xf32, #tpu.memory_space<vmem_shared>>)
          tpu.yield
        }) : () -> ()
      }
      %scan3A_59 = arith.constant 19 : i32
      %dma_wait3A_60 = arith.constant 0 : i32
      %dma_wait3A_61 = arith.constant 0 : i32
      %dma_wait3A_62 = tpu.memref_slice %arg8[%dma_wait3A_60, %dma_wait3A_61] : memref<80x128xi32, #tpu.memory_space<vmem>> -> memref<1x128xi32, #tpu.memory_space<vmem>>
      %dma_wait3A_63 = tpu.memref_squeeze %dma_wait3A_62 : memref<1x128xi32, #tpu.memory_space<vmem>> -> memref<128xi32, #tpu.memory_space<vmem>>
      %dma_wait3A_64 = arith.constant 0 : i32
      %dma_wait3A_65 = arith.constant 0 : i32
      %dma_wait3A_66 = tpu.memref_slice %arg2[%dma_wait3A_64, %dma_wait3A_65] : memref<10240x16xf32, #tpu.memory_space<hbm>> -> memref<10240x16xf32, #tpu.memory_space<hbm>>
      tpu.wait_indirect_dma semaphore(%arg20 : memref<!tpu.dma_semaphore, #tpu.memory_space<semaphore_mem>>) src(%dma_wait3A_66 : memref<10240x16xf32, #tpu.memory_space<hbm>>) dst(%arg12 : memref<128x16xf32, #tpu.memory_space<vmem>>)
      %run_scoped3A_67 = arith.constant 78 : i32
      "tpu.region"() ({
        %run_scoped3A_85 = tpu.sem_alloc : memref<!tpu.dma_semaphore, #tpu.memory_space<semaphore_mem>>
        %dma_start3A_86 = arith.constant 0 : i32
        %dma_start3A_87 = tpu.memref_slice %arg9[%run_scoped3A_67, %dma_start3A_86] : memref<80x128xi32, #tpu.memory_space<vmem>> -> memref<1x128xi32, #tpu.memory_space<vmem>>
        %dma_start3A_88 = tpu.memref_squeeze %dma_start3A_87 : memref<1x128xi32, #tpu.memory_space<vmem>> -> memref<128xi32, #tpu.memory_space<vmem>>
        %dma_start3A_89 = arith.constant 0 : i32
        %dma_start3A_90 = arith.constant 0 : i32
        %dma_start3A_91 = tpu.memref_slice %arg17[%dma_start3A_89, %dma_start3A_90] : memref<10240x16xf32, #tpu.memory_space<vmem_shared>> -> memref<10240x16xf32, #tpu.memory_space<vmem_shared>>
        tpu.enqueue_indirect_dma source(%arg12 : memref<128x16xf32, #tpu.memory_space<vmem>>) target(%dma_start3A_91 : memref<10240x16xf32, #tpu.memory_space<vmem_shared>>) offsets(%dma_start3A_88 : memref<128xi32, #tpu.memory_space<vmem>>) semaphore(%run_scoped3A_85 : memref<!tpu.dma_semaphore, #tpu.memory_space<semaphore_mem>>) {add = true}
        %dma_wait3A_92 = arith.constant 0 : i32
        %dma_wait3A_93 = tpu.memref_slice %arg9[%run_scoped3A_67, %dma_wait3A_92] : memref<80x128xi32, #tpu.memory_space<vmem>> -> memref<1x128xi32, #tpu.memory_space<vmem>>
        %dma_wait3A_94 = tpu.memref_squeeze %dma_wait3A_93 : memref<1x128xi32, #tpu.memory_space<vmem>> -> memref<128xi32, #tpu.memory_space<vmem>>
        %dma_wait3A_95 = arith.constant 0 : i32
        %dma_wait3A_96 = arith.constant 0 : i32
        %dma_wait3A_97 = tpu.memref_slice %arg17[%dma_wait3A_95, %dma_wait3A_96] : memref<10240x16xf32, #tpu.memory_space<vmem_shared>> -> memref<10240x16xf32, #tpu.memory_space<vmem_shared>>
        tpu.wait_indirect_dma semaphore(%run_scoped3A_85 : memref<!tpu.dma_semaphore, #tpu.memory_space<semaphore_mem>>) src(%arg12 : memref<128x16xf32, #tpu.memory_space<vmem>>) dst(%dma_wait3A_97 : memref<10240x16xf32, #tpu.memory_space<vmem_shared>>)
        tpu.yield
      }) : () -> ()
      %dma_wait3A_68 = arith.constant 0 : i32
      %dma_wait3A_69 = arith.constant 0 : i32
      %dma_wait3A_70 = tpu.memref_slice %arg8[%dma_wait3A_68, %dma_wait3A_69] : memref<80x128xi32, #tpu.memory_space<vmem>> -> memref<1x128xi32, #tpu.memory_space<vmem>>
      %dma_wait3A_71 = tpu.memref_squeeze %dma_wait3A_70 : memref<1x128xi32, #tpu.memory_space<vmem>> -> memref<128xi32, #tpu.memory_space<vmem>>
      %dma_wait3A_72 = arith.constant 0 : i32
      %dma_wait3A_73 = arith.constant 0 : i32
      %dma_wait3A_74 = tpu.memref_slice %arg2[%dma_wait3A_72, %dma_wait3A_73] : memref<10240x16xf32, #tpu.memory_space<hbm>> -> memref<10240x16xf32, #tpu.memory_space<hbm>>
      tpu.wait_indirect_dma semaphore(%arg21 : memref<!tpu.dma_semaphore, #tpu.memory_space<semaphore_mem>>) src(%dma_wait3A_74 : memref<10240x16xf32, #tpu.memory_space<hbm>>) dst(%arg13 : memref<128x16xf32, #tpu.memory_space<vmem>>)
      %run_scoped3A_75 = arith.constant 79 : i32
      "tpu.region"() ({
        %run_scoped3A_85 = tpu.sem_alloc : memref<!tpu.dma_semaphore, #tpu.memory_space<semaphore_mem>>
        %dma_start3A_86 = arith.constant 0 : i32
        %dma_start3A_87 = tpu.memref_slice %arg9[%run_scoped3A_75, %dma_start3A_86] : memref<80x128xi32, #tpu.memory_space<vmem>> -> memref<1x128xi32, #tpu.memory_space<vmem>>
        %dma_start3A_88 = tpu.memref_squeeze %dma_start3A_87 : memref<1x128xi32, #tpu.memory_space<vmem>> -> memref<128xi32, #tpu.memory_space<vmem>>
        %dma_start3A_89 = arith.constant 0 : i32
        %dma_start3A_90 = arith.constant 0 : i32
        %dma_start3A_91 = tpu.memref_slice %arg17[%dma_start3A_89, %dma_start3A_90] : memref<10240x16xf32, #tpu.memory_space<vmem_shared>> -> memref<10240x16xf32, #tpu.memory_space<vmem_shared>>
        tpu.enqueue_indirect_dma source(%arg13 : memref<128x16xf32, #tpu.memory_space<vmem>>) target(%dma_start3A_91 : memref<10240x16xf32, #tpu.memory_space<vmem_shared>>) offsets(%dma_start3A_88 : memref<128xi32, #tpu.memory_space<vmem>>) semaphore(%run_scoped3A_85 : memref<!tpu.dma_semaphore, #tpu.memory_space<semaphore_mem>>) {add = true}
        %dma_wait3A_92 = arith.constant 0 : i32
        %dma_wait3A_93 = tpu.memref_slice %arg9[%run_scoped3A_75, %dma_wait3A_92] : memref<80x128xi32, #tpu.memory_space<vmem>> -> memref<1x128xi32, #tpu.memory_space<vmem>>
        %dma_wait3A_94 = tpu.memref_squeeze %dma_wait3A_93 : memref<1x128xi32, #tpu.memory_space<vmem>> -> memref<128xi32, #tpu.memory_space<vmem>>
        %dma_wait3A_95 = arith.constant 0 : i32
        %dma_wait3A_96 = arith.constant 0 : i32
        %dma_wait3A_97 = tpu.memref_slice %arg17[%dma_wait3A_95, %dma_wait3A_96] : memref<10240x16xf32, #tpu.memory_space<vmem_shared>> -> memref<10240x16xf32, #tpu.memory_space<vmem_shared>>
        tpu.wait_indirect_dma semaphore(%run_scoped3A_85 : memref<!tpu.dma_semaphore, #tpu.memory_space<semaphore_mem>>) src(%arg13 : memref<128x16xf32, #tpu.memory_space<vmem>>) dst(%dma_wait3A_97 : memref<10240x16xf32, #tpu.memory_space<vmem_shared>>)
        tpu.yield
      }) : () -> ()
      %barrier3A_76 = arith.constant 0 : index
      tpu.barrier barrier_id(%barrier3A_76)
      %mul3A_77 = arith.constant 640 : i32
      %mul3A_78 = arith.muli %arg1, %mul3A_77 : i32
      "tpu.region"() ({
        %run_scoped3A_85 = tpu.sem_alloc : memref<!tpu.dma_semaphore, #tpu.memory_space<semaphore_mem>>
        %dma_start3A_86 = arith.constant 0 : i32
        %dma_start3A_87 = tpu.memref_slice %arg17[%mul3A_78, %dma_start3A_86] : memref<10240x16xf32, #tpu.memory_space<vmem_shared>> -> memref<640x16xf32, #tpu.memory_space<vmem_shared>>
        %dma_start3A_88 = arith.constant 0 : i32
        %dma_start3A_89 = tpu.memref_slice %arg17[%mul3A_78, %dma_start3A_88] : memref<10240x16xf32, #tpu.memory_space<vmem_shared>> -> memref<640x16xf32, #tpu.memory_space<vmem_shared>>
        tpu.enqueue_dma source(%dma_start3A_89 : memref<640x16xf32, #tpu.memory_space<vmem_shared>>) target(%arg14 : memref<640x16xf32, #tpu.memory_space<vmem>>) target_semaphore(%run_scoped3A_85 : memref<!tpu.dma_semaphore, #tpu.memory_space<semaphore_mem>>)
        %dma_wait3A_90 = arith.constant 0 : i32
        %dma_wait3A_91 = tpu.memref_slice %arg17[%mul3A_78, %dma_wait3A_90] : memref<10240x16xf32, #tpu.memory_space<vmem_shared>> -> memref<640x16xf32, #tpu.memory_space<vmem_shared>>
        %dma_wait3A_92 = arith.constant 0 : i32
        %dma_wait3A_93 = tpu.memref_slice %arg17[%mul3A_78, %dma_wait3A_92] : memref<10240x16xf32, #tpu.memory_space<vmem_shared>> -> memref<640x16xf32, #tpu.memory_space<vmem_shared>>
        tpu.wait_dma2 semaphore(%run_scoped3A_85 : memref<!tpu.dma_semaphore, #tpu.memory_space<semaphore_mem>>) src(%dma_wait3A_93 : memref<640x16xf32, #tpu.memory_space<vmem_shared>>) dst(%arg14 : memref<640x16xf32, #tpu.memory_space<vmem>>)
        tpu.yield
      }) : () -> ()
      "tpu.region"() ({
        %run_scoped3A_85 = tpu.sem_alloc : memref<!tpu.dma_semaphore, #tpu.memory_space<semaphore_mem>>
        %dma_start3A_86 = arith.constant 0 : i32
        %dma_start3A_87 = tpu.memref_slice %arg4[%mul3A_78, %dma_start3A_86] : memref<10240x16xf32, #tpu.memory_space<hbm>> -> memref<640x16xf32, #tpu.memory_space<hbm>>
        %dma_start3A_88 = arith.constant 0 : i32
        %dma_start3A_89 = tpu.memref_slice %arg4[%mul3A_78, %dma_start3A_88] : memref<10240x16xf32, #tpu.memory_space<hbm>> -> memref<640x16xf32, #tpu.memory_space<hbm>>
        tpu.enqueue_dma source(%dma_start3A_89 : memref<640x16xf32, #tpu.memory_space<hbm>>) target(%arg15 : memref<640x16xf32, #tpu.memory_space<vmem>>) target_semaphore(%run_scoped3A_85 : memref<!tpu.dma_semaphore, #tpu.memory_space<semaphore_mem>>)
        %dma_wait3A_90 = arith.constant 0 : i32
        %dma_wait3A_91 = tpu.memref_slice %arg4[%mul3A_78, %dma_wait3A_90] : memref<10240x16xf32, #tpu.memory_space<hbm>> -> memref<640x16xf32, #tpu.memory_space<hbm>>
        %dma_wait3A_92 = arith.constant 0 : i32
        %dma_wait3A_93 = tpu.memref_slice %arg4[%mul3A_78, %dma_wait3A_92] : memref<10240x16xf32, #tpu.memory_space<hbm>> -> memref<640x16xf32, #tpu.memory_space<hbm>>
        tpu.wait_dma2 semaphore(%run_scoped3A_85 : memref<!tpu.dma_semaphore, #tpu.memory_space<semaphore_mem>>) src(%dma_wait3A_93 : memref<640x16xf32, #tpu.memory_space<hbm>>) dst(%arg15 : memref<640x16xf32, #tpu.memory_space<vmem>>)
        tpu.yield
      }) : () -> ()
      "tpu.region"() ({
        %run_scoped3A_85 = tpu.sem_alloc : memref<!tpu.dma_semaphore, #tpu.memory_space<semaphore_mem>>
        %dma_start3A_86 = arith.constant 0 : i32
        %dma_start3A_87 = tpu.memref_slice %arg3[%mul3A_78, %dma_start3A_86] : memref<10240x16xf32, #tpu.memory_space<hbm>> -> memref<640x16xf32, #tpu.memory_space<hbm>>
        %dma_start3A_88 = arith.constant 0 : i32
        %dma_start3A_89 = tpu.memref_slice %arg3[%mul3A_78, %dma_start3A_88] : memref<10240x16xf32, #tpu.memory_space<hbm>> -> memref<640x16xf32, #tpu.memory_space<hbm>>
        tpu.enqueue_dma source(%dma_start3A_89 : memref<640x16xf32, #tpu.memory_space<hbm>>) target(%arg16 : memref<640x16xf32, #tpu.memory_space<vmem>>) target_semaphore(%run_scoped3A_85 : memref<!tpu.dma_semaphore, #tpu.memory_space<semaphore_mem>>)
        %dma_wait3A_90 = arith.constant 0 : i32
        %dma_wait3A_91 = tpu.memref_slice %arg3[%mul3A_78, %dma_wait3A_90] : memref<10240x16xf32, #tpu.memory_space<hbm>> -> memref<640x16xf32, #tpu.memory_space<hbm>>
        %dma_wait3A_92 = arith.constant 0 : i32
        %dma_wait3A_93 = tpu.memref_slice %arg3[%mul3A_78, %dma_wait3A_92] : memref<10240x16xf32, #tpu.memory_space<hbm>> -> memref<640x16xf32, #tpu.memory_space<hbm>>
        tpu.wait_dma2 semaphore(%run_scoped3A_85 : memref<!tpu.dma_semaphore, #tpu.memory_space<semaphore_mem>>) src(%dma_wait3A_93 : memref<640x16xf32, #tpu.memory_space<hbm>>) dst(%arg16 : memref<640x16xf32, #tpu.memory_space<vmem>>)
        tpu.yield
      }) : () -> ()
      %scan3A_79 = arith.constant 0 : i32
      %scan3A_80 = arith.constant 0 : i32
      %scan3A_81 = arith.constant 640 : i32
      %scan3A_82 = arith.addi %scan3A_80, %scan3A_81 : i32
      %scan3A_83 = arith.constant 1 : i32
      scf.for %scan3A_85 = %scan3A_80 to %scan3A_82 step %scan3A_83  : i32 {
        %get3A = arith.index_cast %scan3A_85 : i32 to index
        %get3A_86 = arith.constant 0 : index
        %get3A_87 = tpu.vector_load %arg14[%get3A, %get3A_86] {strides = array<i32>} : memref<640x16xf32, #tpu.memory_space<vmem>>, vector<1x16xf32>,
        %get3A_88 = vector.shape_cast %get3A_87 : vector<1x16xf32> to vector<16xf32>
        %get3A_89 = arith.index_cast %scan3A_85 : i32 to index
        %get3A_90 = arith.constant 0 : index
        %get3A_91 = tpu.vector_load %arg15[%get3A_89, %get3A_90] {strides = array<i32>} : memref<640x16xf32, #tpu.memory_space<vmem>>, vector<1x16xf32>,
        %get3A_92 = vector.shape_cast %get3A_91 : vector<1x16xf32> to vector<16xf32>
        %max3A = arith.constant 1.000000e+00 : f32
        %max3A_93 = vector.broadcast %max3A : f32 to vector<16xf32>
        %max3A_94 = arith.maximumf %get3A_92, %max3A_93 : vector<16xf32>
        %div3A = arith.divf %get3A_88, %max3A_94 : vector<16xf32>
        %get3A_95 = arith.index_cast %scan3A_85 : i32 to index
        %get3A_96 = arith.constant 0 : index
        %get3A_97 = tpu.vector_load %arg16[%get3A_95, %get3A_96] {strides = array<i32>} : memref<640x16xf32, #tpu.memory_space<vmem>>, vector<1x16xf32>,
        %get3A_98 = vector.shape_cast %get3A_97 : vector<1x16xf32> to vector<16xf32>
        %add3A = arith.addf %div3A, %get3A_98 : vector<16xf32>
        %swap3A = arith.index_cast %scan3A_85 : i32 to index
        %swap3A_99 = arith.constant 0 : index
        %swap3A_100 = tpu.vector_load %arg16[%swap3A, %swap3A_99] {strides = array<i32>} : memref<640x16xf32, #tpu.memory_space<vmem>>, vector<1x16xf32>,
        %swap3A_101 = vector.shape_cast %swap3A_100 : vector<1x16xf32> to vector<16xf32>
        %swap3A_102 = vector.shape_cast %add3A : vector<16xf32> to vector<1x16xf32>
        tpu.vector_store %arg16[%swap3A, %swap3A_99], %swap3A_102 {strides = array<i32>} : memref<640x16xf32, #tpu.memory_space<vmem>>, vector<1x16xf32>,
      }
      %scan3A_84 = arith.constant 640 : i32
      "tpu.region"() ({
        %run_scoped3A_85 = tpu.sem_alloc : memref<!tpu.dma_semaphore, #tpu.memory_space<semaphore_mem>>
        %dma_start3A_86 = arith.constant 0 : i32
        %dma_start3A_87 = tpu.memref_slice %arg7[%mul3A_78, %dma_start3A_86] : memref<10240x16xf32, #tpu.memory_space<hbm>> -> memref<640x16xf32, #tpu.memory_space<hbm>>
        %dma_start3A_88 = arith.constant 0 : i32
        %dma_start3A_89 = tpu.memref_slice %arg7[%mul3A_78, %dma_start3A_88] : memref<10240x16xf32, #tpu.memory_space<hbm>> -> memref<640x16xf32, #tpu.memory_space<hbm>>
        tpu.enqueue_dma source(%arg16 : memref<640x16xf32, #tpu.memory_space<vmem>>) target(%dma_start3A_89 : memref<640x16xf32, #tpu.memory_space<hbm>>) target_semaphore(%run_scoped3A_85 : memref<!tpu.dma_semaphore, #tpu.memory_space<semaphore_mem>>)
        %dma_wait3A_90 = arith.constant 0 : i32
        %dma_wait3A_91 = tpu.memref_slice %arg7[%mul3A_78, %dma_wait3A_90] : memref<10240x16xf32, #tpu.memory_space<hbm>> -> memref<640x16xf32, #tpu.memory_space<hbm>>
        %dma_wait3A_92 = arith.constant 0 : i32
        %dma_wait3A_93 = tpu.memref_slice %arg7[%mul3A_78, %dma_wait3A_92] : memref<10240x16xf32, #tpu.memory_space<hbm>> -> memref<640x16xf32, #tpu.memory_space<hbm>>
        tpu.wait_dma2 semaphore(%run_scoped3A_85 : memref<!tpu.dma_semaphore, #tpu.memory_space<semaphore_mem>>) src(%arg16 : memref<640x16xf32, #tpu.memory_space<vmem>>) dst(%dma_wait3A_93 : memref<640x16xf32, #tpu.memory_space<hbm>>)
        tpu.yield
      }) : () -> ()
    } else {
    }
    return
  }
}

module attributes {stable_mosaic.version = 14 : i64} {
  func.func @_dense_body(%arg0: i32, %arg1: memref<640x256xf32, #tpu.memory_space<vmem>>, %arg2: memref<640x64xf32, #tpu.memory_space<vmem>>, %arg3: memref<640x64xf32, #tpu.memory_space<vmem>>, %arg4: memref<640x64xf32, #tpu.memory_space<vmem>>, %arg5: memref<640x64xf32, #tpu.memory_space<vmem>>, %arg6: memref<640x16xf32, #tpu.memory_space<vmem>>, %arg7: memref<256x512xf32, #tpu.memory_space<vmem>>, %arg8: memref<256x512xf32, #tpu.memory_space<vmem>>, %arg9: memref<1x512xf32, #tpu.memory_space<vmem>>, %arg10: memref<512x16xf32, #tpu.memory_space<vmem>>, %arg11: memref<512x16xf32, #tpu.memory_space<vmem>>, %arg12: memref<1x16xf32, #tpu.memory_space<vmem>>, %arg13: memref<640x16xf32, #tpu.memory_space<vmem>>, %arg14: memref<640x16xf32, #tpu.memory_space<vmem>>) attributes {dimension_semantics = [#tpu.dimension_semantics<arbitrary>], iteration_bounds = array<i64: 16>, scalar_prefetch = 0 : i64, scratch_operands = 0 : i64, tpu.core_type = #tpu.core_type<tc>, window_params = [{transform_indices = @transform_0, window_bounds = array<i64: 640, 256>}, {transform_indices = @transform_1, window_bounds = array<i64: 640, 64>}, {transform_indices = @transform_2, window_bounds = array<i64: 640, 64>}, {transform_indices = @transform_3, window_bounds = array<i64: 640, 64>}, {transform_indices = @transform_4, window_bounds = array<i64: 640, 64>}, {transform_indices = @transform_5, window_bounds = array<i64: 640, 16>}, {pipeline_mode = #tpu.pipeline_mode<synchronous>, transform_indices = @transform_6, window_bounds = array<i64: 256, 512>}, {pipeline_mode = #tpu.pipeline_mode<synchronous>, transform_indices = @transform_7, window_bounds = array<i64: 256, 512>}, {pipeline_mode = #tpu.pipeline_mode<synchronous>, transform_indices = @transform_8, window_bounds = array<i64: 1, 512>}, {pipeline_mode = #tpu.pipeline_mode<synchronous>, transform_indices = @transform_9, window_bounds = array<i64: 512, 16>}, {pipeline_mode = #tpu.pipeline_mode<synchronous>, transform_indices = @transform_10, window_bounds = array<i64: 512, 16>}, {pipeline_mode = #tpu.pipeline_mode<synchronous>, transform_indices = @transform_11, window_bounds = array<i64: 1, 16>}, {transform_indices = @transform_12, window_bounds = array<i64: 640, 16>}, {transform_indices = @transform_13, window_bounds = array<i64: 640, 16>}]} {
    %get3A = arith.constant 0 : index
    %get3A_0 = arith.constant 0 : index
    %get3A_1 = vector.load %arg6[%get3A, %get3A_0] : memref<640x16xf32, #tpu.memory_space<vmem>>, vector<640x1xf32>
    %max3A = arith.constant 1.000000e+00 : f32
    %max3A_2 = vector.broadcast %max3A : f32 to vector<640x1xf32>
    %max3A_3 = arith.maximumf %get3A_1, %max3A_2 : vector<640x1xf32>
    %div3A = arith.constant 1.000000e+00 : f32
    %div3A_4 = vector.broadcast %div3A : f32 to vector<640x1xf32>
    %div3A_5 = arith.divf %div3A_4, %max3A_3 : vector<640x1xf32>
    %get3A_6 = arith.constant 0 : index
    %get3A_7 = arith.constant 0 : index
    %get3A_8 = vector.load %arg2[%get3A_6, %get3A_7] : memref<640x64xf32, #tpu.memory_space<vmem>>, vector<640x64xf32>
    %get3A_9 = arith.constant 0 : index
    %get3A_10 = arith.constant 0 : index
    %get3A_11 = vector.load %arg3[%get3A_9, %get3A_10] : memref<640x64xf32, #tpu.memory_space<vmem>>, vector<640x64xf32>
    %get3A_12 = arith.constant 0 : index
    %get3A_13 = arith.constant 0 : index
    %get3A_14 = vector.load %arg4[%get3A_12, %get3A_13] : memref<640x64xf32, #tpu.memory_space<vmem>>, vector<640x64xf32>
    %get3A_15 = arith.constant 0 : index
    %get3A_16 = arith.constant 0 : index
    %get3A_17 = vector.load %arg5[%get3A_15, %get3A_16] : memref<640x64xf32, #tpu.memory_space<vmem>>, vector<640x64xf32>
    %concatenate3A = tpu.concatenate %get3A_8, %get3A_11, %get3A_14, %get3A_17 in 1 : vector<640x64xf32>, vector<640x64xf32>, vector<640x64xf32>, vector<640x64xf32> -> vector<640x256xf32>
    %mul3A = vector.broadcast %div3A_5 : vector<640x1xf32> to vector<640x256xf32>
    %mul3A_18 = arith.mulf %concatenate3A, %mul3A : vector<640x256xf32>
    %get3A_19 = arith.constant 0 : index
    %get3A_20 = arith.constant 0 : index
    %get3A_21 = vector.load %arg7[%get3A_19, %get3A_20] : memref<256x512xf32, #tpu.memory_space<vmem>>, vector<256x512xf32>
    %dot_general3A = arith.constant dense<0.000000e+00> : vector<640x512xf32>
    %dot_general3A_22 = tpu.matmul %mul3A_18, %get3A_21, %dot_general3A {dimension_numbers = #tpu.dot_dimension_numbers<[1], [0], [0], [1], [0, 0, 1, 1], [], []>, transpose_lhs_hint = false} : vector<640x256xf32>, vector<256x512xf32>, vector<640x512xf32> -> vector<640x512xf32>
    %get3A_23 = arith.constant 0 : index
    %get3A_24 = arith.constant 0 : index
    %get3A_25 = vector.load %arg1[%get3A_23, %get3A_24] : memref<640x256xf32, #tpu.memory_space<vmem>>, vector<640x256xf32>
    %get3A_26 = arith.constant 0 : index
    %get3A_27 = arith.constant 0 : index
    %get3A_28 = vector.load %arg8[%get3A_26, %get3A_27] : memref<256x512xf32, #tpu.memory_space<vmem>>, vector<256x512xf32>
    %dot_general3A_29 = arith.constant dense<0.000000e+00> : vector<640x512xf32>
    %dot_general3A_30 = tpu.matmul %get3A_25, %get3A_28, %dot_general3A_29 {dimension_numbers = #tpu.dot_dimension_numbers<[1], [0], [0], [1], [0, 0, 1, 1], [], []>, transpose_lhs_hint = false} : vector<640x256xf32>, vector<256x512xf32>, vector<640x512xf32> -> vector<640x512xf32>
    %add3A = arith.addf %dot_general3A_22, %dot_general3A_30 : vector<640x512xf32>
    %get3A_31 = arith.constant 0 : index
    %get3A_32 = arith.constant 0 : index
    %get3A_33 = vector.load %arg9[%get3A_31, %get3A_32] : memref<1x512xf32, #tpu.memory_space<vmem>>, vector<1x512xf32>
    %add3A_34 = vector.broadcast %get3A_33 : vector<1x512xf32> to vector<640x512xf32>
    %add3A_35 = arith.addf %add3A, %add3A_34 : vector<640x512xf32>
    %max3A_36 = arith.constant 0.000000e+00 : f32
    %max3A_37 = vector.broadcast %max3A_36 : f32 to vector<640x512xf32>
    %max3A_38 = arith.maximumf %add3A_35, %max3A_37 : vector<640x512xf32>
    %get3A_39 = arith.constant 0 : index
    %get3A_40 = arith.constant 0 : index
    %get3A_41 = vector.load %arg10[%get3A_39, %get3A_40] : memref<512x16xf32, #tpu.memory_space<vmem>>, vector<512x16xf32>
    %dot_general3A_42 = arith.constant dense<0.000000e+00> : vector<640x16xf32>
    %dot_general3A_43 = tpu.matmul %max3A_38, %get3A_41, %dot_general3A_42 {dimension_numbers = #tpu.dot_dimension_numbers<[1], [0], [0], [1], [0, 0, 1, 1], [], []>, transpose_lhs_hint = false} : vector<640x512xf32>, vector<512x16xf32>, vector<640x16xf32> -> vector<640x16xf32>
    %swap3A = arith.constant 0 : index
    %swap3A_44 = arith.constant 0 : index
    %swap3A_45 = vector.load %arg13[%swap3A, %swap3A_44] : memref<640x16xf32, #tpu.memory_space<vmem>>, vector<640x16xf32>
    tpu.vector_store %arg13[%swap3A, %swap3A_44], %dot_general3A_43 {strides = array<i32>} : memref<640x16xf32, #tpu.memory_space<vmem>>, vector<640x16xf32>,
    %get3A_46 = arith.constant 0 : index
    %get3A_47 = arith.constant 0 : index
    %get3A_48 = vector.load %arg11[%get3A_46, %get3A_47] : memref<512x16xf32, #tpu.memory_space<vmem>>, vector<512x16xf32>
    %dot_general3A_49 = arith.constant dense<0.000000e+00> : vector<640x16xf32>
    %dot_general3A_50 = tpu.matmul %max3A_38, %get3A_48, %dot_general3A_49 {dimension_numbers = #tpu.dot_dimension_numbers<[1], [0], [0], [1], [0, 0, 1, 1], [], []>, transpose_lhs_hint = false} : vector<640x512xf32>, vector<512x16xf32>, vector<640x16xf32> -> vector<640x16xf32>
    %get3A_51 = arith.constant 0 : index
    %get3A_52 = arith.constant 0 : index
    %get3A_53 = vector.load %arg12[%get3A_51, %get3A_52] : memref<1x16xf32, #tpu.memory_space<vmem>>, vector<1x16xf32>
    %add3A_54 = vector.broadcast %get3A_53 : vector<1x16xf32> to vector<640x16xf32>
    %add3A_55 = arith.addf %dot_general3A_50, %add3A_54 : vector<640x16xf32>
    %swap3A_56 = arith.constant 0 : index
    %swap3A_57 = arith.constant 0 : index
    %swap3A_58 = vector.load %arg14[%swap3A_56, %swap3A_57] : memref<640x16xf32, #tpu.memory_space<vmem>>, vector<640x16xf32>
    tpu.vector_store %arg14[%swap3A_56, %swap3A_57], %add3A_55 {strides = array<i32>} : memref<640x16xf32, #tpu.memory_space<vmem>>, vector<640x16xf32>,
    return
  }
  func.func @transform_0(%arg0: i32) -> (i32, i32) {
    %c0_i32 = arith.constant 0 : i32
    %c0_i32_0 = arith.constant 0 : i32
    return %arg0, %c0_i32 : i32, i32
  }
  func.func @transform_1(%arg0: i32) -> (i32, i32) {
    %add3A = arith.constant 0 : i32
    %add3A_0 = arith.addi %add3A, %arg0 : i32
    %c0_i32 = arith.constant 0 : i32
    %c0_i32_1 = arith.constant 0 : i32
    return %add3A_0, %c0_i32 : i32, i32
  }
  func.func @transform_2(%arg0: i32) -> (i32, i32) {
    %add3A = arith.constant 16 : i32
    %add3A_0 = arith.addi %add3A, %arg0 : i32
    %c0_i32 = arith.constant 0 : i32
    %c0_i32_1 = arith.constant 0 : i32
    return %add3A_0, %c0_i32 : i32, i32
  }
  func.func @transform_3(%arg0: i32) -> (i32, i32) {
    %add3A = arith.constant 32 : i32
    %add3A_0 = arith.addi %add3A, %arg0 : i32
    %c0_i32 = arith.constant 0 : i32
    %c0_i32_1 = arith.constant 0 : i32
    return %add3A_0, %c0_i32 : i32, i32
  }
  func.func @transform_4(%arg0: i32) -> (i32, i32) {
    %add3A = arith.constant 48 : i32
    %add3A_0 = arith.addi %add3A, %arg0 : i32
    %c0_i32 = arith.constant 0 : i32
    %c0_i32_1 = arith.constant 0 : i32
    return %add3A_0, %c0_i32 : i32, i32
  }
  func.func @transform_5(%arg0: i32) -> (i32, i32) {
    %c0_i32 = arith.constant 0 : i32
    %c0_i32_0 = arith.constant 0 : i32
    return %arg0, %c0_i32 : i32, i32
  }
  func.func @transform_6(%arg0: i32) -> (i32, i32) {
    %c0_i32 = arith.constant 0 : i32
    %c0_i32_0 = arith.constant 0 : i32
    %c0_i32_1 = arith.constant 0 : i32
    return %c0_i32, %c0_i32_0 : i32, i32
  }
  func.func @transform_7(%arg0: i32) -> (i32, i32) {
    %c0_i32 = arith.constant 0 : i32
    %c0_i32_0 = arith.constant 0 : i32
    %c0_i32_1 = arith.constant 0 : i32
    return %c0_i32, %c0_i32_0 : i32, i32
  }
  func.func @transform_8(%arg0: i32) -> (i32, i32) {
    %c0_i32 = arith.constant 0 : i32
    %c0_i32_0 = arith.constant 0 : i32
    %c0_i32_1 = arith.constant 0 : i32
    return %c0_i32, %c0_i32_0 : i32, i32
  }
  func.func @transform_9(%arg0: i32) -> (i32, i32) {
    %c0_i32 = arith.constant 0 : i32
    %c0_i32_0 = arith.constant 0 : i32
    %c0_i32_1 = arith.constant 0 : i32
    return %c0_i32, %c0_i32_0 : i32, i32
  }
  func.func @transform_10(%arg0: i32) -> (i32, i32) {
    %c0_i32 = arith.constant 0 : i32
    %c0_i32_0 = arith.constant 0 : i32
    %c0_i32_1 = arith.constant 0 : i32
    return %c0_i32, %c0_i32_0 : i32, i32
  }
  func.func @transform_11(%arg0: i32) -> (i32, i32) {
    %c0_i32 = arith.constant 0 : i32
    %c0_i32_0 = arith.constant 0 : i32
    %c0_i32_1 = arith.constant 0 : i32
    return %c0_i32, %c0_i32_0 : i32, i32
  }
  func.func @transform_12(%arg0: i32) -> (i32, i32) {
    %c0_i32 = arith.constant 0 : i32
    %c0_i32_0 = arith.constant 0 : i32
    return %arg0, %c0_i32 : i32, i32
  }
  func.func @transform_13(%arg0: i32) -> (i32, i32) {
    %c0_i32 = arith.constant 0 : i32
    %c0_i32_0 = arith.constant 0 : i32
    return %arg0, %c0_i32 : i32, i32
  }
}

</mosaic_0001>

<sc_bundles>
// kernel: kernel.5.cloned.1.call-start
scs
__scs_entry_jumppad:
0x0: {  	(pc) =	sbr.rel $0x88, $3  }
0x1: {  	(tag) =	ssettag $0x0;
	lr =	simm.s32 $0x1  }
0x2: {  	[smem:$0x3F99] =	sst lr;
	_ =	strace $0xD0000000  }
0x3: {  	_ = 	snop  }
0x4: {  	_ = 	snop  }
0x5: {  	_ = 	snop  }
0x6: {  	_ = 	snop  }
0x7: {  	_ = 	snop  }
__scs_overlays_trampoline_lowered:
0x8: {  	[smem:$0x3FA8] =	sst s0  }
0x9: {  	[smem:$0x3FA9] =	sst s1  }
0xa: {  	[smem:$0x3FAA] =	sst s2  }
0xb: {  	[smem:$0x3FAB] =	sst s3  }
0xc: {  	[smem:$0x3FAC] =	sst s4  }
0xd: {  	[smem:$0x3FAD] =	sst s5  }
0xe: {  	[smem:$0x3FAE] =	sst s6  }
0xf: {  	[smem:$0x3FAF] =	sst s7  }
0x10: {  	[smem:$0x3FB0] =	sst s8  }
0x11: {  	[smem:$0x3FB1] =	sst s9;
	s0 =	simm.s32 @!p0 $0x0  }
0x12: {  	s1 =	sld [smem:$0x3F97];
	s0 =	simm.s32 @p0 $0x1  }
0x13: {  	[smem:$0x3FB2] =	sst s0;
	s0 =	simm.s32 @!p1 $0x0  }
0x14: {  	s2 =	sld [smem:$0x3F96];
	s0 =	simm.s32 @p1 $0x1  }
0x15: {  	[smem:$0x3FB3] =	sst s0;
	s0 =	simm.s32 @!p2 $0x0  }
0x16: {  	s3 =	sld [smem:$0x3FDB];
	s0 =	simm.s32 @p2 $0x1  }
0x17: {  	s4 =	simm.s32 $0x1BF5;
	[smem:$0x3FB5] =	sst s0  }
0x18: {  	s0 =	sld [smem:$0x3F98];
	_ =	swait.ge [sflag:s4], $0x0  }
0x19: {  	s7 =	sld [smem:$0x3F99]  }
0x1a: {  	s8 =	sadd.s32 $0xFFFFE003, lr  }
0x1b: {  	s9 =	sadd.s32 $0xFFFFFEF7, lr;
	s5 =	simm.s32 $0xFFFFFFFF;
	p2 =	slt.u32 s8, $0xFFFFF086  }
0x1c: {  	p1 =	slt.u32 s9, $0xF7A;
	s5 =	simm.s32 @!p2 $0x0  }
0x1d: {  	s5 =	simm.s32 @p1 $0x1;
	p0 =	seq.s32 s7, s2  }
0x1e: {  	s7 =	smul.u32 @!p0 $0xF7A, s2;
	p2 =	seq.s32 @!p0 s5, $0x0  }
0x1f: {  	s9 =	smul.u32 $0xF7A, s1;
	s8 =	simm.s32 @!p0 $0x1BF5;
	p2 =	por !p2, p0  }
0x20: {  	[sflag:s8] =	ssyncset.s32 @!p0 $0xFFFFF086;
	s6 =	sadd.s32 @!p0 s3, s7;
	s7 =	simm.s32 @!p0 $0x108  }
0x21: {  	s3 =	sadd.s32 s3, s9;
	s6 =	sadd.s32 @!p0 $0x88, s6;
	s7 =	simm.s32 @p2 $0x1082  }
0x22: {  	[simem:s7], [sflag:s8] =	dma.local @!p0 [hbm:s6], $0xF7A  }
0x23: {  	s9 =	sor.u32 $0xD0000000, s2;
	s6 =	simm.s32 $0x108;
	_ =	swait.ge @!p0 [sflag:s8], $0x0  }
0x24: {  	s3 =	sadd.s32 $0x88, s3;
	s6 =	simm.s32 @!p1 $0x1082;
	[sflag:s4] =	ssyncset.s32 $0xFFFFF086  }
0x25: {  	[simem:s6], [sflag:s4] =	dma.local [hbm:s3], $0xF7A  }
0x26: {  	[smem:$0x3F99] =	sst s1;
	(tag) =	ssettag s2;
	_ =	strace s9  }
0x27: {  	s1 =	sld [smem:$0x3FA9]  }
0x28: {  	s2 =	sld [smem:$0x3FAA]  }
0x29: {  	s4 =	sld [smem:$0x3FAC]  }
0x2a: {  	p0 =	seq.s32 s5, $0x0;
	s5 =	sld [smem:$0x3FAD]  }
0x2b: {  	s6 =	sld [smem:$0x3FAE]  }
0x2c: {  	s7 =	sld [smem:$0x3FAF]  }
0x2d: {  	s3 =	simm.s32 $0x108;
	s8 =	sld [smem:$0x3FB0]  }
0x2e: {  	s3 =	simm.s32 @!p0 $0x1082;
	s9 =	sld [smem:$0x3FB1]  }
0x2f: {  	lr =	sadd.s32 s0, s3;
	s0 =	sld [smem:$0x3FA8]  }
0x30: {  	s3 =	sld [smem:$0x3FAB]  }
0x31: {  	[smem:$0x3FB4] =	sst s10  }
0x32: {  	s10 =	sld [smem:$0x3FB2];
	_ =	sdelay $0x3  }
0x33: {  	p0 =	seq.s32 s10, $0x1;
	s10 =	sld [smem:$0x3FB4];
	_ =	sdelay $0x3  }
0x34: {  	[smem:$0x3FB4] =	sst s10  }
0x35: {  	s10 =	sld [smem:$0x3FB3];
	_ =	sdelay $0x3  }
0x36: {  	p1 =	seq.s32 s10, $0x1;
	s10 =	sld [smem:$0x3FB4];
	_ =	sdelay $0x3  }
0x37: {  	[smem:$0x3FB4] =	sst s10  }
0x38: {  	s10 =	sld [smem:$0x3FB5]  }
0x39: {  	_ = 	snop;
	(pc) =	sbr.ind lr, $3  }
0x3a: {  	_ = 	snop  }
0x3b: {  	_ = 	snop  }
0x3c: {  	p2 =	seq.s32 s10, $0x1;
	s10 =	sld [smem:$0x3FB4]  }
0x3d: {  	_ =	shalt  }
0x3e: {  	_ =	shalt  }
0x3f: {  	_ =	shalt  }
0x40: {  	_ =	shalt  }
0x41: {  	_ =	shalt  }
0x42: {  	_ =	shalt  }
0x43: {  	_ =	shalt  }
0x44: {  	_ =	shalt  }
0x45: {  	_ =	shalt  }
0x46: {  	_ =	shalt  }
0x47: {  	_ =	shalt  }
0x48: {  	_ =	shalt  }
0x49: {  	_ =	shalt  }
0x4a: {  	_ =	shalt  }
0x4b: {  	_ =	shalt  }
0x4c: {  	_ =	shalt  }
0x4d: {  	_ =	shalt  }
0x4e: {  	_ =	shalt  }
0x4f: {  	_ =	shalt  }
0x50: {  	_ =	shalt  }
0x51: {  	_ =	shalt  }
0x52: {  	_ =	shalt  }
0x53: {  	_ =	shalt  }
0x54: {  	_ =	shalt  }
0x55: {  	_ =	shalt  }
0x56: {  	_ =	shalt  }
0x57: {  	_ =	shalt  }
0x58: {  	_ =	shalt  }
0x59: {  	_ =	shalt  }
0x5a: {  	_ =	shalt  }
0x5b: {  	_ =	shalt  }
0x5c: {  	_ =	shalt  }
0x5d: {  	_ =	shalt  }
0x5e: {  	_ =	shalt  }
0x5f: {  	_ =	shalt  }
0x60: {  	_ =	shalt  }
0x61: {  	_ =	shalt  }
0x62: {  	_ =	shalt  }
0x63: {  	_ =	shalt  }
0x64: {  	_ =	shalt  }
0x65: {  	_ =	shalt  }
0x66: {  	_ =	shalt  }
0x67: {  	_ =	shalt  }
0x68: {  	_ =	shalt  }
0x69: {  	_ =	shalt  }
0x6a: {  	_ =	shalt  }
0x6b: {  	_ =	shalt  }
0x6c: {  	_ =	shalt  }
0x6d: {  	_ =	shalt  }
0x6e: {  	_ =	shalt  }
0x6f: {  	_ =	shalt  }
0x70: {  	_ =	shalt  }
0x71: {  	_ =	shalt  }
0x72: {  	_ =	shalt  }
0x73: {  	_ =	shalt  }
0x74: {  	_ =	shalt  }
0x75: {  	_ =	shalt  }
0x76: {  	_ =	shalt  }
0x77: {  	_ =	shalt  }
0x78: {  	_ =	shalt  }
0x79: {  	_ =	shalt  }
0x7a: {  	_ =	shalt  }
0x7b: {  	_ =	shalt  }
0x7c: {  	_ =	shalt  }
0x7d: {  	_ =	shalt  }
0x7e: {  	_ =	shalt  }
0x7f: {  	_ =	shalt  }
0x80: {  	_ =	shalt  }
0x81: {  	_ =	shalt  }
0x82: {  	_ =	shalt  }
0x83: {  	_ =	shalt  }
0x84: {  	_ =	shalt  }
0x85: {  	_ =	shalt  }
0x86: {  	_ =	shalt  }
0x87: {  	_ =	shalt  }
.Lfunc_end0:
.L_simem_size_0:
called_computation_lowered:
.L_overlay_start_0:
0x88: {  	s2 =	sld [smem:$0x3FD9]  }
0x89: {  	s3 =	sld [smem:$0x3FFE];
	_ =	sdelay $0x1  }
0x8a: {  	s1 =	srdreg.scid  }
0x8b: {  	s0 =	sand.u32 $0x1, s1  }
0x8c: {  	s16 =	sshll.u32 s0, $0xA;
	s2 =	sadd.s32 s3, s2  }
0x8d: {  	s2 =	sadd.s32 s2, s16  }
0x8e: {  	[smem:$0x3FC0] =	sst s2  }
0x8f: {  	_ = 	snop  }
0x90: {  	(tm) =	ssettm $0x1  }
0x91: {  	s17 =	sld [smem:$0x3FFB];
	_ =	sdelay $0x3  }
0x92: {  	_ =	strace s17  }
0x93: {  	s2 =	sld [smem:$0x3FFC];
	_ =	sdelay $0x3  }
0x94: {  	_ =	strace s2  }
0x95: {  	s2 =	sld [smem:$0x3FFD];
	_ =	sdelay $0x3  }
0x96: {  	_ =	strace s2  }
0x97: {  	_ =	strace $0x8FFFFFFF  }
0x98: {  	s18 =	sld [smem:$0x3FDB];
	_ =	sdelay $0x1  }
0x99: {  	s19 =	simm.s32 $_scs_section_size  }
0x9a: {  	s4 =	simm.s32 $_size__tile_overlayer_lowered;
	s5 =	simm.s32 $_tile_overlayer_lowered  }
0x9b: {  	s22 =	simm.s32 $0x1BFF;
	s21 =	sshll.u32 s5, $0x1;
	s2 =	sadd.s32 s19, s18  }
0x9c: {  	s6 =	simm.s32 $0x0;
	s20 =	sshll.u32 s4, $0x1;
	s4 =	sadd.s32 s21, s2  }
0x9d: {  	[timem:s6], [sflag:s22] =	dma.local [hbm:s4], s20  }
0x9e: {  	_ =	swait.ge [sflag:s22], s20  }
0x9f: {  	s3 =	ssub.s32 $0x0, s20;
	[sflag:s22] =	ssyncset.done $0x0  }
0xa0: {  	[sflag:s22] =	ssyncadd.s32 s3;
	_ =	sdelay $0x1  }
0xa1: {  	s23 =	simm.s32 $0x1B8B  }
0xa2: {  	_ =	swait.ge [sflag:s23], $0x1  }
0xa3: {  	[sflag:s23] =	ssyncset.done $0x0  }
0xa4: {  	s25 =	simm.s32 $0x1B8E;
	s24 =	sld [smem:$0x3FFE];
	[sflag:s23] =	ssyncadd.s32 $0xFFFFFFFF  }
0xa5: {  	s26 =	simm.s32 $execute0_lowered;
	[smem:$0x3FD2] =	sst s25  }
0xa6: {  	s4 =	sshll.u32 s26, $0x1;
	_ =	strace $0x80000046;
	[dreg:$0x1] =	wrdreg $0xFFFFFFFF  }
0xa7: {  	s28 =	simm.s32 $_size_execute0_lowered;
	s2 =	sadd.s32 s2, s4;
	[dreg:$0x0] =	wrdreg $0x0  }
0xa8: {  	s4 =	sshll.u32 s28, $0x1;
	[dreg:$0x2] =	wrdreg s2  }
0xa9: {  	[dreg:$0x3] =	wrdreg s4  }
0xaa: {  	[dreg:$0x4] =	wrdreg $0xC0  }
0xab: {  	_ =	task [dreg:s6], $0x5FFFF  }
0xac: {  	[dreg:$0x1] =	wrdreg $0xFFFFFFFF  }
0xad: {  	[dreg:$0x0] =	wrdreg $0x60  }
0xae: {  	[dreg:$0x2] =	wrdreg s24  }
0xaf: {  	[dreg:$0x3] =	wrdreg $0xEE400  }
0xb0: {  	[dreg:$0x4] =	wrdreg $0x18E400  }
0xb1: {  	[dreg:$0x5] =	wrdreg $0x9  }
0xb2: {  	_ =	task.clear_ibuf [dreg:s6], $0x6FFFF;
	_ =	strace $0x90000046  }
0xb3: {  	s29 =	simm.s32 $0x9;
	_ =	strace $0x80000048  }
0xb4: {  	_ =	swait.ge [sflag:s29], $0x1  }
0xb5: {  	[sflag:s29] =	ssyncadd.s32 $0xFFFFFFFF  }
0xb6: {  	_ =	strace $0x90000048  }
0xb7: {  	_ =	sfence  }
0xb8: {  	s30 =	sld [smem:$0x0];
	_ =	sdelay $0x2  }
0xb9: {  	s31 =	sshll.u32 s1, $0xD;
	s1 =	sshrl.u32 s1, $0x2  }
0xba: {  	s3 =	sand.u32 $0x4000, s31;
	s1 =	sadd.s32 s1, s30  }
0xbb: {  	s0 =	sor.u32 s3, s0;
	s1 =	sshll.u32 s1, $0x11  }
0xbc: {  	s0 =	sor.u32 s1, s0  }
0xbd: {  	s0 =	sadd.s32 $0x8F2B, s0  }
0xbe: {  	[sflag:s0] =	ssyncadd.remote.s32 $0x1  }
0xbf: {  	_ =	sfence.sel $0xFFFF  }
0xc0: {  	[dreg:$0x0] =	wrdreg $0xFFFFFFFF;
	(pc) =	sbr.abs _section_cstart, $3  }
0xc1: {  	[dreg:$0x1] =	wrdreg $0xFFFFFFFF  }
0xc2: {  	_ =	task.clear_ibuf [dreg:s6], $0x2FFFF;
	_ =	strace $0x9FFFFFFF  }
0xc3: {  	(tm) =	ssettm $0x7FFFFFFF  }
tec
execute0_lowered:
.L_overlay_start_1:
0x0: {  	(tag) =	ssettag $0x1  }
0x1: {  	s0 =	rddreg [dreg:$0x0]  }
0x2: {  	s2 =	rddreg [dreg:$0x1]  }
0x3: {  	s3 =	rddreg [dreg:$0x2]  }
0x4: {  	s20 =	stileid.u32;
	s5 =	srdreg.scid  }
0x5: {  	s4 =	simm.s32 $0x0;
	s29 =	simm.s32 $0xA640;
	s1 =	smul.u32 $0x500, s20  }
0x6: {  	s31 =	simm.s32 $0x50;
	s30 =	simm.s32 $0x5050;
	s28 =	smul.u32 $0x280, s20  }
0x7: {  	s13 =	sand.u32 $0x1, s5;
	[smem:$0x7FF] =	sst s4;
	s9 =	smul.u32 $0x2800, s20  }
0x8: {  	s8 =	sadd.s32 $0x59600, s0;
	s6 =	ssub.s32 $0x2, s13;
	s7 =	smul.u32 $0x2800, s13  }
0x9: {  	s17 =	sor.u32 $0x2, s13;
	p0 =	sne.s32 s13, $0x0;
	s10 =	sshrl.u32 s6, $0x1  }
0xa: {  	s12 =	sadd.s32 $0x100, s28;
	s14 =	sadd.s32 $0x180, s28;
	s16 =	sadd.s32 $0x200, s28  }
0xb: {  	s1 =	sadd.s32 s1, s0;
	s6 =	ssub.s32 s6, s10;
	s10 =	sadd.s32 $0x80, s28  }
0xc: {  	s11 =	sadd.s32 s28, s7;
	s15 =	sadd.s32 s7, s12;
	s18 =	sadd.s32 s7, s14  }
0xd: {  	s11 =	sshll.u32 s11, $0x3;
	s19 =	sadd.s32 s7, s10;
	s15 =	sshll.u32 s15, $0x3  }
0xe: {  	s22 =	sshll.u32 s18, $0x3;
	s7 =	sadd.s32 s7, s16;
	s18 =	smul.u32 $0x28000, s20  }
0xf: {  	s20 =	sadd.s32 $0x54600, s1;
	s1 =	sadd.s32 $0x4F600, s1;
	s11 =	sadd.s32 s8, s11  }
0x10: {  	s21 =	sadd.s32 s8, s15;
	s7 =	sshll.u32 s7, $0x3;
	[dreg:$0x4] =	wrdreg s11  }
0x11: {  	s11 =	sshll.u32 s19, $0x3;
	[dreg:$0x6] =	wrdreg s21;
	s7 =	sadd.s32 s8, s7  }
0x12: {  	s19 =	smul.u32 $0x2800, s17;
	s11 =	sadd.s32 s8, s11;
	[dreg:$0x8] =	wrdreg s7  }
0x13: {  	s15 =	sshrl.u32 s9, $0x3;
	s21 =	sshll.u32 s10, $0x6;
	[dreg:$0x5] =	wrdreg s11  }
0x14: {  	s11 =	sadd.s32 s8, s22;
	s5 =	sadd.s32 s28, s19;
	s23 =	sadd.s32 s10, s19  }
0x15: {  	s25 =	sadd.s32 s12, s19;
	s26 =	sadd.s32 s14, s19;
	s28 =	sadd.s32 s16, s19  }
0x16: {  	s19 =	sshrl.u32 s18, $0x2;
	s22 =	sshll.u32 s12, $0x6;
	s10 =	simm.s32 $0x50F0  }
0x17: {  	s12 =	simm.s32 $0x2;
	[dreg:$0x7] =	wrdreg s11;
	s5 =	sshll.u32 s5, $0x3  }
0x18: {  	s24 =	sshll.u32 s23, $0x3;
	s7 =	sshll.u32 s26, $0x3;
	s11 =	sshll.u32 s28, $0x3  }
0x19: {  	s18 =	sadd.s32 s19, s2;
	s19 =	sadd.s32 s21, s2;
	s23 =	sshll.u32 s14, $0x6  }
0x1a: {  	s28 =	smax.u32 s6, $0x1;
	s6 =	simm.s32 $0x50A0;
	s14 =	simm.s32 $0x3  }
0x1b: {  	s5 =	sadd.s32 s8, s5;
	s7 =	sadd.s32 s8, s7;
	s21 =	sadd.s32 s23, s2  }
0x1c: {  	s23 =	simm.s32 $0x4FB0;
	[dreg:$0x9] =	wrdreg s5;
	s5 =	sadd.s32 s8, s24  }
0x1d: {  	[dreg:$0xc] =	wrdreg s7;
	s24 =	sshll.u32 s16, $0x6;
	s7 =	simm.s32 $0x7940  }
0x1e: {  	s16 =	simm.s32 $0x4;
	[dreg:$0xa] =	wrdreg s5;
	s5 =	sshll.u32 s25, $0x3  }
0x1f: {  	s25 =	sadd.s32 s9, s3;
	s9 =	simm.s32 $0xA140;
	s5 =	sadd.s32 s8, s5  }
0x20: {  	[dreg:$0xb] =	wrdreg s5;
	s5 =	sadd.s32 s8, s11;
	s8 =	simm.s32 $0x1  }
0x21: {  	s11 =	simm.s32 $0x8D40;
	[dreg:$0xd] =	wrdreg s5;
	s5 =	sadd.s32 s15, s0  }
0x22: {  	s15 =	sadd.s32 $0x1400, s0;
	_ =	strace $0x80000047;
	[dreg:$0xe] =	wrdreg s20  }
0x23: {  	s0 =	simm.s32 $0x5000;
	[dreg:$0xf] =	wrdreg s1;
	s20 =	sadd.s32 s22, s2  }
0x24: {  	s22 =	sadd.s32 s24, s2;
	[dreg:$0x12] =	wrdreg s25;
	s26 =	sadd.s32 $0xA9600, s5  }
0x25: {  	v2 =	vimm.f32 $0.0e+00;
	[dreg:$0x11] =	wrdreg s28;
	s1 =	simm.s32 $0x5140;
	s5 =	simm.s32 $0x6540  }
0x26: {  	v3 =	vimm.f32 $1.000000000e+00;
	v0 =	vmov s13;
	v1 =	vmov s17;
	s25 =	simm.s32 $0x0;
	[dreg:$0x10] =	wrdreg s26;
	s26 =	simm.s32 $0x5  }
.LBB2_1:
0x27: {  	s17 =	simm.s32 $0x100;
	s13 =	simm.s32 $0x0  }
.LBB2_2:
0x28: {  	p1 =	sne.s32 s17, $0x7F00;
	[tilespmem:s13+$0xA670] =	vst v2;
	s24 =	smov.u32 s17;
	s17 =	sadd.s32 $0x100, s17  }
.Ltmp0:
0x29: {  	[tilespmem:s13+$0xA660] =	vst v2;
	(pc) =	sbr.rel @p1 .LBB2_2-.Ltmp0, $3  }
0x2a: {  	[tilespmem:s13+$0xA640] =	vst v2  }
0x2b: {  	[tilespmem:s13+$0xA650] =	vst v2;
	_ =	sdelay $0x1  }
0x2c: {  	s13 =	sshra.s32 s24, $0x2  }
0x2d: {  	[tilespmem:s13+$0xA670] =	vst v2  }
0x2e: {  	[tilespmem:s13+$0xA660] =	vst v2  }
0x2f: {  	[tilespmem:s13+$0xA640] =	vst v2  }
0x30: {  	[tilespmem:s13+$0xA650] =	vst v2;
	s13 =	simm.s32 $0x40;
	s17 =	simm.s32 $0x0  }
.LBB2_4:
0x31: {  	p1 =	sne.s32 s13, $0x9FC0;
	[tilespmem:s17+$0xC640] =	vst v2;
	s17 =	smov.u32 s13;
	s13 =	sadd.s32 $0x40, s13  }
.Ltmp1:
0x32: {  	(pc) =	sbr.rel @p1 .LBB2_4-.Ltmp1, $2  }
0x33: {  	_ =	sdelay $0x2  }
0x34: {  	s17 =	sshra.s32 s17, $0x2  }
0x35: {  	[tilespmem:s17+$0xC640] =	vst v2;
	s13 =	simm.s32 $0x40;
	s17 =	simm.s32 $0x0  }
.LBB2_6:
0x36: {  	p1 =	sne.s32 s13, $0x13C0;
	[tilespmem:s17+$0xA140] =	vst v3;
	s17 =	smov.u32 s13;
	s13 =	sadd.s32 $0x40, s13  }
.Ltmp2:
0x37: {  	(pc) =	sbr.rel @p1 .LBB2_6-.Ltmp2, $2  }
0x38: {  	_ =	sdelay $0x2  }
0x39: {  	s17 =	sshra.s32 s17, $0x2  }
0x3a: {  	[tilespmem:s17+$0xA140] =	vst v3;
	s13 =	simm.s32 $0x0;
	s24 =	rddreg [dreg:$0xe]  }
0x3b: {  	[tilespmem:s13], [sflag:$0x5] =	stream.linear.gather [hbm4b:s24+s13], $0x2800, $0x38;
	[tilespmem:$0x1B640] =	vst v63  }
0x3c: {  	_ =	swait.ge [sflag:s26], $0x2800  }
0x3d: {  	[sflag:s26] =	ssyncset.done $0x0  }
0x3e: {  	s24 =	simm.s32 $0x2800;
	s28 =	rddreg [dreg:$0xf];
	[sflag:s26] =	ssyncadd.s32 $0xFFFFD800  }
0x3f: {  	[tilespmem:s24], [sflag:$0x5] =	stream.linear.gather [hbm4b:s28+s13], $0x2800, $0x38;
	[tilespmem:$0x1B640] =	vst v63  }
0x40: {  	_ =	swait.ge [sflag:s26], $0x2800  }
0x41: {  	[sflag:s26] =	ssyncset.done $0x0  }
0x42: {  	[sflag:s26] =	ssyncadd.s32 $0xFFFFD800  }
0x43: {  	[spmem:s18] =	stream.linear.scatter [tilespmem:s29], [sflag:$0x5], $0x2000, $0x38;
	[tilespmem:$0x1B640] =	vst v63  }
0x44: {  	_ =	swait.ge [sflag:s26], $0x2000  }
0x45: {  	[sflag:s26] =	ssyncset.done $0x0  }
0x46: {  	[sflag:s26] =	ssyncadd.s32 $0xFFFFE000  }
0x47: {  	[spmem:s19] =	stream.linear.scatter [tilespmem:s29], [sflag:$0x5], $0x2000, $0x38;
	[tilespmem:$0x1B640] =	vst v63  }
0x48: {  	_ =	swait.ge [sflag:s26], $0x2000  }
0x49: {  	[sflag:s26] =	ssyncset.done $0x0  }
0x4a: {  	[sflag:s26] =	ssyncadd.s32 $0xFFFFE000  }
0x4b: {  	[spmem:s20] =	stream.linear.scatter [tilespmem:s29], [sflag:$0x5], $0x2000, $0x38;
	[tilespmem:$0x1B640] =	vst v63  }
0x4c: {  	_ =	swait.ge [sflag:s26], $0x2000  }
0x4d: {  	[sflag:s26] =	ssyncset.done $0x0  }
0x4e: {  	[sflag:s26] =	ssyncadd.s32 $0xFFFFE000  }
0x4f: {  	[spmem:s21] =	stream.linear.scatter [tilespmem:s29], [sflag:$0x5], $0x2000, $0x38;
	[tilespmem:$0x1B640] =	vst v63  }
0x50: {  	_ =	swait.ge [sflag:s26], $0x2000  }
0x51: {  	[sflag:s26] =	ssyncset.done $0x0  }
0x52: {  	[sflag:s26] =	ssyncadd.s32 $0xFFFFE000  }
0x53: {  	[spmem:s22] =	stream.linear.scatter [tilespmem:s29], [sflag:$0x5], $0x2000, $0x38;
	[tilespmem:$0x1B640] =	vst v63  }
0x54: {  	_ =	swait.ge [sflag:s26], $0x2000  }
0x55: {  	[sflag:s26] =	ssyncset.done $0x0  }
0x56: {  	s17 =	simm.s32 $0xC640;
	s28 =	rddreg [dreg:$0x12];
	[sflag:s26] =	ssyncadd.s32 $0xFFFFE000  }
0x57: {  	[spmem:s28] =	stream.linear.scatter [tilespmem:s17], [sflag:$0x5], $0x2800, $0x38;
	[tilespmem:$0x1B640] =	vst v63  }
0x58: {  	_ =	swait.ge [sflag:s26], $0x2800  }
0x59: {  	[sflag:s26] =	ssyncset.done $0x0  }
0x5a: {  	[sflag:s26] =	ssyncadd.s32 $0xFFFFD800  }
0x5b: {  	[bflag:$0x0] =	sbarrier.arrive $0xFFFF  }
0x5c: {  	v4 =	vld [tilespmem:$0x0]  }
0x5d: {  	v5 =	vld [tilespmem:$0x10]  }
0x5e: {  	v6 =	vld [tilespmem:$0x20]  }
0x5f: {  	v7 =	vld [tilespmem:$0x30]  }
0x60: {  	v8 =	vld [tilespmem:$0x40]  }
0x61: {  	v4 =	vshll.u32 v4, $0x2  }
0x62: {  	v5 =	vshll.u32 v5, $0x2;
	v4 =	vor.u32 v0, v4  }
0x63: {  	[tilespmem:$0x5000] =	vst v4;
	v4 =	vor.u32 v0, v5;
	v5 =	vshll.u32 v6, $0x2  }
0x64: {  	[tilespmem:$0x5010] =	vst v4;
	v4 =	vor.u32 v0, v5;
	v5 =	vshll.u32 v7, $0x2  }
0x65: {  	[tilespmem:$0x5020] =	vst v4;
	v4 =	vor.u32 v0, v5;
	v5 =	vshll.u32 v8, $0x2  }
0x66: {  	[tilespmem:$0x5030] =	vst v4;
	v4 =	vor.u32 v0, v5  }
0x67: {  	[tilespmem:$0x5040] =	vst v4  }
0x68: {  	[tilespmem:s1], [sflag:$0x1] =	stream.indirect.gather [hbm4b:s15+s31], $0x40, s0, s31, $0xb8;
	[tilespmem:$0x1B640] =	vst v63  }
0x69: {  	v4 =	vld [tilespmem:$0x50]  }
0x6a: {  	v5 =	vld [tilespmem:$0x60]  }
0x6b: {  	v55 =	vld [tilespmem:$0x70]  }
0x6c: {  	v56 =	vld [tilespmem:$0x80]  }
0x6d: {  	v57 =	vld [tilespmem:$0x90]  }
0x6e: {  	v4 =	vshll.u32 v4, $0x2  }
0x6f: {  	v5 =	vshll.u32 v5, $0x2;
	v4 =	vor.u32 v0, v4  }
0x70: {  	[tilespmem:$0x5050] =	vst v4;
	v4 =	vor.u32 v0, v5;
	v5 =	vshll.u32 v55, $0x2  }
0x71: {  	[tilespmem:$0x5060] =	vst v4;
	v4 =	vor.u32 v0, v5;
	v5 =	vshll.u32 v56, $0x2  }
0x72: {  	[tilespmem:$0x5070] =	vst v4;
	v4 =	vor.u32 v0, v5;
	v5 =	vshll.u32 v57, $0x2  }
0x73: {  	[tilespmem:$0x5080] =	vst v4;
	v4 =	vor.u32 v0, v5  }
0x74: {  	[tilespmem:$0x5090] =	vst v4  }
0x75: {  	[tilespmem:s5], [sflag:$0x2] =	stream.indirect.gather [hbm4b:s15+s31], $0x40, s30, s31, $0xb8;
	[tilespmem:$0x1B640] =	vst v63  }
0x76: {  	v4 =	vld [tilespmem:$0xA0]  }
0x77: {  	v5 =	vld [tilespmem:$0xB0]  }
0x78: {  	v58 =	vld [tilespmem:$0xC0]  }
0x79: {  	v59 =	vld [tilespmem:$0xD0]  }
0x7a: {  	v60 =	vld [tilespmem:$0xE0]  }
0x7b: {  	v4 =	vshll.u32 v4, $0x2  }
0x7c: {  	v5 =	vshll.u32 v5, $0x2;
	v4 =	vor.u32 v0, v4  }
0x7d: {  	[tilespmem:$0x50A0] =	vst v4;
	v4 =	vor.u32 v0, v5;
	v5 =	vshll.u32 v58, $0x2  }
0x7e: {  	[tilespmem:$0x50B0] =	vst v4;
	v4 =	vor.u32 v0, v5;
	v5 =	vshll.u32 v59, $0x2  }
0x7f: {  	[tilespmem:$0x50C0] =	vst v4;
	v4 =	vor.u32 v0, v5;
	v5 =	vshll.u32 v60, $0x2  }
0x80: {  	[tilespmem:$0x50D0] =	vst v4;
	v4 =	vor.u32 v0, v5  }
0x81: {  	[tilespmem:$0x50E0] =	vst v4  }
0x82: {  	[tilespmem:s7], [sflag:$0x3] =	stream.indirect.gather [hbm4b:s15+s31], $0x40, s6, s31, $0xb8;
	[tilespmem:$0x1B640] =	vst v63  }
0x83: {  	_ =	swait.ge [sflag:s8], $0x1400  }
0x84: {  	[sflag:s8] =	ssyncset.done $0x0  }
0x85: {  	[sflag:s8] =	ssyncadd.s32 $0xFFFFEC00  }
0x86: {  	[spmem:s2] =	stream.indirect.scatter.add.f32 [tilespmem:s1], [sflag:$0x5], $0x40, s24, s31, $0xb8;
	[tilespmem:$0x1B640] =	vst v63  }
0x87: {  	_ =	swait.ge [sflag:s26], $0x1400  }
0x88: {  	[sflag:s26] =	ssyncset.done $0x0  }
0x89: {  	[sflag:s26] =	ssyncadd.s32 $0xFFFFEC00  }
0x8a: {  	[spmem:s3] =	stream.indirect.scatter.add.f32 [tilespmem:s9], [sflag:$0x5], $0x10, s24, s31, $0xb8;
	[tilespmem:$0x1B640] =	vst v63  }
0x8b: {  	_ =	swait.ge [sflag:s26], $0x500  }
0x8c: {  	[sflag:s26] =	ssyncset.done $0x0  }
0x8d: {  	[sflag:s26] =	ssyncadd.s32 $0xFFFFFB00  }
0x8e: {  	v4 =	vld [tilespmem:$0xF0]  }
0x8f: {  	v5 =	vld [tilespmem:$0x100]  }
0x90: {  	v61 =	vld [tilespmem:$0x110]  }
0x91: {  	v62 =	vld [tilespmem:$0x120]  }
0x92: {  	v63 =	vld [tilespmem:$0x130]  }
0x93: {  	v4 =	vshll.u32 v4, $0x2  }
0x94: {  	v5 =	vshll.u32 v5, $0x2;
	v4 =	vor.u32 v0, v4  }
0x95: {  	[tilespmem:$0x50F0] =	vst v4;
	v4 =	vor.u32 v0, v5;
	v5 =	vshll.u32 v61, $0x2  }
0x96: {  	[tilespmem:$0x5100] =	vst v4;
	v4 =	vor.u32 v0, v5;
	v5 =	vshll.u32 v62, $0x2  }
0x97: {  	[tilespmem:$0x5110] =	vst v4;
	v4 =	vor.u32 v0, v5;
	v5 =	vshll.u32 v63, $0x2  }
0x98: {  	[tilespmem:$0x5120] =	vst v4;
	v4 =	vor.u32 v0, v5  }
0x99: {  	[tilespmem:$0x5130] =	vst v4  }
0x9a: {  	[tilespmem:s11], [sflag:$0x4] =	stream.indirect.gather [hbm4b:s15+s31], $0x40, s10, s31, $0xb8;
	[tilespmem:$0x1B640] =	vst v63  }
0x9b: {  	_ =	swait.ge [sflag:s12], $0x1400  }
0x9c: {  	[sflag:s12] =	ssyncset.done $0x0  }
0x9d: {  	s17 =	simm.s32 $0x2850;
	[sflag:s12] =	ssyncadd.s32 $0xFFFFEC00  }
0x9e: {  	[spmem:s2] =	stream.indirect.scatter.add.f32 [tilespmem:s5], [sflag:$0x5], $0x40, s17, s31, $0xb8;
	[tilespmem:$0x1B640] =	vst v63  }
0x9f: {  	_ =	swait.ge [sflag:s26], $0x1400  }
0xa0: {  	[sflag:s26] =	ssyncset.done $0x0  }
0xa1: {  	[sflag:s26] =	ssyncadd.s32 $0xFFFFEC00  }
0xa2: {  	[spmem:s3] =	stream.indirect.scatter.add.f32 [tilespmem:s9], [sflag:$0x5], $0x10, s17, s31, $0xb8;
	[tilespmem:$0x1B640] =	vst v63  }
0xa3: {  	_ =	swait.ge [sflag:s26], $0x500  }
0xa4: {  	[sflag:s26] =	ssyncset.done $0x0  }
0xa5: {  	s13 =	simm.s32 $0x0;
	[sflag:s26] =	ssyncadd.s32 $0xFFFFFB00  }
0xa6: {  	v4 =	vld [tilespmem:s13+$0x140];
	_ =	sdelay $0x4  }
0xa7: {  	v4 =	vshll.u32 v4, $0x2  }
0xa8: {  	v4 =	vor.u32 v0, v4  }
0xa9: {  	[tilespmem:$0x5000] =	vst v4  }
0xaa: {  	v4 =	vld [tilespmem:s13+$0x150];
	_ =	sdelay $0x4  }
0xab: {  	v4 =	vshll.u32 v4, $0x2  }
0xac: {  	v4 =	vor.u32 v0, v4  }
0xad: {  	[tilespmem:$0x5010] =	vst v4  }
0xae: {  	v4 =	vld [tilespmem:s13+$0x160];
	_ =	sdelay $0x4  }
0xaf: {  	v4 =	vshll.u32 v4, $0x2  }
0xb0: {  	v4 =	vor.u32 v0, v4  }
0xb1: {  	[tilespmem:$0x5020] =	vst v4  }
0xb2: {  	v4 =	vld [tilespmem:s13+$0x170];
	_ =	sdelay $0x4  }
0xb3: {  	v4 =	vshll.u32 v4, $0x2  }
0xb4: {  	v4 =	vor.u32 v0, v4  }
0xb5: {  	[tilespmem:$0x5030] =	vst v4  }
0xb6: {  	v4 =	vld [tilespmem:s13+$0x180];
	_ =	sdelay $0x4  }
0xb7: {  	v4 =	vshll.u32 v4, $0x2  }
0xb8: {  	v4 =	vor.u32 v0, v4  }
0xb9: {  	[tilespmem:$0x5040] =	vst v4  }
0xba: {  	[tilespmem:s1], [sflag:$0x1] =	stream.indirect.gather [hbm4b:s15+s31], $0x40, s0, s31, $0xb8;
	[tilespmem:$0x1B640] =	vst v63  }
0xbb: {  	_ =	swait.ge [sflag:s14], $0x1400  }
0xbc: {  	[sflag:s14] =	ssyncset.done $0x0  }
0xbd: {  	s24 =	simm.s32 $0x28A0;
	[sflag:s14] =	ssyncadd.s32 $0xFFFFEC00  }
0xbe: {  	[spmem:s2] =	stream.indirect.scatter.add.f32 [tilespmem:s7], [sflag:$0x5], $0x40, s24, s31, $0xb8;
	[tilespmem:$0x1B640] =	vst v63  }
0xbf: {  	_ =	swait.ge [sflag:s26], $0x1400  }
0xc0: {  	[sflag:s26] =	ssyncset.done $0x0  }
0xc1: {  	[sflag:s26] =	ssyncadd.s32 $0xFFFFEC00  }
0xc2: {  	[spmem:s3] =	stream.indirect.scatter.add.f32 [tilespmem:s9], [sflag:$0x5], $0x10, s24, s31, $0xb8;
	[tilespmem:$0x1B640] =	vst v63  }
0xc3: {  	_ =	swait.ge [sflag:s26], $0x500  }
0xc4: {  	[sflag:s26] =	ssyncset.done $0x0  }
0xc5: {  	[sflag:s26] =	ssyncadd.s32 $0xFFFFFB00  }
0xc6: {  	v4 =	vld [tilespmem:s13+$0x190];
	_ =	sdelay $0x4  }
0xc7: {  	v4 =	vshll.u32 v4, $0x2  }
0xc8: {  	v4 =	vor.u32 v0, v4  }
0xc9: {  	[tilespmem:$0x5050] =	vst v4  }
0xca: {  	v4 =	vld [tilespmem:s13+$0x1A0];
	_ =	sdelay $0x4  }
0xcb: {  	v4 =	vshll.u32 v4, $0x2  }
0xcc: {  	v4 =	vor.u32 v0, v4  }
0xcd: {  	[tilespmem:$0x5060] =	vst v4  }
0xce: {  	v4 =	vld [tilespmem:s13+$0x1B0];
	_ =	sdelay $0x4  }
0xcf: {  	v4 =	vshll.u32 v4, $0x2  }
0xd0: {  	v4 =	vor.u32 v0, v4  }
0xd1: {  	[tilespmem:$0x5070] =	vst v4  }
0xd2: {  	v4 =	vld [tilespmem:s13+$0x1C0];
	_ =	sdelay $0x4  }
0xd3: {  	v4 =	vshll.u32 v4, $0x2  }
0xd4: {  	v4 =	vor.u32 v0, v4  }
0xd5: {  	[tilespmem:$0x5080] =	vst v4  }
0xd6: {  	v4 =	vld [tilespmem:s13+$0x1D0];
	_ =	sdelay $0x4  }
0xd7: {  	v4 =	vshll.u32 v4, $0x2  }
0xd8: {  	v4 =	vor.u32 v0, v4  }
0xd9: {  	[tilespmem:$0x5090] =	vst v4  }
0xda: {  	[tilespmem:s5], [sflag:$0x2] =	stream.indirect.gather [hbm4b:s15+s31], $0x40, s30, s31, $0xb8;
	[tilespmem:$0x1B640] =	vst v63  }
0xdb: {  	_ =	swait.ge [sflag:s16], $0x1400  }
0xdc: {  	[sflag:s16] =	ssyncset.done $0x0  }
0xdd: {  	s28 =	simm.s32 $0x28F0;
	[sflag:s16] =	ssyncadd.s32 $0xFFFFEC00  }
0xde: {  	[spmem:s2] =	stream.indirect.scatter.add.f32 [tilespmem:s11], [sflag:$0x5], $0x40, s28, s31, $0xb8;
	[tilespmem:$0x1B640] =	vst v63  }
0xdf: {  	_ =	swait.ge [sflag:s26], $0x1400  }
0xe0: {  	[sflag:s26] =	ssyncset.done $0x0  }
0xe1: {  	[sflag:s26] =	ssyncadd.s32 $0xFFFFEC00  }
0xe2: {  	[spmem:s3] =	stream.indirect.scatter.add.f32 [tilespmem:s9], [sflag:$0x5], $0x10, s28, s31, $0xb8;
	[tilespmem:$0x1B640] =	vst v63  }
0xe3: {  	_ =	swait.ge [sflag:s26], $0x500  }
0xe4: {  	[sflag:s26] =	ssyncset.done $0x0  }
0xe5: {  	[sflag:s26] =	ssyncadd.s32 $0xFFFFFB00  }
0xe6: {  	v4 =	vld [tilespmem:s13+$0x1E0];
	_ =	sdelay $0x4  }
0xe7: {  	v4 =	vshll.u32 v4, $0x2  }
0xe8: {  	v4 =	vor.u32 v0, v4  }
0xe9: {  	[tilespmem:$0x50A0] =	vst v4  }
0xea: {  	v4 =	vld [tilespmem:s13+$0x1F0];
	_ =	sdelay $0x4  }
0xeb: {  	v4 =	vshll.u32 v4, $0x2  }
0xec: {  	v4 =	vor.u32 v0, v4  }
0xed: {  	[tilespmem:$0x50B0] =	vst v4  }
0xee: {  	v4 =	vld [tilespmem:s13+$0x200];
	_ =	sdelay $0x4  }
0xef: {  	v4 =	vshll.u32 v4, $0x2  }
0xf0: {  	v4 =	vor.u32 v0, v4  }
0xf1: {  	[tilespmem:$0x50C0] =	vst v4  }
0xf2: {  	v4 =	vld [tilespmem:s13+$0x210];
	_ =	sdelay $0x4  }
0xf3: {  	v4 =	vshll.u32 v4, $0x2  }
0xf4: {  	v4 =	vor.u32 v0, v4  }
0xf5: {  	[tilespmem:$0x50D0] =	vst v4  }
0xf6: {  	v4 =	vld [tilespmem:s13+$0x220];
	_ =	sdelay $0x4  }
0xf7: {  	v4 =	vshll.u32 v4, $0x2  }
0xf8: {  	v4 =	vor.u32 v0, v4  }
0xf9: {  	[tilespmem:$0x50E0] =	vst v4  }
0xfa: {  	[tilespmem:s7], [sflag:$0x3] =	stream.indirect.gather [hbm4b:s15+s31], $0x40, s6, s31, $0xb8;
	[tilespmem:$0x1B640] =	vst v63  }
0xfb: {  	_ =	swait.ge [sflag:s8], $0x1400  }
0xfc: {  	[sflag:s8] =	ssyncset.done $0x0  }
0xfd: {  	s24 =	simm.s32 $0x2940;
	[sflag:s8] =	ssyncadd.s32 $0xFFFFEC00  }
0xfe: {  	[spmem:s2] =	stream.indirect.scatter.add.f32 [tilespmem:s1], [sflag:$0x5], $0x40, s24, s31, $0xb8;
	[tilespmem:$0x1B640] =	vst v63  }
0xff: {  	_ =	swait.ge [sflag:s26], $0x1400  }
0x100: {  	[sflag:s26] =	ssyncset.done $0x0  }
0x101: {  	[sflag:s26] =	ssyncadd.s32 $0xFFFFEC00  }
0x102: {  	[spmem:s3] =	stream.indirect.scatter.add.f32 [tilespmem:s9], [sflag:$0x5], $0x10, s24, s31, $0xb8;
	[tilespmem:$0x1B640] =	vst v63  }
0x103: {  	_ =	swait.ge [sflag:s26], $0x500  }
0x104: {  	[sflag:s26] =	ssyncset.done $0x0  }
0x105: {  	[sflag:s26] =	ssyncadd.s32 $0xFFFFFB00  }
0x106: {  	v4 =	vld [tilespmem:s13+$0x230];
	_ =	sdelay $0x4  }
0x107: {  	v4 =	vshll.u32 v4, $0x2  }
0x108: {  	v4 =	vor.u32 v0, v4  }
0x109: {  	[tilespmem:$0x50F0] =	vst v4  }
0x10a: {  	v4 =	vld [tilespmem:s13+$0x240];
	_ =	sdelay $0x4  }
0x10b: {  	v4 =	vshll.u32 v4, $0x2  }
0x10c: {  	v4 =	vor.u32 v0, v4  }
0x10d: {  	[tilespmem:$0x5100] =	vst v4  }
0x10e: {  	v4 =	vld [tilespmem:s13+$0x250];
	_ =	sdelay $0x4  }
0x10f: {  	v4 =	vshll.u32 v4, $0x2  }
0x110: {  	v4 =	vor.u32 v0, v4  }
0x111: {  	[tilespmem:$0x5110] =	vst v4  }
0x112: {  	v4 =	vld [tilespmem:s13+$0x260];
	_ =	sdelay $0x4  }
0x113: {  	v4 =	vshll.u32 v4, $0x2  }
0x114: {  	v4 =	vor.u32 v0, v4  }
0x115: {  	[tilespmem:$0x5120] =	vst v4  }
0x116: {  	v4 =	vld [tilespmem:s13+$0x270];
	_ =	sdelay $0x4  }
0x117: {  	v4 =	vshll.u32 v4, $0x2  }
0x118: {  	v4 =	vor.u32 v0, v4  }
0x119: {  	[tilespmem:$0x5130] =	vst v4  }
0x11a: {  	[tilespmem:s11], [sflag:$0x4] =	stream.indirect.gather [hbm4b:s15+s31], $0x40, s10, s31, $0xb8;
	[tilespmem:$0x1B640] =	vst v63  }
0x11b: {  	_ =	swait.ge [sflag:s12], $0x1400  }
0x11c: {  	[sflag:s12] =	ssyncset.done $0x0  }
0x11d: {  	s28 =	simm.s32 $0x2990;
	[sflag:s12] =	ssyncadd.s32 $0xFFFFEC00  }
0x11e: {  	[spmem:s2] =	stream.indirect.scatter.add.f32 [tilespmem:s5], [sflag:$0x5], $0x40, s28, s31, $0xb8;
	[tilespmem:$0x1B640] =	vst v63  }
0x11f: {  	_ =	swait.ge [sflag:s26], $0x1400  }
0x120: {  	[sflag:s26] =	ssyncset.done $0x0  }
0x121: {  	[sflag:s26] =	ssyncadd.s32 $0xFFFFEC00  }
0x122: {  	[spmem:s3] =	stream.indirect.scatter.add.f32 [tilespmem:s9], [sflag:$0x5], $0x10, s28, s31, $0xb8;
	[tilespmem:$0x1B640] =	vst v63  }
0x123: {  	_ =	swait.ge [sflag:s26], $0x500  }
0x124: {  	s17 =	simm.s32 $0xA00;
	s13 =	simm.s32 $0x500;
	[sflag:s26] =	ssyncset.done $0x0  }
.LBB2_8:
0x125: {  	s24 =	sshra.s32 s13, $0x2  }
0x126: {  	[sflag:s26] =	ssyncadd.s32 $0xFFFFFB00;
	s13 =	smov.u32 s17;
	s28 =	sadd.s32 $0x500, s17  }
0x127: {  	p1 =	sne.s32 s17, $0x9600;
	v4 =	vld [tilespmem:s24+$0x140];
	_ =	sdelay $0x4  }
0x128: {  	v4 =	vshll.u32 v4, $0x2  }
0x129: {  	v4 =	vor.u32 v0, v4  }
0x12a: {  	[tilespmem:$0x5000] =	vst v4  }
0x12b: {  	v4 =	vld [tilespmem:s24+$0x150];
	_ =	sdelay $0x4  }
0x12c: {  	v4 =	vshll.u32 v4, $0x2  }
0x12d: {  	v4 =	vor.u32 v0, v4  }
0x12e: {  	[tilespmem:$0x5010] =	vst v4  }
0x12f: {  	v4 =	vld [tilespmem:s24+$0x160];
	_ =	sdelay $0x4  }
0x130: {  	v4 =	vshll.u32 v4, $0x2  }
0x131: {  	v4 =	vor.u32 v0, v4  }
0x132: {  	[tilespmem:$0x5020] =	vst v4  }
0x133: {  	v4 =	vld [tilespmem:s24+$0x170];
	_ =	sdelay $0x4  }
0x134: {  	v4 =	vshll.u32 v4, $0x2  }
0x135: {  	v4 =	vor.u32 v0, v4  }
0x136: {  	[tilespmem:$0x5030] =	vst v4  }
0x137: {  	v4 =	vld [tilespmem:s24+$0x180];
	_ =	sdelay $0x4  }
0x138: {  	v4 =	vshll.u32 v4, $0x2  }
0x139: {  	v4 =	vor.u32 v0, v4  }
0x13a: {  	[tilespmem:$0x5040] =	vst v4  }
0x13b: {  	[tilespmem:s1], [sflag:$0x1] =	stream.indirect.gather [hbm4b:s15+s31], $0x40, s0, s31, $0xb8;
	[tilespmem:$0x1B640] =	vst v63  }
0x13c: {  	_ =	swait.ge [sflag:s14], $0x1400  }
0x13d: {  	[sflag:s14] =	ssyncset.done $0x0  }
0x13e: {  	s17 =	sadd.s32 $0x28A0, s24;
	[sflag:s14] =	ssyncadd.s32 $0xFFFFEC00  }
0x13f: {  	[spmem:s2] =	stream.indirect.scatter.add.f32 [tilespmem:s7], [sflag:$0x5], $0x40, s17, s31, $0xb8;
	[tilespmem:$0x1B640] =	vst v63  }
0x140: {  	_ =	swait.ge [sflag:s26], $0x1400  }
0x141: {  	[sflag:s26] =	ssyncset.done $0x0  }
0x142: {  	[sflag:s26] =	ssyncadd.s32 $0xFFFFEC00  }
0x143: {  	[spmem:s3] =	stream.indirect.scatter.add.f32 [tilespmem:s9], [sflag:$0x5], $0x10, s17, s31, $0xb8;
	[tilespmem:$0x1B640] =	vst v63  }
0x144: {  	_ =	swait.ge [sflag:s26], $0x500  }
0x145: {  	[sflag:s26] =	ssyncset.done $0x0  }
0x146: {  	[sflag:s26] =	ssyncadd.s32 $0xFFFFFB00  }
0x147: {  	v4 =	vld [tilespmem:s24+$0x190];
	_ =	sdelay $0x4  }
0x148: {  	v4 =	vshll.u32 v4, $0x2  }
0x149: {  	v4 =	vor.u32 v0, v4  }
0x14a: {  	[tilespmem:$0x5050] =	vst v4  }
0x14b: {  	v4 =	vld [tilespmem:s24+$0x1A0];
	_ =	sdelay $0x4  }
0x14c: {  	v4 =	vshll.u32 v4, $0x2  }
0x14d: {  	v4 =	vor.u32 v0, v4  }
0x14e: {  	[tilespmem:$0x5060] =	vst v4  }
0x14f: {  	v4 =	vld [tilespmem:s24+$0x1B0];
	_ =	sdelay $0x4  }
0x150: {  	v4 =	vshll.u32 v4, $0x2  }
0x151: {  	v4 =	vor.u32 v0, v4  }
0x152: {  	[tilespmem:$0x5070] =	vst v4  }
0x153: {  	v4 =	vld [tilespmem:s24+$0x1C0];
	_ =	sdelay $0x4  }
0x154: {  	v4 =	vshll.u32 v4, $0x2  }
0x155: {  	v4 =	vor.u32 v0, v4  }
0x156: {  	[tilespmem:$0x5080] =	vst v4  }
0x157: {  	v4 =	vld [tilespmem:s24+$0x1D0];
	_ =	sdelay $0x4  }
0x158: {  	v4 =	vshll.u32 v4, $0x2  }
0x159: {  	v4 =	vor.u32 v0, v4  }
0x15a: {  	[tilespmem:$0x5090] =	vst v4  }
0x15b: {  	[tilespmem:s5], [sflag:$0x2] =	stream.indirect.gather [hbm4b:s15+s31], $0x40, s30, s31, $0xb8;
	[tilespmem:$0x1B640] =	vst v63  }
0x15c: {  	_ =	swait.ge [sflag:s16], $0x1400  }
0x15d: {  	[sflag:s16] =	ssyncset.done $0x0  }
0x15e: {  	s17 =	sadd.s32 $0x28F0, s24;
	[sflag:s16] =	ssyncadd.s32 $0xFFFFEC00  }
0x15f: {  	[spmem:s2] =	stream.indirect.scatter.add.f32 [tilespmem:s11], [sflag:$0x5], $0x40, s17, s31, $0xb8;
	[tilespmem:$0x1B640] =	vst v63  }
0x160: {  	_ =	swait.ge [sflag:s26], $0x1400  }
0x161: {  	[sflag:s26] =	ssyncset.done $0x0  }
0x162: {  	[sflag:s26] =	ssyncadd.s32 $0xFFFFEC00  }
0x163: {  	[spmem:s3] =	stream.indirect.scatter.add.f32 [tilespmem:s9], [sflag:$0x5], $0x10, s17, s31, $0xb8;
	[tilespmem:$0x1B640] =	vst v63  }
0x164: {  	_ =	swait.ge [sflag:s26], $0x500  }
0x165: {  	[sflag:s26] =	ssyncset.done $0x0  }
0x166: {  	[sflag:s26] =	ssyncadd.s32 $0xFFFFFB00  }
0x167: {  	v4 =	vld [tilespmem:s24+$0x1E0];
	_ =	sdelay $0x4  }
0x168: {  	v4 =	vshll.u32 v4, $0x2  }
0x169: {  	v4 =	vor.u32 v0, v4  }
0x16a: {  	[tilespmem:$0x50A0] =	vst v4  }
0x16b: {  	v4 =	vld [tilespmem:s24+$0x1F0];
	_ =	sdelay $0x4  }
0x16c: {  	v4 =	vshll.u32 v4, $0x2  }
0x16d: {  	v4 =	vor.u32 v0, v4  }
0x16e: {  	[tilespmem:$0x50B0] =	vst v4  }
0x16f: {  	v4 =	vld [tilespmem:s24+$0x200];
	_ =	sdelay $0x4  }
0x170: {  	v4 =	vshll.u32 v4, $0x2  }
0x171: {  	v4 =	vor.u32 v0, v4  }
0x172: {  	[tilespmem:$0x50C0] =	vst v4  }
0x173: {  	v4 =	vld [tilespmem:s24+$0x210];
	_ =	sdelay $0x4  }
0x174: {  	v4 =	vshll.u32 v4, $0x2  }
0x175: {  	v4 =	vor.u32 v0, v4  }
0x176: {  	[tilespmem:$0x50D0] =	vst v4  }
0x177: {  	v4 =	vld [tilespmem:s24+$0x220];
	_ =	sdelay $0x4  }
0x178: {  	v4 =	vshll.u32 v4, $0x2  }
0x179: {  	v4 =	vor.u32 v0, v4  }
0x17a: {  	[tilespmem:$0x50E0] =	vst v4  }
0x17b: {  	[tilespmem:s7], [sflag:$0x3] =	stream.indirect.gather [hbm4b:s15+s31], $0x40, s6, s31, $0xb8;
	[tilespmem:$0x1B640] =	vst v63  }
0x17c: {  	_ =	swait.ge [sflag:s8], $0x1400  }
0x17d: {  	[sflag:s8] =	ssyncset.done $0x0  }
0x17e: {  	s17 =	sadd.s32 $0x2940, s24;
	[sflag:s8] =	ssyncadd.s32 $0xFFFFEC00  }
0x17f: {  	[spmem:s2] =	stream.indirect.scatter.add.f32 [tilespmem:s1], [sflag:$0x5], $0x40, s17, s31, $0xb8;
	[tilespmem:$0x1B640] =	vst v63  }
0x180: {  	_ =	swait.ge [sflag:s26], $0x1400  }
0x181: {  	[sflag:s26] =	ssyncset.done $0x0  }
0x182: {  	[sflag:s26] =	ssyncadd.s32 $0xFFFFEC00  }
0x183: {  	[spmem:s3] =	stream.indirect.scatter.add.f32 [tilespmem:s9], [sflag:$0x5], $0x10, s17, s31, $0xb8;
	[tilespmem:$0x1B640] =	vst v63  }
0x184: {  	_ =	swait.ge [sflag:s26], $0x500  }
0x185: {  	[sflag:s26] =	ssyncset.done $0x0  }
0x186: {  	[sflag:s26] =	ssyncadd.s32 $0xFFFFFB00  }
0x187: {  	v4 =	vld [tilespmem:s24+$0x230];
	_ =	sdelay $0x4  }
0x188: {  	v4 =	vshll.u32 v4, $0x2  }
0x189: {  	v4 =	vor.u32 v0, v4  }
0x18a: {  	[tilespmem:$0x50F0] =	vst v4  }
0x18b: {  	v4 =	vld [tilespmem:s24+$0x240];
	_ =	sdelay $0x4  }
0x18c: {  	v4 =	vshll.u32 v4, $0x2  }
0x18d: {  	v4 =	vor.u32 v0, v4  }
0x18e: {  	[tilespmem:$0x5100] =	vst v4  }
0x18f: {  	v4 =	vld [tilespmem:s24+$0x250];
	_ =	sdelay $0x4  }
0x190: {  	v4 =	vshll.u32 v4, $0x2  }
0x191: {  	v4 =	vor.u32 v0, v4  }
0x192: {  	[tilespmem:$0x5110] =	vst v4  }
0x193: {  	v4 =	vld [tilespmem:s24+$0x260];
	_ =	sdelay $0x4  }
0x194: {  	v4 =	vshll.u32 v4, $0x2  }
0x195: {  	v4 =	vor.u32 v0, v4  }
0x196: {  	[tilespmem:$0x5120] =	vst v4  }
0x197: {  	v4 =	vld [tilespmem:s24+$0x270];
	_ =	sdelay $0x4  }
0x198: {  	v4 =	vshll.u32 v4, $0x2  }
0x199: {  	v4 =	vor.u32 v0, v4  }
0x19a: {  	[tilespmem:$0x5130] =	vst v4  }
0x19b: {  	[tilespmem:s11], [sflag:$0x4] =	stream.indirect.gather [hbm4b:s15+s31], $0x40, s10, s31, $0xb8;
	[tilespmem:$0x1B640] =	vst v63  }
0x19c: {  	_ =	swait.ge [sflag:s12], $0x1400  }
0x19d: {  	[sflag:s12] =	ssyncset.done $0x0  }
0x19e: {  	s17 =	sadd.s32 $0x2990, s24;
	[sflag:s12] =	ssyncadd.s32 $0xFFFFEC00  }
0x19f: {  	[spmem:s2] =	stream.indirect.scatter.add.f32 [tilespmem:s5], [sflag:$0x5], $0x40, s17, s31, $0xb8;
	[tilespmem:$0x1B640] =	vst v63  }
0x1a0: {  	_ =	swait.ge [sflag:s26], $0x1400  }
.Ltmp3:
0x1a1: {  	[sflag:s26] =	ssyncset.done $0x0;
	(pc) =	sbr.rel @p1 .LBB2_8-.Ltmp3, $4  }
0x1a2: {  	[sflag:s26] =	ssyncadd.s32 $0xFFFFEC00  }
0x1a3: {  	[spmem:s3] =	stream.indirect.scatter.add.f32 [tilespmem:s9], [sflag:$0x5], $0x10, s17, s31, $0xb8;
	[tilespmem:$0x1B640] =	vst v63  }
0x1a4: {  	_ =	swait.ge [sflag:s26], $0x500  }
0x1a5: {  	s17 =	smov.u32 s28;
	[sflag:s26] =	ssyncset.done $0x0  }
0x1a6: {  	s13 =	sshra.s32 s13, $0x2;
	[sflag:s26] =	ssyncadd.s32 $0xFFFFFB00  }
0x1a7: {  	v4 =	vld [tilespmem:s13+$0x140];
	_ =	sdelay $0x4  }
0x1a8: {  	v4 =	vshll.u32 v4, $0x2  }
0x1a9: {  	v4 =	vor.u32 v0, v4  }
0x1aa: {  	[tilespmem:$0x5000] =	vst v4  }
0x1ab: {  	v4 =	vld [tilespmem:s13+$0x150];
	_ =	sdelay $0x4  }
0x1ac: {  	v4 =	vshll.u32 v4, $0x2  }
0x1ad: {  	v4 =	vor.u32 v0, v4  }
0x1ae: {  	[tilespmem:$0x5010] =	vst v4  }
0x1af: {  	v4 =	vld [tilespmem:s13+$0x160];
	_ =	sdelay $0x4  }
0x1b0: {  	v4 =	vshll.u32 v4, $0x2  }
0x1b1: {  	v4 =	vor.u32 v0, v4  }
0x1b2: {  	[tilespmem:$0x5020] =	vst v4  }
0x1b3: {  	v4 =	vld [tilespmem:s13+$0x170];
	_ =	sdelay $0x4  }
0x1b4: {  	v4 =	vshll.u32 v4, $0x2  }
0x1b5: {  	v4 =	vor.u32 v0, v4  }
0x1b6: {  	[tilespmem:$0x5030] =	vst v4  }
0x1b7: {  	v4 =	vld [tilespmem:s13+$0x180];
	_ =	sdelay $0x4  }
0x1b8: {  	v4 =	vshll.u32 v4, $0x2  }
0x1b9: {  	v4 =	vor.u32 v0, v4  }
0x1ba: {  	[tilespmem:$0x5040] =	vst v4  }
0x1bb: {  	[tilespmem:s1], [sflag:$0x1] =	stream.indirect.gather [hbm4b:s15+s31], $0x40, s0, s31, $0xb8;
	[tilespmem:$0x1B640] =	vst v63  }
0x1bc: {  	_ =	swait.ge [sflag:s14], $0x1400  }
0x1bd: {  	[sflag:s14] =	ssyncset.done $0x0  }
0x1be: {  	s17 =	sadd.s32 $0x28A0, s13;
	[sflag:s14] =	ssyncadd.s32 $0xFFFFEC00  }
0x1bf: {  	[spmem:s2] =	stream.indirect.scatter.add.f32 [tilespmem:s7], [sflag:$0x5], $0x40, s17, s31, $0xb8;
	[tilespmem:$0x1B640] =	vst v63  }
0x1c0: {  	_ =	swait.ge [sflag:s26], $0x1400  }
0x1c1: {  	[sflag:s26] =	ssyncset.done $0x0  }
0x1c2: {  	[sflag:s26] =	ssyncadd.s32 $0xFFFFEC00  }
0x1c3: {  	[spmem:s3] =	stream.indirect.scatter.add.f32 [tilespmem:s9], [sflag:$0x5], $0x10, s17, s31, $0xb8;
	[tilespmem:$0x1B640] =	vst v63  }
0x1c4: {  	_ =	swait.ge [sflag:s26], $0x500  }
0x1c5: {  	[sflag:s26] =	ssyncset.done $0x0  }
0x1c6: {  	[sflag:s26] =	ssyncadd.s32 $0xFFFFFB00  }
0x1c7: {  	v4 =	vld [tilespmem:s13+$0x190];
	_ =	sdelay $0x4  }
0x1c8: {  	v4 =	vshll.u32 v4, $0x2  }
0x1c9: {  	v4 =	vor.u32 v0, v4  }
0x1ca: {  	[tilespmem:$0x5050] =	vst v4  }
0x1cb: {  	v4 =	vld [tilespmem:s13+$0x1A0];
	_ =	sdelay $0x4  }
0x1cc: {  	v4 =	vshll.u32 v4, $0x2  }
0x1cd: {  	v4 =	vor.u32 v0, v4  }
0x1ce: {  	[tilespmem:$0x5060] =	vst v4  }
0x1cf: {  	v4 =	vld [tilespmem:s13+$0x1B0];
	_ =	sdelay $0x4  }
0x1d0: {  	v4 =	vshll.u32 v4, $0x2  }
0x1d1: {  	v4 =	vor.u32 v0, v4  }
0x1d2: {  	[tilespmem:$0x5070] =	vst v4  }
0x1d3: {  	v4 =	vld [tilespmem:s13+$0x1C0];
	_ =	sdelay $0x4  }
0x1d4: {  	v4 =	vshll.u32 v4, $0x2  }
0x1d5: {  	v4 =	vor.u32 v0, v4  }
0x1d6: {  	[tilespmem:$0x5080] =	vst v4  }
0x1d7: {  	v4 =	vld [tilespmem:s13+$0x1D0];
	_ =	sdelay $0x4  }
0x1d8: {  	v4 =	vshll.u32 v4, $0x2  }
0x1d9: {  	v4 =	vor.u32 v0, v4  }
0x1da: {  	[tilespmem:$0x5090] =	vst v4  }
0x1db: {  	[tilespmem:s5], [sflag:$0x2] =	stream.indirect.gather [hbm4b:s15+s31], $0x40, s30, s31, $0xb8;
	[tilespmem:$0x1B640] =	vst v63  }
0x1dc: {  	_ =	swait.ge [sflag:s16], $0x1400  }
0x1dd: {  	[sflag:s16] =	ssyncset.done $0x0  }
0x1de: {  	s24 =	sadd.s32 $0x28F0, s13;
	[sflag:s16] =	ssyncadd.s32 $0xFFFFEC00  }
0x1df: {  	[spmem:s2] =	stream.indirect.scatter.add.f32 [tilespmem:s11], [sflag:$0x5], $0x40, s24, s31, $0xb8;
	[tilespmem:$0x1B640] =	vst v63  }
0x1e0: {  	_ =	swait.ge [sflag:s26], $0x1400  }
0x1e1: {  	[sflag:s26] =	ssyncset.done $0x0  }
0x1e2: {  	[sflag:s26] =	ssyncadd.s32 $0xFFFFEC00  }
0x1e3: {  	[spmem:s3] =	stream.indirect.scatter.add.f32 [tilespmem:s9], [sflag:$0x5], $0x10, s24, s31, $0xb8;
	[tilespmem:$0x1B640] =	vst v63  }
0x1e4: {  	_ =	swait.ge [sflag:s26], $0x500  }
0x1e5: {  	[sflag:s26] =	ssyncset.done $0x0  }
0x1e6: {  	[sflag:s26] =	ssyncadd.s32 $0xFFFFFB00  }
0x1e7: {  	v4 =	vld [tilespmem:s13+$0x1E0];
	_ =	sdelay $0x4  }
0x1e8: {  	v4 =	vshll.u32 v4, $0x2  }
0x1e9: {  	v4 =	vor.u32 v0, v4  }
0x1ea: {  	[tilespmem:$0x50A0] =	vst v4  }
0x1eb: {  	v4 =	vld [tilespmem:s13+$0x1F0];
	_ =	sdelay $0x4  }
0x1ec: {  	v4 =	vshll.u32 v4, $0x2  }
0x1ed: {  	v4 =	vor.u32 v0, v4  }
0x1ee: {  	[tilespmem:$0x50B0] =	vst v4  }
0x1ef: {  	v4 =	vld [tilespmem:s13+$0x200];
	_ =	sdelay $0x4  }
0x1f0: {  	v4 =	vshll.u32 v4, $0x2  }
0x1f1: {  	v4 =	vor.u32 v0, v4  }
0x1f2: {  	[tilespmem:$0x50C0] =	vst v4  }
0x1f3: {  	v4 =	vld [tilespmem:s13+$0x210];
	_ =	sdelay $0x4  }
0x1f4: {  	v4 =	vshll.u32 v4, $0x2  }
0x1f5: {  	v4 =	vor.u32 v0, v4  }
0x1f6: {  	[tilespmem:$0x50D0] =	vst v4  }
0x1f7: {  	v4 =	vld [tilespmem:s13+$0x220];
	_ =	sdelay $0x4  }
0x1f8: {  	v4 =	vshll.u32 v4, $0x2  }
0x1f9: {  	v4 =	vor.u32 v0, v4  }
0x1fa: {  	[tilespmem:$0x50E0] =	vst v4  }
0x1fb: {  	[tilespmem:s7], [sflag:$0x3] =	stream.indirect.gather [hbm4b:s15+s31], $0x40, s6, s31, $0xb8;
	[tilespmem:$0x1B640] =	vst v63  }
0x1fc: {  	_ =	swait.ge [sflag:s8], $0x1400  }
0x1fd: {  	[sflag:s8] =	ssyncset.done $0x0  }
0x1fe: {  	s28 =	sadd.s32 $0x2940, s13;
	[sflag:s8] =	ssyncadd.s32 $0xFFFFEC00  }
0x1ff: {  	[spmem:s2] =	stream.indirect.scatter.add.f32 [tilespmem:s1], [sflag:$0x5], $0x40, s28, s31, $0xb8;
	[tilespmem:$0x1B640] =	vst v63  }
0x200: {  	_ =	swait.ge [sflag:s26], $0x1400  }
0x201: {  	[sflag:s26] =	ssyncset.done $0x0  }
0x202: {  	[sflag:s26] =	ssyncadd.s32 $0xFFFFEC00  }
0x203: {  	[spmem:s3] =	stream.indirect.scatter.add.f32 [tilespmem:s9], [sflag:$0x5], $0x10, s28, s31, $0xb8;
	[tilespmem:$0x1B640] =	vst v63  }
0x204: {  	_ =	swait.ge [sflag:s26], $0x500  }
0x205: {  	[sflag:s26] =	ssyncset.done $0x0  }
0x206: {  	[sflag:s26] =	ssyncadd.s32 $0xFFFFFB00  }
0x207: {  	v4 =	vld [tilespmem:s13+$0x230];
	_ =	sdelay $0x4  }
0x208: {  	v4 =	vshll.u32 v4, $0x2  }
0x209: {  	v4 =	vor.u32 v0, v4  }
0x20a: {  	[tilespmem:$0x50F0] =	vst v4  }
0x20b: {  	v4 =	vld [tilespmem:s13+$0x240];
	_ =	sdelay $0x4  }
0x20c: {  	v4 =	vshll.u32 v4, $0x2  }
0x20d: {  	v4 =	vor.u32 v0, v4  }
0x20e: {  	[tilespmem:$0x5100] =	vst v4  }
0x20f: {  	v4 =	vld [tilespmem:s13+$0x250];
	_ =	sdelay $0x4  }
0x210: {  	v4 =	vshll.u32 v4, $0x2  }
0x211: {  	v4 =	vor.u32 v0, v4  }
0x212: {  	[tilespmem:$0x5110] =	vst v4  }
0x213: {  	v4 =	vld [tilespmem:s13+$0x260];
	_ =	sdelay $0x4  }
0x214: {  	v4 =	vshll.u32 v4, $0x2  }
0x215: {  	v4 =	vor.u32 v0, v4  }
0x216: {  	[tilespmem:$0x5120] =	vst v4  }
0x217: {  	v4 =	vld [tilespmem:s13+$0x270];
	_ =	sdelay $0x4  }
0x218: {  	v4 =	vshll.u32 v4, $0x2  }
0x219: {  	v4 =	vor.u32 v0, v4  }
0x21a: {  	[tilespmem:$0x5130] =	vst v4  }
0x21b: {  	[tilespmem:s11], [sflag:$0x4] =	stream.indirect.gather [hbm4b:s15+s31], $0x40, s10, s31, $0xb8;
	[tilespmem:$0x1B640] =	vst v63  }
0x21c: {  	_ =	swait.ge [sflag:s12], $0x1400  }
0x21d: {  	[sflag:s12] =	ssyncset.done $0x0  }
0x21e: {  	s13 =	sadd.s32 $0x2990, s13;
	[sflag:s12] =	ssyncadd.s32 $0xFFFFEC00  }
0x21f: {  	[spmem:s2] =	stream.indirect.scatter.add.f32 [tilespmem:s5], [sflag:$0x5], $0x40, s13, s31, $0xb8;
	[tilespmem:$0x1B640] =	vst v63  }
0x220: {  	_ =	swait.ge [sflag:s26], $0x1400  }
0x221: {  	[sflag:s26] =	ssyncset.done $0x0  }
0x222: {  	[sflag:s26] =	ssyncadd.s32 $0xFFFFEC00  }
0x223: {  	[spmem:s3] =	stream.indirect.scatter.add.f32 [tilespmem:s9], [sflag:$0x5], $0x10, s13, s31, $0xb8;
	[tilespmem:$0x1B640] =	vst v63  }
0x224: {  	_ =	swait.ge [sflag:s26], $0x500  }
0x225: {  	[sflag:s26] =	ssyncset.done $0x0  }
0x226: {  	[sflag:s26] =	ssyncadd.s32 $0xFFFFFB00  }
0x227: {  	_ =	swait.ge [sflag:s14], $0x1400  }
0x228: {  	[sflag:s14] =	ssyncset.done $0x0  }
0x229: {  	s17 =	simm.s32 $0x4F60;
	[sflag:s14] =	ssyncadd.s32 $0xFFFFEC00  }
0x22a: {  	[spmem:s2] =	stream.indirect.scatter.add.f32 [tilespmem:s7], [sflag:$0x5], $0x40, s17, s31, $0xb8;
	[tilespmem:$0x1B640] =	vst v63  }
0x22b: {  	_ =	swait.ge [sflag:s26], $0x1400  }
0x22c: {  	[sflag:s26] =	ssyncset.done $0x0  }
0x22d: {  	[sflag:s26] =	ssyncadd.s32 $0xFFFFEC00  }
0x22e: {  	[spmem:s3] =	stream.indirect.scatter.add.f32 [tilespmem:s9], [sflag:$0x5], $0x10, s17, s31, $0xb8;
	[tilespmem:$0x1B640] =	vst v63  }
0x22f: {  	_ =	swait.ge [sflag:s26], $0x500  }
0x230: {  	[sflag:s26] =	ssyncset.done $0x0  }
0x231: {  	[sflag:s26] =	ssyncadd.s32 $0xFFFFFB00  }
0x232: {  	_ =	swait.ge [sflag:s16], $0x1400  }
0x233: {  	[sflag:s16] =	ssyncset.done $0x0  }
0x234: {  	s24 =	simm.s32 $0x4FB0;
	[sflag:s16] =	ssyncadd.s32 $0xFFFFEC00  }
0x235: {  	[spmem:s2] =	stream.indirect.scatter.add.f32 [tilespmem:s11], [sflag:$0x5], $0x40, s24, s31, $0xb8;
	[tilespmem:$0x1B640] =	vst v63  }
0x236: {  	_ =	swait.ge [sflag:s26], $0x1400  }
0x237: {  	[sflag:s26] =	ssyncset.done $0x0  }
0x238: {  	[sflag:s26] =	ssyncadd.s32 $0xFFFFEC00  }
0x239: {  	[spmem:s3] =	stream.indirect.scatter.add.f32 [tilespmem:s9], [sflag:$0x5], $0x10, s24, s31, $0xb8;
	[tilespmem:$0x1B640] =	vst v63  }
0x23a: {  	_ =	swait.ge [sflag:s26], $0x500  }
0x23b: {  	[sflag:s26] =	ssyncset.done $0x0  }
0x23c: {  	[sflag:s26] =	ssyncadd.s32 $0xFFFFFB00  }
0x23d: {  	[bflag:$0x0] =	sbarrier.arrive $0xFFFF  }
0x23e: {  	[tilespmem:s29], [sflag:$0x5] =	stream.linear.gather [spmem:s18], $0x2000, $0x38;
	[tilespmem:$0x1B640] =	vst v63  }
0x23f: {  	_ =	swait.ge [sflag:s26], $0x2000  }
0x240: {  	[sflag:s26] =	ssyncset.done $0x0  }
0x241: {  	s13 =	simm.s32 $0x0;
	s28 =	rddreg [dreg:$0x4];
	[sflag:s26] =	ssyncadd.s32 $0xFFFFE000  }
0x242: {  	[hbm4b:s28+s13] =	stream.linear.scatter [tilespmem:s29], [sflag:$0x5], $0x2000, $0x38;
	[tilespmem:$0x1B640] =	vst v63  }
0x243: {  	_ =	swait.ge [sflag:s26], $0x2000  }
0x244: {  	[sflag:s26] =	ssyncset.done $0x0  }
0x245: {  	[sflag:s26] =	ssyncadd.s32 $0xFFFFE000  }
0x246: {  	[tilespmem:s29], [sflag:$0x5] =	stream.linear.gather [spmem:s19], $0x2000, $0x38;
	[tilespmem:$0x1B640] =	vst v63  }
0x247: {  	_ =	swait.ge [sflag:s26], $0x2000  }
0x248: {  	[sflag:s26] =	ssyncset.done $0x0  }
0x249: {  	s24 =	rddreg [dreg:$0x5];
	[sflag:s26] =	ssyncadd.s32 $0xFFFFE000  }
0x24a: {  	[hbm4b:s24+s13] =	stream.linear.scatter [tilespmem:s29], [sflag:$0x5], $0x2000, $0x38;
	[tilespmem:$0x1B640] =	vst v63  }
0x24b: {  	_ =	swait.ge [sflag:s26], $0x2000  }
0x24c: {  	[sflag:s26] =	ssyncset.done $0x0  }
0x24d: {  	[sflag:s26] =	ssyncadd.s32 $0xFFFFE000  }
0x24e: {  	[tilespmem:s29], [sflag:$0x5] =	stream.linear.gather [spmem:s20], $0x2000, $0x38;
	[tilespmem:$0x1B640] =	vst v63  }
0x24f: {  	_ =	swait.ge [sflag:s26], $0x2000  }
0x250: {  	[sflag:s26] =	ssyncset.done $0x0  }
0x251: {  	s28 =	rddreg [dreg:$0x6];
	[sflag:s26] =	ssyncadd.s32 $0xFFFFE000  }
0x252: {  	[hbm4b:s28+s13] =	stream.linear.scatter [tilespmem:s29], [sflag:$0x5], $0x2000, $0x38;
	[tilespmem:$0x1B640] =	vst v63  }
0x253: {  	_ =	swait.ge [sflag:s26], $0x2000  }
0x254: {  	[sflag:s26] =	ssyncset.done $0x0  }
0x255: {  	[sflag:s26] =	ssyncadd.s32 $0xFFFFE000  }
0x256: {  	[tilespmem:s29], [sflag:$0x5] =	stream.linear.gather [spmem:s21], $0x2000, $0x38;
	[tilespmem:$0x1B640] =	vst v63  }
0x257: {  	_ =	swait.ge [sflag:s26], $0x2000  }
0x258: {  	[sflag:s26] =	ssyncset.done $0x0  }
0x259: {  	s24 =	rddreg [dreg:$0x7];
	[sflag:s26] =	ssyncadd.s32 $0xFFFFE000  }
0x25a: {  	[hbm4b:s24+s13] =	stream.linear.scatter [tilespmem:s29], [sflag:$0x5], $0x2000, $0x38;
	[tilespmem:$0x1B640] =	vst v63  }
0x25b: {  	_ =	swait.ge [sflag:s26], $0x2000  }
0x25c: {  	[sflag:s26] =	ssyncset.done $0x0  }
0x25d: {  	[sflag:s26] =	ssyncadd.s32 $0xFFFFE000  }
0x25e: {  	[tilespmem:s29], [sflag:$0x5] =	stream.linear.gather [spmem:s22], $0x2000, $0x38;
	[tilespmem:$0x1B640] =	vst v63  }
0x25f: {  	_ =	swait.ge [sflag:s26], $0x2000  }
0x260: {  	[sflag:s26] =	ssyncset.done $0x0  }
0x261: {  	s28 =	rddreg [dreg:$0x8];
	[sflag:s26] =	ssyncadd.s32 $0xFFFFE000  }
0x262: {  	[hbm4b:s28+s13] =	stream.linear.scatter [tilespmem:s29], [sflag:$0x5], $0x2000, $0x38;
	[tilespmem:$0x1B640] =	vst v63  }
0x263: {  	_ =	swait.ge [sflag:s26], $0x2000  }
0x264: {  	[sflag:s26] =	ssyncset.done $0x0  }
0x265: {  	s17 =	simm.s32 $0x100;
	s13 =	simm.s32 $0x0;
	[sflag:s26] =	ssyncadd.s32 $0xFFFFE000  }
.LBB2_10:
0x266: {  	p1 =	sne.s32 s17, $0x7F00;
	[tilespmem:s13+$0xA670] =	vst v2;
	s24 =	smov.u32 s17;
	s17 =	sadd.s32 $0x100, s17  }
.Ltmp4:
0x267: {  	[tilespmem:s13+$0xA660] =	vst v2;
	(pc) =	sbr.rel @p1 .LBB2_10-.Ltmp4, $3  }
0x268: {  	[tilespmem:s13+$0xA640] =	vst v2  }
0x269: {  	[tilespmem:s13+$0xA650] =	vst v2;
	_ =	sdelay $0x1  }
0x26a: {  	s13 =	sshra.s32 s24, $0x2  }
0x26b: {  	[tilespmem:s13+$0xA670] =	vst v2  }
0x26c: {  	[tilespmem:s13+$0xA660] =	vst v2  }
0x26d: {  	[tilespmem:s13+$0xA640] =	vst v2  }
0x26e: {  	[tilespmem:s13+$0xA650] =	vst v2;
	s13 =	simm.s32 @!p0 $0xC640;
	s17 =	rddreg [dreg:$0x12]  }
0x26f: {  	[tilespmem:s13], [sflag:$0x5] =	stream.linear.gather @!p0 [spmem:s17], $0x2800, $0x38;
	[tilespmem:$0x1B640] =	vst v63  }
0x270: {  	s17 =	simm.s32 @!p0 $0x5  }
0x271: {  	_ =	swait.ge @!p0 [sflag:s17], $0x2800  }
0x272: {  	[sflag:s17] =	ssyncset.done @!p0 $0x0  }
0x273: {  	s24 =	simm.s32 @!p0 $0x0;
	s28 =	rddreg [dreg:$0x10];
	[sflag:s17] =	ssyncadd.s32 @!p0 $0xFFFFD800  }
0x274: {  	[hbm4b:s28+s24] =	stream.linear.scatter @!p0 [tilespmem:s13], [sflag:$0x5], $0x2800, $0x38;
	[tilespmem:$0x1B640] =	vst v63  }
0x275: {  	_ =	swait.ge @!p0 [sflag:s17], $0x2800  }
0x276: {  	[sflag:s17] =	ssyncset.done @!p0 $0x0  }
0x277: {  	[sflag:s17] =	ssyncadd.s32 @!p0 $0xFFFFD800  }
0x278: {  	[spmem:s18] =	stream.linear.scatter [tilespmem:s29], [sflag:$0x5], $0x2000, $0x38;
	[tilespmem:$0x1B640] =	vst v63  }
0x279: {  	_ =	swait.ge [sflag:s26], $0x2000  }
0x27a: {  	[sflag:s26] =	ssyncset.done $0x0  }
0x27b: {  	[sflag:s26] =	ssyncadd.s32 $0xFFFFE000  }
0x27c: {  	[spmem:s19] =	stream.linear.scatter [tilespmem:s29], [sflag:$0x5], $0x2000, $0x38;
	[tilespmem:$0x1B640] =	vst v63  }
0x27d: {  	_ =	swait.ge [sflag:s26], $0x2000  }
0x27e: {  	[sflag:s26] =	ssyncset.done $0x0  }
0x27f: {  	[sflag:s26] =	ssyncadd.s32 $0xFFFFE000  }
0x280: {  	[spmem:s20] =	stream.linear.scatter [tilespmem:s29], [sflag:$0x5], $0x2000, $0x38;
	[tilespmem:$0x1B640] =	vst v63  }
0x281: {  	_ =	swait.ge [sflag:s26], $0x2000  }
0x282: {  	[sflag:s26] =	ssyncset.done $0x0  }
0x283: {  	[sflag:s26] =	ssyncadd.s32 $0xFFFFE000  }
0x284: {  	[spmem:s21] =	stream.linear.scatter [tilespmem:s29], [sflag:$0x5], $0x2000, $0x38;
	[tilespmem:$0x1B640] =	vst v63  }
0x285: {  	_ =	swait.ge [sflag:s26], $0x2000  }
0x286: {  	[sflag:s26] =	ssyncset.done $0x0  }
0x287: {  	[sflag:s26] =	ssyncadd.s32 $0xFFFFE000  }
0x288: {  	[spmem:s22] =	stream.linear.scatter [tilespmem:s29], [sflag:$0x5], $0x2000, $0x38;
	[tilespmem:$0x1B640] =	vst v63  }
0x289: {  	_ =	swait.ge [sflag:s26], $0x2000  }
0x28a: {  	[sflag:s26] =	ssyncset.done $0x0  }
0x28b: {  	[sflag:s26] =	ssyncadd.s32 $0xFFFFE000  }
0x28c: {  	[bflag:$0x0] =	sbarrier.arrive $0xFFFF  }
0x28d: {  	v4 =	vld [tilespmem:$0x0]  }
0x28e: {  	v5 =	vld [tilespmem:$0x10]  }
0x28f: {  	v6 =	vld [tilespmem:$0x20]  }
0x290: {  	v7 =	vld [tilespmem:$0x30]  }
0x291: {  	v8 =	vld [tilespmem:$0x40]  }
0x292: {  	v4 =	vshll.u32 v4, $0x2  }
0x293: {  	v5 =	vshll.u32 v5, $0x2;
	v4 =	vor.u32 v1, v4  }
0x294: {  	[tilespmem:$0x5000] =	vst v4;
	v4 =	vor.u32 v1, v5;
	v5 =	vshll.u32 v6, $0x2  }
0x295: {  	[tilespmem:$0x5010] =	vst v4;
	v4 =	vor.u32 v1, v5;
	v5 =	vshll.u32 v7, $0x2  }
0x296: {  	[tilespmem:$0x5020] =	vst v4;
	v4 =	vor.u32 v1, v5;
	v5 =	vshll.u32 v8, $0x2  }
0x297: {  	[tilespmem:$0x5030] =	vst v4;
	v4 =	vor.u32 v1, v5  }
0x298: {  	[tilespmem:$0x5040] =	vst v4  }
0x299: {  	[tilespmem:s1], [sflag:$0x1] =	stream.indirect.gather [hbm4b:s15+s31], $0x40, s0, s31, $0xb8;
	[tilespmem:$0x1B640] =	vst v63  }
0x29a: {  	v4 =	vld [tilespmem:$0x50]  }
0x29b: {  	v5 =	vld [tilespmem:$0x60]  }
0x29c: {  	v55 =	vld [tilespmem:$0x70]  }
0x29d: {  	v56 =	vld [tilespmem:$0x80]  }
0x29e: {  	v57 =	vld [tilespmem:$0x90]  }
0x29f: {  	v4 =	vshll.u32 v4, $0x2  }
0x2a0: {  	v5 =	vshll.u32 v5, $0x2;
	v4 =	vor.u32 v1, v4  }
0x2a1: {  	[tilespmem:$0x5050] =	vst v4;
	v4 =	vor.u32 v1, v5;
	v5 =	vshll.u32 v55, $0x2  }
0x2a2: {  	[tilespmem:$0x5060] =	vst v4;
	v4 =	vor.u32 v1, v5;
	v5 =	vshll.u32 v56, $0x2  }
0x2a3: {  	[tilespmem:$0x5070] =	vst v4;
	v4 =	vor.u32 v1, v5;
	v5 =	vshll.u32 v57, $0x2  }
0x2a4: {  	[tilespmem:$0x5080] =	vst v4;
	v4 =	vor.u32 v1, v5  }
0x2a5: {  	[tilespmem:$0x5090] =	vst v4  }
0x2a6: {  	[tilespmem:s5], [sflag:$0x2] =	stream.indirect.gather [hbm4b:s15+s31], $0x40, s30, s31, $0xb8;
	[tilespmem:$0x1B640] =	vst v63  }
0x2a7: {  	v4 =	vld [tilespmem:$0xA0]  }
0x2a8: {  	v5 =	vld [tilespmem:$0xB0]  }
0x2a9: {  	v58 =	vld [tilespmem:$0xC0]  }
0x2aa: {  	v59 =	vld [tilespmem:$0xD0]  }
0x2ab: {  	v60 =	vld [tilespmem:$0xE0]  }
0x2ac: {  	v4 =	vshll.u32 v4, $0x2  }
0x2ad: {  	v5 =	vshll.u32 v5, $0x2;
	v4 =	vor.u32 v1, v4  }
0x2ae: {  	[tilespmem:$0x50A0] =	vst v4;
	v4 =	vor.u32 v1, v5;
	v5 =	vshll.u32 v58, $0x2  }
0x2af: {  	[tilespmem:$0x50B0] =	vst v4;
	v4 =	vor.u32 v1, v5;
	v5 =	vshll.u32 v59, $0x2  }
0x2b0: {  	[tilespmem:$0x50C0] =	vst v4;
	v4 =	vor.u32 v1, v5;
	v5 =	vshll.u32 v60, $0x2  }
0x2b1: {  	[tilespmem:$0x50D0] =	vst v4;
	v4 =	vor.u32 v1, v5  }
0x2b2: {  	[tilespmem:$0x50E0] =	vst v4  }
0x2b3: {  	[tilespmem:s7], [sflag:$0x3] =	stream.indirect.gather [hbm4b:s15+s31], $0x40, s6, s31, $0xb8;
	[tilespmem:$0x1B640] =	vst v63  }
0x2b4: {  	_ =	swait.ge [sflag:s8], $0x1400  }
0x2b5: {  	[sflag:s8] =	ssyncset.done $0x0  }
0x2b6: {  	s24 =	simm.s32 $0x2800;
	[sflag:s8] =	ssyncadd.s32 $0xFFFFEC00  }
0x2b7: {  	[spmem:s2] =	stream.indirect.scatter.add.f32 [tilespmem:s1], [sflag:$0x5], $0x40, s24, s31, $0xb8;
	[tilespmem:$0x1B640] =	vst v63  }
0x2b8: {  	_ =	swait.ge [sflag:s26], $0x1400  }
0x2b9: {  	[sflag:s26] =	ssyncset.done $0x0  }
0x2ba: {  	[sflag:s26] =	ssyncadd.s32 $0xFFFFEC00  }
0x2bb: {  	v4 =	vld [tilespmem:$0xF0]  }
0x2bc: {  	v5 =	vld [tilespmem:$0x100]  }
0x2bd: {  	v61 =	vld [tilespmem:$0x110]  }
0x2be: {  	v62 =	vld [tilespmem:$0x120]  }
0x2bf: {  	v63 =	vld [tilespmem:$0x130]  }
0x2c0: {  	v4 =	vshll.u32 v4, $0x2  }
0x2c1: {  	v5 =	vshll.u32 v5, $0x2;
	v4 =	vor.u32 v1, v4  }
0x2c2: {  	[tilespmem:$0x50F0] =	vst v4;
	v4 =	vor.u32 v1, v5;
	v5 =	vshll.u32 v61, $0x2  }
0x2c3: {  	[tilespmem:$0x5100] =	vst v4;
	v4 =	vor.u32 v1, v5;
	v5 =	vshll.u32 v62, $0x2  }
0x2c4: {  	[tilespmem:$0x5110] =	vst v4;
	v4 =	vor.u32 v1, v5;
	v5 =	vshll.u32 v63, $0x2  }
0x2c5: {  	[tilespmem:$0x5120] =	vst v4;
	v4 =	vor.u32 v1, v5  }
0x2c6: {  	[tilespmem:$0x5130] =	vst v4  }
0x2c7: {  	[tilespmem:s11], [sflag:$0x4] =	stream.indirect.gather [hbm4b:s15+s31], $0x40, s10, s31, $0xb8;
	[tilespmem:$0x1B640] =	vst v63  }
0x2c8: {  	_ =	swait.ge [sflag:s12], $0x1400  }
0x2c9: {  	[sflag:s12] =	ssyncset.done $0x0  }
0x2ca: {  	s17 =	simm.s32 $0x2850;
	[sflag:s12] =	ssyncadd.s32 $0xFFFFEC00  }
0x2cb: {  	[spmem:s2] =	stream.indirect.scatter.add.f32 [tilespmem:s5], [sflag:$0x5], $0x40, s17, s31, $0xb8;
	[tilespmem:$0x1B640] =	vst v63  }
0x2cc: {  	_ =	swait.ge [sflag:s26], $0x1400  }
0x2cd: {  	[sflag:s26] =	ssyncset.done $0x0  }
0x2ce: {  	s13 =	simm.s32 $0x0;
	[sflag:s26] =	ssyncadd.s32 $0xFFFFEC00  }
0x2cf: {  	v4 =	vld [tilespmem:s13+$0x140];
	_ =	sdelay $0x4  }
0x2d0: {  	v4 =	vshll.u32 v4, $0x2  }
0x2d1: {  	v4 =	vor.u32 v1, v4  }
0x2d2: {  	[tilespmem:$0x5000] =	vst v4  }
0x2d3: {  	v4 =	vld [tilespmem:s13+$0x150];
	_ =	sdelay $0x4  }
0x2d4: {  	v4 =	vshll.u32 v4, $0x2  }
0x2d5: {  	v4 =	vor.u32 v1, v4  }
0x2d6: {  	[tilespmem:$0x5010] =	vst v4  }
0x2d7: {  	v4 =	vld [tilespmem:s13+$0x160];
	_ =	sdelay $0x4  }
0x2d8: {  	v4 =	vshll.u32 v4, $0x2  }
0x2d9: {  	v4 =	vor.u32 v1, v4  }
0x2da: {  	[tilespmem:$0x5020] =	vst v4  }
0x2db: {  	v4 =	vld [tilespmem:s13+$0x170];
	_ =	sdelay $0x4  }
0x2dc: {  	v4 =	vshll.u32 v4, $0x2  }
0x2dd: {  	v4 =	vor.u32 v1, v4  }
0x2de: {  	[tilespmem:$0x5030] =	vst v4  }
0x2df: {  	v4 =	vld [tilespmem:s13+$0x180];
	_ =	sdelay $0x4  }
0x2e0: {  	v4 =	vshll.u32 v4, $0x2  }
0x2e1: {  	v4 =	vor.u32 v1, v4  }
0x2e2: {  	[tilespmem:$0x5040] =	vst v4  }
0x2e3: {  	[tilespmem:s1], [sflag:$0x1] =	stream.indirect.gather [hbm4b:s15+s31], $0x40, s0, s31, $0xb8;
	[tilespmem:$0x1B640] =	vst v63  }
0x2e4: {  	_ =	swait.ge [sflag:s14], $0x1400  }
0x2e5: {  	[sflag:s14] =	ssyncset.done $0x0  }
0x2e6: {  	s24 =	simm.s32 $0x28A0;
	[sflag:s14] =	ssyncadd.s32 $0xFFFFEC00  }
0x2e7: {  	[spmem:s2] =	stream.indirect.scatter.add.f32 [tilespmem:s7], [sflag:$0x5], $0x40, s24, s31, $0xb8;
	[tilespmem:$0x1B640] =	vst v63  }
0x2e8: {  	_ =	swait.ge [sflag:s26], $0x1400  }
0x2e9: {  	[sflag:s26] =	ssyncset.done $0x0  }
0x2ea: {  	[sflag:s26] =	ssyncadd.s32 $0xFFFFEC00  }
0x2eb: {  	v4 =	vld [tilespmem:s13+$0x190];
	_ =	sdelay $0x4  }
0x2ec: {  	v4 =	vshll.u32 v4, $0x2  }
0x2ed: {  	v4 =	vor.u32 v1, v4  }
0x2ee: {  	[tilespmem:$0x5050] =	vst v4  }
0x2ef: {  	v4 =	vld [tilespmem:s13+$0x1A0];
	_ =	sdelay $0x4  }
0x2f0: {  	v4 =	vshll.u32 v4, $0x2  }
0x2f1: {  	v4 =	vor.u32 v1, v4  }
0x2f2: {  	[tilespmem:$0x5060] =	vst v4  }
0x2f3: {  	v4 =	vld [tilespmem:s13+$0x1B0];
	_ =	sdelay $0x4  }
0x2f4: {  	v4 =	vshll.u32 v4, $0x2  }
0x2f5: {  	v4 =	vor.u32 v1, v4  }
0x2f6: {  	[tilespmem:$0x5070] =	vst v4  }
0x2f7: {  	v4 =	vld [tilespmem:s13+$0x1C0];
	_ =	sdelay $0x4  }
0x2f8: {  	v4 =	vshll.u32 v4, $0x2  }
0x2f9: {  	v4 =	vor.u32 v1, v4  }
0x2fa: {  	[tilespmem:$0x5080] =	vst v4  }
0x2fb: {  	v4 =	vld [tilespmem:s13+$0x1D0];
	_ =	sdelay $0x4  }
0x2fc: {  	v4 =	vshll.u32 v4, $0x2  }
0x2fd: {  	v4 =	vor.u32 v1, v4  }
0x2fe: {  	[tilespmem:$0x5090] =	vst v4  }
0x2ff: {  	[tilespmem:s5], [sflag:$0x2] =	stream.indirect.gather [hbm4b:s15+s31], $0x40, s30, s31, $0xb8;
	[tilespmem:$0x1B640] =	vst v63  }
0x300: {  	_ =	swait.ge [sflag:s16], $0x1400  }
0x301: {  	[sflag:s16] =	ssyncset.done $0x0  }
0x302: {  	s24 =	simm.s32 $0x28F0;
	[sflag:s16] =	ssyncadd.s32 $0xFFFFEC00  }
0x303: {  	[spmem:s2] =	stream.indirect.scatter.add.f32 [tilespmem:s11], [sflag:$0x5], $0x40, s24, s31, $0xb8;
	[tilespmem:$0x1B640] =	vst v63  }
0x304: {  	_ =	swait.ge [sflag:s26], $0x1400  }
0x305: {  	[sflag:s26] =	ssyncset.done $0x0  }
0x306: {  	[sflag:s26] =	ssyncadd.s32 $0xFFFFEC00  }
0x307: {  	v4 =	vld [tilespmem:s13+$0x1E0];
	_ =	sdelay $0x4  }
0x308: {  	v4 =	vshll.u32 v4, $0x2  }
0x309: {  	v4 =	vor.u32 v1, v4  }
0x30a: {  	[tilespmem:$0x50A0] =	vst v4  }
0x30b: {  	v4 =	vld [tilespmem:s13+$0x1F0];
	_ =	sdelay $0x4  }
0x30c: {  	v4 =	vshll.u32 v4, $0x2  }
0x30d: {  	v4 =	vor.u32 v1, v4  }
0x30e: {  	[tilespmem:$0x50B0] =	vst v4  }
0x30f: {  	v4 =	vld [tilespmem:s13+$0x200];
	_ =	sdelay $0x4  }
0x310: {  	v4 =	vshll.u32 v4, $0x2  }
0x311: {  	v4 =	vor.u32 v1, v4  }
0x312: {  	[tilespmem:$0x50C0] =	vst v4  }
0x313: {  	v4 =	vld [tilespmem:s13+$0x210];
	_ =	sdelay $0x4  }
0x314: {  	v4 =	vshll.u32 v4, $0x2  }
0x315: {  	v4 =	vor.u32 v1, v4  }
0x316: {  	[tilespmem:$0x50D0] =	vst v4  }
0x317: {  	v4 =	vld [tilespmem:s13+$0x220];
	_ =	sdelay $0x4  }
0x318: {  	v4 =	vshll.u32 v4, $0x2  }
0x319: {  	v4 =	vor.u32 v1, v4  }
0x31a: {  	[tilespmem:$0x50E0] =	vst v4  }
0x31b: {  	[tilespmem:s7], [sflag:$0x3] =	stream.indirect.gather [hbm4b:s15+s31], $0x40, s6, s31, $0xb8;
	[tilespmem:$0x1B640] =	vst v63  }
0x31c: {  	_ =	swait.ge [sflag:s8], $0x1400  }
0x31d: {  	[sflag:s8] =	ssyncset.done $0x0  }
0x31e: {  	s24 =	simm.s32 $0x2940;
	[sflag:s8] =	ssyncadd.s32 $0xFFFFEC00  }
0x31f: {  	[spmem:s2] =	stream.indirect.scatter.add.f32 [tilespmem:s1], [sflag:$0x5], $0x40, s24, s31, $0xb8;
	[tilespmem:$0x1B640] =	vst v63  }
0x320: {  	_ =	swait.ge [sflag:s26], $0x1400  }
0x321: {  	[sflag:s26] =	ssyncset.done $0x0  }
0x322: {  	[sflag:s26] =	ssyncadd.s32 $0xFFFFEC00  }
0x323: {  	v4 =	vld [tilespmem:s13+$0x230];
	_ =	sdelay $0x4  }
0x324: {  	v4 =	vshll.u32 v4, $0x2  }
0x325: {  	v4 =	vor.u32 v1, v4  }
0x326: {  	[tilespmem:$0x50F0] =	vst v4  }
0x327: {  	v4 =	vld [tilespmem:s13+$0x240];
	_ =	sdelay $0x4  }
0x328: {  	v4 =	vshll.u32 v4, $0x2  }
0x329: {  	v4 =	vor.u32 v1, v4  }
0x32a: {  	[tilespmem:$0x5100] =	vst v4  }
0x32b: {  	v4 =	vld [tilespmem:s13+$0x250];
	_ =	sdelay $0x4  }
0x32c: {  	v4 =	vshll.u32 v4, $0x2  }
0x32d: {  	v4 =	vor.u32 v1, v4  }
0x32e: {  	[tilespmem:$0x5110] =	vst v4  }
0x32f: {  	v4 =	vld [tilespmem:s13+$0x260];
	_ =	sdelay $0x4  }
0x330: {  	v4 =	vshll.u32 v4, $0x2  }
0x331: {  	v4 =	vor.u32 v1, v4  }
0x332: {  	[tilespmem:$0x5120] =	vst v4  }
0x333: {  	v4 =	vld [tilespmem:s13+$0x270];
	_ =	sdelay $0x4  }
0x334: {  	v4 =	vshll.u32 v4, $0x2  }
0x335: {  	v4 =	vor.u32 v1, v4  }
0x336: {  	[tilespmem:$0x5130] =	vst v4  }
0x337: {  	[tilespmem:s11], [sflag:$0x4] =	stream.indirect.gather [hbm4b:s15+s31], $0x40, s10, s31, $0xb8;
	[tilespmem:$0x1B640] =	vst v63  }
0x338: {  	_ =	swait.ge [sflag:s12], $0x1400  }
0x339: {  	[sflag:s12] =	ssyncset.done $0x0  }
0x33a: {  	s24 =	simm.s32 $0x2990;
	[sflag:s12] =	ssyncadd.s32 $0xFFFFEC00  }
0x33b: {  	[spmem:s2] =	stream.indirect.scatter.add.f32 [tilespmem:s5], [sflag:$0x5], $0x40, s24, s31, $0xb8;
	[tilespmem:$0x1B640] =	vst v63  }
0x33c: {  	_ =	swait.ge [sflag:s26], $0x1400  }
0x33d: {  	s28 =	simm.s32 $0xA00;
	s13 =	simm.s32 $0x500;
	[sflag:s26] =	ssyncset.done $0x0  }
.LBB2_12:
0x33e: {  	s24 =	sshra.s32 s13, $0x2  }
0x33f: {  	[sflag:s26] =	ssyncadd.s32 $0xFFFFEC00;
	s13 =	smov.u32 s28;
	s17 =	sadd.s32 $0x500, s28  }
0x340: {  	p1 =	sne.s32 s28, $0x9600;
	v4 =	vld [tilespmem:s24+$0x140];
	_ =	sdelay $0x4  }
0x341: {  	v4 =	vshll.u32 v4, $0x2  }
0x342: {  	v4 =	vor.u32 v1, v4  }
0x343: {  	[tilespmem:$0x5000] =	vst v4  }
0x344: {  	v4 =	vld [tilespmem:s24+$0x150];
	_ =	sdelay $0x4  }
0x345: {  	v4 =	vshll.u32 v4, $0x2  }
0x346: {  	v4 =	vor.u32 v1, v4  }
0x347: {  	[tilespmem:$0x5010] =	vst v4  }
0x348: {  	v4 =	vld [tilespmem:s24+$0x160];
	_ =	sdelay $0x4  }
0x349: {  	v4 =	vshll.u32 v4, $0x2  }
0x34a: {  	v4 =	vor.u32 v1, v4  }
0x34b: {  	[tilespmem:$0x5020] =	vst v4  }
0x34c: {  	v4 =	vld [tilespmem:s24+$0x170];
	_ =	sdelay $0x4  }
0x34d: {  	v4 =	vshll.u32 v4, $0x2  }
0x34e: {  	v4 =	vor.u32 v1, v4  }
0x34f: {  	[tilespmem:$0x5030] =	vst v4  }
0x350: {  	v4 =	vld [tilespmem:s24+$0x180];
	_ =	sdelay $0x4  }
0x351: {  	v4 =	vshll.u32 v4, $0x2  }
0x352: {  	v4 =	vor.u32 v1, v4  }
0x353: {  	[tilespmem:$0x5040] =	vst v4  }
0x354: {  	[tilespmem:s1], [sflag:$0x1] =	stream.indirect.gather [hbm4b:s15+s31], $0x40, s0, s31, $0xb8;
	[tilespmem:$0x1B640] =	vst v63  }
0x355: {  	_ =	swait.ge [sflag:s14], $0x1400  }
0x356: {  	[sflag:s14] =	ssyncset.done $0x0  }
0x357: {  	s28 =	sadd.s32 $0x28A0, s24;
	[sflag:s14] =	ssyncadd.s32 $0xFFFFEC00  }
0x358: {  	[spmem:s2] =	stream.indirect.scatter.add.f32 [tilespmem:s7], [sflag:$0x5], $0x40, s28, s31, $0xb8;
	[tilespmem:$0x1B640] =	vst v63  }
0x359: {  	_ =	swait.ge [sflag:s26], $0x1400  }
0x35a: {  	[sflag:s26] =	ssyncset.done $0x0  }
0x35b: {  	[sflag:s26] =	ssyncadd.s32 $0xFFFFEC00  }
0x35c: {  	v4 =	vld [tilespmem:s24+$0x190];
	_ =	sdelay $0x4  }
0x35d: {  	v4 =	vshll.u32 v4, $0x2  }
0x35e: {  	v4 =	vor.u32 v1, v4  }
0x35f: {  	[tilespmem:$0x5050] =	vst v4  }
0x360: {  	v4 =	vld [tilespmem:s24+$0x1A0];
	_ =	sdelay $0x4  }
0x361: {  	v4 =	vshll.u32 v4, $0x2  }
0x362: {  	v4 =	vor.u32 v1, v4  }
0x363: {  	[tilespmem:$0x5060] =	vst v4  }
0x364: {  	v4 =	vld [tilespmem:s24+$0x1B0];
	_ =	sdelay $0x4  }
0x365: {  	v4 =	vshll.u32 v4, $0x2  }
0x366: {  	v4 =	vor.u32 v1, v4  }
0x367: {  	[tilespmem:$0x5070] =	vst v4  }
0x368: {  	v4 =	vld [tilespmem:s24+$0x1C0];
	_ =	sdelay $0x4  }
0x369: {  	v4 =	vshll.u32 v4, $0x2  }
0x36a: {  	v4 =	vor.u32 v1, v4  }
0x36b: {  	[tilespmem:$0x5080] =	vst v4  }
0x36c: {  	v4 =	vld [tilespmem:s24+$0x1D0];
	_ =	sdelay $0x4  }
0x36d: {  	v4 =	vshll.u32 v4, $0x2  }
0x36e: {  	v4 =	vor.u32 v1, v4  }
0x36f: {  	[tilespmem:$0x5090] =	vst v4  }
0x370: {  	[tilespmem:s5], [sflag:$0x2] =	stream.indirect.gather [hbm4b:s15+s31], $0x40, s30, s31, $0xb8;
	[tilespmem:$0x1B640] =	vst v63  }
0x371: {  	_ =	swait.ge [sflag:s16], $0x1400  }
0x372: {  	[sflag:s16] =	ssyncset.done $0x0  }
0x373: {  	s28 =	sadd.s32 $0x28F0, s24;
	[sflag:s16] =	ssyncadd.s32 $0xFFFFEC00  }
0x374: {  	[spmem:s2] =	stream.indirect.scatter.add.f32 [tilespmem:s11], [sflag:$0x5], $0x40, s28, s31, $0xb8;
	[tilespmem:$0x1B640] =	vst v63  }
0x375: {  	_ =	swait.ge [sflag:s26], $0x1400  }
0x376: {  	[sflag:s26] =	ssyncset.done $0x0  }
0x377: {  	[sflag:s26] =	ssyncadd.s32 $0xFFFFEC00  }
0x378: {  	v4 =	vld [tilespmem:s24+$0x1E0];
	_ =	sdelay $0x4  }
0x379: {  	v4 =	vshll.u32 v4, $0x2  }
0x37a: {  	v4 =	vor.u32 v1, v4  }
0x37b: {  	[tilespmem:$0x50A0] =	vst v4  }
0x37c: {  	v4 =	vld [tilespmem:s24+$0x1F0];
	_ =	sdelay $0x4  }
0x37d: {  	v4 =	vshll.u32 v4, $0x2  }
0x37e: {  	v4 =	vor.u32 v1, v4  }
0x37f: {  	[tilespmem:$0x50B0] =	vst v4  }
0x380: {  	v4 =	vld [tilespmem:s24+$0x200];
	_ =	sdelay $0x4  }
0x381: {  	v4 =	vshll.u32 v4, $0x2  }
0x382: {  	v4 =	vor.u32 v1, v4  }
0x383: {  	[tilespmem:$0x50C0] =	vst v4  }
0x384: {  	v4 =	vld [tilespmem:s24+$0x210];
	_ =	sdelay $0x4  }
0x385: {  	v4 =	vshll.u32 v4, $0x2  }
0x386: {  	v4 =	vor.u32 v1, v4  }
0x387: {  	[tilespmem:$0x50D0] =	vst v4  }
0x388: {  	v4 =	vld [tilespmem:s24+$0x220];
	_ =	sdelay $0x4  }
0x389: {  	v4 =	vshll.u32 v4, $0x2  }
0x38a: {  	v4 =	vor.u32 v1, v4  }
0x38b: {  	[tilespmem:$0x50E0] =	vst v4  }
0x38c: {  	[tilespmem:s7], [sflag:$0x3] =	stream.indirect.gather [hbm4b:s15+s31], $0x40, s6, s31, $0xb8;
	[tilespmem:$0x1B640] =	vst v63  }
0x38d: {  	_ =	swait.ge [sflag:s8], $0x1400  }
0x38e: {  	[sflag:s8] =	ssyncset.done $0x0  }
0x38f: {  	s28 =	sadd.s32 $0x2940, s24;
	[sflag:s8] =	ssyncadd.s32 $0xFFFFEC00  }
0x390: {  	[spmem:s2] =	stream.indirect.scatter.add.f32 [tilespmem:s1], [sflag:$0x5], $0x40, s28, s31, $0xb8;
	[tilespmem:$0x1B640] =	vst v63  }
0x391: {  	_ =	swait.ge [sflag:s26], $0x1400  }
0x392: {  	[sflag:s26] =	ssyncset.done $0x0  }
0x393: {  	[sflag:s26] =	ssyncadd.s32 $0xFFFFEC00  }
0x394: {  	v4 =	vld [tilespmem:s24+$0x230];
	_ =	sdelay $0x4  }
0x395: {  	v4 =	vshll.u32 v4, $0x2  }
0x396: {  	v4 =	vor.u32 v1, v4  }
0x397: {  	[tilespmem:$0x50F0] =	vst v4  }
0x398: {  	v4 =	vld [tilespmem:s24+$0x240];
	_ =	sdelay $0x4  }
0x399: {  	v4 =	vshll.u32 v4, $0x2  }
0x39a: {  	v4 =	vor.u32 v1, v4  }
0x39b: {  	[tilespmem:$0x5100] =	vst v4  }
0x39c: {  	v4 =	vld [tilespmem:s24+$0x250];
	_ =	sdelay $0x4  }
0x39d: {  	v4 =	vshll.u32 v4, $0x2  }
0x39e: {  	v4 =	vor.u32 v1, v4  }
0x39f: {  	[tilespmem:$0x5110] =	vst v4  }
0x3a0: {  	v4 =	vld [tilespmem:s24+$0x260];
	_ =	sdelay $0x4  }
0x3a1: {  	v4 =	vshll.u32 v4, $0x2  }
0x3a2: {  	v4 =	vor.u32 v1, v4  }
0x3a3: {  	[tilespmem:$0x5120] =	vst v4  }
0x3a4: {  	v4 =	vld [tilespmem:s24+$0x270];
	_ =	sdelay $0x4  }
0x3a5: {  	v4 =	vshll.u32 v4, $0x2  }
0x3a6: {  	v4 =	vor.u32 v1, v4  }
0x3a7: {  	[tilespmem:$0x5130] =	vst v4  }
0x3a8: {  	[tilespmem:s11], [sflag:$0x4] =	stream.indirect.gather [hbm4b:s15+s31], $0x40, s10, s31, $0xb8;
	[tilespmem:$0x1B640] =	vst v63  }
0x3a9: {  	_ =	swait.ge [sflag:s12], $0x1400  }
.Ltmp5:
0x3aa: {  	[sflag:s12] =	ssyncset.done $0x0;
	(pc) =	sbr.rel @p1 .LBB2_12-.Ltmp5, $4  }
0x3ab: {  	s24 =	sadd.s32 $0x2990, s24;
	[sflag:s12] =	ssyncadd.s32 $0xFFFFEC00  }
0x3ac: {  	[spmem:s2] =	stream.indirect.scatter.add.f32 [tilespmem:s5], [sflag:$0x5], $0x40, s24, s31, $0xb8;
	[tilespmem:$0x1B640] =	vst v63  }
0x3ad: {  	_ =	swait.ge [sflag:s26], $0x1400  }
0x3ae: {  	s28 =	smov.u32 s17;
	[sflag:s26] =	ssyncset.done $0x0  }
0x3af: {  	s13 =	sshra.s32 s13, $0x2;
	[sflag:s26] =	ssyncadd.s32 $0xFFFFEC00  }
0x3b0: {  	v4 =	vld [tilespmem:s13+$0x140];
	_ =	sdelay $0x4  }
0x3b1: {  	v4 =	vshll.u32 v4, $0x2  }
0x3b2: {  	v4 =	vor.u32 v1, v4  }
0x3b3: {  	[tilespmem:$0x5000] =	vst v4  }
0x3b4: {  	v4 =	vld [tilespmem:s13+$0x150];
	_ =	sdelay $0x4  }
0x3b5: {  	v4 =	vshll.u32 v4, $0x2  }
0x3b6: {  	v4 =	vor.u32 v1, v4  }
0x3b7: {  	[tilespmem:$0x5010] =	vst v4  }
0x3b8: {  	v4 =	vld [tilespmem:s13+$0x160];
	_ =	sdelay $0x4  }
0x3b9: {  	v4 =	vshll.u32 v4, $0x2  }
0x3ba: {  	v4 =	vor.u32 v1, v4  }
0x3bb: {  	[tilespmem:$0x5020] =	vst v4  }
0x3bc: {  	v4 =	vld [tilespmem:s13+$0x170];
	_ =	sdelay $0x4  }
0x3bd: {  	v4 =	vshll.u32 v4, $0x2  }
0x3be: {  	v4 =	vor.u32 v1, v4  }
0x3bf: {  	[tilespmem:$0x5030] =	vst v4  }
0x3c0: {  	v4 =	vld [tilespmem:s13+$0x180];
	_ =	sdelay $0x4  }
0x3c1: {  	v4 =	vshll.u32 v4, $0x2  }
0x3c2: {  	v4 =	vor.u32 v1, v4  }
0x3c3: {  	[tilespmem:$0x5040] =	vst v4  }
0x3c4: {  	[tilespmem:s1], [sflag:$0x1] =	stream.indirect.gather [hbm4b:s15+s31], $0x40, s0, s31, $0xb8;
	[tilespmem:$0x1B640] =	vst v63  }
0x3c5: {  	_ =	swait.ge [sflag:s14], $0x1400  }
0x3c6: {  	[sflag:s14] =	ssyncset.done $0x0  }
0x3c7: {  	s17 =	sadd.s32 $0x28A0, s13;
	[sflag:s14] =	ssyncadd.s32 $0xFFFFEC00  }
0x3c8: {  	[spmem:s2] =	stream.indirect.scatter.add.f32 [tilespmem:s7], [sflag:$0x5], $0x40, s17, s31, $0xb8;
	[tilespmem:$0x1B640] =	vst v63  }
0x3c9: {  	_ =	swait.ge [sflag:s26], $0x1400  }
0x3ca: {  	[sflag:s26] =	ssyncset.done $0x0  }
0x3cb: {  	[sflag:s26] =	ssyncadd.s32 $0xFFFFEC00  }
0x3cc: {  	v4 =	vld [tilespmem:s13+$0x190];
	_ =	sdelay $0x4  }
0x3cd: {  	v4 =	vshll.u32 v4, $0x2  }
0x3ce: {  	v4 =	vor.u32 v1, v4  }
0x3cf: {  	[tilespmem:$0x5050] =	vst v4  }
0x3d0: {  	v4 =	vld [tilespmem:s13+$0x1A0];
	_ =	sdelay $0x4  }
0x3d1: {  	v4 =	vshll.u32 v4, $0x2  }
0x3d2: {  	v4 =	vor.u32 v1, v4  }
0x3d3: {  	[tilespmem:$0x5060] =	vst v4  }
0x3d4: {  	v4 =	vld [tilespmem:s13+$0x1B0];
	_ =	sdelay $0x4  }
0x3d5: {  	v4 =	vshll.u32 v4, $0x2  }
0x3d6: {  	v4 =	vor.u32 v1, v4  }
0x3d7: {  	[tilespmem:$0x5070] =	vst v4  }
0x3d8: {  	v4 =	vld [tilespmem:s13+$0x1C0];
	_ =	sdelay $0x4  }
0x3d9: {  	v4 =	vshll.u32 v4, $0x2  }
0x3da: {  	v4 =	vor.u32 v1, v4  }
0x3db: {  	[tilespmem:$0x5080] =	vst v4  }
0x3dc: {  	v4 =	vld [tilespmem:s13+$0x1D0];
	_ =	sdelay $0x4  }
0x3dd: {  	v4 =	vshll.u32 v4, $0x2  }
0x3de: {  	v4 =	vor.u32 v1, v4  }
0x3df: {  	[tilespmem:$0x5090] =	vst v4  }
0x3e0: {  	[tilespmem:s5], [sflag:$0x2] =	stream.indirect.gather [hbm4b:s15+s31], $0x40, s30, s31, $0xb8;
	[tilespmem:$0x1B640] =	vst v63  }
0x3e1: {  	_ =	swait.ge [sflag:s16], $0x1400  }
0x3e2: {  	[sflag:s16] =	ssyncset.done $0x0  }
0x3e3: {  	s28 =	sadd.s32 $0x28F0, s13;
	[sflag:s16] =	ssyncadd.s32 $0xFFFFEC00  }
0x3e4: {  	[spmem:s2] =	stream.indirect.scatter.add.f32 [tilespmem:s11], [sflag:$0x5], $0x40, s28, s31, $0xb8;
	[tilespmem:$0x1B640] =	vst v63  }
0x3e5: {  	_ =	swait.ge [sflag:s26], $0x1400  }
0x3e6: {  	[sflag:s26] =	ssyncset.done $0x0  }
0x3e7: {  	[sflag:s26] =	ssyncadd.s32 $0xFFFFEC00  }
0x3e8: {  	v4 =	vld [tilespmem:s13+$0x1E0];
	_ =	sdelay $0x4  }
0x3e9: {  	v4 =	vshll.u32 v4, $0x2  }
0x3ea: {  	v4 =	vor.u32 v1, v4  }
0x3eb: {  	[tilespmem:$0x50A0] =	vst v4  }
0x3ec: {  	v4 =	vld [tilespmem:s13+$0x1F0];
	_ =	sdelay $0x4  }
0x3ed: {  	v4 =	vshll.u32 v4, $0x2  }
0x3ee: {  	v4 =	vor.u32 v1, v4  }
0x3ef: {  	[tilespmem:$0x50B0] =	vst v4  }
0x3f0: {  	v4 =	vld [tilespmem:s13+$0x200];
	_ =	sdelay $0x4  }
0x3f1: {  	v4 =	vshll.u32 v4, $0x2  }
0x3f2: {  	v4 =	vor.u32 v1, v4  }
0x3f3: {  	[tilespmem:$0x50C0] =	vst v4  }
0x3f4: {  	v4 =	vld [tilespmem:s13+$0x210];
	_ =	sdelay $0x4  }
0x3f5: {  	v4 =	vshll.u32 v4, $0x2  }
0x3f6: {  	v4 =	vor.u32 v1, v4  }
0x3f7: {  	[tilespmem:$0x50D0] =	vst v4  }
0x3f8: {  	v4 =	vld [tilespmem:s13+$0x220];
	_ =	sdelay $0x4  }
0x3f9: {  	v4 =	vshll.u32 v4, $0x2  }
0x3fa: {  	v4 =	vor.u32 v1, v4  }
0x3fb: {  	[tilespmem:$0x50E0] =	vst v4  }
0x3fc: {  	[tilespmem:s7], [sflag:$0x3] =	stream.indirect.gather [hbm4b:s15+s31], $0x40, s6, s31, $0xb8;
	[tilespmem:$0x1B640] =	vst v63  }
0x3fd: {  	_ =	swait.ge [sflag:s8], $0x1400  }
0x3fe: {  	[sflag:s8] =	ssyncset.done $0x0  }
0x3ff: {  	s24 =	sadd.s32 $0x2940, s13;
	[sflag:s8] =	ssyncadd.s32 $0xFFFFEC00  }
0x400: {  	[spmem:s2] =	stream.indirect.scatter.add.f32 [tilespmem:s1], [sflag:$0x5], $0x40, s24, s31, $0xb8;
	[tilespmem:$0x1B640] =	vst v63  }
0x401: {  	_ =	swait.ge [sflag:s26], $0x1400  }
0x402: {  	[sflag:s26] =	ssyncset.done $0x0  }
0x403: {  	[sflag:s26] =	ssyncadd.s32 $0xFFFFEC00  }
0x404: {  	v4 =	vld [tilespmem:s13+$0x230];
	_ =	sdelay $0x4  }
0x405: {  	v4 =	vshll.u32 v4, $0x2  }
0x406: {  	v4 =	vor.u32 v1, v4  }
0x407: {  	[tilespmem:$0x50F0] =	vst v4  }
0x408: {  	v4 =	vld [tilespmem:s13+$0x240];
	_ =	sdelay $0x4  }
0x409: {  	v4 =	vshll.u32 v4, $0x2  }
0x40a: {  	v4 =	vor.u32 v1, v4  }
0x40b: {  	[tilespmem:$0x5100] =	vst v4  }
0x40c: {  	v4 =	vld [tilespmem:s13+$0x250];
	_ =	sdelay $0x4  }
0x40d: {  	v4 =	vshll.u32 v4, $0x2  }
0x40e: {  	v4 =	vor.u32 v1, v4  }
0x40f: {  	[tilespmem:$0x5110] =	vst v4  }
0x410: {  	v4 =	vld [tilespmem:s13+$0x260];
	_ =	sdelay $0x4  }
0x411: {  	v4 =	vshll.u32 v4, $0x2  }
0x412: {  	v4 =	vor.u32 v1, v4  }
0x413: {  	[tilespmem:$0x5120] =	vst v4  }
0x414: {  	v4 =	vld [tilespmem:s13+$0x270];
	_ =	sdelay $0x4  }
0x415: {  	v4 =	vshll.u32 v4, $0x2  }
0x416: {  	v4 =	vor.u32 v1, v4  }
0x417: {  	[tilespmem:$0x5130] =	vst v4  }
0x418: {  	[tilespmem:s11], [sflag:$0x4] =	stream.indirect.gather [hbm4b:s15+s31], $0x40, s10, s31, $0xb8;
	[tilespmem:$0x1B640] =	vst v63  }
0x419: {  	_ =	swait.ge [sflag:s12], $0x1400  }
0x41a: {  	[sflag:s12] =	ssyncset.done $0x0  }
0x41b: {  	s13 =	sadd.s32 $0x2990, s13;
	[sflag:s12] =	ssyncadd.s32 $0xFFFFEC00  }
0x41c: {  	[spmem:s2] =	stream.indirect.scatter.add.f32 [tilespmem:s5], [sflag:$0x5], $0x40, s13, s31, $0xb8;
	[tilespmem:$0x1B640] =	vst v63  }
0x41d: {  	_ =	swait.ge [sflag:s26], $0x1400  }
0x41e: {  	[sflag:s26] =	ssyncset.done $0x0  }
0x41f: {  	[sflag:s26] =	ssyncadd.s32 $0xFFFFEC00  }
0x420: {  	_ =	swait.ge [sflag:s14], $0x1400  }
0x421: {  	[sflag:s14] =	ssyncset.done $0x0  }
0x422: {  	s28 =	simm.s32 $0x4F60;
	[sflag:s14] =	ssyncadd.s32 $0xFFFFEC00  }
0x423: {  	[spmem:s2] =	stream.indirect.scatter.add.f32 [tilespmem:s7], [sflag:$0x5], $0x40, s28, s31, $0xb8;
	[tilespmem:$0x1B640] =	vst v63  }
0x424: {  	_ =	swait.ge [sflag:s26], $0x1400  }
0x425: {  	[sflag:s26] =	ssyncset.done $0x0  }
0x426: {  	[sflag:s26] =	ssyncadd.s32 $0xFFFFEC00  }
0x427: {  	_ =	swait.ge [sflag:s16], $0x1400  }
0x428: {  	[sflag:s16] =	ssyncset.done $0x0  }
0x429: {  	[sflag:s16] =	ssyncadd.s32 $0xFFFFEC00  }
0x42a: {  	[spmem:s2] =	stream.indirect.scatter.add.f32 [tilespmem:s11], [sflag:$0x5], $0x40, s23, s31, $0xb8;
	[tilespmem:$0x1B640] =	vst v63  }
0x42b: {  	_ =	swait.ge [sflag:s26], $0x1400  }
0x42c: {  	[sflag:s26] =	ssyncset.done $0x0  }
0x42d: {  	[sflag:s26] =	ssyncadd.s32 $0xFFFFEC00  }
0x42e: {  	[bflag:$0x0] =	sbarrier.arrive $0xFFFF  }
0x42f: {  	[tilespmem:s29], [sflag:$0x5] =	stream.linear.gather [spmem:s18], $0x2000, $0x38;
	[tilespmem:$0x1B640] =	vst v63  }
0x430: {  	_ =	swait.ge [sflag:s26], $0x2000  }
0x431: {  	[sflag:s26] =	ssyncset.done $0x0  }
0x432: {  	s17 =	rddreg [dreg:$0x9];
	[sflag:s26] =	ssyncadd.s32 $0xFFFFE000  }
0x433: {  	[hbm4b:s17+s4] =	stream.linear.scatter [tilespmem:s29], [sflag:$0x5], $0x2000, $0x38;
	[tilespmem:$0x1B640] =	vst v63  }
0x434: {  	_ =	swait.ge [sflag:s26], $0x2000  }
0x435: {  	[sflag:s26] =	ssyncset.done $0x0  }
0x436: {  	[sflag:s26] =	ssyncadd.s32 $0xFFFFE000  }
0x437: {  	[tilespmem:s29], [sflag:$0x5] =	stream.linear.gather [spmem:s19], $0x2000, $0x38;
	[tilespmem:$0x1B640] =	vst v63  }
0x438: {  	_ =	swait.ge [sflag:s26], $0x2000  }
0x439: {  	[sflag:s26] =	ssyncset.done $0x0  }
0x43a: {  	s24 =	rddreg [dreg:$0xa];
	[sflag:s26] =	ssyncadd.s32 $0xFFFFE000  }
0x43b: {  	[hbm4b:s24+s4] =	stream.linear.scatter [tilespmem:s29], [sflag:$0x5], $0x2000, $0x38;
	[tilespmem:$0x1B640] =	vst v63  }
0x43c: {  	_ =	swait.ge [sflag:s26], $0x2000  }
0x43d: {  	[sflag:s26] =	ssyncset.done $0x0  }
0x43e: {  	[sflag:s26] =	ssyncadd.s32 $0xFFFFE000  }
0x43f: {  	[tilespmem:s29], [sflag:$0x5] =	stream.linear.gather [spmem:s20], $0x2000, $0x38;
	[tilespmem:$0x1B640] =	vst v63  }
0x440: {  	_ =	swait.ge [sflag:s26], $0x2000  }
0x441: {  	[sflag:s26] =	ssyncset.done $0x0  }
0x442: {  	s28 =	rddreg [dreg:$0xb];
	[sflag:s26] =	ssyncadd.s32 $0xFFFFE000  }
0x443: {  	[hbm4b:s28+s4] =	stream.linear.scatter [tilespmem:s29], [sflag:$0x5], $0x2000, $0x38;
	[tilespmem:$0x1B640] =	vst v63  }
0x444: {  	_ =	swait.ge [sflag:s26], $0x2000  }
0x445: {  	[sflag:s26] =	ssyncset.done $0x0  }
0x446: {  	[sflag:s26] =	ssyncadd.s32 $0xFFFFE000  }
0x447: {  	[tilespmem:s29], [sflag:$0x5] =	stream.linear.gather [spmem:s21], $0x2000, $0x38;
	[tilespmem:$0x1B640] =	vst v63  }
0x448: {  	_ =	swait.ge [sflag:s26], $0x2000  }
0x449: {  	[sflag:s26] =	ssyncset.done $0x0  }
0x44a: {  	s17 =	rddreg [dreg:$0xc];
	[sflag:s26] =	ssyncadd.s32 $0xFFFFE000  }
0x44b: {  	[hbm4b:s17+s4] =	stream.linear.scatter [tilespmem:s29], [sflag:$0x5], $0x2000, $0x38;
	[tilespmem:$0x1B640] =	vst v63  }
0x44c: {  	_ =	swait.ge [sflag:s26], $0x2000  }
0x44d: {  	[sflag:s26] =	ssyncset.done $0x0  }
0x44e: {  	[sflag:s26] =	ssyncadd.s32 $0xFFFFE000  }
0x44f: {  	[tilespmem:s29], [sflag:$0x5] =	stream.linear.gather [spmem:s22], $0x2000, $0x38;
	[tilespmem:$0x1B640] =	vst v63  }
0x450: {  	_ =	swait.ge [sflag:s26], $0x2000  }
0x451: {  	[sflag:s26] =	ssyncset.done $0x0  }
0x452: {  	s24 =	rddreg [dreg:$0xd];
	[sflag:s26] =	ssyncadd.s32 $0xFFFFE000  }
0x453: {  	[hbm4b:s24+s4] =	stream.linear.scatter [tilespmem:s29], [sflag:$0x5], $0x2000, $0x38;
	[tilespmem:$0x1B640] =	vst v63  }
0x454: {  	_ =	swait.ge [sflag:s26], $0x2000  }
0x455: {  	s25 =	sadd.s32 $0x1, s25;
	s28 =	rddreg [dreg:$0x11]  }
0x456: {  	p1 =	sne.s32 s25, s28  }
.Ltmp6:
0x457: {  	_ = 	snop;
	(pc) =	sbr.rel @p1 .LBB2_1-.Ltmp6, $3  }
0x458: {  	_ =	sdelay $0x1  }
0x459: {  	[sflag:s26] =	ssyncset.done $0x0  }
0x45a: {  	[sflag:s26] =	ssyncadd.s32 $0xFFFFE000  }
0x45b: {  	_ =	sfence.sel $0x180000  }
0x45c: {  	[bflag:$0x0] =	sbarrier.arrive $0xFFFF  }
0x45d: {  	_ =	strace $0x90000047  }
0x45e: {  	s0 =	stileid.u32;
	[bflag:$0x2] =	sbarrier.arrive $0xFFFF  }
0x45f: {  	p0 =	sne.s32 s0, $0x0;
	s0 =	rddreg [dreg:$0x3]  }
0x460: {  	s0 =	sadd.s32 @!p0 $0x100000, s0  }
0x461: {  	[sflag:s0] =	ssyncadd.tile.s32 @!p0 $0x1;
	_ =	shalt  }
.Lfunc_end2:
_tile_overlayer_lowered:
.L_overlay_start_2:
0x462: {  	(tag) =	ssettag $0x2  }
0x463: {  	s0 =	rddreg [dreg:$0x0];
	s2 =	stileid.u32  }
0x464: {  	s1 =	rddreg [dreg:$0x1];
	p0 =	sne.s32 s2, $0x0  }
0x465: {  	s3 =	rddreg [dreg:$0x2];
	[bflag:$0x3] =	sbarrier.arrive $0xFFFF;
	s2 =	simm.s32 @!p0 $0x1C05  }
0x466: {  	[timem:s3], [sflag:s2] =	dma.local @!p0 [hbm:s0], s1  }
0x467: {  	s0 =	simm.s32 @!p0 $0x5  }
0x468: {  	_ =	swait.ge @!p0 [sflag:s0], s1  }
0x469: {  	s1 =	ssub.s32 @!p0 $0x0, s1;
	[sflag:s0] =	ssyncset.done @!p0 $0x0  }
0x46a: {  	[sflag:s0] =	ssyncadd.s32 @!p0 s1  }
0x46b: {  	[bflag:$0x3] =	sbarrier.arrive $0xFFFF  }
0x46c: {  	_ =	shalt  }

// kernel: kernel.8.cloned.1.call-start
scs
__scs_entry_jumppad:
0x0: {  	(pc) =	sbr.rel $0x88, $3  }
0x1: {  	(tag) =	ssettag $0x0;
	lr =	simm.s32 $0x1  }
0x2: {  	[smem:$0x3F99] =	sst lr;
	_ =	strace $0xD0000000  }
0x3: {  	_ = 	snop  }
0x4: {  	_ = 	snop  }
0x5: {  	_ = 	snop  }
0x6: {  	_ = 	snop  }
0x7: {  	_ = 	snop  }
__scs_overlays_trampoline_lowered:
0x8: {  	[smem:$0x3FA8] =	sst s0  }
0x9: {  	[smem:$0x3FA9] =	sst s1  }
0xa: {  	[smem:$0x3FAA] =	sst s2  }
0xb: {  	[smem:$0x3FAB] =	sst s3  }
0xc: {  	[smem:$0x3FAC] =	sst s4  }
0xd: {  	[smem:$0x3FAD] =	sst s5  }
0xe: {  	[smem:$0x3FAE] =	sst s6  }
0xf: {  	[smem:$0x3FAF] =	sst s7  }
0x10: {  	[smem:$0x3FB0] =	sst s8  }
0x11: {  	[smem:$0x3FB1] =	sst s9;
	s0 =	simm.s32 @!p0 $0x0  }
0x12: {  	s1 =	sld [smem:$0x3F97];
	s0 =	simm.s32 @p0 $0x1  }
0x13: {  	[smem:$0x3FB2] =	sst s0;
	s0 =	simm.s32 @!p1 $0x0  }
0x14: {  	s2 =	sld [smem:$0x3F96];
	s0 =	simm.s32 @p1 $0x1  }
0x15: {  	[smem:$0x3FB3] =	sst s0;
	s0 =	simm.s32 @!p2 $0x0  }
0x16: {  	s3 =	sld [smem:$0x3FDB];
	s0 =	simm.s32 @p2 $0x1  }
0x17: {  	s4 =	simm.s32 $0x1BF5;
	[smem:$0x3FB5] =	sst s0  }
0x18: {  	s0 =	sld [smem:$0x3F98];
	_ =	swait.ge [sflag:s4], $0x0  }
0x19: {  	s7 =	sld [smem:$0x3F99]  }
0x1a: {  	s8 =	sadd.s32 $0xFFFFE003, lr  }
0x1b: {  	s9 =	sadd.s32 $0xFFFFFEF7, lr;
	s5 =	simm.s32 $0xFFFFFFFF;
	p2 =	slt.u32 s8, $0xFFFFF086  }
0x1c: {  	p1 =	slt.u32 s9, $0xF7A;
	s5 =	simm.s32 @!p2 $0x0  }
0x1d: {  	s5 =	simm.s32 @p1 $0x1;
	p0 =	seq.s32 s7, s2  }
0x1e: {  	s7 =	smul.u32 @!p0 $0xF7A, s2;
	p2 =	seq.s32 @!p0 s5, $0x0  }
0x1f: {  	s9 =	smul.u32 $0xF7A, s1;
	s8 =	simm.s32 @!p0 $0x1BF5;
	p2 =	por !p2, p0  }
0x20: {  	[sflag:s8] =	ssyncset.s32 @!p0 $0xFFFFF086;
	s6 =	sadd.s32 @!p0 s3, s7;
	s7 =	simm.s32 @!p0 $0x108  }
0x21: {  	s3 =	sadd.s32 s3, s9;
	s6 =	sadd.s32 @!p0 $0x88, s6;
	s7 =	simm.s32 @p2 $0x1082  }
0x22: {  	[simem:s7], [sflag:s8] =	dma.local @!p0 [hbm:s6], $0xF7A  }
0x23: {  	s9 =	sor.u32 $0xD0000000, s2;
	s6 =	simm.s32 $0x108;
	_ =	swait.ge @!p0 [sflag:s8], $0x0  }
0x24: {  	s3 =	sadd.s32 $0x88, s3;
	s6 =	simm.s32 @!p1 $0x1082;
	[sflag:s4] =	ssyncset.s32 $0xFFFFF086  }
0x25: {  	[simem:s6], [sflag:s4] =	dma.local [hbm:s3], $0xF7A  }
0x26: {  	[smem:$0x3F99] =	sst s1;
	(tag) =	ssettag s2;
	_ =	strace s9  }
0x27: {  	s1 =	sld [smem:$0x3FA9]  }
0x28: {  	s2 =	sld [smem:$0x3FAA]  }
0x29: {  	s4 =	sld [smem:$0x3FAC]  }
0x2a: {  	p0 =	seq.s32 s5, $0x0;
	s5 =	sld [smem:$0x3FAD]  }
0x2b: {  	s6 =	sld [smem:$0x3FAE]  }
0x2c: {  	s7 =	sld [smem:$0x3FAF]  }
0x2d: {  	s3 =	simm.s32 $0x108;
	s8 =	sld [smem:$0x3FB0]  }
0x2e: {  	s3 =	simm.s32 @!p0 $0x1082;
	s9 =	sld [smem:$0x3FB1]  }
0x2f: {  	lr =	sadd.s32 s0, s3;
	s0 =	sld [smem:$0x3FA8]  }
0x30: {  	s3 =	sld [smem:$0x3FAB]  }
0x31: {  	[smem:$0x3FB4] =	sst s10  }
0x32: {  	s10 =	sld [smem:$0x3FB2];
	_ =	sdelay $0x3  }
0x33: {  	p0 =	seq.s32 s10, $0x1;
	s10 =	sld [smem:$0x3FB4];
	_ =	sdelay $0x3  }
0x34: {  	[smem:$0x3FB4] =	sst s10  }
0x35: {  	s10 =	sld [smem:$0x3FB3];
	_ =	sdelay $0x3  }
0x36: {  	p1 =	seq.s32 s10, $0x1;
	s10 =	sld [smem:$0x3FB4];
	_ =	sdelay $0x3  }
0x37: {  	[smem:$0x3FB4] =	sst s10  }
0x38: {  	s10 =	sld [smem:$0x3FB5]  }
0x39: {  	_ = 	snop;
	(pc) =	sbr.ind lr, $3  }
0x3a: {  	_ = 	snop  }
0x3b: {  	_ = 	snop  }
0x3c: {  	p2 =	seq.s32 s10, $0x1;
	s10 =	sld [smem:$0x3FB4]  }
0x3d: {  	_ =	shalt  }
0x3e: {  	_ =	shalt  }
0x3f: {  	_ =	shalt  }
0x40: {  	_ =	shalt  }
0x41: {  	_ =	shalt  }
0x42: {  	_ =	shalt  }
0x43: {  	_ =	shalt  }
0x44: {  	_ =	shalt  }
0x45: {  	_ =	shalt  }
0x46: {  	_ =	shalt  }
0x47: {  	_ =	shalt  }
0x48: {  	_ =	shalt  }
0x49: {  	_ =	shalt  }
0x4a: {  	_ =	shalt  }
0x4b: {  	_ =	shalt  }
0x4c: {  	_ =	shalt  }
0x4d: {  	_ =	shalt  }
0x4e: {  	_ =	shalt  }
0x4f: {  	_ =	shalt  }
0x50: {  	_ =	shalt  }
0x51: {  	_ =	shalt  }
0x52: {  	_ =	shalt  }
0x53: {  	_ =	shalt  }
0x54: {  	_ =	shalt  }
0x55: {  	_ =	shalt  }
0x56: {  	_ =	shalt  }
0x57: {  	_ =	shalt  }
0x58: {  	_ =	shalt  }
0x59: {  	_ =	shalt  }
0x5a: {  	_ =	shalt  }
0x5b: {  	_ =	shalt  }
0x5c: {  	_ =	shalt  }
0x5d: {  	_ =	shalt  }
0x5e: {  	_ =	shalt  }
0x5f: {  	_ =	shalt  }
0x60: {  	_ =	shalt  }
0x61: {  	_ =	shalt  }
0x62: {  	_ =	shalt  }
0x63: {  	_ =	shalt  }
0x64: {  	_ =	shalt  }
0x65: {  	_ =	shalt  }
0x66: {  	_ =	shalt  }
0x67: {  	_ =	shalt  }
0x68: {  	_ =	shalt  }
0x69: {  	_ =	shalt  }
0x6a: {  	_ =	shalt  }
0x6b: {  	_ =	shalt  }
0x6c: {  	_ =	shalt  }
0x6d: {  	_ =	shalt  }
0x6e: {  	_ =	shalt  }
0x6f: {  	_ =	shalt  }
0x70: {  	_ =	shalt  }
0x71: {  	_ =	shalt  }
0x72: {  	_ =	shalt  }
0x73: {  	_ =	shalt  }
0x74: {  	_ =	shalt  }
0x75: {  	_ =	shalt  }
0x76: {  	_ =	shalt  }
0x77: {  	_ =	shalt  }
0x78: {  	_ =	shalt  }
0x79: {  	_ =	shalt  }
0x7a: {  	_ =	shalt  }
0x7b: {  	_ =	shalt  }
0x7c: {  	_ =	shalt  }
0x7d: {  	_ =	shalt  }
0x7e: {  	_ =	shalt  }
0x7f: {  	_ =	shalt  }
0x80: {  	_ =	shalt  }
0x81: {  	_ =	shalt  }
0x82: {  	_ =	shalt  }
0x83: {  	_ =	shalt  }
0x84: {  	_ =	shalt  }
0x85: {  	_ =	shalt  }
0x86: {  	_ =	shalt  }
0x87: {  	_ =	shalt  }
.Lfunc_end0:
.L_simem_size_0:
called_computation.1_lowered:
.L_overlay_start_0:
0x88: {  	s2 =	sld [smem:$0x3FD9]  }
0x89: {  	s3 =	sld [smem:$0x3FFE];
	_ =	sdelay $0x1  }
0x8a: {  	s1 =	srdreg.scid  }
0x8b: {  	s0 =	sand.u32 $0x1, s1  }
0x8c: {  	s16 =	sshll.u32 s0, $0xA;
	s2 =	sadd.s32 s3, s2  }
0x8d: {  	s2 =	sadd.s32 s2, s16  }
0x8e: {  	[smem:$0x3FC0] =	sst s2  }
0x8f: {  	_ = 	snop  }
0x90: {  	(tm) =	ssettm $0x1  }
0x91: {  	s17 =	sld [smem:$0x3FFB];
	_ =	sdelay $0x3  }
0x92: {  	_ =	strace s17  }
0x93: {  	s2 =	sld [smem:$0x3FFC];
	_ =	sdelay $0x3  }
0x94: {  	_ =	strace s2  }
0x95: {  	s2 =	sld [smem:$0x3FFD];
	_ =	sdelay $0x3  }
0x96: {  	_ =	strace s2  }
0x97: {  	_ =	strace $0x8FFFFFFF  }
0x98: {  	s18 =	sld [smem:$0x3FDB];
	_ =	sdelay $0x1  }
0x99: {  	s19 =	simm.s32 $_scs_section_size  }
0x9a: {  	s4 =	simm.s32 $_size__tile_overlayer_lowered;
	s5 =	simm.s32 $_tile_overlayer_lowered  }
0x9b: {  	s22 =	simm.s32 $0x1BFF;
	s21 =	sshll.u32 s5, $0x1;
	s2 =	sadd.s32 s19, s18  }
0x9c: {  	s6 =	simm.s32 $0x0;
	s20 =	sshll.u32 s4, $0x1;
	s4 =	sadd.s32 s21, s2  }
0x9d: {  	[timem:s6], [sflag:s22] =	dma.local [hbm:s4], s20  }
0x9e: {  	_ =	swait.ge [sflag:s22], s20  }
0x9f: {  	s3 =	ssub.s32 $0x0, s20;
	[sflag:s22] =	ssyncset.done $0x0  }
0xa0: {  	[sflag:s22] =	ssyncadd.s32 s3;
	_ =	sdelay $0x1  }
0xa1: {  	s23 =	simm.s32 $0x1B8B  }
0xa2: {  	_ =	swait.ge [sflag:s23], $0x1  }
0xa3: {  	[sflag:s23] =	ssyncset.done $0x0  }
0xa4: {  	s25 =	simm.s32 $0x1B8E;
	s24 =	sld [smem:$0x3FFE];
	[sflag:s23] =	ssyncadd.s32 $0xFFFFFFFF  }
0xa5: {  	s26 =	simm.s32 $execute0_lowered;
	[smem:$0x3FD2] =	sst s25  }
0xa6: {  	s4 =	sshll.u32 s26, $0x1;
	_ =	strace $0x80000049;
	[dreg:$0x1] =	wrdreg $0xFFFFFFFF  }
0xa7: {  	s28 =	simm.s32 $_size_execute0_lowered;
	s2 =	sadd.s32 s2, s4;
	[dreg:$0x0] =	wrdreg $0x0  }
0xa8: {  	s4 =	sshll.u32 s28, $0x1;
	[dreg:$0x2] =	wrdreg s2  }
0xa9: {  	[dreg:$0x3] =	wrdreg s4  }
0xaa: {  	[dreg:$0x4] =	wrdreg $0xC0  }
0xab: {  	_ =	task [dreg:s6], $0x5FFFF  }
0xac: {  	[dreg:$0x1] =	wrdreg $0xFFFFFFFF  }
0xad: {  	[dreg:$0x0] =	wrdreg $0x60  }
0xae: {  	[dreg:$0x2] =	wrdreg s24  }
0xaf: {  	[dreg:$0x3] =	wrdreg $0xE8000  }
0xb0: {  	[dreg:$0x4] =	wrdreg $0x9  }
0xb1: {  	_ =	task.clear_ibuf [dreg:s6], $0x5FFFF;
	_ =	strace $0x90000049  }
0xb2: {  	s29 =	simm.s32 $0x9;
	_ =	strace $0x8000004B  }
0xb3: {  	_ =	swait.ge [sflag:s29], $0x1  }
0xb4: {  	[sflag:s29] =	ssyncadd.s32 $0xFFFFFFFF  }
0xb5: {  	_ =	strace $0x9000004B  }
0xb6: {  	_ =	sfence  }
0xb7: {  	s30 =	sld [smem:$0x0];
	_ =	sdelay $0x2  }
0xb8: {  	s31 =	sshll.u32 s1, $0xD;
	s1 =	sshrl.u32 s1, $0x2  }
0xb9: {  	s3 =	sand.u32 $0x4000, s31;
	s1 =	sadd.s32 s1, s30  }
0xba: {  	s0 =	sor.u32 s3, s0;
	s1 =	sshll.u32 s1, $0x11  }
0xbb: {  	s0 =	sor.u32 s1, s0  }
0xbc: {  	s0 =	sadd.s32 $0x8F2B, s0  }
0xbd: {  	[sflag:s0] =	ssyncadd.remote.s32 $0x1  }
0xbe: {  	_ =	sfence.sel $0xFFFF  }
0xbf: {  	[dreg:$0x0] =	wrdreg $0xFFFFFFFF;
	(pc) =	sbr.abs _section_cstart, $3  }
0xc0: {  	[dreg:$0x1] =	wrdreg $0xFFFFFFFF  }
0xc1: {  	_ =	task.clear_ibuf [dreg:s6], $0x2FFFF;
	_ =	strace $0x9FFFFFFF  }
0xc2: {  	(tm) =	ssettm $0x7FFFFFFF  }
0xc3: {  	_ =	shalt  }
tec
execute0_lowered:
.L_overlay_start_1:
0x0: {  	(tag) =	ssettag $0x1  }
0x1: {  	s1 =	srdreg.scid  }
0x2: {  	s1 =	sand.u32 $0x1, s1  }
0x3: {  	p0 =	seq.s32 s1, $0x1  }
.Ltmp0:
0x4: {  	_ = 	snop;
	(pc) =	sbr.rel @p0 .LBB2_8-.Ltmp0, $4  }
0x5: {  	s2 =	rddreg [dreg:$0x0]  }
0x6: {  	s3 =	rddreg [dreg:$0x1];
	s4 =	simm.s32 $0x0  }
0x7: {  	[smem:$0x7FF] =	sst s4  }
0x8: {  	s0 =	rddreg [dreg:$0x2];
	_ =	strace $0x8000004A;
	s1 =	stileid.u32  }
0x9: {  	s5 =	smul.u32 $0x2800, s1  }
0xa: {  	s4 =	smul.u32 $0x500, s1  }
0xb: {  	s7 =	sadd.s32 $0x1400, s2;
	s8 =	simm.s32 $0x40;
	s6 =	sshrl.u32 s5, $0x3  }
0xc: {  	s11 =	simm.s32 $0x0;
	s4 =	sadd.s32 s4, s2;
	s31 =	sadd.s32 s6, s2  }
0xd: {  	s6 =	sadd.s32 s5, s3;
	s10 =	sadd.s32 $0x54600, s4;
	s9 =	sadd.s32 $0x4F600, s4  }
0xe: {  	v0 =	vimm.f32 $0.0e+00;
	s5 =	sadd.s32 $0xA9600, s31;
	s4 =	sadd.s32 $0x6400, s31;
	s2 =	sadd.s32 $0xB400, s31  }
.LBB2_2:
0xf: {  	p0 =	sne.s32 s8, $0x9FC0;
	[tilespmem:s11+$0x7000] =	vst v0;
	s11 =	smov.u32 s8;
	s8 =	sadd.s32 $0x40, s8  }
.Ltmp1:
0x10: {  	(pc) =	sbr.rel @p0 .LBB2_2-.Ltmp1, $2  }
0x11: {  	_ =	sdelay $0x2  }
0x12: {  	s11 =	sshra.s32 s11, $0x2  }
0x13: {  	[tilespmem:s11+$0x7000] =	vst v0;
	s8 =	simm.s32 $0x7000  }
0x14: {  	[spmem:s6] =	stream.linear.scatter [tilespmem:s8], [sflag:$0x5], $0x2800, $0x38;
	[tilespmem:$0x11000] =	vst v63  }
0x15: {  	s8 =	simm.s32 $0x5  }
0x16: {  	_ =	swait.ge [sflag:s8], $0x2800  }
0x17: {  	[sflag:s8] =	ssyncset.done $0x0  }
0x18: {  	s12 =	simm.s32 $0x0;
	[sflag:s8] =	ssyncadd.s32 $0xFFFFD800  }
0x19: {  	[tilespmem:s12], [sflag:$0x5] =	stream.linear.gather [hbm4b:s10+s12], $0x2800, $0x38;
	[tilespmem:$0x11000] =	vst v63  }
0x1a: {  	_ =	swait.ge [sflag:s8], $0x2800  }
0x1b: {  	[sflag:s8] =	ssyncset.done $0x0  }
0x1c: {  	s14 =	simm.s32 $0x2800;
	[sflag:s8] =	ssyncadd.s32 $0xFFFFD800  }
0x1d: {  	[tilespmem:s14], [sflag:$0x5] =	stream.linear.gather [hbm4b:s9+s12], $0x2800, $0x38;
	[tilespmem:$0x11000] =	vst v63  }
0x1e: {  	_ =	swait.ge [sflag:s8], $0x2800  }
0x1f: {  	[sflag:s8] =	ssyncset.done $0x0  }
0x20: {  	[sflag:s8] =	ssyncadd.s32 $0xFFFFD800  }
0x21: {  	s11 =	simm.s32 $0x5000;
	s9 =	simm.s32 $0x80;
	[bflag:$0x0] =	sbarrier.arrive $0xFFFF  }
0x22: {  	[tilespmem:s11], [sflag:$0x1] =	stream.indirect.gather [hbm4b:s7+s9], $0x10, s12, s9, $0xb8;
	[tilespmem:$0x11000] =	vst v63  }
0x23: {  	s10 =	simm.s32 $0x5800  }
0x24: {  	[tilespmem:s10], [sflag:$0x2] =	stream.indirect.gather [hbm4b:s7+s9], $0x10, s9, s9, $0xb8;
	[tilespmem:$0x11000] =	vst v63  }
0x25: {  	s23 =	simm.s32 $0x100;
	s13 =	simm.s32 $0x6000;
	s12 =	simm.s32 $0x1  }
0x26: {  	[tilespmem:s13], [sflag:$0x3] =	stream.indirect.gather [hbm4b:s7+s9], $0x10, s23, s9, $0xb8;
	[tilespmem:$0x11000] =	vst v63  }
0x27: {  	_ =	swait.ge [sflag:s12], $0x800  }
0x28: {  	[sflag:s12] =	ssyncset.done $0x0  }
0x29: {  	[sflag:s12] =	ssyncadd.s32 $0xFFFFF800  }
0x2a: {  	[spmem:s3] =	stream.indirect.scatter.add.f32 [tilespmem:s11], [sflag:$0x5], $0x10, s14, s9, $0xb8;
	[tilespmem:$0x11000] =	vst v63  }
0x2b: {  	_ =	swait.ge [sflag:s8], $0x800  }
0x2c: {  	s24 =	simm.s32 $0x180;
	[sflag:s8] =	ssyncset.done $0x0  }
0x2d: {  	s15 =	simm.s32 $0x6800;
	s14 =	simm.s32 $0x2;
	[sflag:s8] =	ssyncadd.s32 $0xFFFFF800  }
0x2e: {  	[tilespmem:s15], [sflag:$0x4] =	stream.indirect.gather [hbm4b:s7+s9], $0x10, s24, s9, $0xb8;
	[tilespmem:$0x11000] =	vst v63  }
0x2f: {  	_ =	swait.ge [sflag:s14], $0x800  }
0x30: {  	[sflag:s14] =	ssyncset.done $0x0  }
0x31: {  	s16 =	simm.s32 $0x2880;
	[sflag:s14] =	ssyncadd.s32 $0xFFFFF800  }
0x32: {  	[spmem:s3] =	stream.indirect.scatter.add.f32 [tilespmem:s10], [sflag:$0x5], $0x10, s16, s9, $0xb8;
	[tilespmem:$0x11000] =	vst v63  }
0x33: {  	_ =	swait.ge [sflag:s8], $0x800  }
0x34: {  	[sflag:s8] =	ssyncset.done $0x0  }
0x35: {  	s17 =	simm.s32 $0x200;
	s16 =	simm.s32 $0x3;
	[sflag:s8] =	ssyncadd.s32 $0xFFFFF800  }
0x36: {  	[tilespmem:s11], [sflag:$0x1] =	stream.indirect.gather [hbm4b:s7+s9], $0x10, s17, s9, $0xb8;
	[tilespmem:$0x11000] =	vst v63  }
0x37: {  	_ =	swait.ge [sflag:s16], $0x800  }
0x38: {  	[sflag:s16] =	ssyncset.done $0x0  }
0x39: {  	s25 =	simm.s32 $0x2900;
	[sflag:s16] =	ssyncadd.s32 $0xFFFFF800  }
0x3a: {  	[spmem:s3] =	stream.indirect.scatter.add.f32 [tilespmem:s13], [sflag:$0x5], $0x10, s25, s9, $0xb8;
	[tilespmem:$0x11000] =	vst v63  }
0x3b: {  	_ =	swait.ge [sflag:s8], $0x800  }
0x3c: {  	[sflag:s8] =	ssyncset.done $0x0  }
0x3d: {  	s18 =	simm.s32 $0x280;
	s17 =	simm.s32 $0x4;
	[sflag:s8] =	ssyncadd.s32 $0xFFFFF800  }
0x3e: {  	[tilespmem:s10], [sflag:$0x2] =	stream.indirect.gather [hbm4b:s7+s9], $0x10, s18, s9, $0xb8;
	[tilespmem:$0x11000] =	vst v63  }
0x3f: {  	_ =	swait.ge [sflag:s17], $0x800  }
0x40: {  	[sflag:s17] =	ssyncset.done $0x0  }
0x41: {  	s26 =	simm.s32 $0x2980;
	[sflag:s17] =	ssyncadd.s32 $0xFFFFF800  }
0x42: {  	[spmem:s3] =	stream.indirect.scatter.add.f32 [tilespmem:s15], [sflag:$0x5], $0x10, s26, s9, $0xb8;
	[tilespmem:$0x11000] =	vst v63  }
0x43: {  	_ =	swait.ge [sflag:s8], $0x800  }
0x44: {  	[sflag:s8] =	ssyncset.done $0x0  }
0x45: {  	s28 =	simm.s32 $0x300;
	[sflag:s8] =	ssyncadd.s32 $0xFFFFF800  }
0x46: {  	[tilespmem:s13], [sflag:$0x3] =	stream.indirect.gather [hbm4b:s7+s9], $0x10, s28, s9, $0xb8;
	[tilespmem:$0x11000] =	vst v63  }
0x47: {  	_ =	swait.ge [sflag:s12], $0x800  }
0x48: {  	[sflag:s12] =	ssyncset.done $0x0  }
0x49: {  	s29 =	simm.s32 $0x2A00;
	[sflag:s12] =	ssyncadd.s32 $0xFFFFF800  }
0x4a: {  	[spmem:s3] =	stream.indirect.scatter.add.f32 [tilespmem:s11], [sflag:$0x5], $0x10, s29, s9, $0xb8;
	[tilespmem:$0x11000] =	vst v63  }
0x4b: {  	_ =	swait.ge [sflag:s8], $0x800  }
0x4c: {  	[sflag:s8] =	ssyncset.done $0x0  }
0x4d: {  	s30 =	simm.s32 $0x380;
	[sflag:s8] =	ssyncadd.s32 $0xFFFFF800  }
0x4e: {  	[tilespmem:s15], [sflag:$0x4] =	stream.indirect.gather [hbm4b:s7+s9], $0x10, s30, s9, $0xb8;
	[tilespmem:$0x11000] =	vst v63  }
0x4f: {  	_ =	swait.ge [sflag:s14], $0x800  }
0x50: {  	[sflag:s14] =	ssyncset.done $0x0  }
0x51: {  	s31 =	simm.s32 $0x2A80;
	[sflag:s14] =	ssyncadd.s32 $0xFFFFF800  }
0x52: {  	[spmem:s3] =	stream.indirect.scatter.add.f32 [tilespmem:s10], [sflag:$0x5], $0x10, s31, s9, $0xb8;
	[tilespmem:$0x11000] =	vst v63  }
0x53: {  	_ =	swait.ge [sflag:s8], $0x800  }
0x54: {  	s21 =	simm.s32 $0x1000;
	s18 =	simm.s32 $0x200;
	[sflag:s8] =	ssyncset.done $0x0  }
.LBB2_4:
0x55: {  	s22 =	sadd.s32 $0x200, s18  }
0x56: {  	[sflag:s8] =	ssyncadd.s32 $0xFFFFF800;
	s20 =	smov.u32 s21;
	s19 =	sadd.s32 $0x800, s21  }
0x57: {  	[tilespmem:s11], [sflag:$0x1] =	stream.indirect.gather [hbm4b:s7+s9], $0x10, s22, s9, $0xb8;
	[tilespmem:$0x11000] =	vst v63  }
0x58: {  	p0 =	sne.s32 s21, $0x9000;
	_ =	swait.ge [sflag:s16], $0x800  }
0x59: {  	[sflag:s16] =	ssyncset.done $0x0  }
0x5a: {  	s21 =	sadd.s32 $0x2900, s18;
	[sflag:s16] =	ssyncadd.s32 $0xFFFFF800  }
0x5b: {  	[spmem:s3] =	stream.indirect.scatter.add.f32 [tilespmem:s13], [sflag:$0x5], $0x10, s21, s9, $0xb8;
	[tilespmem:$0x11000] =	vst v63  }
0x5c: {  	_ =	swait.ge [sflag:s8], $0x800  }
0x5d: {  	[sflag:s8] =	ssyncset.done $0x0  }
0x5e: {  	s21 =	sadd.s32 $0x280, s18;
	[sflag:s8] =	ssyncadd.s32 $0xFFFFF800  }
0x5f: {  	[tilespmem:s10], [sflag:$0x2] =	stream.indirect.gather [hbm4b:s7+s9], $0x10, s21, s9, $0xb8;
	[tilespmem:$0x11000] =	vst v63  }
0x60: {  	_ =	swait.ge [sflag:s17], $0x800  }
0x61: {  	[sflag:s17] =	ssyncset.done $0x0  }
0x62: {  	s21 =	sadd.s32 $0x2980, s18;
	[sflag:s17] =	ssyncadd.s32 $0xFFFFF800  }
0x63: {  	[spmem:s3] =	stream.indirect.scatter.add.f32 [tilespmem:s15], [sflag:$0x5], $0x10, s21, s9, $0xb8;
	[tilespmem:$0x11000] =	vst v63  }
0x64: {  	_ =	swait.ge [sflag:s8], $0x800  }
0x65: {  	[sflag:s8] =	ssyncset.done $0x0  }
0x66: {  	s21 =	sadd.s32 $0x300, s18;
	[sflag:s8] =	ssyncadd.s32 $0xFFFFF800  }
0x67: {  	[tilespmem:s13], [sflag:$0x3] =	stream.indirect.gather [hbm4b:s7+s9], $0x10, s21, s9, $0xb8;
	[tilespmem:$0x11000] =	vst v63  }
0x68: {  	_ =	swait.ge [sflag:s12], $0x800  }
0x69: {  	[sflag:s12] =	ssyncset.done $0x0  }
0x6a: {  	s21 =	sadd.s32 $0x2A00, s18;
	[sflag:s12] =	ssyncadd.s32 $0xFFFFF800  }
0x6b: {  	[spmem:s3] =	stream.indirect.scatter.add.f32 [tilespmem:s11], [sflag:$0x5], $0x10, s21, s9, $0xb8;
	[tilespmem:$0x11000] =	vst v63  }
0x6c: {  	_ =	swait.ge [sflag:s8], $0x800  }
0x6d: {  	[sflag:s8] =	ssyncset.done $0x0  }
0x6e: {  	s21 =	sadd.s32 $0x380, s18;
	[sflag:s8] =	ssyncadd.s32 $0xFFFFF800  }
0x6f: {  	[tilespmem:s15], [sflag:$0x4] =	stream.indirect.gather [hbm4b:s7+s9], $0x10, s21, s9, $0xb8;
	[tilespmem:$0x11000] =	vst v63  }
0x70: {  	_ =	swait.ge [sflag:s14], $0x800  }
.Ltmp2:
0x71: {  	[sflag:s14] =	ssyncset.done $0x0;
	(pc) =	sbr.rel @p0 .LBB2_4-.Ltmp2, $4  }
0x72: {  	s18 =	sadd.s32 $0x2A80, s18;
	[sflag:s14] =	ssyncadd.s32 $0xFFFFF800  }
0x73: {  	[spmem:s3] =	stream.indirect.scatter.add.f32 [tilespmem:s10], [sflag:$0x5], $0x10, s18, s9, $0xb8;
	[tilespmem:$0x11000] =	vst v63  }
0x74: {  	_ =	swait.ge [sflag:s8], $0x800  }
0x75: {  	s21 =	smov.u32 s19;
	s18 =	sshra.s32 s20, $0x2;
	[sflag:s8] =	ssyncset.done $0x0  }
0x76: {  	s19 =	sadd.s32 $0x200, s18;
	[sflag:s8] =	ssyncadd.s32 $0xFFFFF800  }
0x77: {  	[tilespmem:s11], [sflag:$0x1] =	stream.indirect.gather [hbm4b:s7+s9], $0x10, s19, s9, $0xb8;
	[tilespmem:$0x11000] =	vst v63  }
0x78: {  	_ =	swait.ge [sflag:s16], $0x800  }
0x79: {  	[sflag:s16] =	ssyncset.done $0x0  }
0x7a: {  	s28 =	sadd.s32 $0x2900, s18;
	[sflag:s16] =	ssyncadd.s32 $0xFFFFF800  }
0x7b: {  	[spmem:s3] =	stream.indirect.scatter.add.f32 [tilespmem:s13], [sflag:$0x5], $0x10, s28, s9, $0xb8;
	[tilespmem:$0x11000] =	vst v63  }
0x7c: {  	_ =	swait.ge [sflag:s8], $0x800  }
0x7d: {  	[sflag:s8] =	ssyncset.done $0x0  }
0x7e: {  	s29 =	sadd.s32 $0x280, s18;
	[sflag:s8] =	ssyncadd.s32 $0xFFFFF800  }
0x7f: {  	[tilespmem:s10], [sflag:$0x2] =	stream.indirect.gather [hbm4b:s7+s9], $0x10, s29, s9, $0xb8;
	[tilespmem:$0x11000] =	vst v63  }
0x80: {  	_ =	swait.ge [sflag:s17], $0x800  }
0x81: {  	[sflag:s17] =	ssyncset.done $0x0  }
0x82: {  	s30 =	sadd.s32 $0x2980, s18;
	[sflag:s17] =	ssyncadd.s32 $0xFFFFF800  }
0x83: {  	[spmem:s3] =	stream.indirect.scatter.add.f32 [tilespmem:s15], [sflag:$0x5], $0x10, s30, s9, $0xb8;
	[tilespmem:$0x11000] =	vst v63  }
0x84: {  	_ =	swait.ge [sflag:s8], $0x800  }
0x85: {  	[sflag:s8] =	ssyncset.done $0x0  }
0x86: {  	s31 =	sadd.s32 $0x300, s18;
	[sflag:s8] =	ssyncadd.s32 $0xFFFFF800  }
0x87: {  	[tilespmem:s13], [sflag:$0x3] =	stream.indirect.gather [hbm4b:s7+s9], $0x10, s31, s9, $0xb8;
	[tilespmem:$0x11000] =	vst v63  }
0x88: {  	_ =	swait.ge [sflag:s12], $0x800  }
0x89: {  	[sflag:s12] =	ssyncset.done $0x0  }
0x8a: {  	s16 =	sadd.s32 $0x2A00, s18;
	[sflag:s12] =	ssyncadd.s32 $0xFFFFF800  }
0x8b: {  	[spmem:s3] =	stream.indirect.scatter.add.f32 [tilespmem:s11], [sflag:$0x5], $0x10, s16, s9, $0xb8;
	[tilespmem:$0x11000] =	vst v63  }
0x8c: {  	_ =	swait.ge [sflag:s8], $0x800  }
0x8d: {  	[sflag:s8] =	ssyncset.done $0x0  }
0x8e: {  	s17 =	sadd.s32 $0x380, s18;
	[sflag:s8] =	ssyncadd.s32 $0xFFFFF800  }
0x8f: {  	[tilespmem:s15], [sflag:$0x4] =	stream.indirect.gather [hbm4b:s7+s9], $0x10, s17, s9, $0xb8;
	[tilespmem:$0x11000] =	vst v63  }
0x90: {  	_ =	swait.ge [sflag:s14], $0x800  }
0x91: {  	[sflag:s14] =	ssyncset.done $0x0  }
0x92: {  	s18 =	sadd.s32 $0x2A80, s18;
	[sflag:s14] =	ssyncadd.s32 $0xFFFFF800  }
0x93: {  	[spmem:s3] =	stream.indirect.scatter.add.f32 [tilespmem:s10], [sflag:$0x5], $0x10, s18, s9, $0xb8;
	[tilespmem:$0x11000] =	vst v63  }
0x94: {  	_ =	swait.ge [sflag:s8], $0x800  }
0x95: {  	[sflag:s8] =	ssyncset.done $0x0  }
0x96: {  	s19 =	simm.s32 $0x3;
	[sflag:s8] =	ssyncadd.s32 $0xFFFFF800  }
0x97: {  	_ =	swait.ge [sflag:s19], $0x800  }
0x98: {  	s20 =	simm.s32 $0x80;
	s21 =	simm.s32 $0x4F00;
	[sflag:s19] =	ssyncset.done $0x0  }
0x99: {  	s22 =	simm.s32 $0x6000;
	s23 =	simm.s32 $0x5;
	[sflag:s19] =	ssyncadd.s32 $0xFFFFF800  }
0x9a: {  	[spmem:s3] =	stream.indirect.scatter.add.f32 [tilespmem:s22], [sflag:$0x5], $0x10, s21, s20, $0xb8;
	[tilespmem:$0x11000] =	vst v63  }
0x9b: {  	_ =	swait.ge [sflag:s23], $0x800  }
0x9c: {  	[sflag:s23] =	ssyncset.done $0x0  }
0x9d: {  	s24 =	simm.s32 $0x4;
	[sflag:s23] =	ssyncadd.s32 $0xFFFFF800  }
0x9e: {  	_ =	swait.ge [sflag:s24], $0x800  }
0x9f: {  	[sflag:s24] =	ssyncset.done $0x0  }
0xa0: {  	s25 =	simm.s32 $0x4F80;
	s26 =	simm.s32 $0x6800;
	[sflag:s24] =	ssyncadd.s32 $0xFFFFF800  }
0xa1: {  	[spmem:s3] =	stream.indirect.scatter.add.f32 [tilespmem:s26], [sflag:$0x5], $0x10, s25, s20, $0xb8;
	[tilespmem:$0x11000] =	vst v63  }
0xa2: {  	_ =	swait.ge [sflag:s23], $0x800  }
0xa3: {  	[sflag:s23] =	ssyncset.done $0x0  }
0xa4: {  	[sflag:s23] =	ssyncadd.s32 $0xFFFFF800  }
0xa5: {  	s28 =	simm.s32 $0x7000;
	[bflag:$0x0] =	sbarrier.arrive $0xFFFF  }
0xa6: {  	[tilespmem:s28], [sflag:$0x5] =	stream.linear.gather [spmem:s6], $0x2800, $0x38;
	[tilespmem:$0x11000] =	vst v63  }
0xa7: {  	_ =	swait.ge [sflag:s23], $0x2800  }
0xa8: {  	[sflag:s23] =	ssyncset.done $0x0  }
0xa9: {  	s29 =	simm.s32 $0x0;
	s30 =	simm.s32 $0x9800;
	[sflag:s23] =	ssyncadd.s32 $0xFFFFD800  }
0xaa: {  	[tilespmem:s30], [sflag:$0x5] =	stream.linear.gather [hbm4b:s5+s29], $0x2800, $0x38;
	[tilespmem:$0x11000] =	vst v63  }
0xab: {  	_ =	swait.ge [sflag:s23], $0x2800  }
0xac: {  	[sflag:s23] =	ssyncset.done $0x0  }
0xad: {  	s31 =	simm.s32 $0xC000;
	[sflag:s23] =	ssyncadd.s32 $0xFFFFD800  }
0xae: {  	[tilespmem:s31], [sflag:$0x5] =	stream.linear.gather [hbm4b:s4+s29], $0x2800, $0x38;
	[tilespmem:$0x11000] =	vst v63  }
0xaf: {  	_ =	swait.ge [sflag:s23], $0x2800  }
0xb0: {  	[sflag:s23] =	ssyncset.done $0x0  }
0xb1: {  	s4 =	simm.s32 $0x0;
	[sflag:s23] =	ssyncadd.s32 $0xFFFFD800  }
0xb2: {  	v0 =	vld [tilespmem:s4+$0x9800];
	_ =	sdelay $0x4  }
0xb3: {  	v0 =	vmax.f32 v0, $1.000000000e+00  }
0xb4: {  	s3 =	simm.s32 $0x10;
	(erf) = vrcp.f32 v0  }
0xb5: {  	v1 =	vld [tilespmem:s3+$0x9800];
	_ =	sdelay $0x3  }
0xb6: {  	v0 =	vld [tilespmem:s4+$0x7000]  }
0xb7: {  	v2 =	vmax.f32 v1, $1.000000000e+00  }
0xb8: {  	v1 =	vld [tilespmem:s4+$0xC000]  }
0xb9: {  	(erf) = vrcp.f32 v2  }
0xba: {  	s6 =	simm.s32 $0xC0;
	s5 =	simm.s32 $0x20;
	v2 =	vpop (erf)  }
.LBB2_6:
0xbb: {  	p0 =	sne.s32 s6, $0x9FC0;
	v3 =	vld [tilespmem:s5+$0x9800];
	v0 =	vmul.f32 v2, v0;
	_ =	sdelay $0x1  }
0xbc: {  	v1 =	vadd.f32 v0, v1  }
.Ltmp3:
0xbd: {  	v0 =	vld [tilespmem:s3+$0x7000];
	(pc) =	sbr.rel @p0 .LBB2_6-.Ltmp3, $4  }
0xbe: {  	[tilespmem:s4+$0xC000] =	vst v1;
	s4 =	smov.u32 s3;
	s3 =	smov.u32 s5  }
0xbf: {  	v3 =	vmax.f32 v3, $1.000000000e+00;
	v1 =	vld [tilespmem:s4+$0xC000]  }
0xc0: {  	(erf) = vrcp.f32 v3  }
0xc1: {  	s5 =	sshra.s32 s6, $0x2;
	s6 =	sadd.s32 $0x40, s6;
	v2 =	vpop (erf)  }
0xc2: {  	v3 =	vld [tilespmem:s5+$0x9800];
	v0 =	vmul.f32 v2, v0;
	_ =	sdelay $0x1  }
0xc3: {  	v0 =	vadd.f32 v0, v1  }
0xc4: {  	v58 =	vld [tilespmem:s3+$0x7000]  }
0xc5: {  	[tilespmem:s4+$0xC000] =	vst v0  }
0xc6: {  	v59 =	vmax.f32 v3, $1.000000000e+00;
	v60 =	vld [tilespmem:s3+$0xC000]  }
0xc7: {  	(erf) = vrcp.f32 v59  }
0xc8: {  	v61 =	vpop (erf)  }
0xc9: {  	v0 =	vmul.f32 v61, v58;
	_ =	sdelay $0x1  }
0xca: {  	v0 =	vadd.f32 v0, v60  }
0xcb: {  	v62 =	vld [tilespmem:s5+$0x7000]  }
0xcc: {  	[tilespmem:s3+$0xC000] =	vst v0  }
0xcd: {  	v0 =	vld [tilespmem:s5+$0xC000];
	_ =	sdelay $0x1  }
0xce: {  	v63 =	vpop (erf)  }
0xcf: {  	v1 =	vmul.f32 v63, v62;
	_ =	sdelay $0x1  }
0xd0: {  	v0 =	vadd.f32 v1, v0;
	_ =	sdelay $0x1  }
0xd1: {  	s29 =	simm.s32 $0x0;
	s30 =	simm.s32 $0xC000;
	s31 =	simm.s32 $0x5;
	[tilespmem:s5+$0xC000] =	vst v0  }
0xd2: {  	[hbm4b:s2+s29] =	stream.linear.scatter [tilespmem:s30], [sflag:$0x5], $0x2800, $0x38;
	[tilespmem:$0x11000] =	vst v63  }
0xd3: {  	_ =	swait.ge [sflag:s31], $0x2800  }
0xd4: {  	[sflag:s31] =	ssyncset.done $0x0  }
0xd5: {  	[sflag:s31] =	ssyncadd.s32 $0xFFFFD800  }
.LBB2_8:
0xd6: {  	_ =	sfence.sel $0x180000  }
0xd7: {  	[bflag:$0x0] =	sbarrier.arrive $0xFFFF  }
0xd8: {  	p0 =	sne.s32 s1, $0x0;
	_ =	strace $0x9000004A  }
0xd9: {  	s0 =	sadd.s32 @!p0 $0x100000, s0;
	[bflag:$0x2] =	sbarrier.arrive $0xFFFF  }
0xda: {  	[sflag:s0] =	ssyncadd.tile.s32 @!p0 $0x1;
	_ =	shalt  }
.Lfunc_end2:
_tile_overlayer_lowered:
.L_overlay_start_2:
0xdb: {  	(tag) =	ssettag $0x2  }
0xdc: {  	s0 =	rddreg [dreg:$0x0];
	s2 =	stileid.u32  }
0xdd: {  	s1 =	rddreg [dreg:$0x1];
	p0 =	sne.s32 s2, $0x0  }
0xde: {  	s3 =	rddreg [dreg:$0x2];
	[bflag:$0x3] =	sbarrier.arrive $0xFFFF;
	s2 =	simm.s32 @!p0 $0x1C05  }
0xdf: {  	[timem:s3], [sflag:s2] =	dma.local @!p0 [hbm:s0], s1  }
0xe0: {  	s0 =	simm.s32 @!p0 $0x5  }
0xe1: {  	_ =	swait.ge @!p0 [sflag:s0], s1  }
0xe2: {  	s1 =	ssub.s32 @!p0 $0x0, s1;
	[sflag:s0] =	ssyncset.done @!p0 $0x0  }
0xe3: {  	[sflag:s0] =	ssyncadd.s32 @!p0 s1  }
0xe4: {  	[bflag:$0x3] =	sbarrier.arrive $0xFFFF  }
0xe5: {  	_ =	shalt  }

</sc_bundles>
